<compile_context>
chip_gen: v7x
topology: tpu7x:2x2x1
jax: 0.10.2.dev20260603
libtpu: 0.0.44.dev20260713+nightly
codegen_flags: <defaults>
</compile_context>

<pallas_src>
import functools

import jax
import jax.numpy as jnp
from jax import lax
from jax.experimental import pallas as pl
from jax.experimental.pallas import tpu as pltpu
from jax.experimental.pallas import tpu_sc as plsc

N = 10000
E = 320000
D = 128
H = 128
OUT = 8
EPS = 1e-5
SLOPE = 0.01

NC = 2
NS = 16
NW = NC * NS
LANES = 16
C = 128
E_PER_W = E // NW

_mesh = plsc.VectorSubcoreMesh(core_axis_name="c", subcore_axis_name="s",
                               num_cores=NC, num_subcores=NS)


def _leaky(x):
    return jnp.where(x > 0, x, SLOPE * x)


def _scalar_at(ref, i):
    grp = ref[pl.ds((i // LANES) * LANES, LANES)]
    lane = lax.iota(jnp.int32, LANES)
    sel = jnp.where(lane == i % LANES, grp, jnp.int32(-2147483648))
    return jnp.max(sel)


@functools.partial(
    pl.kernel,
    out_type=jax.ShapeDtypeStruct((N, 1, D), jnp.float32),
    mesh=_mesh,
    compiler_params=pltpu.CompilerParams(needs_layout_passes=False),
    scratch_types=[
        pltpu.VMEM((C,), jnp.int32),
        pltpu.VMEM((C,), jnp.int32),
        pltpu.VMEM((C,), jnp.float32),
        pltpu.VMEM((C, D), jnp.float32),
        pltpu.VMEM((1, D), jnp.float32),
        pltpu.VMEM((NW,), jnp.int32),
        pltpu.VMEM((NW,), jnp.int32),
        pltpu.SemaphoreType.DMA,
    ],
)
def _sc_agg_sorted(x_hbm, srcs_hbm, dsts_hbm, ews_hbm, starts_hbm, ends_hbm,
                   out_hbm,
                   sidx_v, didx_v, ew_v, rows_v, acc_v, st_v, en_v, sem):
    c = lax.axis_index("c")
    s = lax.axis_index("s")
    w = c * NS + s

    pltpu.sync_copy(starts_hbm, st_v)
    pltpu.sync_copy(ends_hbm, en_v)
    start = _scalar_at(st_v, w)
    end = _scalar_at(en_v, w)
    cs = start // C
    ce = (end + C - 1) // C

    zero16 = jnp.zeros((LANES,), jnp.float32)

    def chunk_body(j, carry):
        base = j * C
        pltpu.sync_copy(srcs_hbm.at[pl.ds(base, C)], sidx_v)
        pltpu.sync_copy(dsts_hbm.at[pl.ds(base, C)], didx_v)
        pltpu.sync_copy(ews_hbm.at[pl.ds(base, C)], ew_v)
        pltpu.async_copy(x_hbm.at[sidx_v], rows_v, sem).wait()

        def row_body(r, rcarry):
            acc, cur_dst, started = rcarry
            e = base + r
            inr = jnp.logical_and(e >= start, e < end)
            d = _scalar_at(didx_v, r)
            ewg = ew_v[pl.ds((r // LANES) * LANES, LANES)]
            wv = ewg.at[jnp.full((LANES,), r % LANES, jnp.int32)].get(
                mode="promise_in_bounds")
            is_new = jnp.logical_and(inr, d != cur_dst)

            @pl.when(jnp.logical_and(is_new, started))
            def _flush():
                for k in range(D // LANES):
                    acc_v[0, pl.ds(k * LANES, LANES)] = acc[k]
                pltpu.sync_copy(acc_v, out_hbm.at[cur_dst])

            new_acc = []
            for k in range(D // LANES):
                mk = rows_v[r, pl.ds(k * LANES, LANES)] * wv
                grow = jnp.where(inr, acc[k] + mk, acc[k])
                new_acc.append(jnp.where(is_new, mk, grow))
            cur_dst = jnp.where(is_new, d, cur_dst)
            started = jnp.logical_or(started, is_new)
            return tuple(new_acc), cur_dst, started

        return lax.fori_loop(0, C, row_body, carry)

    init = (tuple(zero16 for _ in range(D // LANES)),
            jnp.int32(-1), jnp.bool_(False))
    acc, cur_dst, started = lax.fori_loop(cs, ce, chunk_body, init)

    @pl.when(started)
    def _final_flush():
        for k in range(D // LANES):
            acc_v[0, pl.ds(k * LANES, LANES)] = acc[k]
        pltpu.sync_copy(acc_v, out_hbm.at[cur_dst])


def _tc_mask_body(a_ref, d_ref, o_ref):
    o_ref[...] = jnp.where(d_ref[...] > 0, a_ref[:, 0, :], 0.0)


_tc_mask = pl.pallas_call(
    _tc_mask_body, out_shape=jax.ShapeDtypeStruct((N, D), jnp.float32))


def kernel(node_feats, edge_index, edge_weight, W1, W2, gamma1, beta1,
           gamma2, beta2, Wl1, Wl2, Wl3, Wcls):
    src = edge_index[0]
    dst = edge_index[1]

    order = jnp.argsort(dst, stable=True)
    src_s = src[order]
    dst_s = dst[order]
    ew_s = edge_weight[order]
    iota_e = jnp.arange(E, dtype=jnp.int32)
    isfirst = jnp.concatenate(
        [jnp.ones((1,), jnp.bool_), dst_s[1:] != dst_s[:-1]])
    pos = jnp.where(isfirst, iota_e, jnp.int32(E))
    nb = lax.cummin(pos[::-1])[::-1]
    bound_ix = jnp.arange(1, NW, dtype=jnp.int32) * E_PER_W
    starts = jnp.concatenate([jnp.zeros((1,), jnp.int32), nb[bound_ix]])
    ends = jnp.concatenate([starts[1:], jnp.full((1,), E, jnp.int32)])

    ar_n = jnp.arange(N, dtype=jnp.int32)
    deg_in = (jnp.searchsorted(dst_s, ar_n, side="right")
              - jnp.searchsorted(dst_s, ar_n, side="left")).astype(jnp.float32)
    deg_out = jnp.zeros((N,), jnp.float32).at[src].add(
        jnp.ones((E,), jnp.float32))
    ns = jnp.clip(deg_out, 1.0, None) ** -0.5
    nd = jnp.clip(deg_in, 1.0, None) ** -0.5
    x1 = node_feats * ns[:, None]

    agg1 = _sc_agg_sorted(x1, src_s, dst_s, ew_s, starts, ends)
    agg1 = _tc_mask(agg1, deg_in[:, None])
    h = (agg1 * nd[:, None]) @ W1
    h = _leaky(h)
    mu = jnp.mean(h, axis=0, keepdims=True)
    var = jnp.mean((h - mu) ** 2, axis=0, keepdims=True)
    h = gamma1 * (h - mu) / jnp.sqrt(var + EPS) + beta1
    x2 = h * ns[:, None]

    agg2 = _sc_agg_sorted(x2, src_s, dst_s, ew_s, starts, ends)
    agg2 = _tc_mask(agg2, deg_in[:, None])
    h = (agg2 * nd[:, None]) @ W2
    h = _leaky(h)
    mu = jnp.mean(h, axis=0, keepdims=True)
    var = jnp.mean((h - mu) ** 2, axis=0, keepdims=True)
    h = gamma2 * (h - mu) / jnp.sqrt(var + EPS) + beta2

    g = jnp.mean(h, axis=0, keepdims=True)

    def _inst_norm(v):
        m = jnp.mean(v, axis=-1, keepdims=True)
        vv = jnp.mean((v - m) ** 2, axis=-1, keepdims=True)
        return (v - m) / jnp.sqrt(vv + EPS)

    g = _inst_norm(_leaky(g @ Wl1))
    g = _inst_norm(_leaky(g @ Wl2))
    g = _inst_norm(_leaky(g @ Wl3))
    return g @ Wcls

# --- scband reference (transcript-rebuilt; emitter-appended) ---
"""Pipeline reference for scband-patch-reader-complex-20590073217156 (READ-ONLY COPY).

The authoritative reference and input builder live on the scoring server;
editing this copy changes nothing except your own understanding.
"""

import jax, jax.numpy as jnp
import numpy as np

N = 10000
E = 320000
D = 128
H = 128
OUT = 8
EPS = 1e-5
SLOPE = 0.01


def setup_inputs(seed: int = 0) -> dict:
    key = jax.random.key(seed)
    ks = jax.random.split(key, 16)
    node_feats = jax.random.normal(ks[0], (N, D), dtype=jnp.float32)
    edge_index = jax.random.randint(ks[1], (2, E), 0, N, dtype=jnp.int32)
    edge_weight = jax.random.uniform(ks[2], (E,), dtype=jnp.float32)
    # GraphConv weights (kaiming-uniform-like init)
    W1 = jax.random.normal(ks[3], (D, H), dtype=jnp.float32) * np.sqrt(2.0 / D)
    W2 = jax.random.normal(ks[4], (H, 2 * H), dtype=jnp.float32) * np.sqrt(2.0 / H)
    # GraphNorm affine params
    gamma1 = jnp.ones((H,), dtype=jnp.float32)
    beta1 = jnp.zeros((H,), dtype=jnp.float32)
    gamma2 = jnp.ones((2 * H,), dtype=jnp.float32)
    beta2 = jnp.zeros((2 * H,), dtype=jnp.float32)
    # MLP head weights (xavier-uniform-like), stored as [in, out]
    Wl1 = jax.random.normal(ks[5], (2 * H, H), dtype=jnp.float32) * np.sqrt(2.0 / (2 * H + H))
    Wl2 = jax.random.normal(ks[6], (H, H // 2), dtype=jnp.float32) * np.sqrt(2.0 / (H + H // 2))
    Wl3 = jax.random.normal(ks[7], (H // 2, H // 4), dtype=jnp.float32) * np.sqrt(2.0 / (H // 2 + H // 4))
    Wcls = jax.random.normal(ks[8], (H // 4, OUT), dtype=jnp.float32) * np.sqrt(2.0 / (H // 4 + OUT))
    return {"node_feats": node_feats, "edge_index": edge_index, "edge_weight": edge_weight,
            "W1": W1, "W2": W2, "gamma1": gamma1, "beta1": beta1, "gamma2": gamma2, "beta2": beta2,
            "Wl1": Wl1, "Wl2": Wl2, "Wl3": Wl3, "Wcls": Wcls}


def _leaky(x):
    return jnp.where(x > 0, x, SLOPE * x)


def _graph_conv(x, W, src, dst, ew, n):
    # DGL GraphConv norm='both': D_dst^{-1/2} (A_w) D_src^{-1/2} X W (aggregate-first)
    ones = jnp.ones((src.shape[0],), x.dtype)
    deg_out = jnp.zeros((n,), x.dtype).at[src].add(ones)
    deg_in = jnp.zeros((n,), x.dtype).at[dst].add(ones)
    norm_src = jnp.clip(deg_out, 1.0, None) ** -0.5
    norm_dst = jnp.clip(deg_in, 1.0, None) ** -0.5
    h = x * norm_src[:, None]
    m = h[src] * ew[:, None]
    agg = jnp.zeros((n, x.shape[1]), x.dtype).at[dst].add(m)
    h = agg * norm_dst[:, None]
    return h @ W


def _graph_norm(x, gamma, beta):
    mu = jnp.mean(x, axis=0, keepdims=True)
    var = jnp.mean((x - mu) ** 2, axis=0, keepdims=True)
    return gamma * (x - mu) / jnp.sqrt(var + EPS) + beta


def _inst_norm(x):
    # InstanceNorm1d applied to a [1, C] graph readout: normalize over the feature axis, no affine
    mu = jnp.mean(x, axis=-1, keepdims=True)
    var = jnp.mean((x - mu) ** 2, axis=-1, keepdims=True)
    return (x - mu) / jnp.sqrt(var + EPS)


def reference(node_feats, edge_index, edge_weight, W1, W2, gamma1, beta1, gamma2, beta2, Wl1, Wl2, Wl3, Wcls):
    src = edge_index[0]
    dst = edge_index[1]
    n = node_feats.shape[0]
    h = _graph_conv(node_feats, W1, src, dst, edge_weight, n)
    h = _leaky(h)
    h = _graph_norm(h, gamma1, beta1)
    h = _graph_conv(h, W2, src, dst, edge_weight, n)
    h = _leaky(h)
    h = _graph_norm(h, gamma2, beta2)
    g = jnp.mean(h, axis=0, keepdims=True)  # dgl.mean_nodes, single graph -> [1, 2H]
    g = _inst_norm(_leaky(g @ Wl1))
    g = _inst_norm(_leaky(g @ Wl2))
    g = _inst_norm(_leaky(g @ Wl3))
    return g @ Wcls

if __name__ == "__main__":
    import jax
    _d = setup_inputs()
    print(jax.jit(kernel)(*tuple(_d.values())))

</pallas_src>

<mosaic_0001>
#map = affine_map<(d0, d1) -> (0, 0)>
#map1 = affine_map<(d0, d1) -> (0)>
#map2 = affine_map<(d0, d1) -> (0, 0, 0)>
module attributes {stable_mosaic.version = 14 : i64} {
  func.func @_sc_agg_sorted(%arg0: i32, %arg1: i32, %arg2: memref<10000x128xf32, #tpu.memory_space<hbm>>, %arg3: memref<320000xi32, #tpu.memory_space<hbm>>, %arg4: memref<320000xi32, #tpu.memory_space<hbm>>, %arg5: memref<320000xf32, #tpu.memory_space<hbm>>, %arg6: memref<32xi32, #tpu.memory_space<hbm>>, %arg7: memref<32xi32, #tpu.memory_space<hbm>>, %arg8: memref<10000x1x128xf32, #tpu.memory_space<hbm>>, %arg9: memref<128xi32, #tpu.memory_space<vmem>>, %arg10: memref<128xi32, #tpu.memory_space<vmem>>, %arg11: memref<128xf32, #tpu.memory_space<vmem>>, %arg12: memref<128x128xf32, #tpu.memory_space<vmem>>, %arg13: memref<1x128xf32, #tpu.memory_space<vmem>>, %arg14: memref<32xi32, #tpu.memory_space<vmem>>, %arg15: memref<32xi32, #tpu.memory_space<vmem>>, %arg16: memref<!tpu.dma_semaphore, #tpu.memory_space<semaphore_mem>>) attributes {dimension_semantics = [#tpu.dimension_semantics<core_parallel>, #tpu.dimension_semantics<subcore_parallel>], iteration_bounds = array<i64: 2, 16>, scalar_prefetch = 0 : i64, scratch_operands = 8 : i64, tpu.core_type = #tpu.core_type<sc_vector_subcore>, window_params = [{transform_indices = #map}, {transform_indices = #map1}, {transform_indices = #map1}, {transform_indices = #map1}, {transform_indices = #map1}, {transform_indices = #map1}, {transform_indices = #map2}]} {
    %mul3A = arith.constant 16 : i32
    %mul3A_0 = arith.muli %arg0, %mul3A : i32
    %add3A = arith.addi %mul3A_0, %arg1 : i32
    "tpu.region"() ({
      %run_scoped3A = tpu.sem_alloc : memref<!tpu.dma_semaphore, #tpu.memory_space<semaphore_mem>>
      tpu.enqueue_dma source(%arg6 : memref<32xi32, #tpu.memory_space<hbm>>) target(%arg14 : memref<32xi32, #tpu.memory_space<vmem>>) target_semaphore(%run_scoped3A : memref<!tpu.dma_semaphore, #tpu.memory_space<semaphore_mem>>)
      tpu.wait_dma2 semaphore(%run_scoped3A : memref<!tpu.dma_semaphore, #tpu.memory_space<semaphore_mem>>) src(%arg6 : memref<32xi32, #tpu.memory_space<hbm>>) dst(%arg14 : memref<32xi32, #tpu.memory_space<vmem>>)
      tpu.yield
    }) : () -> ()
    "tpu.region"() ({
      %run_scoped3A = tpu.sem_alloc : memref<!tpu.dma_semaphore, #tpu.memory_space<semaphore_mem>>
      tpu.enqueue_dma source(%arg7 : memref<32xi32, #tpu.memory_space<hbm>>) target(%arg15 : memref<32xi32, #tpu.memory_space<vmem>>) target_semaphore(%run_scoped3A : memref<!tpu.dma_semaphore, #tpu.memory_space<semaphore_mem>>)
      tpu.wait_dma2 semaphore(%run_scoped3A : memref<!tpu.dma_semaphore, #tpu.memory_space<semaphore_mem>>) src(%arg7 : memref<32xi32, #tpu.memory_space<hbm>>) dst(%arg15 : memref<32xi32, #tpu.memory_space<vmem>>)
      tpu.yield
    }) : () -> ()
    %jit3A = arith.constant 16 : i32
    %div3A = arith.divsi %add3A, %jit3A : i32
    %sign3A = arith.constant 0 : i32
    %sign3A_1 = arith.cmpi sgt, %add3A, %sign3A : i32
    %sign3A_2 = arith.extui %sign3A_1 : i1 to i32
    %sign3A_3 = arith.constant 0 : i32
    %sign3A_4 = arith.cmpi slt, %add3A, %sign3A_3 : i32
    %sign3A_5 = arith.extui %sign3A_4 : i1 to i32
    %sign3A_6 = arith.subi %sign3A_2, %sign3A_5 : i32
    %sign3A_7 = arith.constant 0 : i32
    %sign3A_8 = arith.cmpi sgt, %jit3A, %sign3A_7 : i32
    %sign3A_9 = arith.extui %sign3A_8 : i1 to i32
    %sign3A_10 = arith.constant 0 : i32
    %sign3A_11 = arith.cmpi slt, %jit3A, %sign3A_10 : i32
    %sign3A_12 = arith.extui %sign3A_11 : i1 to i32
    %sign3A_13 = arith.subi %sign3A_9, %sign3A_12 : i32
    %ne3A = arith.cmpi ne, %sign3A_6, %sign3A_13 : i32
    %rem3A = arith.remsi %add3A, %jit3A : i32
    %ne3A_14 = arith.constant 0 : i32
    %ne3A_15 = arith.cmpi ne, %rem3A, %ne3A_14 : i32
    %and3A = arith.andi %ne3A, %ne3A_15 : i1
    %sub3A = arith.constant 1 : i32
    %sub3A_16 = arith.subi %div3A, %sub3A : i32
    %select_n3A = arith.select %and3A, %sub3A_16, %div3A : i32
    %mul3A_17 = arith.constant 16 : i32
    %mul3A_18 = arith.muli %select_n3A, %mul3A_17 : i32
    %get3A = arith.index_cast %mul3A_18 : i32 to index
    %get3A_19 = tpu.vector_load %arg14[%get3A] {strides = array<i32>} : memref<32xi32, #tpu.memory_space<vmem>>, vector<16xi32>,
    %iota3A = tpu.iota {dimensions = array<i32: 0>} : vector<16xi32>
    %jit3A_20 = arith.constant 16 : i32
    %eq3A = arith.constant 0 : i32
    %eq3A_21 = arith.cmpi eq, %jit3A_20, %eq3A : i32
    %jit3A_22 = arith.constant 1 : i32
    %select_n3A_23 = arith.select %eq3A_21, %jit3A_22, %jit3A_20 : i32
    %rem3A_24 = arith.remsi %add3A, %select_n3A_23 : i32
    %ne3A_25 = arith.constant 0 : i32
    %ne3A_26 = arith.cmpi ne, %rem3A_24, %ne3A_25 : i32
    %lt3A = arith.constant 0 : i32
    %lt3A_27 = arith.cmpi slt, %rem3A_24, %lt3A : i32
    %lt3A_28 = arith.constant 0 : i32
    %lt3A_29 = arith.cmpi slt, %select_n3A_23, %lt3A_28 : i32
    %ne3A_30 = arith.xori %lt3A_27, %lt3A_29 : i1
    %and3A_31 = arith.andi %ne3A_30, %ne3A_26 : i1
    %add3A_32 = arith.addi %rem3A_24, %select_n3A_23 : i32
    %select_n3A_33 = arith.select %and3A_31, %add3A_32, %rem3A_24 : i32
    %eq3A_34 = vector.broadcast %select_n3A_33 : i32 to vector<16xi32>
    %eq3A_35 = arith.cmpi eq, %iota3A, %eq3A_34 : vector<16xi32>
    %jit3A_36 = arith.constant -2147483648 : i32
    %broadcast_in_dim3A = vector.broadcast %jit3A_36 : i32 to vector<16xi32>
    %select_n3A_37 = arith.select %eq3A_35, %get3A_19, %broadcast_in_dim3A : vector<16xi1>, vector<16xi32>
    %reduce_max3A = arith.constant true
    %reduce_max3A_38 = vector.broadcast %reduce_max3A : i1 to vector<16xi1>
    %reduce_max3A_39 = arith.constant -2147483648 : i32
    %reduce_max3A_40 = vector.broadcast %reduce_max3A_39 : i32 to vector<16xi32>
    %reduce_max3A_41 = arith.xori %select_n3A_37, %reduce_max3A_40 : vector<16xi32>
    %reduce_max3A_42 = tpu.scan <max>, %reduce_max3A_41 masked %reduce_max3A_38 : vector<16xi32>, vector<16xi1> -> vector<16xi32>
    %reduce_max3A_43 = arith.xori %reduce_max3A_42, %reduce_max3A_40 : vector<16xi32>
    %reduce_max3A_44 = vector.extract %reduce_max3A_43[15] : i32 from vector<16xi32>
    %jit3A_45 = arith.constant 16 : i32
    %div3A_46 = arith.divsi %add3A, %jit3A_45 : i32
    %sign3A_47 = arith.constant 0 : i32
    %sign3A_48 = arith.cmpi sgt, %add3A, %sign3A_47 : i32
    %sign3A_49 = arith.extui %sign3A_48 : i1 to i32
    %sign3A_50 = arith.constant 0 : i32
    %sign3A_51 = arith.cmpi slt, %add3A, %sign3A_50 : i32
    %sign3A_52 = arith.extui %sign3A_51 : i1 to i32
    %sign3A_53 = arith.subi %sign3A_49, %sign3A_52 : i32
    %sign3A_54 = arith.constant 0 : i32
    %sign3A_55 = arith.cmpi sgt, %jit3A_45, %sign3A_54 : i32
    %sign3A_56 = arith.extui %sign3A_55 : i1 to i32
    %sign3A_57 = arith.constant 0 : i32
    %sign3A_58 = arith.cmpi slt, %jit3A_45, %sign3A_57 : i32
    %sign3A_59 = arith.extui %sign3A_58 : i1 to i32
    %sign3A_60 = arith.subi %sign3A_56, %sign3A_59 : i32
    %ne3A_61 = arith.cmpi ne, %sign3A_53, %sign3A_60 : i32
    %rem3A_62 = arith.remsi %add3A, %jit3A_45 : i32
    %ne3A_63 = arith.constant 0 : i32
    %ne3A_64 = arith.cmpi ne, %rem3A_62, %ne3A_63 : i32
    %and3A_65 = arith.andi %ne3A_61, %ne3A_64 : i1
    %sub3A_66 = arith.constant 1 : i32
    %sub3A_67 = arith.subi %div3A_46, %sub3A_66 : i32
    %select_n3A_68 = arith.select %and3A_65, %sub3A_67, %div3A_46 : i32
    %mul3A_69 = arith.constant 16 : i32
    %mul3A_70 = arith.muli %select_n3A_68, %mul3A_69 : i32
    %get3A_71 = arith.index_cast %mul3A_70 : i32 to index
    %get3A_72 = tpu.vector_load %arg15[%get3A_71] {strides = array<i32>} : memref<32xi32, #tpu.memory_space<vmem>>, vector<16xi32>,
    %iota3A_73 = tpu.iota {dimensions = array<i32: 0>} : vector<16xi32>
    %jit3A_74 = arith.constant 16 : i32
    %eq3A_75 = arith.constant 0 : i32
    %eq3A_76 = arith.cmpi eq, %jit3A_74, %eq3A_75 : i32
    %jit3A_77 = arith.constant 1 : i32
    %select_n3A_78 = arith.select %eq3A_76, %jit3A_77, %jit3A_74 : i32
    %rem3A_79 = arith.remsi %add3A, %select_n3A_78 : i32
    %ne3A_80 = arith.constant 0 : i32
    %ne3A_81 = arith.cmpi ne, %rem3A_79, %ne3A_80 : i32
    %lt3A_82 = arith.constant 0 : i32
    %lt3A_83 = arith.cmpi slt, %rem3A_79, %lt3A_82 : i32
    %lt3A_84 = arith.constant 0 : i32
    %lt3A_85 = arith.cmpi slt, %select_n3A_78, %lt3A_84 : i32
    %ne3A_86 = arith.xori %lt3A_83, %lt3A_85 : i1
    %and3A_87 = arith.andi %ne3A_86, %ne3A_81 : i1
    %add3A_88 = arith.addi %rem3A_79, %select_n3A_78 : i32
    %select_n3A_89 = arith.select %and3A_87, %add3A_88, %rem3A_79 : i32
    %eq3A_90 = vector.broadcast %select_n3A_89 : i32 to vector<16xi32>
    %eq3A_91 = arith.cmpi eq, %iota3A_73, %eq3A_90 : vector<16xi32>
    %jit3A_92 = arith.constant -2147483648 : i32
    %broadcast_in_dim3A_93 = vector.broadcast %jit3A_92 : i32 to vector<16xi32>
    %select_n3A_94 = arith.select %eq3A_91, %get3A_72, %broadcast_in_dim3A_93 : vector<16xi1>, vector<16xi32>
    %reduce_max3A_95 = arith.constant true
    %reduce_max3A_96 = vector.broadcast %reduce_max3A_95 : i1 to vector<16xi1>
    %reduce_max3A_97 = arith.constant -2147483648 : i32
    %reduce_max3A_98 = vector.broadcast %reduce_max3A_97 : i32 to vector<16xi32>
    %reduce_max3A_99 = arith.xori %select_n3A_94, %reduce_max3A_98 : vector<16xi32>
    %reduce_max3A_100 = tpu.scan <max>, %reduce_max3A_99 masked %reduce_max3A_96 : vector<16xi32>, vector<16xi1> -> vector<16xi32>
    %reduce_max3A_101 = arith.xori %reduce_max3A_100, %reduce_max3A_98 : vector<16xi32>
    %reduce_max3A_102 = vector.extract %reduce_max3A_101[15] : i32 from vector<16xi32>
    %jit3A_103 = arith.constant 128 : i32
    %div3A_104 = arith.divsi %reduce_max3A_44, %jit3A_103 : i32
    %sign3A_105 = arith.constant 0 : i32
    %sign3A_106 = arith.cmpi sgt, %reduce_max3A_44, %sign3A_105 : i32
    %sign3A_107 = arith.extui %sign3A_106 : i1 to i32
    %sign3A_108 = arith.constant 0 : i32
    %sign3A_109 = arith.cmpi slt, %reduce_max3A_44, %sign3A_108 : i32
    %sign3A_110 = arith.extui %sign3A_109 : i1 to i32
    %sign3A_111 = arith.subi %sign3A_107, %sign3A_110 : i32
    %sign3A_112 = arith.constant 0 : i32
    %sign3A_113 = arith.cmpi sgt, %jit3A_103, %sign3A_112 : i32
    %sign3A_114 = arith.extui %sign3A_113 : i1 to i32
    %sign3A_115 = arith.constant 0 : i32
    %sign3A_116 = arith.cmpi slt, %jit3A_103, %sign3A_115 : i32
    %sign3A_117 = arith.extui %sign3A_116 : i1 to i32
    %sign3A_118 = arith.subi %sign3A_114, %sign3A_117 : i32
    %ne3A_119 = arith.cmpi ne, %sign3A_111, %sign3A_118 : i32
    %rem3A_120 = arith.remsi %reduce_max3A_44, %jit3A_103 : i32
    %ne3A_121 = arith.constant 0 : i32
    %ne3A_122 = arith.cmpi ne, %rem3A_120, %ne3A_121 : i32
    %and3A_123 = arith.andi %ne3A_119, %ne3A_122 : i1
    %sub3A_124 = arith.constant 1 : i32
    %sub3A_125 = arith.subi %div3A_104, %sub3A_124 : i32
    %select_n3A_126 = arith.select %and3A_123, %sub3A_125, %div3A_104 : i32
    %add3A_127 = arith.constant 128 : i32
    %add3A_128 = arith.addi %reduce_max3A_102, %add3A_127 : i32
    %sub3A_129 = arith.constant 1 : i32
    %sub3A_130 = arith.subi %add3A_128, %sub3A_129 : i32
    %jit3A_131 = arith.constant 128 : i32
    %div3A_132 = arith.divsi %sub3A_130, %jit3A_131 : i32
    %sign3A_133 = arith.constant 0 : i32
    %sign3A_134 = arith.cmpi sgt, %sub3A_130, %sign3A_133 : i32
    %sign3A_135 = arith.extui %sign3A_134 : i1 to i32
    %sign3A_136 = arith.constant 0 : i32
    %sign3A_137 = arith.cmpi slt, %sub3A_130, %sign3A_136 : i32
    %sign3A_138 = arith.extui %sign3A_137 : i1 to i32
    %sign3A_139 = arith.subi %sign3A_135, %sign3A_138 : i32
    %sign3A_140 = arith.constant 0 : i32
    %sign3A_141 = arith.cmpi sgt, %jit3A_131, %sign3A_140 : i32
    %sign3A_142 = arith.extui %sign3A_141 : i1 to i32
    %sign3A_143 = arith.constant 0 : i32
    %sign3A_144 = arith.cmpi slt, %jit3A_131, %sign3A_143 : i32
    %sign3A_145 = arith.extui %sign3A_144 : i1 to i32
    %sign3A_146 = arith.subi %sign3A_142, %sign3A_145 : i32
    %ne3A_147 = arith.cmpi ne, %sign3A_139, %sign3A_146 : i32
    %rem3A_148 = arith.remsi %sub3A_130, %jit3A_131 : i32
    %ne3A_149 = arith.constant 0 : i32
    %ne3A_150 = arith.cmpi ne, %rem3A_148, %ne3A_149 : i32
    %and3A_151 = arith.andi %ne3A_147, %ne3A_150 : i1
    %sub3A_152 = arith.constant 1 : i32
    %sub3A_153 = arith.subi %div3A_132, %sub3A_152 : i32
    %select_n3A_154 = arith.select %and3A_151, %sub3A_153, %div3A_132 : i32
    %broadcast_in_dim3A_155 = arith.constant 0.000000e+00 : f32
    %broadcast_in_dim3A_156 = vector.broadcast %broadcast_in_dim3A_155 : f32 to vector<16xf32>
    %while3A = arith.constant -1 : i32
    %while3A_157 = arith.constant false
    %while3A_158 = arith.subi %select_n3A_154, %select_n3A_126 : i32
    %while3A_159 = arith.addi %select_n3A_126, %while3A_158 : i32
    %while3A_160 = arith.constant 1 : i32
    %while3A_161 = arith.divsi %while3A_158, %while3A_160 : i32
    %while3A_162 = arith.muli %while3A_161, %while3A_160 : i32
    %while3A_163 = arith.addi %select_n3A_126, %while3A_162 : i32
    %while3A_164 = arith.constant 1 : i32
    %while3A_165:10 = scf.for %while3A_169 = %select_n3A_126 to %while3A_163 step %while3A_164 iter_args(%while3A_170 = %broadcast_in_dim3A_156, %while3A_171 = %broadcast_in_dim3A_156, %while3A_172 = %broadcast_in_dim3A_156, %while3A_173 = %broadcast_in_dim3A_156, %while3A_174 = %broadcast_in_dim3A_156, %while3A_175 = %broadcast_in_dim3A_156, %while3A_176 = %broadcast_in_dim3A_156, %while3A_177 = %broadcast_in_dim3A_156, %while3A_178 = %while3A, %while3A_179 = %while3A_157) -> (vector<16xf32>, vector<16xf32>, vector<16xf32>, vector<16xf32>, vector<16xf32>, vector<16xf32>, vector<16xf32>, vector<16xf32>, i32, i1)  : i32 {
      %mul3A_180 = arith.constant 128 : i32
      %mul3A_181 = arith.muli %while3A_169, %mul3A_180 : i32
      "tpu.region"() ({
        %run_scoped3A = tpu.sem_alloc : memref<!tpu.dma_semaphore, #tpu.memory_space<semaphore_mem>>
        %dma_start3A_191 = tpu.memref_slice %arg3[%mul3A_181] : memref<320000xi32, #tpu.memory_space<hbm>> -> memref<128xi32, #tpu.memory_space<hbm>>
        %dma_start3A_192 = tpu.memref_slice %arg3[%mul3A_181] : memref<320000xi32, #tpu.memory_space<hbm>> -> memref<128xi32, #tpu.memory_space<hbm>>
        tpu.enqueue_dma source(%dma_start3A_192 : memref<128xi32, #tpu.memory_space<hbm>>) target(%arg9 : memref<128xi32, #tpu.memory_space<vmem>>) target_semaphore(%run_scoped3A : memref<!tpu.dma_semaphore, #tpu.memory_space<semaphore_mem>>)
        %dma_wait3A_193 = tpu.memref_slice %arg3[%mul3A_181] : memref<320000xi32, #tpu.memory_space<hbm>> -> memref<128xi32, #tpu.memory_space<hbm>>
        %dma_wait3A_194 = tpu.memref_slice %arg3[%mul3A_181] : memref<320000xi32, #tpu.memory_space<hbm>> -> memref<128xi32, #tpu.memory_space<hbm>>
        tpu.wait_dma2 semaphore(%run_scoped3A : memref<!tpu.dma_semaphore, #tpu.memory_space<semaphore_mem>>) src(%dma_wait3A_194 : memref<128xi32, #tpu.memory_space<hbm>>) dst(%arg9 : memref<128xi32, #tpu.memory_space<vmem>>)
        tpu.yield
      }) : () -> ()
      "tpu.region"() ({
        %run_scoped3A = tpu.sem_alloc : memref<!tpu.dma_semaphore, #tpu.memory_space<semaphore_mem>>
        %dma_start3A_191 = tpu.memref_slice %arg4[%mul3A_181] : memref<320000xi32, #tpu.memory_space<hbm>> -> memref<128xi32, #tpu.memory_space<hbm>>
        %dma_start3A_192 = tpu.memref_slice %arg4[%mul3A_181] : memref<320000xi32, #tpu.memory_space<hbm>> -> memref<128xi32, #tpu.memory_space<hbm>>
        tpu.enqueue_dma source(%dma_start3A_192 : memref<128xi32, #tpu.memory_space<hbm>>) target(%arg10 : memref<128xi32, #tpu.memory_space<vmem>>) target_semaphore(%run_scoped3A : memref<!tpu.dma_semaphore, #tpu.memory_space<semaphore_mem>>)
        %dma_wait3A_193 = tpu.memref_slice %arg4[%mul3A_181] : memref<320000xi32, #tpu.memory_space<hbm>> -> memref<128xi32, #tpu.memory_space<hbm>>
        %dma_wait3A_194 = tpu.memref_slice %arg4[%mul3A_181] : memref<320000xi32, #tpu.memory_space<hbm>> -> memref<128xi32, #tpu.memory_space<hbm>>
        tpu.wait_dma2 semaphore(%run_scoped3A : memref<!tpu.dma_semaphore, #tpu.memory_space<semaphore_mem>>) src(%dma_wait3A_194 : memref<128xi32, #tpu.memory_space<hbm>>) dst(%arg10 : memref<128xi32, #tpu.memory_space<vmem>>)
        tpu.yield
      }) : () -> ()
      "tpu.region"() ({
        %run_scoped3A = tpu.sem_alloc : memref<!tpu.dma_semaphore, #tpu.memory_space<semaphore_mem>>
        %dma_start3A_191 = tpu.memref_slice %arg5[%mul3A_181] : memref<320000xf32, #tpu.memory_space<hbm>> -> memref<128xf32, #tpu.memory_space<hbm>>
        %dma_start3A_192 = tpu.memref_slice %arg5[%mul3A_181] : memref<320000xf32, #tpu.memory_space<hbm>> -> memref<128xf32, #tpu.memory_space<hbm>>
        tpu.enqueue_dma source(%dma_start3A_192 : memref<128xf32, #tpu.memory_space<hbm>>) target(%arg11 : memref<128xf32, #tpu.memory_space<vmem>>) target_semaphore(%run_scoped3A : memref<!tpu.dma_semaphore, #tpu.memory_space<semaphore_mem>>)
        %dma_wait3A_193 = tpu.memref_slice %arg5[%mul3A_181] : memref<320000xf32, #tpu.memory_space<hbm>> -> memref<128xf32, #tpu.memory_space<hbm>>
        %dma_wait3A_194 = tpu.memref_slice %arg5[%mul3A_181] : memref<320000xf32, #tpu.memory_space<hbm>> -> memref<128xf32, #tpu.memory_space<hbm>>
        tpu.wait_dma2 semaphore(%run_scoped3A : memref<!tpu.dma_semaphore, #tpu.memory_space<semaphore_mem>>) src(%dma_wait3A_194 : memref<128xf32, #tpu.memory_space<hbm>>) dst(%arg11 : memref<128xf32, #tpu.memory_space<vmem>>)
        tpu.yield
      }) : () -> ()
      %dma_start3A = arith.constant 0 : i32
      %dma_start3A_182 = arith.constant 0 : i32
      %dma_start3A_183 = tpu.memref_slice %arg2[%dma_start3A, %dma_start3A_182] : memref<10000x128xf32, #tpu.memory_space<hbm>> -> memref<10000x128xf32, #tpu.memory_space<hbm>>
      tpu.enqueue_indirect_dma source(%dma_start3A_183 : memref<10000x128xf32, #tpu.memory_space<hbm>>) target(%arg12 : memref<128x128xf32, #tpu.memory_space<vmem>>) offsets(%arg9 : memref<128xi32, #tpu.memory_space<vmem>>) semaphore(%arg16 : memref<!tpu.dma_semaphore, #tpu.memory_space<semaphore_mem>>)
      %dma_wait3A = arith.constant 0 : i32
      %dma_wait3A_184 = arith.constant 0 : i32
      %dma_wait3A_185 = tpu.memref_slice %arg2[%dma_wait3A, %dma_wait3A_184] : memref<10000x128xf32, #tpu.memory_space<hbm>> -> memref<10000x128xf32, #tpu.memory_space<hbm>>
      tpu.wait_indirect_dma semaphore(%arg16 : memref<!tpu.dma_semaphore, #tpu.memory_space<semaphore_mem>>) src(%dma_wait3A_185 : memref<10000x128xf32, #tpu.memory_space<hbm>>) dst(%arg12 : memref<128x128xf32, #tpu.memory_space<vmem>>)
      %scan3A = arith.constant 0 : i32
      %scan3A_186 = arith.constant 128 : i32
      %scan3A_187 = arith.addi %scan3A, %scan3A_186 : i32
      %scan3A_188 = arith.constant 1 : i32
      %scan3A_189:10 = scf.for %scan3A_191 = %scan3A to %scan3A_187 step %scan3A_188 iter_args(%scan3A_192 = %while3A_170, %scan3A_193 = %while3A_171, %scan3A_194 = %while3A_172, %scan3A_195 = %while3A_173, %scan3A_196 = %while3A_174, %scan3A_197 = %while3A_175, %scan3A_198 = %while3A_176, %scan3A_199 = %while3A_177, %scan3A_200 = %while3A_178, %scan3A_201 = %while3A_179) -> (vector<16xf32>, vector<16xf32>, vector<16xf32>, vector<16xf32>, vector<16xf32>, vector<16xf32>, vector<16xf32>, vector<16xf32>, i32, i1)  : i32 {
        %add3A_202 = arith.addi %mul3A_181, %scan3A_191 : i32
        %ge3A = arith.cmpi sge, %add3A_202, %reduce_max3A_44 : i32
        %lt3A_203 = arith.cmpi slt, %add3A_202, %reduce_max3A_102 : i32
        %and3A_204 = arith.andi %ge3A, %lt3A_203 : i1
        %jit3A_205 = arith.constant 16 : i32
        %div3A_206 = arith.divsi %scan3A_191, %jit3A_205 : i32
        %sign3A_207 = arith.constant 0 : i32
        %sign3A_208 = arith.cmpi sgt, %scan3A_191, %sign3A_207 : i32
        %sign3A_209 = arith.extui %sign3A_208 : i1 to i32
        %sign3A_210 = arith.constant 0 : i32
        %sign3A_211 = arith.cmpi slt, %scan3A_191, %sign3A_210 : i32
        %sign3A_212 = arith.extui %sign3A_211 : i1 to i32
        %sign3A_213 = arith.subi %sign3A_209, %sign3A_212 : i32
        %sign3A_214 = arith.constant 0 : i32
        %sign3A_215 = arith.cmpi sgt, %jit3A_205, %sign3A_214 : i32
        %sign3A_216 = arith.extui %sign3A_215 : i1 to i32
        %sign3A_217 = arith.constant 0 : i32
        %sign3A_218 = arith.cmpi slt, %jit3A_205, %sign3A_217 : i32
        %sign3A_219 = arith.extui %sign3A_218 : i1 to i32
        %sign3A_220 = arith.subi %sign3A_216, %sign3A_219 : i32
        %ne3A_221 = arith.cmpi ne, %sign3A_213, %sign3A_220 : i32
        %rem3A_222 = arith.remsi %scan3A_191, %jit3A_205 : i32
        %ne3A_223 = arith.constant 0 : i32
        %ne3A_224 = arith.cmpi ne, %rem3A_222, %ne3A_223 : i32
        %and3A_225 = arith.andi %ne3A_221, %ne3A_224 : i1
        %sub3A_226 = arith.constant 1 : i32
        %sub3A_227 = arith.subi %div3A_206, %sub3A_226 : i32
        %select_n3A_228 = arith.select %and3A_225, %sub3A_227, %div3A_206 : i32
        %mul3A_229 = arith.constant 16 : i32
        %mul3A_230 = arith.muli %select_n3A_228, %mul3A_229 : i32
        %get3A_231 = arith.index_cast %mul3A_230 : i32 to index
        %get3A_232 = tpu.vector_load %arg10[%get3A_231] {strides = array<i32>} : memref<128xi32, #tpu.memory_space<vmem>>, vector<16xi32>,
        %iota3A_233 = tpu.iota {dimensions = array<i32: 0>} : vector<16xi32>
        %jit3A_234 = arith.constant 16 : i32
        %eq3A_235 = arith.constant 0 : i32
        %eq3A_236 = arith.cmpi eq, %jit3A_234, %eq3A_235 : i32
        %jit3A_237 = arith.constant 1 : i32
        %select_n3A_238 = arith.select %eq3A_236, %jit3A_237, %jit3A_234 : i32
        %rem3A_239 = arith.remsi %scan3A_191, %select_n3A_238 : i32
        %ne3A_240 = arith.constant 0 : i32
        %ne3A_241 = arith.cmpi ne, %rem3A_239, %ne3A_240 : i32
        %lt3A_242 = arith.constant 0 : i32
        %lt3A_243 = arith.cmpi slt, %rem3A_239, %lt3A_242 : i32
        %lt3A_244 = arith.constant 0 : i32
        %lt3A_245 = arith.cmpi slt, %select_n3A_238, %lt3A_244 : i32
        %ne3A_246 = arith.xori %lt3A_243, %lt3A_245 : i1
        %and3A_247 = arith.andi %ne3A_246, %ne3A_241 : i1
        %add3A_248 = arith.addi %rem3A_239, %select_n3A_238 : i32
        %select_n3A_249 = arith.select %and3A_247, %add3A_248, %rem3A_239 : i32
        %eq3A_250 = vector.broadcast %select_n3A_249 : i32 to vector<16xi32>
        %eq3A_251 = arith.cmpi eq, %iota3A_233, %eq3A_250 : vector<16xi32>
        %jit3A_252 = arith.constant -2147483648 : i32
        %broadcast_in_dim3A_253 = vector.broadcast %jit3A_252 : i32 to vector<16xi32>
        %select_n3A_254 = arith.select %eq3A_251, %get3A_232, %broadcast_in_dim3A_253 : vector<16xi1>, vector<16xi32>
        %reduce_max3A_255 = arith.constant true
        %reduce_max3A_256 = vector.broadcast %reduce_max3A_255 : i1 to vector<16xi1>
        %reduce_max3A_257 = arith.constant -2147483648 : i32
        %reduce_max3A_258 = vector.broadcast %reduce_max3A_257 : i32 to vector<16xi32>
        %reduce_max3A_259 = arith.xori %select_n3A_254, %reduce_max3A_258 : vector<16xi32>
        %reduce_max3A_260 = tpu.scan <max>, %reduce_max3A_259 masked %reduce_max3A_256 : vector<16xi32>, vector<16xi1> -> vector<16xi32>
        %reduce_max3A_261 = arith.xori %reduce_max3A_260, %reduce_max3A_258 : vector<16xi32>
        %reduce_max3A_262 = vector.extract %reduce_max3A_261[15] : i32 from vector<16xi32>
        %jit3A_263 = arith.constant 16 : i32
        %div3A_264 = arith.divsi %scan3A_191, %jit3A_263 : i32
        %sign3A_265 = arith.constant 0 : i32
        %sign3A_266 = arith.cmpi sgt, %scan3A_191, %sign3A_265 : i32
        %sign3A_267 = arith.extui %sign3A_266 : i1 to i32
        %sign3A_268 = arith.constant 0 : i32
        %sign3A_269 = arith.cmpi slt, %scan3A_191, %sign3A_268 : i32
        %sign3A_270 = arith.extui %sign3A_269 : i1 to i32
        %sign3A_271 = arith.subi %sign3A_267, %sign3A_270 : i32
        %sign3A_272 = arith.constant 0 : i32
        %sign3A_273 = arith.cmpi sgt, %jit3A_263, %sign3A_272 : i32
        %sign3A_274 = arith.extui %sign3A_273 : i1 to i32
        %sign3A_275 = arith.constant 0 : i32
        %sign3A_276 = arith.cmpi slt, %jit3A_263, %sign3A_275 : i32
        %sign3A_277 = arith.extui %sign3A_276 : i1 to i32
        %sign3A_278 = arith.subi %sign3A_274, %sign3A_277 : i32
        %ne3A_279 = arith.cmpi ne, %sign3A_271, %sign3A_278 : i32
        %rem3A_280 = arith.remsi %scan3A_191, %jit3A_263 : i32
        %ne3A_281 = arith.constant 0 : i32
        %ne3A_282 = arith.cmpi ne, %rem3A_280, %ne3A_281 : i32
        %and3A_283 = arith.andi %ne3A_279, %ne3A_282 : i1
        %sub3A_284 = arith.constant 1 : i32
        %sub3A_285 = arith.subi %div3A_264, %sub3A_284 : i32
        %select_n3A_286 = arith.select %and3A_283, %sub3A_285, %div3A_264 : i32
        %mul3A_287 = arith.constant 16 : i32
        %mul3A_288 = arith.muli %select_n3A_286, %mul3A_287 : i32
        %get3A_289 = arith.index_cast %mul3A_288 : i32 to index
        %get3A_290 = tpu.vector_load %arg11[%get3A_289] {strides = array<i32>} : memref<128xf32, #tpu.memory_space<vmem>>, vector<16xf32>,
        %jit3A_291 = arith.constant 16 : i32
        %eq3A_292 = arith.constant 0 : i32
        %eq3A_293 = arith.cmpi eq, %jit3A_291, %eq3A_292 : i32
        %jit3A_294 = arith.constant 1 : i32
        %select_n3A_295 = arith.select %eq3A_293, %jit3A_294, %jit3A_291 : i32
        %rem3A_296 = arith.remsi %scan3A_191, %select_n3A_295 : i32
        %ne3A_297 = arith.constant 0 : i32
        %ne3A_298 = arith.cmpi ne, %rem3A_296, %ne3A_297 : i32
        %lt3A_299 = arith.constant 0 : i32
        %lt3A_300 = arith.cmpi slt, %rem3A_296, %lt3A_299 : i32
        %lt3A_301 = arith.constant 0 : i32
        %lt3A_302 = arith.cmpi slt, %select_n3A_295, %lt3A_301 : i32
        %ne3A_303 = arith.xori %lt3A_300, %lt3A_302 : i1
        %and3A_304 = arith.andi %ne3A_303, %ne3A_298 : i1
        %add3A_305 = arith.addi %rem3A_296, %select_n3A_295 : i32
        %select_n3A_306 = arith.select %and3A_304, %add3A_305, %rem3A_296 : i32
        %broadcast_in_dim3A_307 = vector.broadcast %select_n3A_306 : i32 to vector<16xi32>
        %lt3A_308 = arith.constant 0 : i32
        %lt3A_309 = vector.broadcast %lt3A_308 : i32 to vector<16xi32>
        %lt3A_310 = arith.cmpi slt, %broadcast_in_dim3A_307, %lt3A_309 : vector<16xi32>
        %add3A_311 = arith.constant 16 : i32
        %add3A_312 = vector.broadcast %add3A_311 : i32 to vector<16xi32>
        %add3A_313 = arith.addi %broadcast_in_dim3A_307, %add3A_312 : vector<16xi32>
        %select_n3A_314 = arith.select %lt3A_310, %add3A_313, %broadcast_in_dim3A_307 : vector<16xi1>, vector<16xi32>
        %broadcast_in_dim3A_315 = vector.shape_cast %select_n3A_314 : vector<16xi32> to vector<16x1xi32>
        %gather3A = vector.shape_cast %broadcast_in_dim3A_315 : vector<16x1xi32> to vector<16xi32>
        %gather3A_316 = tpu.dynamic_gather %get3A_290[%gather3A] in [0] : vector<16xf32>, vector<16xi32> -> vector<16xf32>
        %ne3A_317 = arith.cmpi ne, %reduce_max3A_262, %scan3A_200 : i32
        %and3A_318 = arith.andi %and3A_204, %ne3A_317 : i1
        %and3A_319 = arith.andi %and3A_318, %scan3A_201 : i1
        %convert_element_type3A_320 = arith.extui %and3A_319 : i1 to i32
        %cond3A_321 = arith.constant 0 : i32
        %cond3A_322 = arith.cmpi ne, %convert_element_type3A_320, %cond3A_321 : i32
        scf.if %cond3A_322 {
          %swap3A = arith.constant 0 : i32
          %swap3A_380 = arith.index_cast %swap3A : i32 to index
          %swap3A_381 = arith.constant 0 : index
          %swap3A_382 = tpu.vector_load %arg13[%swap3A_380, %swap3A_381] {strides = array<i32>} : memref<1x128xf32, #tpu.memory_space<vmem>>, vector<16xf32>,
          tpu.vector_store %arg13[%swap3A_380, %swap3A_381], %scan3A_192 {strides = array<i32>} : memref<1x128xf32, #tpu.memory_space<vmem>>, vector<16xf32>,
          %swap3A_383 = arith.constant 0 : i32
          %swap3A_384 = arith.index_cast %swap3A_383 : i32 to index
          %swap3A_385 = arith.constant 16 : index
          %swap3A_386 = tpu.vector_load %arg13[%swap3A_384, %swap3A_385] {strides = array<i32>} : memref<1x128xf32, #tpu.memory_space<vmem>>, vector<16xf32>,
          tpu.vector_store %arg13[%swap3A_384, %swap3A_385], %scan3A_193 {strides = array<i32>} : memref<1x128xf32, #tpu.memory_space<vmem>>, vector<16xf32>,
          %swap3A_387 = arith.constant 0 : i32
          %swap3A_388 = arith.index_cast %swap3A_387 : i32 to index
          %swap3A_389 = arith.constant 32 : index
          %swap3A_390 = tpu.vector_load %arg13[%swap3A_388, %swap3A_389] {strides = array<i32>} : memref<1x128xf32, #tpu.memory_space<vmem>>, vector<16xf32>,
          tpu.vector_store %arg13[%swap3A_388, %swap3A_389], %scan3A_194 {strides = array<i32>} : memref<1x128xf32, #tpu.memory_space<vmem>>, vector<16xf32>,
          %swap3A_391 = arith.constant 0 : i32
          %swap3A_392 = arith.index_cast %swap3A_391 : i32 to index
          %swap3A_393 = arith.constant 48 : index
          %swap3A_394 = tpu.vector_load %arg13[%swap3A_392, %swap3A_393] {strides = array<i32>} : memref<1x128xf32, #tpu.memory_space<vmem>>, vector<16xf32>,
          tpu.vector_store %arg13[%swap3A_392, %swap3A_393], %scan3A_195 {strides = array<i32>} : memref<1x128xf32, #tpu.memory_space<vmem>>, vector<16xf32>,
          %swap3A_395 = arith.constant 0 : i32
          %swap3A_396 = arith.index_cast %swap3A_395 : i32 to index
          %swap3A_397 = arith.constant 64 : index
          %swap3A_398 = tpu.vector_load %arg13[%swap3A_396, %swap3A_397] {strides = array<i32>} : memref<1x128xf32, #tpu.memory_space<vmem>>, vector<16xf32>,
          tpu.vector_store %arg13[%swap3A_396, %swap3A_397], %scan3A_196 {strides = array<i32>} : memref<1x128xf32, #tpu.memory_space<vmem>>, vector<16xf32>,
          %swap3A_399 = arith.constant 0 : i32
          %swap3A_400 = arith.index_cast %swap3A_399 : i32 to index
          %swap3A_401 = arith.constant 80 : index
          %swap3A_402 = tpu.vector_load %arg13[%swap3A_400, %swap3A_401] {strides = array<i32>} : memref<1x128xf32, #tpu.memory_space<vmem>>, vector<16xf32>,
          tpu.vector_store %arg13[%swap3A_400, %swap3A_401], %scan3A_197 {strides = array<i32>} : memref<1x128xf32, #tpu.memory_space<vmem>>, vector<16xf32>,
          %swap3A_403 = arith.constant 0 : i32
          %swap3A_404 = arith.index_cast %swap3A_403 : i32 to index
          %swap3A_405 = arith.constant 96 : index
          %swap3A_406 = tpu.vector_load %arg13[%swap3A_404, %swap3A_405] {strides = array<i32>} : memref<1x128xf32, #tpu.memory_space<vmem>>, vector<16xf32>,
          tpu.vector_store %arg13[%swap3A_404, %swap3A_405], %scan3A_198 {strides = array<i32>} : memref<1x128xf32, #tpu.memory_space<vmem>>, vector<16xf32>,
          %swap3A_407 = arith.constant 0 : i32
          %swap3A_408 = arith.index_cast %swap3A_407 : i32 to index
          %swap3A_409 = arith.constant 112 : index
          %swap3A_410 = tpu.vector_load %arg13[%swap3A_408, %swap3A_409] {strides = array<i32>} : memref<1x128xf32, #tpu.memory_space<vmem>>, vector<16xf32>,
          tpu.vector_store %arg13[%swap3A_408, %swap3A_409], %scan3A_199 {strides = array<i32>} : memref<1x128xf32, #tpu.memory_space<vmem>>, vector<16xf32>,
          "tpu.region"() ({
            %run_scoped3A = tpu.sem_alloc : memref<!tpu.dma_semaphore, #tpu.memory_space<semaphore_mem>>
            %dma_start3A_411 = arith.constant 0 : i32
            %dma_start3A_412 = arith.constant 0 : i32
            %dma_start3A_413 = tpu.memref_slice %arg8[%scan3A_200, %dma_start3A_411, %dma_start3A_412] : memref<10000x1x128xf32, #tpu.memory_space<hbm>> -> memref<1x1x128xf32, #tpu.memory_space<hbm>>
            %dma_start3A_414 = tpu.memref_squeeze %dma_start3A_413 : memref<1x1x128xf32, #tpu.memory_space<hbm>> -> memref<1x128xf32, #tpu.memory_space<hbm>>
            %dma_start3A_415 = arith.constant 0 : i32
            %dma_start3A_416 = arith.constant 0 : i32
            %dma_start3A_417 = tpu.memref_slice %arg8[%scan3A_200, %dma_start3A_415, %dma_start3A_416] : memref<10000x1x128xf32, #tpu.memory_space<hbm>> -> memref<1x1x128xf32, #tpu.memory_space<hbm>>
            %dma_start3A_418 = tpu.memref_squeeze %dma_start3A_417 : memref<1x1x128xf32, #tpu.memory_space<hbm>> -> memref<1x128xf32, #tpu.memory_space<hbm>>
            tpu.enqueue_dma source(%arg13 : memref<1x128xf32, #tpu.memory_space<vmem>>) target(%dma_start3A_418 : memref<1x128xf32, #tpu.memory_space<hbm>>) target_semaphore(%run_scoped3A : memref<!tpu.dma_semaphore, #tpu.memory_space<semaphore_mem>>)
            %dma_wait3A_419 = arith.constant 0 : i32
            %dma_wait3A_420 = arith.constant 0 : i32
            %dma_wait3A_421 = tpu.memref_slice %arg8[%scan3A_200, %dma_wait3A_419, %dma_wait3A_420] : memref<10000x1x128xf32, #tpu.memory_space<hbm>> -> memref<1x1x128xf32, #tpu.memory_space<hbm>>
            %dma_wait3A_422 = tpu.memref_squeeze %dma_wait3A_421 : memref<1x1x128xf32, #tpu.memory_space<hbm>> -> memref<1x128xf32, #tpu.memory_space<hbm>>
            %dma_wait3A_423 = arith.constant 0 : i32
            %dma_wait3A_424 = arith.constant 0 : i32
            %dma_wait3A_425 = tpu.memref_slice %arg8[%scan3A_200, %dma_wait3A_423, %dma_wait3A_424] : memref<10000x1x128xf32, #tpu.memory_space<hbm>> -> memref<1x1x128xf32, #tpu.memory_space<hbm>>
            %dma_wait3A_426 = tpu.memref_squeeze %dma_wait3A_425 : memref<1x1x128xf32, #tpu.memory_space<hbm>> -> memref<1x128xf32, #tpu.memory_space<hbm>>
            tpu.wait_dma2 semaphore(%run_scoped3A : memref<!tpu.dma_semaphore, #tpu.memory_space<semaphore_mem>>) src(%arg13 : memref<1x128xf32, #tpu.memory_space<vmem>>) dst(%dma_wait3A_426 : memref<1x128xf32, #tpu.memory_space<hbm>>)
            tpu.yield
          }) : () -> ()
        } else {
        }
        %get3A_323 = arith.index_cast %scan3A_191 : i32 to index
        %get3A_324 = arith.constant 0 : index
        %get3A_325 = tpu.vector_load %arg12[%get3A_323, %get3A_324] {strides = array<i32>} : memref<128x128xf32, #tpu.memory_space<vmem>>, vector<16xf32>,
        %mul3A_326 = arith.mulf %get3A_325, %gather3A_316 : vector<16xf32>
        %add3A_327 = arith.addf %scan3A_192, %mul3A_326 : vector<16xf32>
        %select_n3A_328 = arith.select %and3A_204, %add3A_327, %scan3A_192 : vector<16xf32>
        %select_n3A_329 = arith.select %and3A_318, %mul3A_326, %select_n3A_328 : vector<16xf32>
        %get3A_330 = arith.index_cast %scan3A_191 : i32 to index
        %get3A_331 = arith.constant 16 : index
        %get3A_332 = tpu.vector_load %arg12[%get3A_330, %get3A_331] {strides = array<i32>} : memref<128x128xf32, #tpu.memory_space<vmem>>, vector<16xf32>,
        %mul3A_333 = arith.mulf %get3A_332, %gather3A_316 : vector<16xf32>
        %add3A_334 = arith.addf %scan3A_193, %mul3A_333 : vector<16xf32>
        %select_n3A_335 = arith.select %and3A_204, %add3A_334, %scan3A_193 : vector<16xf32>
        %select_n3A_336 = arith.select %and3A_318, %mul3A_333, %select_n3A_335 : vector<16xf32>
        %get3A_337 = arith.index_cast %scan3A_191 : i32 to index
        %get3A_338 = arith.constant 32 : index
        %get3A_339 = tpu.vector_load %arg12[%get3A_337, %get3A_338] {strides = array<i32>} : memref<128x128xf32, #tpu.memory_space<vmem>>, vector<16xf32>,
        %mul3A_340 = arith.mulf %get3A_339, %gather3A_316 : vector<16xf32>
        %add3A_341 = arith.addf %scan3A_194, %mul3A_340 : vector<16xf32>
        %select_n3A_342 = arith.select %and3A_204, %add3A_341, %scan3A_194 : vector<16xf32>
        %select_n3A_343 = arith.select %and3A_318, %mul3A_340, %select_n3A_342 : vector<16xf32>
        %get3A_344 = arith.index_cast %scan3A_191 : i32 to index
        %get3A_345 = arith.constant 48 : index
        %get3A_346 = tpu.vector_load %arg12[%get3A_344, %get3A_345] {strides = array<i32>} : memref<128x128xf32, #tpu.memory_space<vmem>>, vector<16xf32>,
        %mul3A_347 = arith.mulf %get3A_346, %gather3A_316 : vector<16xf32>
        %add3A_348 = arith.addf %scan3A_195, %mul3A_347 : vector<16xf32>
        %select_n3A_349 = arith.select %and3A_204, %add3A_348, %scan3A_195 : vector<16xf32>
        %select_n3A_350 = arith.select %and3A_318, %mul3A_347, %select_n3A_349 : vector<16xf32>
        %get3A_351 = arith.index_cast %scan3A_191 : i32 to index
        %get3A_352 = arith.constant 64 : index
        %get3A_353 = tpu.vector_load %arg12[%get3A_351, %get3A_352] {strides = array<i32>} : memref<128x128xf32, #tpu.memory_space<vmem>>, vector<16xf32>,
        %mul3A_354 = arith.mulf %get3A_353, %gather3A_316 : vector<16xf32>
        %add3A_355 = arith.addf %scan3A_196, %mul3A_354 : vector<16xf32>
        %select_n3A_356 = arith.select %and3A_204, %add3A_355, %scan3A_196 : vector<16xf32>
        %select_n3A_357 = arith.select %and3A_318, %mul3A_354, %select_n3A_356 : vector<16xf32>
        %get3A_358 = arith.index_cast %scan3A_191 : i32 to index
        %get3A_359 = arith.constant 80 : index
        %get3A_360 = tpu.vector_load %arg12[%get3A_358, %get3A_359] {strides = array<i32>} : memref<128x128xf32, #tpu.memory_space<vmem>>, vector<16xf32>,
        %mul3A_361 = arith.mulf %get3A_360, %gather3A_316 : vector<16xf32>
        %add3A_362 = arith.addf %scan3A_197, %mul3A_361 : vector<16xf32>
        %select_n3A_363 = arith.select %and3A_204, %add3A_362, %scan3A_197 : vector<16xf32>
        %select_n3A_364 = arith.select %and3A_318, %mul3A_361, %select_n3A_363 : vector<16xf32>
        %get3A_365 = arith.index_cast %scan3A_191 : i32 to index
        %get3A_366 = arith.constant 96 : index
        %get3A_367 = tpu.vector_load %arg12[%get3A_365, %get3A_366] {strides = array<i32>} : memref<128x128xf32, #tpu.memory_space<vmem>>, vector<16xf32>,
        %mul3A_368 = arith.mulf %get3A_367, %gather3A_316 : vector<16xf32>
        %add3A_369 = arith.addf %scan3A_198, %mul3A_368 : vector<16xf32>
        %select_n3A_370 = arith.select %and3A_204, %add3A_369, %scan3A_198 : vector<16xf32>
        %select_n3A_371 = arith.select %and3A_318, %mul3A_368, %select_n3A_370 : vector<16xf32>
        %get3A_372 = arith.index_cast %scan3A_191 : i32 to index
        %get3A_373 = arith.constant 112 : index
        %get3A_374 = tpu.vector_load %arg12[%get3A_372, %get3A_373] {strides = array<i32>} : memref<128x128xf32, #tpu.memory_space<vmem>>, vector<16xf32>,
        %mul3A_375 = arith.mulf %get3A_374, %gather3A_316 : vector<16xf32>
        %add3A_376 = arith.addf %scan3A_199, %mul3A_375 : vector<16xf32>
        %select_n3A_377 = arith.select %and3A_204, %add3A_376, %scan3A_199 : vector<16xf32>
        %select_n3A_378 = arith.select %and3A_318, %mul3A_375, %select_n3A_377 : vector<16xf32>
        %select_n3A_379 = arith.select %and3A_318, %reduce_max3A_262, %scan3A_200 : i32
        %or3A = arith.ori %scan3A_201, %and3A_318 : i1
        scf.yield %select_n3A_329, %select_n3A_336, %select_n3A_343, %select_n3A_350, %select_n3A_357, %select_n3A_364, %select_n3A_371, %select_n3A_378, %select_n3A_379, %or3A : vector<16xf32>, vector<16xf32>, vector<16xf32>, vector<16xf32>, vector<16xf32>, vector<16xf32>, vector<16xf32>, vector<16xf32>, i32, i1
      }
      %scan3A_190 = arith.constant 128 : i32
      scf.yield %scan3A_189#0, %scan3A_189#1, %scan3A_189#2, %scan3A_189#3, %scan3A_189#4, %scan3A_189#5, %scan3A_189#6, %scan3A_189#7, %scan3A_189#8, %scan3A_189#9 : vector<16xf32>, vector<16xf32>, vector<16xf32>, vector<16xf32>, vector<16xf32>, vector<16xf32>, vector<16xf32>, vector<16xf32>, i32, i1
    }
    %while3A_166 = arith.constant 1 : i32
    %while3A_167:10 = scf.for %while3A_169 = %while3A_163 to %while3A_159 step %while3A_166 iter_args(%while3A_170 = %while3A_165#0, %while3A_171 = %while3A_165#1, %while3A_172 = %while3A_165#2, %while3A_173 = %while3A_165#3, %while3A_174 = %while3A_165#4, %while3A_175 = %while3A_165#5, %while3A_176 = %while3A_165#6, %while3A_177 = %while3A_165#7, %while3A_178 = %while3A_165#8, %while3A_179 = %while3A_165#9) -> (vector<16xf32>, vector<16xf32>, vector<16xf32>, vector<16xf32>, vector<16xf32>, vector<16xf32>, vector<16xf32>, vector<16xf32>, i32, i1)  : i32 {
      %mul3A_180 = arith.constant 128 : i32
      %mul3A_181 = arith.muli %while3A_169, %mul3A_180 : i32
      "tpu.region"() ({
        %run_scoped3A = tpu.sem_alloc : memref<!tpu.dma_semaphore, #tpu.memory_space<semaphore_mem>>
        %dma_start3A_191 = tpu.memref_slice %arg3[%mul3A_181] : memref<320000xi32, #tpu.memory_space<hbm>> -> memref<128xi32, #tpu.memory_space<hbm>>
        %dma_start3A_192 = tpu.memref_slice %arg3[%mul3A_181] : memref<320000xi32, #tpu.memory_space<hbm>> -> memref<128xi32, #tpu.memory_space<hbm>>
        tpu.enqueue_dma source(%dma_start3A_192 : memref<128xi32, #tpu.memory_space<hbm>>) target(%arg9 : memref<128xi32, #tpu.memory_space<vmem>>) target_semaphore(%run_scoped3A : memref<!tpu.dma_semaphore, #tpu.memory_space<semaphore_mem>>)
        %dma_wait3A_193 = tpu.memref_slice %arg3[%mul3A_181] : memref<320000xi32, #tpu.memory_space<hbm>> -> memref<128xi32, #tpu.memory_space<hbm>>
        %dma_wait3A_194 = tpu.memref_slice %arg3[%mul3A_181] : memref<320000xi32, #tpu.memory_space<hbm>> -> memref<128xi32, #tpu.memory_space<hbm>>
        tpu.wait_dma2 semaphore(%run_scoped3A : memref<!tpu.dma_semaphore, #tpu.memory_space<semaphore_mem>>) src(%dma_wait3A_194 : memref<128xi32, #tpu.memory_space<hbm>>) dst(%arg9 : memref<128xi32, #tpu.memory_space<vmem>>)
        tpu.yield
      }) : () -> ()
      "tpu.region"() ({
        %run_scoped3A = tpu.sem_alloc : memref<!tpu.dma_semaphore, #tpu.memory_space<semaphore_mem>>
        %dma_start3A_191 = tpu.memref_slice %arg4[%mul3A_181] : memref<320000xi32, #tpu.memory_space<hbm>> -> memref<128xi32, #tpu.memory_space<hbm>>
        %dma_start3A_192 = tpu.memref_slice %arg4[%mul3A_181] : memref<320000xi32, #tpu.memory_space<hbm>> -> memref<128xi32, #tpu.memory_space<hbm>>
        tpu.enqueue_dma source(%dma_start3A_192 : memref<128xi32, #tpu.memory_space<hbm>>) target(%arg10 : memref<128xi32, #tpu.memory_space<vmem>>) target_semaphore(%run_scoped3A : memref<!tpu.dma_semaphore, #tpu.memory_space<semaphore_mem>>)
        %dma_wait3A_193 = tpu.memref_slice %arg4[%mul3A_181] : memref<320000xi32, #tpu.memory_space<hbm>> -> memref<128xi32, #tpu.memory_space<hbm>>
        %dma_wait3A_194 = tpu.memref_slice %arg4[%mul3A_181] : memref<320000xi32, #tpu.memory_space<hbm>> -> memref<128xi32, #tpu.memory_space<hbm>>
        tpu.wait_dma2 semaphore(%run_scoped3A : memref<!tpu.dma_semaphore, #tpu.memory_space<semaphore_mem>>) src(%dma_wait3A_194 : memref<128xi32, #tpu.memory_space<hbm>>) dst(%arg10 : memref<128xi32, #tpu.memory_space<vmem>>)
        tpu.yield
      }) : () -> ()
      "tpu.region"() ({
        %run_scoped3A = tpu.sem_alloc : memref<!tpu.dma_semaphore, #tpu.memory_space<semaphore_mem>>
        %dma_start3A_191 = tpu.memref_slice %arg5[%mul3A_181] : memref<320000xf32, #tpu.memory_space<hbm>> -> memref<128xf32, #tpu.memory_space<hbm>>
        %dma_start3A_192 = tpu.memref_slice %arg5[%mul3A_181] : memref<320000xf32, #tpu.memory_space<hbm>> -> memref<128xf32, #tpu.memory_space<hbm>>
        tpu.enqueue_dma source(%dma_start3A_192 : memref<128xf32, #tpu.memory_space<hbm>>) target(%arg11 : memref<128xf32, #tpu.memory_space<vmem>>) target_semaphore(%run_scoped3A : memref<!tpu.dma_semaphore, #tpu.memory_space<semaphore_mem>>)
        %dma_wait3A_193 = tpu.memref_slice %arg5[%mul3A_181] : memref<320000xf32, #tpu.memory_space<hbm>> -> memref<128xf32, #tpu.memory_space<hbm>>
        %dma_wait3A_194 = tpu.memref_slice %arg5[%mul3A_181] : memref<320000xf32, #tpu.memory_space<hbm>> -> memref<128xf32, #tpu.memory_space<hbm>>
        tpu.wait_dma2 semaphore(%run_scoped3A : memref<!tpu.dma_semaphore, #tpu.memory_space<semaphore_mem>>) src(%dma_wait3A_194 : memref<128xf32, #tpu.memory_space<hbm>>) dst(%arg11 : memref<128xf32, #tpu.memory_space<vmem>>)
        tpu.yield
      }) : () -> ()
      %dma_start3A = arith.constant 0 : i32
      %dma_start3A_182 = arith.constant 0 : i32
      %dma_start3A_183 = tpu.memref_slice %arg2[%dma_start3A, %dma_start3A_182] : memref<10000x128xf32, #tpu.memory_space<hbm>> -> memref<10000x128xf32, #tpu.memory_space<hbm>>
      tpu.enqueue_indirect_dma source(%dma_start3A_183 : memref<10000x128xf32, #tpu.memory_space<hbm>>) target(%arg12 : memref<128x128xf32, #tpu.memory_space<vmem>>) offsets(%arg9 : memref<128xi32, #tpu.memory_space<vmem>>) semaphore(%arg16 : memref<!tpu.dma_semaphore, #tpu.memory_space<semaphore_mem>>)
      %dma_wait3A = arith.constant 0 : i32
      %dma_wait3A_184 = arith.constant 0 : i32
      %dma_wait3A_185 = tpu.memref_slice %arg2[%dma_wait3A, %dma_wait3A_184] : memref<10000x128xf32, #tpu.memory_space<hbm>> -> memref<10000x128xf32, #tpu.memory_space<hbm>>
      tpu.wait_indirect_dma semaphore(%arg16 : memref<!tpu.dma_semaphore, #tpu.memory_space<semaphore_mem>>) src(%dma_wait3A_185 : memref<10000x128xf32, #tpu.memory_space<hbm>>) dst(%arg12 : memref<128x128xf32, #tpu.memory_space<vmem>>)
      %scan3A = arith.constant 0 : i32
      %scan3A_186 = arith.constant 128 : i32
      %scan3A_187 = arith.addi %scan3A, %scan3A_186 : i32
      %scan3A_188 = arith.constant 1 : i32
      %scan3A_189:10 = scf.for %scan3A_191 = %scan3A to %scan3A_187 step %scan3A_188 iter_args(%scan3A_192 = %while3A_170, %scan3A_193 = %while3A_171, %scan3A_194 = %while3A_172, %scan3A_195 = %while3A_173, %scan3A_196 = %while3A_174, %scan3A_197 = %while3A_175, %scan3A_198 = %while3A_176, %scan3A_199 = %while3A_177, %scan3A_200 = %while3A_178, %scan3A_201 = %while3A_179) -> (vector<16xf32>, vector<16xf32>, vector<16xf32>, vector<16xf32>, vector<16xf32>, vector<16xf32>, vector<16xf32>, vector<16xf32>, i32, i1)  : i32 {
        %add3A_202 = arith.addi %mul3A_181, %scan3A_191 : i32
        %ge3A = arith.cmpi sge, %add3A_202, %reduce_max3A_44 : i32
        %lt3A_203 = arith.cmpi slt, %add3A_202, %reduce_max3A_102 : i32
        %and3A_204 = arith.andi %ge3A, %lt3A_203 : i1
        %jit3A_205 = arith.constant 16 : i32
        %div3A_206 = arith.divsi %scan3A_191, %jit3A_205 : i32
        %sign3A_207 = arith.constant 0 : i32
        %sign3A_208 = arith.cmpi sgt, %scan3A_191, %sign3A_207 : i32
        %sign3A_209 = arith.extui %sign3A_208 : i1 to i32
        %sign3A_210 = arith.constant 0 : i32
        %sign3A_211 = arith.cmpi slt, %scan3A_191, %sign3A_210 : i32
        %sign3A_212 = arith.extui %sign3A_211 : i1 to i32
        %sign3A_213 = arith.subi %sign3A_209, %sign3A_212 : i32
        %sign3A_214 = arith.constant 0 : i32
        %sign3A_215 = arith.cmpi sgt, %jit3A_205, %sign3A_214 : i32
        %sign3A_216 = arith.extui %sign3A_215 : i1 to i32
        %sign3A_217 = arith.constant 0 : i32
        %sign3A_218 = arith.cmpi slt, %jit3A_205, %sign3A_217 : i32
        %sign3A_219 = arith.extui %sign3A_218 : i1 to i32
        %sign3A_220 = arith.subi %sign3A_216, %sign3A_219 : i32
        %ne3A_221 = arith.cmpi ne, %sign3A_213, %sign3A_220 : i32
        %rem3A_222 = arith.remsi %scan3A_191, %jit3A_205 : i32
        %ne3A_223 = arith.constant 0 : i32
        %ne3A_224 = arith.cmpi ne, %rem3A_222, %ne3A_223 : i32
        %and3A_225 = arith.andi %ne3A_221, %ne3A_224 : i1
        %sub3A_226 = arith.constant 1 : i32
        %sub3A_227 = arith.subi %div3A_206, %sub3A_226 : i32
        %select_n3A_228 = arith.select %and3A_225, %sub3A_227, %div3A_206 : i32
        %mul3A_229 = arith.constant 16 : i32
        %mul3A_230 = arith.muli %select_n3A_228, %mul3A_229 : i32
        %get3A_231 = arith.index_cast %mul3A_230 : i32 to index
        %get3A_232 = tpu.vector_load %arg10[%get3A_231] {strides = array<i32>} : memref<128xi32, #tpu.memory_space<vmem>>, vector<16xi32>,
        %iota3A_233 = tpu.iota {dimensions = array<i32: 0>} : vector<16xi32>
        %jit3A_234 = arith.constant 16 : i32
        %eq3A_235 = arith.constant 0 : i32
        %eq3A_236 = arith.cmpi eq, %jit3A_234, %eq3A_235 : i32
        %jit3A_237 = arith.constant 1 : i32
        %select_n3A_238 = arith.select %eq3A_236, %jit3A_237, %jit3A_234 : i32
        %rem3A_239 = arith.remsi %scan3A_191, %select_n3A_238 : i32
        %ne3A_240 = arith.constant 0 : i32
        %ne3A_241 = arith.cmpi ne, %rem3A_239, %ne3A_240 : i32
        %lt3A_242 = arith.constant 0 : i32
        %lt3A_243 = arith.cmpi slt, %rem3A_239, %lt3A_242 : i32
        %lt3A_244 = arith.constant 0 : i32
        %lt3A_245 = arith.cmpi slt, %select_n3A_238, %lt3A_244 : i32
        %ne3A_246 = arith.xori %lt3A_243, %lt3A_245 : i1
        %and3A_247 = arith.andi %ne3A_246, %ne3A_241 : i1
        %add3A_248 = arith.addi %rem3A_239, %select_n3A_238 : i32
        %select_n3A_249 = arith.select %and3A_247, %add3A_248, %rem3A_239 : i32
        %eq3A_250 = vector.broadcast %select_n3A_249 : i32 to vector<16xi32>
        %eq3A_251 = arith.cmpi eq, %iota3A_233, %eq3A_250 : vector<16xi32>
        %jit3A_252 = arith.constant -2147483648 : i32
        %broadcast_in_dim3A_253 = vector.broadcast %jit3A_252 : i32 to vector<16xi32>
        %select_n3A_254 = arith.select %eq3A_251, %get3A_232, %broadcast_in_dim3A_253 : vector<16xi1>, vector<16xi32>
        %reduce_max3A_255 = arith.constant true
        %reduce_max3A_256 = vector.broadcast %reduce_max3A_255 : i1 to vector<16xi1>
        %reduce_max3A_257 = arith.constant -2147483648 : i32
        %reduce_max3A_258 = vector.broadcast %reduce_max3A_257 : i32 to vector<16xi32>
        %reduce_max3A_259 = arith.xori %select_n3A_254, %reduce_max3A_258 : vector<16xi32>
        %reduce_max3A_260 = tpu.scan <max>, %reduce_max3A_259 masked %reduce_max3A_256 : vector<16xi32>, vector<16xi1> -> vector<16xi32>
        %reduce_max3A_261 = arith.xori %reduce_max3A_260, %reduce_max3A_258 : vector<16xi32>
        %reduce_max3A_262 = vector.extract %reduce_max3A_261[15] : i32 from vector<16xi32>
        %jit3A_263 = arith.constant 16 : i32
        %div3A_264 = arith.divsi %scan3A_191, %jit3A_263 : i32
        %sign3A_265 = arith.constant 0 : i32
        %sign3A_266 = arith.cmpi sgt, %scan3A_191, %sign3A_265 : i32
        %sign3A_267 = arith.extui %sign3A_266 : i1 to i32
        %sign3A_268 = arith.constant 0 : i32
        %sign3A_269 = arith.cmpi slt, %scan3A_191, %sign3A_268 : i32
        %sign3A_270 = arith.extui %sign3A_269 : i1 to i32
        %sign3A_271 = arith.subi %sign3A_267, %sign3A_270 : i32
        %sign3A_272 = arith.constant 0 : i32
        %sign3A_273 = arith.cmpi sgt, %jit3A_263, %sign3A_272 : i32
        %sign3A_274 = arith.extui %sign3A_273 : i1 to i32
        %sign3A_275 = arith.constant 0 : i32
        %sign3A_276 = arith.cmpi slt, %jit3A_263, %sign3A_275 : i32
        %sign3A_277 = arith.extui %sign3A_276 : i1 to i32
        %sign3A_278 = arith.subi %sign3A_274, %sign3A_277 : i32
        %ne3A_279 = arith.cmpi ne, %sign3A_271, %sign3A_278 : i32
        %rem3A_280 = arith.remsi %scan3A_191, %jit3A_263 : i32
        %ne3A_281 = arith.constant 0 : i32
        %ne3A_282 = arith.cmpi ne, %rem3A_280, %ne3A_281 : i32
        %and3A_283 = arith.andi %ne3A_279, %ne3A_282 : i1
        %sub3A_284 = arith.constant 1 : i32
        %sub3A_285 = arith.subi %div3A_264, %sub3A_284 : i32
        %select_n3A_286 = arith.select %and3A_283, %sub3A_285, %div3A_264 : i32
        %mul3A_287 = arith.constant 16 : i32
        %mul3A_288 = arith.muli %select_n3A_286, %mul3A_287 : i32
        %get3A_289 = arith.index_cast %mul3A_288 : i32 to index
        %get3A_290 = tpu.vector_load %arg11[%get3A_289] {strides = array<i32>} : memref<128xf32, #tpu.memory_space<vmem>>, vector<16xf32>,
        %jit3A_291 = arith.constant 16 : i32
        %eq3A_292 = arith.constant 0 : i32
        %eq3A_293 = arith.cmpi eq, %jit3A_291, %eq3A_292 : i32
        %jit3A_294 = arith.constant 1 : i32
        %select_n3A_295 = arith.select %eq3A_293, %jit3A_294, %jit3A_291 : i32
        %rem3A_296 = arith.remsi %scan3A_191, %select_n3A_295 : i32
        %ne3A_297 = arith.constant 0 : i32
        %ne3A_298 = arith.cmpi ne, %rem3A_296, %ne3A_297 : i32
        %lt3A_299 = arith.constant 0 : i32
        %lt3A_300 = arith.cmpi slt, %rem3A_296, %lt3A_299 : i32
        %lt3A_301 = arith.constant 0 : i32
        %lt3A_302 = arith.cmpi slt, %select_n3A_295, %lt3A_301 : i32
        %ne3A_303 = arith.xori %lt3A_300, %lt3A_302 : i1
        %and3A_304 = arith.andi %ne3A_303, %ne3A_298 : i1
        %add3A_305 = arith.addi %rem3A_296, %select_n3A_295 : i32
        %select_n3A_306 = arith.select %and3A_304, %add3A_305, %rem3A_296 : i32
        %broadcast_in_dim3A_307 = vector.broadcast %select_n3A_306 : i32 to vector<16xi32>
        %lt3A_308 = arith.constant 0 : i32
        %lt3A_309 = vector.broadcast %lt3A_308 : i32 to vector<16xi32>
        %lt3A_310 = arith.cmpi slt, %broadcast_in_dim3A_307, %lt3A_309 : vector<16xi32>
        %add3A_311 = arith.constant 16 : i32
        %add3A_312 = vector.broadcast %add3A_311 : i32 to vector<16xi32>
        %add3A_313 = arith.addi %broadcast_in_dim3A_307, %add3A_312 : vector<16xi32>
        %select_n3A_314 = arith.select %lt3A_310, %add3A_313, %broadcast_in_dim3A_307 : vector<16xi1>, vector<16xi32>
        %broadcast_in_dim3A_315 = vector.shape_cast %select_n3A_314 : vector<16xi32> to vector<16x1xi32>
        %gather3A = vector.shape_cast %broadcast_in_dim3A_315 : vector<16x1xi32> to vector<16xi32>
        %gather3A_316 = tpu.dynamic_gather %get3A_290[%gather3A] in [0] : vector<16xf32>, vector<16xi32> -> vector<16xf32>
        %ne3A_317 = arith.cmpi ne, %reduce_max3A_262, %scan3A_200 : i32
        %and3A_318 = arith.andi %and3A_204, %ne3A_317 : i1
        %and3A_319 = arith.andi %and3A_318, %scan3A_201 : i1
        %convert_element_type3A_320 = arith.extui %and3A_319 : i1 to i32
        %cond3A_321 = arith.constant 0 : i32
        %cond3A_322 = arith.cmpi ne, %convert_element_type3A_320, %cond3A_321 : i32
        scf.if %cond3A_322 {
          %swap3A = arith.constant 0 : i32
          %swap3A_380 = arith.index_cast %swap3A : i32 to index
          %swap3A_381 = arith.constant 0 : index
          %swap3A_382 = tpu.vector_load %arg13[%swap3A_380, %swap3A_381] {strides = array<i32>} : memref<1x128xf32, #tpu.memory_space<vmem>>, vector<16xf32>,
          tpu.vector_store %arg13[%swap3A_380, %swap3A_381], %scan3A_192 {strides = array<i32>} : memref<1x128xf32, #tpu.memory_space<vmem>>, vector<16xf32>,
          %swap3A_383 = arith.constant 0 : i32
          %swap3A_384 = arith.index_cast %swap3A_383 : i32 to index
          %swap3A_385 = arith.constant 16 : index
          %swap3A_386 = tpu.vector_load %arg13[%swap3A_384, %swap3A_385] {strides = array<i32>} : memref<1x128xf32, #tpu.memory_space<vmem>>, vector<16xf32>,
          tpu.vector_store %arg13[%swap3A_384, %swap3A_385], %scan3A_193 {strides = array<i32>} : memref<1x128xf32, #tpu.memory_space<vmem>>, vector<16xf32>,
          %swap3A_387 = arith.constant 0 : i32
          %swap3A_388 = arith.index_cast %swap3A_387 : i32 to index
          %swap3A_389 = arith.constant 32 : index
          %swap3A_390 = tpu.vector_load %arg13[%swap3A_388, %swap3A_389] {strides = array<i32>} : memref<1x128xf32, #tpu.memory_space<vmem>>, vector<16xf32>,
          tpu.vector_store %arg13[%swap3A_388, %swap3A_389], %scan3A_194 {strides = array<i32>} : memref<1x128xf32, #tpu.memory_space<vmem>>, vector<16xf32>,
          %swap3A_391 = arith.constant 0 : i32
          %swap3A_392 = arith.index_cast %swap3A_391 : i32 to index
          %swap3A_393 = arith.constant 48 : index
          %swap3A_394 = tpu.vector_load %arg13[%swap3A_392, %swap3A_393] {strides = array<i32>} : memref<1x128xf32, #tpu.memory_space<vmem>>, vector<16xf32>,
          tpu.vector_store %arg13[%swap3A_392, %swap3A_393], %scan3A_195 {strides = array<i32>} : memref<1x128xf32, #tpu.memory_space<vmem>>, vector<16xf32>,
          %swap3A_395 = arith.constant 0 : i32
          %swap3A_396 = arith.index_cast %swap3A_395 : i32 to index
          %swap3A_397 = arith.constant 64 : index
          %swap3A_398 = tpu.vector_load %arg13[%swap3A_396, %swap3A_397] {strides = array<i32>} : memref<1x128xf32, #tpu.memory_space<vmem>>, vector<16xf32>,
          tpu.vector_store %arg13[%swap3A_396, %swap3A_397], %scan3A_196 {strides = array<i32>} : memref<1x128xf32, #tpu.memory_space<vmem>>, vector<16xf32>,
          %swap3A_399 = arith.constant 0 : i32
          %swap3A_400 = arith.index_cast %swap3A_399 : i32 to index
          %swap3A_401 = arith.constant 80 : index
          %swap3A_402 = tpu.vector_load %arg13[%swap3A_400, %swap3A_401] {strides = array<i32>} : memref<1x128xf32, #tpu.memory_space<vmem>>, vector<16xf32>,
          tpu.vector_store %arg13[%swap3A_400, %swap3A_401], %scan3A_197 {strides = array<i32>} : memref<1x128xf32, #tpu.memory_space<vmem>>, vector<16xf32>,
          %swap3A_403 = arith.constant 0 : i32
          %swap3A_404 = arith.index_cast %swap3A_403 : i32 to index
          %swap3A_405 = arith.constant 96 : index
          %swap3A_406 = tpu.vector_load %arg13[%swap3A_404, %swap3A_405] {strides = array<i32>} : memref<1x128xf32, #tpu.memory_space<vmem>>, vector<16xf32>,
          tpu.vector_store %arg13[%swap3A_404, %swap3A_405], %scan3A_198 {strides = array<i32>} : memref<1x128xf32, #tpu.memory_space<vmem>>, vector<16xf32>,
          %swap3A_407 = arith.constant 0 : i32
          %swap3A_408 = arith.index_cast %swap3A_407 : i32 to index
          %swap3A_409 = arith.constant 112 : index
          %swap3A_410 = tpu.vector_load %arg13[%swap3A_408, %swap3A_409] {strides = array<i32>} : memref<1x128xf32, #tpu.memory_space<vmem>>, vector<16xf32>,
          tpu.vector_store %arg13[%swap3A_408, %swap3A_409], %scan3A_199 {strides = array<i32>} : memref<1x128xf32, #tpu.memory_space<vmem>>, vector<16xf32>,
          "tpu.region"() ({
            %run_scoped3A = tpu.sem_alloc : memref<!tpu.dma_semaphore, #tpu.memory_space<semaphore_mem>>
            %dma_start3A_411 = arith.constant 0 : i32
            %dma_start3A_412 = arith.constant 0 : i32
            %dma_start3A_413 = tpu.memref_slice %arg8[%scan3A_200, %dma_start3A_411, %dma_start3A_412] : memref<10000x1x128xf32, #tpu.memory_space<hbm>> -> memref<1x1x128xf32, #tpu.memory_space<hbm>>
            %dma_start3A_414 = tpu.memref_squeeze %dma_start3A_413 : memref<1x1x128xf32, #tpu.memory_space<hbm>> -> memref<1x128xf32, #tpu.memory_space<hbm>>
            %dma_start3A_415 = arith.constant 0 : i32
            %dma_start3A_416 = arith.constant 0 : i32
            %dma_start3A_417 = tpu.memref_slice %arg8[%scan3A_200, %dma_start3A_415, %dma_start3A_416] : memref<10000x1x128xf32, #tpu.memory_space<hbm>> -> memref<1x1x128xf32, #tpu.memory_space<hbm>>
            %dma_start3A_418 = tpu.memref_squeeze %dma_start3A_417 : memref<1x1x128xf32, #tpu.memory_space<hbm>> -> memref<1x128xf32, #tpu.memory_space<hbm>>
            tpu.enqueue_dma source(%arg13 : memref<1x128xf32, #tpu.memory_space<vmem>>) target(%dma_start3A_418 : memref<1x128xf32, #tpu.memory_space<hbm>>) target_semaphore(%run_scoped3A : memref<!tpu.dma_semaphore, #tpu.memory_space<semaphore_mem>>)
            %dma_wait3A_419 = arith.constant 0 : i32
            %dma_wait3A_420 = arith.constant 0 : i32
            %dma_wait3A_421 = tpu.memref_slice %arg8[%scan3A_200, %dma_wait3A_419, %dma_wait3A_420] : memref<10000x1x128xf32, #tpu.memory_space<hbm>> -> memref<1x1x128xf32, #tpu.memory_space<hbm>>
            %dma_wait3A_422 = tpu.memref_squeeze %dma_wait3A_421 : memref<1x1x128xf32, #tpu.memory_space<hbm>> -> memref<1x128xf32, #tpu.memory_space<hbm>>
            %dma_wait3A_423 = arith.constant 0 : i32
            %dma_wait3A_424 = arith.constant 0 : i32
            %dma_wait3A_425 = tpu.memref_slice %arg8[%scan3A_200, %dma_wait3A_423, %dma_wait3A_424] : memref<10000x1x128xf32, #tpu.memory_space<hbm>> -> memref<1x1x128xf32, #tpu.memory_space<hbm>>
            %dma_wait3A_426 = tpu.memref_squeeze %dma_wait3A_425 : memref<1x1x128xf32, #tpu.memory_space<hbm>> -> memref<1x128xf32, #tpu.memory_space<hbm>>
            tpu.wait_dma2 semaphore(%run_scoped3A : memref<!tpu.dma_semaphore, #tpu.memory_space<semaphore_mem>>) src(%arg13 : memref<1x128xf32, #tpu.memory_space<vmem>>) dst(%dma_wait3A_426 : memref<1x128xf32, #tpu.memory_space<hbm>>)
            tpu.yield
          }) : () -> ()
        } else {
        }
        %get3A_323 = arith.index_cast %scan3A_191 : i32 to index
        %get3A_324 = arith.constant 0 : index
        %get3A_325 = tpu.vector_load %arg12[%get3A_323, %get3A_324] {strides = array<i32>} : memref<128x128xf32, #tpu.memory_space<vmem>>, vector<16xf32>,
        %mul3A_326 = arith.mulf %get3A_325, %gather3A_316 : vector<16xf32>
        %add3A_327 = arith.addf %scan3A_192, %mul3A_326 : vector<16xf32>
        %select_n3A_328 = arith.select %and3A_204, %add3A_327, %scan3A_192 : vector<16xf32>
        %select_n3A_329 = arith.select %and3A_318, %mul3A_326, %select_n3A_328 : vector<16xf32>
        %get3A_330 = arith.index_cast %scan3A_191 : i32 to index
        %get3A_331 = arith.constant 16 : index
        %get3A_332 = tpu.vector_load %arg12[%get3A_330, %get3A_331] {strides = array<i32>} : memref<128x128xf32, #tpu.memory_space<vmem>>, vector<16xf32>,
        %mul3A_333 = arith.mulf %get3A_332, %gather3A_316 : vector<16xf32>
        %add3A_334 = arith.addf %scan3A_193, %mul3A_333 : vector<16xf32>
        %select_n3A_335 = arith.select %and3A_204, %add3A_334, %scan3A_193 : vector<16xf32>
        %select_n3A_336 = arith.select %and3A_318, %mul3A_333, %select_n3A_335 : vector<16xf32>
        %get3A_337 = arith.index_cast %scan3A_191 : i32 to index
        %get3A_338 = arith.constant 32 : index
        %get3A_339 = tpu.vector_load %arg12[%get3A_337, %get3A_338] {strides = array<i32>} : memref<128x128xf32, #tpu.memory_space<vmem>>, vector<16xf32>,
        %mul3A_340 = arith.mulf %get3A_339, %gather3A_316 : vector<16xf32>
        %add3A_341 = arith.addf %scan3A_194, %mul3A_340 : vector<16xf32>
        %select_n3A_342 = arith.select %and3A_204, %add3A_341, %scan3A_194 : vector<16xf32>
        %select_n3A_343 = arith.select %and3A_318, %mul3A_340, %select_n3A_342 : vector<16xf32>
        %get3A_344 = arith.index_cast %scan3A_191 : i32 to index
        %get3A_345 = arith.constant 48 : index
        %get3A_346 = tpu.vector_load %arg12[%get3A_344, %get3A_345] {strides = array<i32>} : memref<128x128xf32, #tpu.memory_space<vmem>>, vector<16xf32>,
        %mul3A_347 = arith.mulf %get3A_346, %gather3A_316 : vector<16xf32>
        %add3A_348 = arith.addf %scan3A_195, %mul3A_347 : vector<16xf32>
        %select_n3A_349 = arith.select %and3A_204, %add3A_348, %scan3A_195 : vector<16xf32>
        %select_n3A_350 = arith.select %and3A_318, %mul3A_347, %select_n3A_349 : vector<16xf32>
        %get3A_351 = arith.index_cast %scan3A_191 : i32 to index
        %get3A_352 = arith.constant 64 : index
        %get3A_353 = tpu.vector_load %arg12[%get3A_351, %get3A_352] {strides = array<i32>} : memref<128x128xf32, #tpu.memory_space<vmem>>, vector<16xf32>,
        %mul3A_354 = arith.mulf %get3A_353, %gather3A_316 : vector<16xf32>
        %add3A_355 = arith.addf %scan3A_196, %mul3A_354 : vector<16xf32>
        %select_n3A_356 = arith.select %and3A_204, %add3A_355, %scan3A_196 : vector<16xf32>
        %select_n3A_357 = arith.select %and3A_318, %mul3A_354, %select_n3A_356 : vector<16xf32>
        %get3A_358 = arith.index_cast %scan3A_191 : i32 to index
        %get3A_359 = arith.constant 80 : index
        %get3A_360 = tpu.vector_load %arg12[%get3A_358, %get3A_359] {strides = array<i32>} : memref<128x128xf32, #tpu.memory_space<vmem>>, vector<16xf32>,
        %mul3A_361 = arith.mulf %get3A_360, %gather3A_316 : vector<16xf32>
        %add3A_362 = arith.addf %scan3A_197, %mul3A_361 : vector<16xf32>
        %select_n3A_363 = arith.select %and3A_204, %add3A_362, %scan3A_197 : vector<16xf32>
        %select_n3A_364 = arith.select %and3A_318, %mul3A_361, %select_n3A_363 : vector<16xf32>
        %get3A_365 = arith.index_cast %scan3A_191 : i32 to index
        %get3A_366 = arith.constant 96 : index
        %get3A_367 = tpu.vector_load %arg12[%get3A_365, %get3A_366] {strides = array<i32>} : memref<128x128xf32, #tpu.memory_space<vmem>>, vector<16xf32>,
        %mul3A_368 = arith.mulf %get3A_367, %gather3A_316 : vector<16xf32>
        %add3A_369 = arith.addf %scan3A_198, %mul3A_368 : vector<16xf32>
        %select_n3A_370 = arith.select %and3A_204, %add3A_369, %scan3A_198 : vector<16xf32>
        %select_n3A_371 = arith.select %and3A_318, %mul3A_368, %select_n3A_370 : vector<16xf32>
        %get3A_372 = arith.index_cast %scan3A_191 : i32 to index
        %get3A_373 = arith.constant 112 : index
        %get3A_374 = tpu.vector_load %arg12[%get3A_372, %get3A_373] {strides = array<i32>} : memref<128x128xf32, #tpu.memory_space<vmem>>, vector<16xf32>,
        %mul3A_375 = arith.mulf %get3A_374, %gather3A_316 : vector<16xf32>
        %add3A_376 = arith.addf %scan3A_199, %mul3A_375 : vector<16xf32>
        %select_n3A_377 = arith.select %and3A_204, %add3A_376, %scan3A_199 : vector<16xf32>
        %select_n3A_378 = arith.select %and3A_318, %mul3A_375, %select_n3A_377 : vector<16xf32>
        %select_n3A_379 = arith.select %and3A_318, %reduce_max3A_262, %scan3A_200 : i32
        %or3A = arith.ori %scan3A_201, %and3A_318 : i1
        scf.yield %select_n3A_329, %select_n3A_336, %select_n3A_343, %select_n3A_350, %select_n3A_357, %select_n3A_364, %select_n3A_371, %select_n3A_378, %select_n3A_379, %or3A : vector<16xf32>, vector<16xf32>, vector<16xf32>, vector<16xf32>, vector<16xf32>, vector<16xf32>, vector<16xf32>, vector<16xf32>, i32, i1
      }
      %scan3A_190 = arith.constant 128 : i32
      scf.yield %scan3A_189#0, %scan3A_189#1, %scan3A_189#2, %scan3A_189#3, %scan3A_189#4, %scan3A_189#5, %scan3A_189#6, %scan3A_189#7, %scan3A_189#8, %scan3A_189#9 : vector<16xf32>, vector<16xf32>, vector<16xf32>, vector<16xf32>, vector<16xf32>, vector<16xf32>, vector<16xf32>, vector<16xf32>, i32, i1
    }
    %convert_element_type3A = arith.extui %while3A_167#9 : i1 to i32
    %cond3A = arith.constant 0 : i32
    %cond3A_168 = arith.cmpi ne, %convert_element_type3A, %cond3A : i32
    scf.if %cond3A_168 {
      %swap3A = arith.constant 0 : i32
      %swap3A_169 = arith.index_cast %swap3A : i32 to index
      %swap3A_170 = arith.constant 0 : index
      %swap3A_171 = tpu.vector_load %arg13[%swap3A_169, %swap3A_170] {strides = array<i32>} : memref<1x128xf32, #tpu.memory_space<vmem>>, vector<16xf32>,
      tpu.vector_store %arg13[%swap3A_169, %swap3A_170], %while3A_167#0 {strides = array<i32>} : memref<1x128xf32, #tpu.memory_space<vmem>>, vector<16xf32>,
      %swap3A_172 = arith.constant 0 : i32
      %swap3A_173 = arith.index_cast %swap3A_172 : i32 to index
      %swap3A_174 = arith.constant 16 : index
      %swap3A_175 = tpu.vector_load %arg13[%swap3A_173, %swap3A_174] {strides = array<i32>} : memref<1x128xf32, #tpu.memory_space<vmem>>, vector<16xf32>,
      tpu.vector_store %arg13[%swap3A_173, %swap3A_174], %while3A_167#1 {strides = array<i32>} : memref<1x128xf32, #tpu.memory_space<vmem>>, vector<16xf32>,
      %swap3A_176 = arith.constant 0 : i32
      %swap3A_177 = arith.index_cast %swap3A_176 : i32 to index
      %swap3A_178 = arith.constant 32 : index
      %swap3A_179 = tpu.vector_load %arg13[%swap3A_177, %swap3A_178] {strides = array<i32>} : memref<1x128xf32, #tpu.memory_space<vmem>>, vector<16xf32>,
      tpu.vector_store %arg13[%swap3A_177, %swap3A_178], %while3A_167#2 {strides = array<i32>} : memref<1x128xf32, #tpu.memory_space<vmem>>, vector<16xf32>,
      %swap3A_180 = arith.constant 0 : i32
      %swap3A_181 = arith.index_cast %swap3A_180 : i32 to index
      %swap3A_182 = arith.constant 48 : index
      %swap3A_183 = tpu.vector_load %arg13[%swap3A_181, %swap3A_182] {strides = array<i32>} : memref<1x128xf32, #tpu.memory_space<vmem>>, vector<16xf32>,
      tpu.vector_store %arg13[%swap3A_181, %swap3A_182], %while3A_167#3 {strides = array<i32>} : memref<1x128xf32, #tpu.memory_space<vmem>>, vector<16xf32>,
      %swap3A_184 = arith.constant 0 : i32
      %swap3A_185 = arith.index_cast %swap3A_184 : i32 to index
      %swap3A_186 = arith.constant 64 : index
      %swap3A_187 = tpu.vector_load %arg13[%swap3A_185, %swap3A_186] {strides = array<i32>} : memref<1x128xf32, #tpu.memory_space<vmem>>, vector<16xf32>,
      tpu.vector_store %arg13[%swap3A_185, %swap3A_186], %while3A_167#4 {strides = array<i32>} : memref<1x128xf32, #tpu.memory_space<vmem>>, vector<16xf32>,
      %swap3A_188 = arith.constant 0 : i32
      %swap3A_189 = arith.index_cast %swap3A_188 : i32 to index
      %swap3A_190 = arith.constant 80 : index
      %swap3A_191 = tpu.vector_load %arg13[%swap3A_189, %swap3A_190] {strides = array<i32>} : memref<1x128xf32, #tpu.memory_space<vmem>>, vector<16xf32>,
      tpu.vector_store %arg13[%swap3A_189, %swap3A_190], %while3A_167#5 {strides = array<i32>} : memref<1x128xf32, #tpu.memory_space<vmem>>, vector<16xf32>,
      %swap3A_192 = arith.constant 0 : i32
      %swap3A_193 = arith.index_cast %swap3A_192 : i32 to index
      %swap3A_194 = arith.constant 96 : index
      %swap3A_195 = tpu.vector_load %arg13[%swap3A_193, %swap3A_194] {strides = array<i32>} : memref<1x128xf32, #tpu.memory_space<vmem>>, vector<16xf32>,
      tpu.vector_store %arg13[%swap3A_193, %swap3A_194], %while3A_167#6 {strides = array<i32>} : memref<1x128xf32, #tpu.memory_space<vmem>>, vector<16xf32>,
      %swap3A_196 = arith.constant 0 : i32
      %swap3A_197 = arith.index_cast %swap3A_196 : i32 to index
      %swap3A_198 = arith.constant 112 : index
      %swap3A_199 = tpu.vector_load %arg13[%swap3A_197, %swap3A_198] {strides = array<i32>} : memref<1x128xf32, #tpu.memory_space<vmem>>, vector<16xf32>,
      tpu.vector_store %arg13[%swap3A_197, %swap3A_198], %while3A_167#7 {strides = array<i32>} : memref<1x128xf32, #tpu.memory_space<vmem>>, vector<16xf32>,
      "tpu.region"() ({
        %run_scoped3A = tpu.sem_alloc : memref<!tpu.dma_semaphore, #tpu.memory_space<semaphore_mem>>
        %dma_start3A = arith.constant 0 : i32
        %dma_start3A_200 = arith.constant 0 : i32
        %dma_start3A_201 = tpu.memref_slice %arg8[%while3A_167#8, %dma_start3A, %dma_start3A_200] : memref<10000x1x128xf32, #tpu.memory_space<hbm>> -> memref<1x1x128xf32, #tpu.memory_space<hbm>>
        %dma_start3A_202 = tpu.memref_squeeze %dma_start3A_201 : memref<1x1x128xf32, #tpu.memory_space<hbm>> -> memref<1x128xf32, #tpu.memory_space<hbm>>
        %dma_start3A_203 = arith.constant 0 : i32
        %dma_start3A_204 = arith.constant 0 : i32
        %dma_start3A_205 = tpu.memref_slice %arg8[%while3A_167#8, %dma_start3A_203, %dma_start3A_204] : memref<10000x1x128xf32, #tpu.memory_space<hbm>> -> memref<1x1x128xf32, #tpu.memory_space<hbm>>
        %dma_start3A_206 = tpu.memref_squeeze %dma_start3A_205 : memref<1x1x128xf32, #tpu.memory_space<hbm>> -> memref<1x128xf32, #tpu.memory_space<hbm>>
        tpu.enqueue_dma source(%arg13 : memref<1x128xf32, #tpu.memory_space<vmem>>) target(%dma_start3A_206 : memref<1x128xf32, #tpu.memory_space<hbm>>) target_semaphore(%run_scoped3A : memref<!tpu.dma_semaphore, #tpu.memory_space<semaphore_mem>>)
        %dma_wait3A = arith.constant 0 : i32
        %dma_wait3A_207 = arith.constant 0 : i32
        %dma_wait3A_208 = tpu.memref_slice %arg8[%while3A_167#8, %dma_wait3A, %dma_wait3A_207] : memref<10000x1x128xf32, #tpu.memory_space<hbm>> -> memref<1x1x128xf32, #tpu.memory_space<hbm>>
        %dma_wait3A_209 = tpu.memref_squeeze %dma_wait3A_208 : memref<1x1x128xf32, #tpu.memory_space<hbm>> -> memref<1x128xf32, #tpu.memory_space<hbm>>
        %dma_wait3A_210 = arith.constant 0 : i32
        %dma_wait3A_211 = arith.constant 0 : i32
        %dma_wait3A_212 = tpu.memref_slice %arg8[%while3A_167#8, %dma_wait3A_210, %dma_wait3A_211] : memref<10000x1x128xf32, #tpu.memory_space<hbm>> -> memref<1x1x128xf32, #tpu.memory_space<hbm>>
        %dma_wait3A_213 = tpu.memref_squeeze %dma_wait3A_212 : memref<1x1x128xf32, #tpu.memory_space<hbm>> -> memref<1x128xf32, #tpu.memory_space<hbm>>
        tpu.wait_dma2 semaphore(%run_scoped3A : memref<!tpu.dma_semaphore, #tpu.memory_space<semaphore_mem>>) src(%arg13 : memref<1x128xf32, #tpu.memory_space<vmem>>) dst(%dma_wait3A_213 : memref<1x128xf32, #tpu.memory_space<hbm>>)
        tpu.yield
      }) : () -> ()
    } else {
    }
    return
  }
}

#map = affine_map<(d0, d1) -> (0, 0)>
#map1 = affine_map<(d0, d1) -> (0)>
#map2 = affine_map<(d0, d1) -> (0, 0, 0)>
module attributes {stable_mosaic.version = 14 : i64} {
  func.func @_sc_agg_sorted(%arg0: i32, %arg1: i32, %arg2: memref<10000x128xf32, #tpu.memory_space<hbm>>, %arg3: memref<320000xi32, #tpu.memory_space<hbm>>, %arg4: memref<320000xi32, #tpu.memory_space<hbm>>, %arg5: memref<320000xf32, #tpu.memory_space<hbm>>, %arg6: memref<32xi32, #tpu.memory_space<hbm>>, %arg7: memref<32xi32, #tpu.memory_space<hbm>>, %arg8: memref<10000x1x128xf32, #tpu.memory_space<hbm>>, %arg9: memref<128xi32, #tpu.memory_space<vmem>>, %arg10: memref<128xi32, #tpu.memory_space<vmem>>, %arg11: memref<128xf32, #tpu.memory_space<vmem>>, %arg12: memref<128x128xf32, #tpu.memory_space<vmem>>, %arg13: memref<1x128xf32, #tpu.memory_space<vmem>>, %arg14: memref<32xi32, #tpu.memory_space<vmem>>, %arg15: memref<32xi32, #tpu.memory_space<vmem>>, %arg16: memref<!tpu.dma_semaphore, #tpu.memory_space<semaphore_mem>>) attributes {dimension_semantics = [#tpu.dimension_semantics<core_parallel>, #tpu.dimension_semantics<subcore_parallel>], iteration_bounds = array<i64: 2, 16>, scalar_prefetch = 0 : i64, scratch_operands = 8 : i64, tpu.core_type = #tpu.core_type<sc_vector_subcore>, window_params = [{transform_indices = #map}, {transform_indices = #map1}, {transform_indices = #map1}, {transform_indices = #map1}, {transform_indices = #map1}, {transform_indices = #map1}, {transform_indices = #map2}]} {
    %mul3A = arith.constant 16 : i32
    %mul3A_0 = arith.muli %arg0, %mul3A : i32
    %add3A = arith.addi %mul3A_0, %arg1 : i32
    "tpu.region"() ({
      %run_scoped3A = tpu.sem_alloc : memref<!tpu.dma_semaphore, #tpu.memory_space<semaphore_mem>>
      tpu.enqueue_dma source(%arg6 : memref<32xi32, #tpu.memory_space<hbm>>) target(%arg14 : memref<32xi32, #tpu.memory_space<vmem>>) target_semaphore(%run_scoped3A : memref<!tpu.dma_semaphore, #tpu.memory_space<semaphore_mem>>)
      tpu.wait_dma2 semaphore(%run_scoped3A : memref<!tpu.dma_semaphore, #tpu.memory_space<semaphore_mem>>) src(%arg6 : memref<32xi32, #tpu.memory_space<hbm>>) dst(%arg14 : memref<32xi32, #tpu.memory_space<vmem>>)
      tpu.yield
    }) : () -> ()
    "tpu.region"() ({
      %run_scoped3A = tpu.sem_alloc : memref<!tpu.dma_semaphore, #tpu.memory_space<semaphore_mem>>
      tpu.enqueue_dma source(%arg7 : memref<32xi32, #tpu.memory_space<hbm>>) target(%arg15 : memref<32xi32, #tpu.memory_space<vmem>>) target_semaphore(%run_scoped3A : memref<!tpu.dma_semaphore, #tpu.memory_space<semaphore_mem>>)
      tpu.wait_dma2 semaphore(%run_scoped3A : memref<!tpu.dma_semaphore, #tpu.memory_space<semaphore_mem>>) src(%arg7 : memref<32xi32, #tpu.memory_space<hbm>>) dst(%arg15 : memref<32xi32, #tpu.memory_space<vmem>>)
      tpu.yield
    }) : () -> ()
    %jit3A = arith.constant 16 : i32
    %div3A = arith.divsi %add3A, %jit3A : i32
    %sign3A = arith.constant 0 : i32
    %sign3A_1 = arith.cmpi sgt, %add3A, %sign3A : i32
    %sign3A_2 = arith.extui %sign3A_1 : i1 to i32
    %sign3A_3 = arith.constant 0 : i32
    %sign3A_4 = arith.cmpi slt, %add3A, %sign3A_3 : i32
    %sign3A_5 = arith.extui %sign3A_4 : i1 to i32
    %sign3A_6 = arith.subi %sign3A_2, %sign3A_5 : i32
    %sign3A_7 = arith.constant 0 : i32
    %sign3A_8 = arith.cmpi sgt, %jit3A, %sign3A_7 : i32
    %sign3A_9 = arith.extui %sign3A_8 : i1 to i32
    %sign3A_10 = arith.constant 0 : i32
    %sign3A_11 = arith.cmpi slt, %jit3A, %sign3A_10 : i32
    %sign3A_12 = arith.extui %sign3A_11 : i1 to i32
    %sign3A_13 = arith.subi %sign3A_9, %sign3A_12 : i32
    %ne3A = arith.cmpi ne, %sign3A_6, %sign3A_13 : i32
    %rem3A = arith.remsi %add3A, %jit3A : i32
    %ne3A_14 = arith.constant 0 : i32
    %ne3A_15 = arith.cmpi ne, %rem3A, %ne3A_14 : i32
    %and3A = arith.andi %ne3A, %ne3A_15 : i1
    %sub3A = arith.constant 1 : i32
    %sub3A_16 = arith.subi %div3A, %sub3A : i32
    %select_n3A = arith.select %and3A, %sub3A_16, %div3A : i32
    %mul3A_17 = arith.constant 16 : i32
    %mul3A_18 = arith.muli %select_n3A, %mul3A_17 : i32
    %get3A = arith.index_cast %mul3A_18 : i32 to index
    %get3A_19 = tpu.vector_load %arg14[%get3A] {strides = array<i32>} : memref<32xi32, #tpu.memory_space<vmem>>, vector<16xi32>,
    %iota3A = tpu.iota {dimensions = array<i32: 0>} : vector<16xi32>
    %jit3A_20 = arith.constant 16 : i32
    %eq3A = arith.constant 0 : i32
    %eq3A_21 = arith.cmpi eq, %jit3A_20, %eq3A : i32
    %jit3A_22 = arith.constant 1 : i32
    %select_n3A_23 = arith.select %eq3A_21, %jit3A_22, %jit3A_20 : i32
    %rem3A_24 = arith.remsi %add3A, %select_n3A_23 : i32
    %ne3A_25 = arith.constant 0 : i32
    %ne3A_26 = arith.cmpi ne, %rem3A_24, %ne3A_25 : i32
    %lt3A = arith.constant 0 : i32
    %lt3A_27 = arith.cmpi slt, %rem3A_24, %lt3A : i32
    %lt3A_28 = arith.constant 0 : i32
    %lt3A_29 = arith.cmpi slt, %select_n3A_23, %lt3A_28 : i32
    %ne3A_30 = arith.xori %lt3A_27, %lt3A_29 : i1
    %and3A_31 = arith.andi %ne3A_30, %ne3A_26 : i1
    %add3A_32 = arith.addi %rem3A_24, %select_n3A_23 : i32
    %select_n3A_33 = arith.select %and3A_31, %add3A_32, %rem3A_24 : i32
    %eq3A_34 = vector.broadcast %select_n3A_33 : i32 to vector<16xi32>
    %eq3A_35 = arith.cmpi eq, %iota3A, %eq3A_34 : vector<16xi32>
    %jit3A_36 = arith.constant -2147483648 : i32
    %broadcast_in_dim3A = vector.broadcast %jit3A_36 : i32 to vector<16xi32>
    %select_n3A_37 = arith.select %eq3A_35, %get3A_19, %broadcast_in_dim3A : vector<16xi1>, vector<16xi32>
    %reduce_max3A = arith.constant true
    %reduce_max3A_38 = vector.broadcast %reduce_max3A : i1 to vector<16xi1>
    %reduce_max3A_39 = arith.constant -2147483648 : i32
    %reduce_max3A_40 = vector.broadcast %reduce_max3A_39 : i32 to vector<16xi32>
    %reduce_max3A_41 = arith.xori %select_n3A_37, %reduce_max3A_40 : vector<16xi32>
    %reduce_max3A_42 = tpu.scan <max>, %reduce_max3A_41 masked %reduce_max3A_38 : vector<16xi32>, vector<16xi1> -> vector<16xi32>
    %reduce_max3A_43 = arith.xori %reduce_max3A_42, %reduce_max3A_40 : vector<16xi32>
    %reduce_max3A_44 = vector.extract %reduce_max3A_43[15] : i32 from vector<16xi32>
    %jit3A_45 = arith.constant 16 : i32
    %div3A_46 = arith.divsi %add3A, %jit3A_45 : i32
    %sign3A_47 = arith.constant 0 : i32
    %sign3A_48 = arith.cmpi sgt, %add3A, %sign3A_47 : i32
    %sign3A_49 = arith.extui %sign3A_48 : i1 to i32
    %sign3A_50 = arith.constant 0 : i32
    %sign3A_51 = arith.cmpi slt, %add3A, %sign3A_50 : i32
    %sign3A_52 = arith.extui %sign3A_51 : i1 to i32
    %sign3A_53 = arith.subi %sign3A_49, %sign3A_52 : i32
    %sign3A_54 = arith.constant 0 : i32
    %sign3A_55 = arith.cmpi sgt, %jit3A_45, %sign3A_54 : i32
    %sign3A_56 = arith.extui %sign3A_55 : i1 to i32
    %sign3A_57 = arith.constant 0 : i32
    %sign3A_58 = arith.cmpi slt, %jit3A_45, %sign3A_57 : i32
    %sign3A_59 = arith.extui %sign3A_58 : i1 to i32
    %sign3A_60 = arith.subi %sign3A_56, %sign3A_59 : i32
    %ne3A_61 = arith.cmpi ne, %sign3A_53, %sign3A_60 : i32
    %rem3A_62 = arith.remsi %add3A, %jit3A_45 : i32
    %ne3A_63 = arith.constant 0 : i32
    %ne3A_64 = arith.cmpi ne, %rem3A_62, %ne3A_63 : i32
    %and3A_65 = arith.andi %ne3A_61, %ne3A_64 : i1
    %sub3A_66 = arith.constant 1 : i32
    %sub3A_67 = arith.subi %div3A_46, %sub3A_66 : i32
    %select_n3A_68 = arith.select %and3A_65, %sub3A_67, %div3A_46 : i32
    %mul3A_69 = arith.constant 16 : i32
    %mul3A_70 = arith.muli %select_n3A_68, %mul3A_69 : i32
    %get3A_71 = arith.index_cast %mul3A_70 : i32 to index
    %get3A_72 = tpu.vector_load %arg15[%get3A_71] {strides = array<i32>} : memref<32xi32, #tpu.memory_space<vmem>>, vector<16xi32>,
    %iota3A_73 = tpu.iota {dimensions = array<i32: 0>} : vector<16xi32>
    %jit3A_74 = arith.constant 16 : i32
    %eq3A_75 = arith.constant 0 : i32
    %eq3A_76 = arith.cmpi eq, %jit3A_74, %eq3A_75 : i32
    %jit3A_77 = arith.constant 1 : i32
    %select_n3A_78 = arith.select %eq3A_76, %jit3A_77, %jit3A_74 : i32
    %rem3A_79 = arith.remsi %add3A, %select_n3A_78 : i32
    %ne3A_80 = arith.constant 0 : i32
    %ne3A_81 = arith.cmpi ne, %rem3A_79, %ne3A_80 : i32
    %lt3A_82 = arith.constant 0 : i32
    %lt3A_83 = arith.cmpi slt, %rem3A_79, %lt3A_82 : i32
    %lt3A_84 = arith.constant 0 : i32
    %lt3A_85 = arith.cmpi slt, %select_n3A_78, %lt3A_84 : i32
    %ne3A_86 = arith.xori %lt3A_83, %lt3A_85 : i1
    %and3A_87 = arith.andi %ne3A_86, %ne3A_81 : i1
    %add3A_88 = arith.addi %rem3A_79, %select_n3A_78 : i32
    %select_n3A_89 = arith.select %and3A_87, %add3A_88, %rem3A_79 : i32
    %eq3A_90 = vector.broadcast %select_n3A_89 : i32 to vector<16xi32>
    %eq3A_91 = arith.cmpi eq, %iota3A_73, %eq3A_90 : vector<16xi32>
    %jit3A_92 = arith.constant -2147483648 : i32
    %broadcast_in_dim3A_93 = vector.broadcast %jit3A_92 : i32 to vector<16xi32>
    %select_n3A_94 = arith.select %eq3A_91, %get3A_72, %broadcast_in_dim3A_93 : vector<16xi1>, vector<16xi32>
    %reduce_max3A_95 = arith.constant true
    %reduce_max3A_96 = vector.broadcast %reduce_max3A_95 : i1 to vector<16xi1>
    %reduce_max3A_97 = arith.constant -2147483648 : i32
    %reduce_max3A_98 = vector.broadcast %reduce_max3A_97 : i32 to vector<16xi32>
    %reduce_max3A_99 = arith.xori %select_n3A_94, %reduce_max3A_98 : vector<16xi32>
    %reduce_max3A_100 = tpu.scan <max>, %reduce_max3A_99 masked %reduce_max3A_96 : vector<16xi32>, vector<16xi1> -> vector<16xi32>
    %reduce_max3A_101 = arith.xori %reduce_max3A_100, %reduce_max3A_98 : vector<16xi32>
    %reduce_max3A_102 = vector.extract %reduce_max3A_101[15] : i32 from vector<16xi32>
    %jit3A_103 = arith.constant 128 : i32
    %div3A_104 = arith.divsi %reduce_max3A_44, %jit3A_103 : i32
    %sign3A_105 = arith.constant 0 : i32
    %sign3A_106 = arith.cmpi sgt, %reduce_max3A_44, %sign3A_105 : i32
    %sign3A_107 = arith.extui %sign3A_106 : i1 to i32
    %sign3A_108 = arith.constant 0 : i32
    %sign3A_109 = arith.cmpi slt, %reduce_max3A_44, %sign3A_108 : i32
    %sign3A_110 = arith.extui %sign3A_109 : i1 to i32
    %sign3A_111 = arith.subi %sign3A_107, %sign3A_110 : i32
    %sign3A_112 = arith.constant 0 : i32
    %sign3A_113 = arith.cmpi sgt, %jit3A_103, %sign3A_112 : i32
    %sign3A_114 = arith.extui %sign3A_113 : i1 to i32
    %sign3A_115 = arith.constant 0 : i32
    %sign3A_116 = arith.cmpi slt, %jit3A_103, %sign3A_115 : i32
    %sign3A_117 = arith.extui %sign3A_116 : i1 to i32
    %sign3A_118 = arith.subi %sign3A_114, %sign3A_117 : i32
    %ne3A_119 = arith.cmpi ne, %sign3A_111, %sign3A_118 : i32
    %rem3A_120 = arith.remsi %reduce_max3A_44, %jit3A_103 : i32
    %ne3A_121 = arith.constant 0 : i32
    %ne3A_122 = arith.cmpi ne, %rem3A_120, %ne3A_121 : i32
    %and3A_123 = arith.andi %ne3A_119, %ne3A_122 : i1
    %sub3A_124 = arith.constant 1 : i32
    %sub3A_125 = arith.subi %div3A_104, %sub3A_124 : i32
    %select_n3A_126 = arith.select %and3A_123, %sub3A_125, %div3A_104 : i32
    %add3A_127 = arith.constant 128 : i32
    %add3A_128 = arith.addi %reduce_max3A_102, %add3A_127 : i32
    %sub3A_129 = arith.constant 1 : i32
    %sub3A_130 = arith.subi %add3A_128, %sub3A_129 : i32
    %jit3A_131 = arith.constant 128 : i32
    %div3A_132 = arith.divsi %sub3A_130, %jit3A_131 : i32
    %sign3A_133 = arith.constant 0 : i32
    %sign3A_134 = arith.cmpi sgt, %sub3A_130, %sign3A_133 : i32
    %sign3A_135 = arith.extui %sign3A_134 : i1 to i32
    %sign3A_136 = arith.constant 0 : i32
    %sign3A_137 = arith.cmpi slt, %sub3A_130, %sign3A_136 : i32
    %sign3A_138 = arith.extui %sign3A_137 : i1 to i32
    %sign3A_139 = arith.subi %sign3A_135, %sign3A_138 : i32
    %sign3A_140 = arith.constant 0 : i32
    %sign3A_141 = arith.cmpi sgt, %jit3A_131, %sign3A_140 : i32
    %sign3A_142 = arith.extui %sign3A_141 : i1 to i32
    %sign3A_143 = arith.constant 0 : i32
    %sign3A_144 = arith.cmpi slt, %jit3A_131, %sign3A_143 : i32
    %sign3A_145 = arith.extui %sign3A_144 : i1 to i32
    %sign3A_146 = arith.subi %sign3A_142, %sign3A_145 : i32
    %ne3A_147 = arith.cmpi ne, %sign3A_139, %sign3A_146 : i32
    %rem3A_148 = arith.remsi %sub3A_130, %jit3A_131 : i32
    %ne3A_149 = arith.constant 0 : i32
    %ne3A_150 = arith.cmpi ne, %rem3A_148, %ne3A_149 : i32
    %and3A_151 = arith.andi %ne3A_147, %ne3A_150 : i1
    %sub3A_152 = arith.constant 1 : i32
    %sub3A_153 = arith.subi %div3A_132, %sub3A_152 : i32
    %select_n3A_154 = arith.select %and3A_151, %sub3A_153, %div3A_132 : i32
    %broadcast_in_dim3A_155 = arith.constant 0.000000e+00 : f32
    %broadcast_in_dim3A_156 = vector.broadcast %broadcast_in_dim3A_155 : f32 to vector<16xf32>
    %while3A = arith.constant -1 : i32
    %while3A_157 = arith.constant false
    %while3A_158 = arith.subi %select_n3A_154, %select_n3A_126 : i32
    %while3A_159 = arith.addi %select_n3A_126, %while3A_158 : i32
    %while3A_160 = arith.constant 1 : i32
    %while3A_161 = arith.divsi %while3A_158, %while3A_160 : i32
    %while3A_162 = arith.muli %while3A_161, %while3A_160 : i32
    %while3A_163 = arith.addi %select_n3A_126, %while3A_162 : i32
    %while3A_164 = arith.constant 1 : i32
    %while3A_165:10 = scf.for %while3A_169 = %select_n3A_126 to %while3A_163 step %while3A_164 iter_args(%while3A_170 = %broadcast_in_dim3A_156, %while3A_171 = %broadcast_in_dim3A_156, %while3A_172 = %broadcast_in_dim3A_156, %while3A_173 = %broadcast_in_dim3A_156, %while3A_174 = %broadcast_in_dim3A_156, %while3A_175 = %broadcast_in_dim3A_156, %while3A_176 = %broadcast_in_dim3A_156, %while3A_177 = %broadcast_in_dim3A_156, %while3A_178 = %while3A, %while3A_179 = %while3A_157) -> (vector<16xf32>, vector<16xf32>, vector<16xf32>, vector<16xf32>, vector<16xf32>, vector<16xf32>, vector<16xf32>, vector<16xf32>, i32, i1)  : i32 {
      %mul3A_180 = arith.constant 128 : i32
      %mul3A_181 = arith.muli %while3A_169, %mul3A_180 : i32
      "tpu.region"() ({
        %run_scoped3A = tpu.sem_alloc : memref<!tpu.dma_semaphore, #tpu.memory_space<semaphore_mem>>
        %dma_start3A_191 = tpu.memref_slice %arg3[%mul3A_181] : memref<320000xi32, #tpu.memory_space<hbm>> -> memref<128xi32, #tpu.memory_space<hbm>>
        %dma_start3A_192 = tpu.memref_slice %arg3[%mul3A_181] : memref<320000xi32, #tpu.memory_space<hbm>> -> memref<128xi32, #tpu.memory_space<hbm>>
        tpu.enqueue_dma source(%dma_start3A_192 : memref<128xi32, #tpu.memory_space<hbm>>) target(%arg9 : memref<128xi32, #tpu.memory_space<vmem>>) target_semaphore(%run_scoped3A : memref<!tpu.dma_semaphore, #tpu.memory_space<semaphore_mem>>)
        %dma_wait3A_193 = tpu.memref_slice %arg3[%mul3A_181] : memref<320000xi32, #tpu.memory_space<hbm>> -> memref<128xi32, #tpu.memory_space<hbm>>
        %dma_wait3A_194 = tpu.memref_slice %arg3[%mul3A_181] : memref<320000xi32, #tpu.memory_space<hbm>> -> memref<128xi32, #tpu.memory_space<hbm>>
        tpu.wait_dma2 semaphore(%run_scoped3A : memref<!tpu.dma_semaphore, #tpu.memory_space<semaphore_mem>>) src(%dma_wait3A_194 : memref<128xi32, #tpu.memory_space<hbm>>) dst(%arg9 : memref<128xi32, #tpu.memory_space<vmem>>)
        tpu.yield
      }) : () -> ()
      "tpu.region"() ({
        %run_scoped3A = tpu.sem_alloc : memref<!tpu.dma_semaphore, #tpu.memory_space<semaphore_mem>>
        %dma_start3A_191 = tpu.memref_slice %arg4[%mul3A_181] : memref<320000xi32, #tpu.memory_space<hbm>> -> memref<128xi32, #tpu.memory_space<hbm>>
        %dma_start3A_192 = tpu.memref_slice %arg4[%mul3A_181] : memref<320000xi32, #tpu.memory_space<hbm>> -> memref<128xi32, #tpu.memory_space<hbm>>
        tpu.enqueue_dma source(%dma_start3A_192 : memref<128xi32, #tpu.memory_space<hbm>>) target(%arg10 : memref<128xi32, #tpu.memory_space<vmem>>) target_semaphore(%run_scoped3A : memref<!tpu.dma_semaphore, #tpu.memory_space<semaphore_mem>>)
        %dma_wait3A_193 = tpu.memref_slice %arg4[%mul3A_181] : memref<320000xi32, #tpu.memory_space<hbm>> -> memref<128xi32, #tpu.memory_space<hbm>>
        %dma_wait3A_194 = tpu.memref_slice %arg4[%mul3A_181] : memref<320000xi32, #tpu.memory_space<hbm>> -> memref<128xi32, #tpu.memory_space<hbm>>
        tpu.wait_dma2 semaphore(%run_scoped3A : memref<!tpu.dma_semaphore, #tpu.memory_space<semaphore_mem>>) src(%dma_wait3A_194 : memref<128xi32, #tpu.memory_space<hbm>>) dst(%arg10 : memref<128xi32, #tpu.memory_space<vmem>>)
        tpu.yield
      }) : () -> ()
      "tpu.region"() ({
        %run_scoped3A = tpu.sem_alloc : memref<!tpu.dma_semaphore, #tpu.memory_space<semaphore_mem>>
        %dma_start3A_191 = tpu.memref_slice %arg5[%mul3A_181] : memref<320000xf32, #tpu.memory_space<hbm>> -> memref<128xf32, #tpu.memory_space<hbm>>
        %dma_start3A_192 = tpu.memref_slice %arg5[%mul3A_181] : memref<320000xf32, #tpu.memory_space<hbm>> -> memref<128xf32, #tpu.memory_space<hbm>>
        tpu.enqueue_dma source(%dma_start3A_192 : memref<128xf32, #tpu.memory_space<hbm>>) target(%arg11 : memref<128xf32, #tpu.memory_space<vmem>>) target_semaphore(%run_scoped3A : memref<!tpu.dma_semaphore, #tpu.memory_space<semaphore_mem>>)
        %dma_wait3A_193 = tpu.memref_slice %arg5[%mul3A_181] : memref<320000xf32, #tpu.memory_space<hbm>> -> memref<128xf32, #tpu.memory_space<hbm>>
        %dma_wait3A_194 = tpu.memref_slice %arg5[%mul3A_181] : memref<320000xf32, #tpu.memory_space<hbm>> -> memref<128xf32, #tpu.memory_space<hbm>>
        tpu.wait_dma2 semaphore(%run_scoped3A : memref<!tpu.dma_semaphore, #tpu.memory_space<semaphore_mem>>) src(%dma_wait3A_194 : memref<128xf32, #tpu.memory_space<hbm>>) dst(%arg11 : memref<128xf32, #tpu.memory_space<vmem>>)
        tpu.yield
      }) : () -> ()
      %dma_start3A = arith.constant 0 : i32
      %dma_start3A_182 = arith.constant 0 : i32
      %dma_start3A_183 = tpu.memref_slice %arg2[%dma_start3A, %dma_start3A_182] : memref<10000x128xf32, #tpu.memory_space<hbm>> -> memref<10000x128xf32, #tpu.memory_space<hbm>>
      tpu.enqueue_indirect_dma source(%dma_start3A_183 : memref<10000x128xf32, #tpu.memory_space<hbm>>) target(%arg12 : memref<128x128xf32, #tpu.memory_space<vmem>>) offsets(%arg9 : memref<128xi32, #tpu.memory_space<vmem>>) semaphore(%arg16 : memref<!tpu.dma_semaphore, #tpu.memory_space<semaphore_mem>>)
      %dma_wait3A = arith.constant 0 : i32
      %dma_wait3A_184 = arith.constant 0 : i32
      %dma_wait3A_185 = tpu.memref_slice %arg2[%dma_wait3A, %dma_wait3A_184] : memref<10000x128xf32, #tpu.memory_space<hbm>> -> memref<10000x128xf32, #tpu.memory_space<hbm>>
      tpu.wait_indirect_dma semaphore(%arg16 : memref<!tpu.dma_semaphore, #tpu.memory_space<semaphore_mem>>) src(%dma_wait3A_185 : memref<10000x128xf32, #tpu.memory_space<hbm>>) dst(%arg12 : memref<128x128xf32, #tpu.memory_space<vmem>>)
      %scan3A = arith.constant 0 : i32
      %scan3A_186 = arith.constant 128 : i32
      %scan3A_187 = arith.addi %scan3A, %scan3A_186 : i32
      %scan3A_188 = arith.constant 1 : i32
      %scan3A_189:10 = scf.for %scan3A_191 = %scan3A to %scan3A_187 step %scan3A_188 iter_args(%scan3A_192 = %while3A_170, %scan3A_193 = %while3A_171, %scan3A_194 = %while3A_172, %scan3A_195 = %while3A_173, %scan3A_196 = %while3A_174, %scan3A_197 = %while3A_175, %scan3A_198 = %while3A_176, %scan3A_199 = %while3A_177, %scan3A_200 = %while3A_178, %scan3A_201 = %while3A_179) -> (vector<16xf32>, vector<16xf32>, vector<16xf32>, vector<16xf32>, vector<16xf32>, vector<16xf32>, vector<16xf32>, vector<16xf32>, i32, i1)  : i32 {
        %add3A_202 = arith.addi %mul3A_181, %scan3A_191 : i32
        %ge3A = arith.cmpi sge, %add3A_202, %reduce_max3A_44 : i32
        %lt3A_203 = arith.cmpi slt, %add3A_202, %reduce_max3A_102 : i32
        %and3A_204 = arith.andi %ge3A, %lt3A_203 : i1
        %jit3A_205 = arith.constant 16 : i32
        %div3A_206 = arith.divsi %scan3A_191, %jit3A_205 : i32
        %sign3A_207 = arith.constant 0 : i32
        %sign3A_208 = arith.cmpi sgt, %scan3A_191, %sign3A_207 : i32
        %sign3A_209 = arith.extui %sign3A_208 : i1 to i32
        %sign3A_210 = arith.constant 0 : i32
        %sign3A_211 = arith.cmpi slt, %scan3A_191, %sign3A_210 : i32
        %sign3A_212 = arith.extui %sign3A_211 : i1 to i32
        %sign3A_213 = arith.subi %sign3A_209, %sign3A_212 : i32
        %sign3A_214 = arith.constant 0 : i32
        %sign3A_215 = arith.cmpi sgt, %jit3A_205, %sign3A_214 : i32
        %sign3A_216 = arith.extui %sign3A_215 : i1 to i32
        %sign3A_217 = arith.constant 0 : i32
        %sign3A_218 = arith.cmpi slt, %jit3A_205, %sign3A_217 : i32
        %sign3A_219 = arith.extui %sign3A_218 : i1 to i32
        %sign3A_220 = arith.subi %sign3A_216, %sign3A_219 : i32
        %ne3A_221 = arith.cmpi ne, %sign3A_213, %sign3A_220 : i32
        %rem3A_222 = arith.remsi %scan3A_191, %jit3A_205 : i32
        %ne3A_223 = arith.constant 0 : i32
        %ne3A_224 = arith.cmpi ne, %rem3A_222, %ne3A_223 : i32
        %and3A_225 = arith.andi %ne3A_221, %ne3A_224 : i1
        %sub3A_226 = arith.constant 1 : i32
        %sub3A_227 = arith.subi %div3A_206, %sub3A_226 : i32
        %select_n3A_228 = arith.select %and3A_225, %sub3A_227, %div3A_206 : i32
        %mul3A_229 = arith.constant 16 : i32
        %mul3A_230 = arith.muli %select_n3A_228, %mul3A_229 : i32
        %get3A_231 = arith.index_cast %mul3A_230 : i32 to index
        %get3A_232 = tpu.vector_load %arg10[%get3A_231] {strides = array<i32>} : memref<128xi32, #tpu.memory_space<vmem>>, vector<16xi32>,
        %iota3A_233 = tpu.iota {dimensions = array<i32: 0>} : vector<16xi32>
        %jit3A_234 = arith.constant 16 : i32
        %eq3A_235 = arith.constant 0 : i32
        %eq3A_236 = arith.cmpi eq, %jit3A_234, %eq3A_235 : i32
        %jit3A_237 = arith.constant 1 : i32
        %select_n3A_238 = arith.select %eq3A_236, %jit3A_237, %jit3A_234 : i32
        %rem3A_239 = arith.remsi %scan3A_191, %select_n3A_238 : i32
        %ne3A_240 = arith.constant 0 : i32
        %ne3A_241 = arith.cmpi ne, %rem3A_239, %ne3A_240 : i32
        %lt3A_242 = arith.constant 0 : i32
        %lt3A_243 = arith.cmpi slt, %rem3A_239, %lt3A_242 : i32
        %lt3A_244 = arith.constant 0 : i32
        %lt3A_245 = arith.cmpi slt, %select_n3A_238, %lt3A_244 : i32
        %ne3A_246 = arith.xori %lt3A_243, %lt3A_245 : i1
        %and3A_247 = arith.andi %ne3A_246, %ne3A_241 : i1
        %add3A_248 = arith.addi %rem3A_239, %select_n3A_238 : i32
        %select_n3A_249 = arith.select %and3A_247, %add3A_248, %rem3A_239 : i32
        %eq3A_250 = vector.broadcast %select_n3A_249 : i32 to vector<16xi32>
        %eq3A_251 = arith.cmpi eq, %iota3A_233, %eq3A_250 : vector<16xi32>
        %jit3A_252 = arith.constant -2147483648 : i32
        %broadcast_in_dim3A_253 = vector.broadcast %jit3A_252 : i32 to vector<16xi32>
        %select_n3A_254 = arith.select %eq3A_251, %get3A_232, %broadcast_in_dim3A_253 : vector<16xi1>, vector<16xi32>
        %reduce_max3A_255 = arith.constant true
        %reduce_max3A_256 = vector.broadcast %reduce_max3A_255 : i1 to vector<16xi1>
        %reduce_max3A_257 = arith.constant -2147483648 : i32
        %reduce_max3A_258 = vector.broadcast %reduce_max3A_257 : i32 to vector<16xi32>
        %reduce_max3A_259 = arith.xori %select_n3A_254, %reduce_max3A_258 : vector<16xi32>
        %reduce_max3A_260 = tpu.scan <max>, %reduce_max3A_259 masked %reduce_max3A_256 : vector<16xi32>, vector<16xi1> -> vector<16xi32>
        %reduce_max3A_261 = arith.xori %reduce_max3A_260, %reduce_max3A_258 : vector<16xi32>
        %reduce_max3A_262 = vector.extract %reduce_max3A_261[15] : i32 from vector<16xi32>
        %jit3A_263 = arith.constant 16 : i32
        %div3A_264 = arith.divsi %scan3A_191, %jit3A_263 : i32
        %sign3A_265 = arith.constant 0 : i32
        %sign3A_266 = arith.cmpi sgt, %scan3A_191, %sign3A_265 : i32
        %sign3A_267 = arith.extui %sign3A_266 : i1 to i32
        %sign3A_268 = arith.constant 0 : i32
        %sign3A_269 = arith.cmpi slt, %scan3A_191, %sign3A_268 : i32
        %sign3A_270 = arith.extui %sign3A_269 : i1 to i32
        %sign3A_271 = arith.subi %sign3A_267, %sign3A_270 : i32
        %sign3A_272 = arith.constant 0 : i32
        %sign3A_273 = arith.cmpi sgt, %jit3A_263, %sign3A_272 : i32
        %sign3A_274 = arith.extui %sign3A_273 : i1 to i32
        %sign3A_275 = arith.constant 0 : i32
        %sign3A_276 = arith.cmpi slt, %jit3A_263, %sign3A_275 : i32
        %sign3A_277 = arith.extui %sign3A_276 : i1 to i32
        %sign3A_278 = arith.subi %sign3A_274, %sign3A_277 : i32
        %ne3A_279 = arith.cmpi ne, %sign3A_271, %sign3A_278 : i32
        %rem3A_280 = arith.remsi %scan3A_191, %jit3A_263 : i32
        %ne3A_281 = arith.constant 0 : i32
        %ne3A_282 = arith.cmpi ne, %rem3A_280, %ne3A_281 : i32
        %and3A_283 = arith.andi %ne3A_279, %ne3A_282 : i1
        %sub3A_284 = arith.constant 1 : i32
        %sub3A_285 = arith.subi %div3A_264, %sub3A_284 : i32
        %select_n3A_286 = arith.select %and3A_283, %sub3A_285, %div3A_264 : i32
        %mul3A_287 = arith.constant 16 : i32
        %mul3A_288 = arith.muli %select_n3A_286, %mul3A_287 : i32
        %get3A_289 = arith.index_cast %mul3A_288 : i32 to index
        %get3A_290 = tpu.vector_load %arg11[%get3A_289] {strides = array<i32>} : memref<128xf32, #tpu.memory_space<vmem>>, vector<16xf32>,
        %jit3A_291 = arith.constant 16 : i32
        %eq3A_292 = arith.constant 0 : i32
        %eq3A_293 = arith.cmpi eq, %jit3A_291, %eq3A_292 : i32
        %jit3A_294 = arith.constant 1 : i32
        %select_n3A_295 = arith.select %eq3A_293, %jit3A_294, %jit3A_291 : i32
        %rem3A_296 = arith.remsi %scan3A_191, %select_n3A_295 : i32
        %ne3A_297 = arith.constant 0 : i32
        %ne3A_298 = arith.cmpi ne, %rem3A_296, %ne3A_297 : i32
        %lt3A_299 = arith.constant 0 : i32
        %lt3A_300 = arith.cmpi slt, %rem3A_296, %lt3A_299 : i32
        %lt3A_301 = arith.constant 0 : i32
        %lt3A_302 = arith.cmpi slt, %select_n3A_295, %lt3A_301 : i32
        %ne3A_303 = arith.xori %lt3A_300, %lt3A_302 : i1
        %and3A_304 = arith.andi %ne3A_303, %ne3A_298 : i1
        %add3A_305 = arith.addi %rem3A_296, %select_n3A_295 : i32
        %select_n3A_306 = arith.select %and3A_304, %add3A_305, %rem3A_296 : i32
        %broadcast_in_dim3A_307 = vector.broadcast %select_n3A_306 : i32 to vector<16xi32>
        %lt3A_308 = arith.constant 0 : i32
        %lt3A_309 = vector.broadcast %lt3A_308 : i32 to vector<16xi32>
        %lt3A_310 = arith.cmpi slt, %broadcast_in_dim3A_307, %lt3A_309 : vector<16xi32>
        %add3A_311 = arith.constant 16 : i32
        %add3A_312 = vector.broadcast %add3A_311 : i32 to vector<16xi32>
        %add3A_313 = arith.addi %broadcast_in_dim3A_307, %add3A_312 : vector<16xi32>
        %select_n3A_314 = arith.select %lt3A_310, %add3A_313, %broadcast_in_dim3A_307 : vector<16xi1>, vector<16xi32>
        %broadcast_in_dim3A_315 = vector.shape_cast %select_n3A_314 : vector<16xi32> to vector<16x1xi32>
        %gather3A = vector.shape_cast %broadcast_in_dim3A_315 : vector<16x1xi32> to vector<16xi32>
        %gather3A_316 = tpu.dynamic_gather %get3A_290[%gather3A] in [0] : vector<16xf32>, vector<16xi32> -> vector<16xf32>
        %ne3A_317 = arith.cmpi ne, %reduce_max3A_262, %scan3A_200 : i32
        %and3A_318 = arith.andi %and3A_204, %ne3A_317 : i1
        %and3A_319 = arith.andi %and3A_318, %scan3A_201 : i1
        %convert_element_type3A_320 = arith.extui %and3A_319 : i1 to i32
        %cond3A_321 = arith.constant 0 : i32
        %cond3A_322 = arith.cmpi ne, %convert_element_type3A_320, %cond3A_321 : i32
        scf.if %cond3A_322 {
          %swap3A = arith.constant 0 : i32
          %swap3A_380 = arith.index_cast %swap3A : i32 to index
          %swap3A_381 = arith.constant 0 : index
          %swap3A_382 = tpu.vector_load %arg13[%swap3A_380, %swap3A_381] {strides = array<i32>} : memref<1x128xf32, #tpu.memory_space<vmem>>, vector<16xf32>,
          tpu.vector_store %arg13[%swap3A_380, %swap3A_381], %scan3A_192 {strides = array<i32>} : memref<1x128xf32, #tpu.memory_space<vmem>>, vector<16xf32>,
          %swap3A_383 = arith.constant 0 : i32
          %swap3A_384 = arith.index_cast %swap3A_383 : i32 to index
          %swap3A_385 = arith.constant 16 : index
          %swap3A_386 = tpu.vector_load %arg13[%swap3A_384, %swap3A_385] {strides = array<i32>} : memref<1x128xf32, #tpu.memory_space<vmem>>, vector<16xf32>,
          tpu.vector_store %arg13[%swap3A_384, %swap3A_385], %scan3A_193 {strides = array<i32>} : memref<1x128xf32, #tpu.memory_space<vmem>>, vector<16xf32>,
          %swap3A_387 = arith.constant 0 : i32
          %swap3A_388 = arith.index_cast %swap3A_387 : i32 to index
          %swap3A_389 = arith.constant 32 : index
          %swap3A_390 = tpu.vector_load %arg13[%swap3A_388, %swap3A_389] {strides = array<i32>} : memref<1x128xf32, #tpu.memory_space<vmem>>, vector<16xf32>,
          tpu.vector_store %arg13[%swap3A_388, %swap3A_389], %scan3A_194 {strides = array<i32>} : memref<1x128xf32, #tpu.memory_space<vmem>>, vector<16xf32>,
          %swap3A_391 = arith.constant 0 : i32
          %swap3A_392 = arith.index_cast %swap3A_391 : i32 to index
          %swap3A_393 = arith.constant 48 : index
          %swap3A_394 = tpu.vector_load %arg13[%swap3A_392, %swap3A_393] {strides = array<i32>} : memref<1x128xf32, #tpu.memory_space<vmem>>, vector<16xf32>,
          tpu.vector_store %arg13[%swap3A_392, %swap3A_393], %scan3A_195 {strides = array<i32>} : memref<1x128xf32, #tpu.memory_space<vmem>>, vector<16xf32>,
          %swap3A_395 = arith.constant 0 : i32
          %swap3A_396 = arith.index_cast %swap3A_395 : i32 to index
          %swap3A_397 = arith.constant 64 : index
          %swap3A_398 = tpu.vector_load %arg13[%swap3A_396, %swap3A_397] {strides = array<i32>} : memref<1x128xf32, #tpu.memory_space<vmem>>, vector<16xf32>,
          tpu.vector_store %arg13[%swap3A_396, %swap3A_397], %scan3A_196 {strides = array<i32>} : memref<1x128xf32, #tpu.memory_space<vmem>>, vector<16xf32>,
          %swap3A_399 = arith.constant 0 : i32
          %swap3A_400 = arith.index_cast %swap3A_399 : i32 to index
          %swap3A_401 = arith.constant 80 : index
          %swap3A_402 = tpu.vector_load %arg13[%swap3A_400, %swap3A_401] {strides = array<i32>} : memref<1x128xf32, #tpu.memory_space<vmem>>, vector<16xf32>,
          tpu.vector_store %arg13[%swap3A_400, %swap3A_401], %scan3A_197 {strides = array<i32>} : memref<1x128xf32, #tpu.memory_space<vmem>>, vector<16xf32>,
          %swap3A_403 = arith.constant 0 : i32
          %swap3A_404 = arith.index_cast %swap3A_403 : i32 to index
          %swap3A_405 = arith.constant 96 : index
          %swap3A_406 = tpu.vector_load %arg13[%swap3A_404, %swap3A_405] {strides = array<i32>} : memref<1x128xf32, #tpu.memory_space<vmem>>, vector<16xf32>,
          tpu.vector_store %arg13[%swap3A_404, %swap3A_405], %scan3A_198 {strides = array<i32>} : memref<1x128xf32, #tpu.memory_space<vmem>>, vector<16xf32>,
          %swap3A_407 = arith.constant 0 : i32
          %swap3A_408 = arith.index_cast %swap3A_407 : i32 to index
          %swap3A_409 = arith.constant 112 : index
          %swap3A_410 = tpu.vector_load %arg13[%swap3A_408, %swap3A_409] {strides = array<i32>} : memref<1x128xf32, #tpu.memory_space<vmem>>, vector<16xf32>,
          tpu.vector_store %arg13[%swap3A_408, %swap3A_409], %scan3A_199 {strides = array<i32>} : memref<1x128xf32, #tpu.memory_space<vmem>>, vector<16xf32>,
          "tpu.region"() ({
            %run_scoped3A = tpu.sem_alloc : memref<!tpu.dma_semaphore, #tpu.memory_space<semaphore_mem>>
            %dma_start3A_411 = arith.constant 0 : i32
            %dma_start3A_412 = arith.constant 0 : i32
            %dma_start3A_413 = tpu.memref_slice %arg8[%scan3A_200, %dma_start3A_411, %dma_start3A_412] : memref<10000x1x128xf32, #tpu.memory_space<hbm>> -> memref<1x1x128xf32, #tpu.memory_space<hbm>>
            %dma_start3A_414 = tpu.memref_squeeze %dma_start3A_413 : memref<1x1x128xf32, #tpu.memory_space<hbm>> -> memref<1x128xf32, #tpu.memory_space<hbm>>
            %dma_start3A_415 = arith.constant 0 : i32
            %dma_start3A_416 = arith.constant 0 : i32
            %dma_start3A_417 = tpu.memref_slice %arg8[%scan3A_200, %dma_start3A_415, %dma_start3A_416] : memref<10000x1x128xf32, #tpu.memory_space<hbm>> -> memref<1x1x128xf32, #tpu.memory_space<hbm>>
            %dma_start3A_418 = tpu.memref_squeeze %dma_start3A_417 : memref<1x1x128xf32, #tpu.memory_space<hbm>> -> memref<1x128xf32, #tpu.memory_space<hbm>>
            tpu.enqueue_dma source(%arg13 : memref<1x128xf32, #tpu.memory_space<vmem>>) target(%dma_start3A_418 : memref<1x128xf32, #tpu.memory_space<hbm>>) target_semaphore(%run_scoped3A : memref<!tpu.dma_semaphore, #tpu.memory_space<semaphore_mem>>)
            %dma_wait3A_419 = arith.constant 0 : i32
            %dma_wait3A_420 = arith.constant 0 : i32
            %dma_wait3A_421 = tpu.memref_slice %arg8[%scan3A_200, %dma_wait3A_419, %dma_wait3A_420] : memref<10000x1x128xf32, #tpu.memory_space<hbm>> -> memref<1x1x128xf32, #tpu.memory_space<hbm>>
            %dma_wait3A_422 = tpu.memref_squeeze %dma_wait3A_421 : memref<1x1x128xf32, #tpu.memory_space<hbm>> -> memref<1x128xf32, #tpu.memory_space<hbm>>
            %dma_wait3A_423 = arith.constant 0 : i32
            %dma_wait3A_424 = arith.constant 0 : i32
            %dma_wait3A_425 = tpu.memref_slice %arg8[%scan3A_200, %dma_wait3A_423, %dma_wait3A_424] : memref<10000x1x128xf32, #tpu.memory_space<hbm>> -> memref<1x1x128xf32, #tpu.memory_space<hbm>>
            %dma_wait3A_426 = tpu.memref_squeeze %dma_wait3A_425 : memref<1x1x128xf32, #tpu.memory_space<hbm>> -> memref<1x128xf32, #tpu.memory_space<hbm>>
            tpu.wait_dma2 semaphore(%run_scoped3A : memref<!tpu.dma_semaphore, #tpu.memory_space<semaphore_mem>>) src(%arg13 : memref<1x128xf32, #tpu.memory_space<vmem>>) dst(%dma_wait3A_426 : memref<1x128xf32, #tpu.memory_space<hbm>>)
            tpu.yield
          }) : () -> ()
        } else {
        }
        %get3A_323 = arith.index_cast %scan3A_191 : i32 to index
        %get3A_324 = arith.constant 0 : index
        %get3A_325 = tpu.vector_load %arg12[%get3A_323, %get3A_324] {strides = array<i32>} : memref<128x128xf32, #tpu.memory_space<vmem>>, vector<16xf32>,
        %mul3A_326 = arith.mulf %get3A_325, %gather3A_316 : vector<16xf32>
        %add3A_327 = arith.addf %scan3A_192, %mul3A_326 : vector<16xf32>
        %select_n3A_328 = arith.select %and3A_204, %add3A_327, %scan3A_192 : vector<16xf32>
        %select_n3A_329 = arith.select %and3A_318, %mul3A_326, %select_n3A_328 : vector<16xf32>
        %get3A_330 = arith.index_cast %scan3A_191 : i32 to index
        %get3A_331 = arith.constant 16 : index
        %get3A_332 = tpu.vector_load %arg12[%get3A_330, %get3A_331] {strides = array<i32>} : memref<128x128xf32, #tpu.memory_space<vmem>>, vector<16xf32>,
        %mul3A_333 = arith.mulf %get3A_332, %gather3A_316 : vector<16xf32>
        %add3A_334 = arith.addf %scan3A_193, %mul3A_333 : vector<16xf32>
        %select_n3A_335 = arith.select %and3A_204, %add3A_334, %scan3A_193 : vector<16xf32>
        %select_n3A_336 = arith.select %and3A_318, %mul3A_333, %select_n3A_335 : vector<16xf32>
        %get3A_337 = arith.index_cast %scan3A_191 : i32 to index
        %get3A_338 = arith.constant 32 : index
        %get3A_339 = tpu.vector_load %arg12[%get3A_337, %get3A_338] {strides = array<i32>} : memref<128x128xf32, #tpu.memory_space<vmem>>, vector<16xf32>,
        %mul3A_340 = arith.mulf %get3A_339, %gather3A_316 : vector<16xf32>
        %add3A_341 = arith.addf %scan3A_194, %mul3A_340 : vector<16xf32>
        %select_n3A_342 = arith.select %and3A_204, %add3A_341, %scan3A_194 : vector<16xf32>
        %select_n3A_343 = arith.select %and3A_318, %mul3A_340, %select_n3A_342 : vector<16xf32>
        %get3A_344 = arith.index_cast %scan3A_191 : i32 to index
        %get3A_345 = arith.constant 48 : index
        %get3A_346 = tpu.vector_load %arg12[%get3A_344, %get3A_345] {strides = array<i32>} : memref<128x128xf32, #tpu.memory_space<vmem>>, vector<16xf32>,
        %mul3A_347 = arith.mulf %get3A_346, %gather3A_316 : vector<16xf32>
        %add3A_348 = arith.addf %scan3A_195, %mul3A_347 : vector<16xf32>
        %select_n3A_349 = arith.select %and3A_204, %add3A_348, %scan3A_195 : vector<16xf32>
        %select_n3A_350 = arith.select %and3A_318, %mul3A_347, %select_n3A_349 : vector<16xf32>
        %get3A_351 = arith.index_cast %scan3A_191 : i32 to index
        %get3A_352 = arith.constant 64 : index
        %get3A_353 = tpu.vector_load %arg12[%get3A_351, %get3A_352] {strides = array<i32>} : memref<128x128xf32, #tpu.memory_space<vmem>>, vector<16xf32>,
        %mul3A_354 = arith.mulf %get3A_353, %gather3A_316 : vector<16xf32>
        %add3A_355 = arith.addf %scan3A_196, %mul3A_354 : vector<16xf32>
        %select_n3A_356 = arith.select %and3A_204, %add3A_355, %scan3A_196 : vector<16xf32>
        %select_n3A_357 = arith.select %and3A_318, %mul3A_354, %select_n3A_356 : vector<16xf32>
        %get3A_358 = arith.index_cast %scan3A_191 : i32 to index
        %get3A_359 = arith.constant 80 : index
        %get3A_360 = tpu.vector_load %arg12[%get3A_358, %get3A_359] {strides = array<i32>} : memref<128x128xf32, #tpu.memory_space<vmem>>, vector<16xf32>,
        %mul3A_361 = arith.mulf %get3A_360, %gather3A_316 : vector<16xf32>
        %add3A_362 = arith.addf %scan3A_197, %mul3A_361 : vector<16xf32>
        %select_n3A_363 = arith.select %and3A_204, %add3A_362, %scan3A_197 : vector<16xf32>
        %select_n3A_364 = arith.select %and3A_318, %mul3A_361, %select_n3A_363 : vector<16xf32>
        %get3A_365 = arith.index_cast %scan3A_191 : i32 to index
        %get3A_366 = arith.constant 96 : index
        %get3A_367 = tpu.vector_load %arg12[%get3A_365, %get3A_366] {strides = array<i32>} : memref<128x128xf32, #tpu.memory_space<vmem>>, vector<16xf32>,
        %mul3A_368 = arith.mulf %get3A_367, %gather3A_316 : vector<16xf32>
        %add3A_369 = arith.addf %scan3A_198, %mul3A_368 : vector<16xf32>
        %select_n3A_370 = arith.select %and3A_204, %add3A_369, %scan3A_198 : vector<16xf32>
        %select_n3A_371 = arith.select %and3A_318, %mul3A_368, %select_n3A_370 : vector<16xf32>
        %get3A_372 = arith.index_cast %scan3A_191 : i32 to index
        %get3A_373 = arith.constant 112 : index
        %get3A_374 = tpu.vector_load %arg12[%get3A_372, %get3A_373] {strides = array<i32>} : memref<128x128xf32, #tpu.memory_space<vmem>>, vector<16xf32>,
        %mul3A_375 = arith.mulf %get3A_374, %gather3A_316 : vector<16xf32>
        %add3A_376 = arith.addf %scan3A_199, %mul3A_375 : vector<16xf32>
        %select_n3A_377 = arith.select %and3A_204, %add3A_376, %scan3A_199 : vector<16xf32>
        %select_n3A_378 = arith.select %and3A_318, %mul3A_375, %select_n3A_377 : vector<16xf32>
        %select_n3A_379 = arith.select %and3A_318, %reduce_max3A_262, %scan3A_200 : i32
        %or3A = arith.ori %scan3A_201, %and3A_318 : i1
        scf.yield %select_n3A_329, %select_n3A_336, %select_n3A_343, %select_n3A_350, %select_n3A_357, %select_n3A_364, %select_n3A_371, %select_n3A_378, %select_n3A_379, %or3A : vector<16xf32>, vector<16xf32>, vector<16xf32>, vector<16xf32>, vector<16xf32>, vector<16xf32>, vector<16xf32>, vector<16xf32>, i32, i1
      }
      %scan3A_190 = arith.constant 128 : i32
      scf.yield %scan3A_189#0, %scan3A_189#1, %scan3A_189#2, %scan3A_189#3, %scan3A_189#4, %scan3A_189#5, %scan3A_189#6, %scan3A_189#7, %scan3A_189#8, %scan3A_189#9 : vector<16xf32>, vector<16xf32>, vector<16xf32>, vector<16xf32>, vector<16xf32>, vector<16xf32>, vector<16xf32>, vector<16xf32>, i32, i1
    }
    %while3A_166 = arith.constant 1 : i32
    %while3A_167:10 = scf.for %while3A_169 = %while3A_163 to %while3A_159 step %while3A_166 iter_args(%while3A_170 = %while3A_165#0, %while3A_171 = %while3A_165#1, %while3A_172 = %while3A_165#2, %while3A_173 = %while3A_165#3, %while3A_174 = %while3A_165#4, %while3A_175 = %while3A_165#5, %while3A_176 = %while3A_165#6, %while3A_177 = %while3A_165#7, %while3A_178 = %while3A_165#8, %while3A_179 = %while3A_165#9) -> (vector<16xf32>, vector<16xf32>, vector<16xf32>, vector<16xf32>, vector<16xf32>, vector<16xf32>, vector<16xf32>, vector<16xf32>, i32, i1)  : i32 {
      %mul3A_180 = arith.constant 128 : i32
      %mul3A_181 = arith.muli %while3A_169, %mul3A_180 : i32
      "tpu.region"() ({
        %run_scoped3A = tpu.sem_alloc : memref<!tpu.dma_semaphore, #tpu.memory_space<semaphore_mem>>
        %dma_start3A_191 = tpu.memref_slice %arg3[%mul3A_181] : memref<320000xi32, #tpu.memory_space<hbm>> -> memref<128xi32, #tpu.memory_space<hbm>>
        %dma_start3A_192 = tpu.memref_slice %arg3[%mul3A_181] : memref<320000xi32, #tpu.memory_space<hbm>> -> memref<128xi32, #tpu.memory_space<hbm>>
        tpu.enqueue_dma source(%dma_start3A_192 : memref<128xi32, #tpu.memory_space<hbm>>) target(%arg9 : memref<128xi32, #tpu.memory_space<vmem>>) target_semaphore(%run_scoped3A : memref<!tpu.dma_semaphore, #tpu.memory_space<semaphore_mem>>)
        %dma_wait3A_193 = tpu.memref_slice %arg3[%mul3A_181] : memref<320000xi32, #tpu.memory_space<hbm>> -> memref<128xi32, #tpu.memory_space<hbm>>
        %dma_wait3A_194 = tpu.memref_slice %arg3[%mul3A_181] : memref<320000xi32, #tpu.memory_space<hbm>> -> memref<128xi32, #tpu.memory_space<hbm>>
        tpu.wait_dma2 semaphore(%run_scoped3A : memref<!tpu.dma_semaphore, #tpu.memory_space<semaphore_mem>>) src(%dma_wait3A_194 : memref<128xi32, #tpu.memory_space<hbm>>) dst(%arg9 : memref<128xi32, #tpu.memory_space<vmem>>)
        tpu.yield
      }) : () -> ()
      "tpu.region"() ({
        %run_scoped3A = tpu.sem_alloc : memref<!tpu.dma_semaphore, #tpu.memory_space<semaphore_mem>>
        %dma_start3A_191 = tpu.memref_slice %arg4[%mul3A_181] : memref<320000xi32, #tpu.memory_space<hbm>> -> memref<128xi32, #tpu.memory_space<hbm>>
        %dma_start3A_192 = tpu.memref_slice %arg4[%mul3A_181] : memref<320000xi32, #tpu.memory_space<hbm>> -> memref<128xi32, #tpu.memory_space<hbm>>
        tpu.enqueue_dma source(%dma_start3A_192 : memref<128xi32, #tpu.memory_space<hbm>>) target(%arg10 : memref<128xi32, #tpu.memory_space<vmem>>) target_semaphore(%run_scoped3A : memref<!tpu.dma_semaphore, #tpu.memory_space<semaphore_mem>>)
        %dma_wait3A_193 = tpu.memref_slice %arg4[%mul3A_181] : memref<320000xi32, #tpu.memory_space<hbm>> -> memref<128xi32, #tpu.memory_space<hbm>>
        %dma_wait3A_194 = tpu.memref_slice %arg4[%mul3A_181] : memref<320000xi32, #tpu.memory_space<hbm>> -> memref<128xi32, #tpu.memory_space<hbm>>
        tpu.wait_dma2 semaphore(%run_scoped3A : memref<!tpu.dma_semaphore, #tpu.memory_space<semaphore_mem>>) src(%dma_wait3A_194 : memref<128xi32, #tpu.memory_space<hbm>>) dst(%arg10 : memref<128xi32, #tpu.memory_space<vmem>>)
        tpu.yield
      }) : () -> ()
      "tpu.region"() ({
        %run_scoped3A = tpu.sem_alloc : memref<!tpu.dma_semaphore, #tpu.memory_space<semaphore_mem>>
        %dma_start3A_191 = tpu.memref_slice %arg5[%mul3A_181] : memref<320000xf32, #tpu.memory_space<hbm>> -> memref<128xf32, #tpu.memory_space<hbm>>
        %dma_start3A_192 = tpu.memref_slice %arg5[%mul3A_181] : memref<320000xf32, #tpu.memory_space<hbm>> -> memref<128xf32, #tpu.memory_space<hbm>>
        tpu.enqueue_dma source(%dma_start3A_192 : memref<128xf32, #tpu.memory_space<hbm>>) target(%arg11 : memref<128xf32, #tpu.memory_space<vmem>>) target_semaphore(%run_scoped3A : memref<!tpu.dma_semaphore, #tpu.memory_space<semaphore_mem>>)
        %dma_wait3A_193 = tpu.memref_slice %arg5[%mul3A_181] : memref<320000xf32, #tpu.memory_space<hbm>> -> memref<128xf32, #tpu.memory_space<hbm>>
        %dma_wait3A_194 = tpu.memref_slice %arg5[%mul3A_181] : memref<320000xf32, #tpu.memory_space<hbm>> -> memref<128xf32, #tpu.memory_space<hbm>>
        tpu.wait_dma2 semaphore(%run_scoped3A : memref<!tpu.dma_semaphore, #tpu.memory_space<semaphore_mem>>) src(%dma_wait3A_194 : memref<128xf32, #tpu.memory_space<hbm>>) dst(%arg11 : memref<128xf32, #tpu.memory_space<vmem>>)
        tpu.yield
      }) : () -> ()
      %dma_start3A = arith.constant 0 : i32
      %dma_start3A_182 = arith.constant 0 : i32
      %dma_start3A_183 = tpu.memref_slice %arg2[%dma_start3A, %dma_start3A_182] : memref<10000x128xf32, #tpu.memory_space<hbm>> -> memref<10000x128xf32, #tpu.memory_space<hbm>>
      tpu.enqueue_indirect_dma source(%dma_start3A_183 : memref<10000x128xf32, #tpu.memory_space<hbm>>) target(%arg12 : memref<128x128xf32, #tpu.memory_space<vmem>>) offsets(%arg9 : memref<128xi32, #tpu.memory_space<vmem>>) semaphore(%arg16 : memref<!tpu.dma_semaphore, #tpu.memory_space<semaphore_mem>>)
      %dma_wait3A = arith.constant 0 : i32
      %dma_wait3A_184 = arith.constant 0 : i32
      %dma_wait3A_185 = tpu.memref_slice %arg2[%dma_wait3A, %dma_wait3A_184] : memref<10000x128xf32, #tpu.memory_space<hbm>> -> memref<10000x128xf32, #tpu.memory_space<hbm>>
      tpu.wait_indirect_dma semaphore(%arg16 : memref<!tpu.dma_semaphore, #tpu.memory_space<semaphore_mem>>) src(%dma_wait3A_185 : memref<10000x128xf32, #tpu.memory_space<hbm>>) dst(%arg12 : memref<128x128xf32, #tpu.memory_space<vmem>>)
      %scan3A = arith.constant 0 : i32
      %scan3A_186 = arith.constant 128 : i32
      %scan3A_187 = arith.addi %scan3A, %scan3A_186 : i32
      %scan3A_188 = arith.constant 1 : i32
      %scan3A_189:10 = scf.for %scan3A_191 = %scan3A to %scan3A_187 step %scan3A_188 iter_args(%scan3A_192 = %while3A_170, %scan3A_193 = %while3A_171, %scan3A_194 = %while3A_172, %scan3A_195 = %while3A_173, %scan3A_196 = %while3A_174, %scan3A_197 = %while3A_175, %scan3A_198 = %while3A_176, %scan3A_199 = %while3A_177, %scan3A_200 = %while3A_178, %scan3A_201 = %while3A_179) -> (vector<16xf32>, vector<16xf32>, vector<16xf32>, vector<16xf32>, vector<16xf32>, vector<16xf32>, vector<16xf32>, vector<16xf32>, i32, i1)  : i32 {
        %add3A_202 = arith.addi %mul3A_181, %scan3A_191 : i32
        %ge3A = arith.cmpi sge, %add3A_202, %reduce_max3A_44 : i32
        %lt3A_203 = arith.cmpi slt, %add3A_202, %reduce_max3A_102 : i32
        %and3A_204 = arith.andi %ge3A, %lt3A_203 : i1
        %jit3A_205 = arith.constant 16 : i32
        %div3A_206 = arith.divsi %scan3A_191, %jit3A_205 : i32
        %sign3A_207 = arith.constant 0 : i32
        %sign3A_208 = arith.cmpi sgt, %scan3A_191, %sign3A_207 : i32
        %sign3A_209 = arith.extui %sign3A_208 : i1 to i32
        %sign3A_210 = arith.constant 0 : i32
        %sign3A_211 = arith.cmpi slt, %scan3A_191, %sign3A_210 : i32
        %sign3A_212 = arith.extui %sign3A_211 : i1 to i32
        %sign3A_213 = arith.subi %sign3A_209, %sign3A_212 : i32
        %sign3A_214 = arith.constant 0 : i32
        %sign3A_215 = arith.cmpi sgt, %jit3A_205, %sign3A_214 : i32
        %sign3A_216 = arith.extui %sign3A_215 : i1 to i32
        %sign3A_217 = arith.constant 0 : i32
        %sign3A_218 = arith.cmpi slt, %jit3A_205, %sign3A_217 : i32
        %sign3A_219 = arith.extui %sign3A_218 : i1 to i32
        %sign3A_220 = arith.subi %sign3A_216, %sign3A_219 : i32
        %ne3A_221 = arith.cmpi ne, %sign3A_213, %sign3A_220 : i32
        %rem3A_222 = arith.remsi %scan3A_191, %jit3A_205 : i32
        %ne3A_223 = arith.constant 0 : i32
        %ne3A_224 = arith.cmpi ne, %rem3A_222, %ne3A_223 : i32
        %and3A_225 = arith.andi %ne3A_221, %ne3A_224 : i1
        %sub3A_226 = arith.constant 1 : i32
        %sub3A_227 = arith.subi %div3A_206, %sub3A_226 : i32
        %select_n3A_228 = arith.select %and3A_225, %sub3A_227, %div3A_206 : i32
        %mul3A_229 = arith.constant 16 : i32
        %mul3A_230 = arith.muli %select_n3A_228, %mul3A_229 : i32
        %get3A_231 = arith.index_cast %mul3A_230 : i32 to index
        %get3A_232 = tpu.vector_load %arg10[%get3A_231] {strides = array<i32>} : memref<128xi32, #tpu.memory_space<vmem>>, vector<16xi32>,
        %iota3A_233 = tpu.iota {dimensions = array<i32: 0>} : vector<16xi32>
        %jit3A_234 = arith.constant 16 : i32
        %eq3A_235 = arith.constant 0 : i32
        %eq3A_236 = arith.cmpi eq, %jit3A_234, %eq3A_235 : i32
        %jit3A_237 = arith.constant 1 : i32
        %select_n3A_238 = arith.select %eq3A_236, %jit3A_237, %jit3A_234 : i32
        %rem3A_239 = arith.remsi %scan3A_191, %select_n3A_238 : i32
        %ne3A_240 = arith.constant 0 : i32
        %ne3A_241 = arith.cmpi ne, %rem3A_239, %ne3A_240 : i32
        %lt3A_242 = arith.constant 0 : i32
        %lt3A_243 = arith.cmpi slt, %rem3A_239, %lt3A_242 : i32
        %lt3A_244 = arith.constant 0 : i32
        %lt3A_245 = arith.cmpi slt, %select_n3A_238, %lt3A_244 : i32
        %ne3A_246 = arith.xori %lt3A_243, %lt3A_245 : i1
        %and3A_247 = arith.andi %ne3A_246, %ne3A_241 : i1
        %add3A_248 = arith.addi %rem3A_239, %select_n3A_238 : i32
        %select_n3A_249 = arith.select %and3A_247, %add3A_248, %rem3A_239 : i32
        %eq3A_250 = vector.broadcast %select_n3A_249 : i32 to vector<16xi32>
        %eq3A_251 = arith.cmpi eq, %iota3A_233, %eq3A_250 : vector<16xi32>
        %jit3A_252 = arith.constant -2147483648 : i32
        %broadcast_in_dim3A_253 = vector.broadcast %jit3A_252 : i32 to vector<16xi32>
        %select_n3A_254 = arith.select %eq3A_251, %get3A_232, %broadcast_in_dim3A_253 : vector<16xi1>, vector<16xi32>
        %reduce_max3A_255 = arith.constant true
        %reduce_max3A_256 = vector.broadcast %reduce_max3A_255 : i1 to vector<16xi1>
        %reduce_max3A_257 = arith.constant -2147483648 : i32
        %reduce_max3A_258 = vector.broadcast %reduce_max3A_257 : i32 to vector<16xi32>
        %reduce_max3A_259 = arith.xori %select_n3A_254, %reduce_max3A_258 : vector<16xi32>
        %reduce_max3A_260 = tpu.scan <max>, %reduce_max3A_259 masked %reduce_max3A_256 : vector<16xi32>, vector<16xi1> -> vector<16xi32>
        %reduce_max3A_261 = arith.xori %reduce_max3A_260, %reduce_max3A_258 : vector<16xi32>
        %reduce_max3A_262 = vector.extract %reduce_max3A_261[15] : i32 from vector<16xi32>
        %jit3A_263 = arith.constant 16 : i32
        %div3A_264 = arith.divsi %scan3A_191, %jit3A_263 : i32
        %sign3A_265 = arith.constant 0 : i32
        %sign3A_266 = arith.cmpi sgt, %scan3A_191, %sign3A_265 : i32
        %sign3A_267 = arith.extui %sign3A_266 : i1 to i32
        %sign3A_268 = arith.constant 0 : i32
        %sign3A_269 = arith.cmpi slt, %scan3A_191, %sign3A_268 : i32
        %sign3A_270 = arith.extui %sign3A_269 : i1 to i32
        %sign3A_271 = arith.subi %sign3A_267, %sign3A_270 : i32
        %sign3A_272 = arith.constant 0 : i32
        %sign3A_273 = arith.cmpi sgt, %jit3A_263, %sign3A_272 : i32
        %sign3A_274 = arith.extui %sign3A_273 : i1 to i32
        %sign3A_275 = arith.constant 0 : i32
        %sign3A_276 = arith.cmpi slt, %jit3A_263, %sign3A_275 : i32
        %sign3A_277 = arith.extui %sign3A_276 : i1 to i32
        %sign3A_278 = arith.subi %sign3A_274, %sign3A_277 : i32
        %ne3A_279 = arith.cmpi ne, %sign3A_271, %sign3A_278 : i32
        %rem3A_280 = arith.remsi %scan3A_191, %jit3A_263 : i32
        %ne3A_281 = arith.constant 0 : i32
        %ne3A_282 = arith.cmpi ne, %rem3A_280, %ne3A_281 : i32
        %and3A_283 = arith.andi %ne3A_279, %ne3A_282 : i1
        %sub3A_284 = arith.constant 1 : i32
        %sub3A_285 = arith.subi %div3A_264, %sub3A_284 : i32
        %select_n3A_286 = arith.select %and3A_283, %sub3A_285, %div3A_264 : i32
        %mul3A_287 = arith.constant 16 : i32
        %mul3A_288 = arith.muli %select_n3A_286, %mul3A_287 : i32
        %get3A_289 = arith.index_cast %mul3A_288 : i32 to index
        %get3A_290 = tpu.vector_load %arg11[%get3A_289] {strides = array<i32>} : memref<128xf32, #tpu.memory_space<vmem>>, vector<16xf32>,
        %jit3A_291 = arith.constant 16 : i32
        %eq3A_292 = arith.constant 0 : i32
        %eq3A_293 = arith.cmpi eq, %jit3A_291, %eq3A_292 : i32
        %jit3A_294 = arith.constant 1 : i32
        %select_n3A_295 = arith.select %eq3A_293, %jit3A_294, %jit3A_291 : i32
        %rem3A_296 = arith.remsi %scan3A_191, %select_n3A_295 : i32
        %ne3A_297 = arith.constant 0 : i32
        %ne3A_298 = arith.cmpi ne, %rem3A_296, %ne3A_297 : i32
        %lt3A_299 = arith.constant 0 : i32
        %lt3A_300 = arith.cmpi slt, %rem3A_296, %lt3A_299 : i32
        %lt3A_301 = arith.constant 0 : i32
        %lt3A_302 = arith.cmpi slt, %select_n3A_295, %lt3A_301 : i32
        %ne3A_303 = arith.xori %lt3A_300, %lt3A_302 : i1
        %and3A_304 = arith.andi %ne3A_303, %ne3A_298 : i1
        %add3A_305 = arith.addi %rem3A_296, %select_n3A_295 : i32
        %select_n3A_306 = arith.select %and3A_304, %add3A_305, %rem3A_296 : i32
        %broadcast_in_dim3A_307 = vector.broadcast %select_n3A_306 : i32 to vector<16xi32>
        %lt3A_308 = arith.constant 0 : i32
        %lt3A_309 = vector.broadcast %lt3A_308 : i32 to vector<16xi32>
        %lt3A_310 = arith.cmpi slt, %broadcast_in_dim3A_307, %lt3A_309 : vector<16xi32>
        %add3A_311 = arith.constant 16 : i32
        %add3A_312 = vector.broadcast %add3A_311 : i32 to vector<16xi32>
        %add3A_313 = arith.addi %broadcast_in_dim3A_307, %add3A_312 : vector<16xi32>
        %select_n3A_314 = arith.select %lt3A_310, %add3A_313, %broadcast_in_dim3A_307 : vector<16xi1>, vector<16xi32>
        %broadcast_in_dim3A_315 = vector.shape_cast %select_n3A_314 : vector<16xi32> to vector<16x1xi32>
        %gather3A = vector.shape_cast %broadcast_in_dim3A_315 : vector<16x1xi32> to vector<16xi32>
        %gather3A_316 = tpu.dynamic_gather %get3A_290[%gather3A] in [0] : vector<16xf32>, vector<16xi32> -> vector<16xf32>
        %ne3A_317 = arith.cmpi ne, %reduce_max3A_262, %scan3A_200 : i32
        %and3A_318 = arith.andi %and3A_204, %ne3A_317 : i1
        %and3A_319 = arith.andi %and3A_318, %scan3A_201 : i1
        %convert_element_type3A_320 = arith.extui %and3A_319 : i1 to i32
        %cond3A_321 = arith.constant 0 : i32
        %cond3A_322 = arith.cmpi ne, %convert_element_type3A_320, %cond3A_321 : i32
        scf.if %cond3A_322 {
          %swap3A = arith.constant 0 : i32
          %swap3A_380 = arith.index_cast %swap3A : i32 to index
          %swap3A_381 = arith.constant 0 : index
          %swap3A_382 = tpu.vector_load %arg13[%swap3A_380, %swap3A_381] {strides = array<i32>} : memref<1x128xf32, #tpu.memory_space<vmem>>, vector<16xf32>,
          tpu.vector_store %arg13[%swap3A_380, %swap3A_381], %scan3A_192 {strides = array<i32>} : memref<1x128xf32, #tpu.memory_space<vmem>>, vector<16xf32>,
          %swap3A_383 = arith.constant 0 : i32
          %swap3A_384 = arith.index_cast %swap3A_383 : i32 to index
          %swap3A_385 = arith.constant 16 : index
          %swap3A_386 = tpu.vector_load %arg13[%swap3A_384, %swap3A_385] {strides = array<i32>} : memref<1x128xf32, #tpu.memory_space<vmem>>, vector<16xf32>,
          tpu.vector_store %arg13[%swap3A_384, %swap3A_385], %scan3A_193 {strides = array<i32>} : memref<1x128xf32, #tpu.memory_space<vmem>>, vector<16xf32>,
          %swap3A_387 = arith.constant 0 : i32
          %swap3A_388 = arith.index_cast %swap3A_387 : i32 to index
          %swap3A_389 = arith.constant 32 : index
          %swap3A_390 = tpu.vector_load %arg13[%swap3A_388, %swap3A_389] {strides = array<i32>} : memref<1x128xf32, #tpu.memory_space<vmem>>, vector<16xf32>,
          tpu.vector_store %arg13[%swap3A_388, %swap3A_389], %scan3A_194 {strides = array<i32>} : memref<1x128xf32, #tpu.memory_space<vmem>>, vector<16xf32>,
          %swap3A_391 = arith.constant 0 : i32
          %swap3A_392 = arith.index_cast %swap3A_391 : i32 to index
          %swap3A_393 = arith.constant 48 : index
          %swap3A_394 = tpu.vector_load %arg13[%swap3A_392, %swap3A_393] {strides = array<i32>} : memref<1x128xf32, #tpu.memory_space<vmem>>, vector<16xf32>,
          tpu.vector_store %arg13[%swap3A_392, %swap3A_393], %scan3A_195 {strides = array<i32>} : memref<1x128xf32, #tpu.memory_space<vmem>>, vector<16xf32>,
          %swap3A_395 = arith.constant 0 : i32
          %swap3A_396 = arith.index_cast %swap3A_395 : i32 to index
          %swap3A_397 = arith.constant 64 : index
          %swap3A_398 = tpu.vector_load %arg13[%swap3A_396, %swap3A_397] {strides = array<i32>} : memref<1x128xf32, #tpu.memory_space<vmem>>, vector<16xf32>,
          tpu.vector_store %arg13[%swap3A_396, %swap3A_397], %scan3A_196 {strides = array<i32>} : memref<1x128xf32, #tpu.memory_space<vmem>>, vector<16xf32>,
          %swap3A_399 = arith.constant 0 : i32
          %swap3A_400 = arith.index_cast %swap3A_399 : i32 to index
          %swap3A_401 = arith.constant 80 : index
          %swap3A_402 = tpu.vector_load %arg13[%swap3A_400, %swap3A_401] {strides = array<i32>} : memref<1x128xf32, #tpu.memory_space<vmem>>, vector<16xf32>,
          tpu.vector_store %arg13[%swap3A_400, %swap3A_401], %scan3A_197 {strides = array<i32>} : memref<1x128xf32, #tpu.memory_space<vmem>>, vector<16xf32>,
          %swap3A_403 = arith.constant 0 : i32
          %swap3A_404 = arith.index_cast %swap3A_403 : i32 to index
          %swap3A_405 = arith.constant 96 : index
          %swap3A_406 = tpu.vector_load %arg13[%swap3A_404, %swap3A_405] {strides = array<i32>} : memref<1x128xf32, #tpu.memory_space<vmem>>, vector<16xf32>,
          tpu.vector_store %arg13[%swap3A_404, %swap3A_405], %scan3A_198 {strides = array<i32>} : memref<1x128xf32, #tpu.memory_space<vmem>>, vector<16xf32>,
          %swap3A_407 = arith.constant 0 : i32
          %swap3A_408 = arith.index_cast %swap3A_407 : i32 to index
          %swap3A_409 = arith.constant 112 : index
          %swap3A_410 = tpu.vector_load %arg13[%swap3A_408, %swap3A_409] {strides = array<i32>} : memref<1x128xf32, #tpu.memory_space<vmem>>, vector<16xf32>,
          tpu.vector_store %arg13[%swap3A_408, %swap3A_409], %scan3A_199 {strides = array<i32>} : memref<1x128xf32, #tpu.memory_space<vmem>>, vector<16xf32>,
          "tpu.region"() ({
            %run_scoped3A = tpu.sem_alloc : memref<!tpu.dma_semaphore, #tpu.memory_space<semaphore_mem>>
            %dma_start3A_411 = arith.constant 0 : i32
            %dma_start3A_412 = arith.constant 0 : i32
            %dma_start3A_413 = tpu.memref_slice %arg8[%scan3A_200, %dma_start3A_411, %dma_start3A_412] : memref<10000x1x128xf32, #tpu.memory_space<hbm>> -> memref<1x1x128xf32, #tpu.memory_space<hbm>>
            %dma_start3A_414 = tpu.memref_squeeze %dma_start3A_413 : memref<1x1x128xf32, #tpu.memory_space<hbm>> -> memref<1x128xf32, #tpu.memory_space<hbm>>
            %dma_start3A_415 = arith.constant 0 : i32
            %dma_start3A_416 = arith.constant 0 : i32
            %dma_start3A_417 = tpu.memref_slice %arg8[%scan3A_200, %dma_start3A_415, %dma_start3A_416] : memref<10000x1x128xf32, #tpu.memory_space<hbm>> -> memref<1x1x128xf32, #tpu.memory_space<hbm>>
            %dma_start3A_418 = tpu.memref_squeeze %dma_start3A_417 : memref<1x1x128xf32, #tpu.memory_space<hbm>> -> memref<1x128xf32, #tpu.memory_space<hbm>>
            tpu.enqueue_dma source(%arg13 : memref<1x128xf32, #tpu.memory_space<vmem>>) target(%dma_start3A_418 : memref<1x128xf32, #tpu.memory_space<hbm>>) target_semaphore(%run_scoped3A : memref<!tpu.dma_semaphore, #tpu.memory_space<semaphore_mem>>)
            %dma_wait3A_419 = arith.constant 0 : i32
            %dma_wait3A_420 = arith.constant 0 : i32
            %dma_wait3A_421 = tpu.memref_slice %arg8[%scan3A_200, %dma_wait3A_419, %dma_wait3A_420] : memref<10000x1x128xf32, #tpu.memory_space<hbm>> -> memref<1x1x128xf32, #tpu.memory_space<hbm>>
            %dma_wait3A_422 = tpu.memref_squeeze %dma_wait3A_421 : memref<1x1x128xf32, #tpu.memory_space<hbm>> -> memref<1x128xf32, #tpu.memory_space<hbm>>
            %dma_wait3A_423 = arith.constant 0 : i32
            %dma_wait3A_424 = arith.constant 0 : i32
            %dma_wait3A_425 = tpu.memref_slice %arg8[%scan3A_200, %dma_wait3A_423, %dma_wait3A_424] : memref<10000x1x128xf32, #tpu.memory_space<hbm>> -> memref<1x1x128xf32, #tpu.memory_space<hbm>>
            %dma_wait3A_426 = tpu.memref_squeeze %dma_wait3A_425 : memref<1x1x128xf32, #tpu.memory_space<hbm>> -> memref<1x128xf32, #tpu.memory_space<hbm>>
            tpu.wait_dma2 semaphore(%run_scoped3A : memref<!tpu.dma_semaphore, #tpu.memory_space<semaphore_mem>>) src(%arg13 : memref<1x128xf32, #tpu.memory_space<vmem>>) dst(%dma_wait3A_426 : memref<1x128xf32, #tpu.memory_space<hbm>>)
            tpu.yield
          }) : () -> ()
        } else {
        }
        %get3A_323 = arith.index_cast %scan3A_191 : i32 to index
        %get3A_324 = arith.constant 0 : index
        %get3A_325 = tpu.vector_load %arg12[%get3A_323, %get3A_324] {strides = array<i32>} : memref<128x128xf32, #tpu.memory_space<vmem>>, vector<16xf32>,
        %mul3A_326 = arith.mulf %get3A_325, %gather3A_316 : vector<16xf32>
        %add3A_327 = arith.addf %scan3A_192, %mul3A_326 : vector<16xf32>
        %select_n3A_328 = arith.select %and3A_204, %add3A_327, %scan3A_192 : vector<16xf32>
        %select_n3A_329 = arith.select %and3A_318, %mul3A_326, %select_n3A_328 : vector<16xf32>
        %get3A_330 = arith.index_cast %scan3A_191 : i32 to index
        %get3A_331 = arith.constant 16 : index
        %get3A_332 = tpu.vector_load %arg12[%get3A_330, %get3A_331] {strides = array<i32>} : memref<128x128xf32, #tpu.memory_space<vmem>>, vector<16xf32>,
        %mul3A_333 = arith.mulf %get3A_332, %gather3A_316 : vector<16xf32>
        %add3A_334 = arith.addf %scan3A_193, %mul3A_333 : vector<16xf32>
        %select_n3A_335 = arith.select %and3A_204, %add3A_334, %scan3A_193 : vector<16xf32>
        %select_n3A_336 = arith.select %and3A_318, %mul3A_333, %select_n3A_335 : vector<16xf32>
        %get3A_337 = arith.index_cast %scan3A_191 : i32 to index
        %get3A_338 = arith.constant 32 : index
        %get3A_339 = tpu.vector_load %arg12[%get3A_337, %get3A_338] {strides = array<i32>} : memref<128x128xf32, #tpu.memory_space<vmem>>, vector<16xf32>,
        %mul3A_340 = arith.mulf %get3A_339, %gather3A_316 : vector<16xf32>
        %add3A_341 = arith.addf %scan3A_194, %mul3A_340 : vector<16xf32>
        %select_n3A_342 = arith.select %and3A_204, %add3A_341, %scan3A_194 : vector<16xf32>
        %select_n3A_343 = arith.select %and3A_318, %mul3A_340, %select_n3A_342 : vector<16xf32>
        %get3A_344 = arith.index_cast %scan3A_191 : i32 to index
        %get3A_345 = arith.constant 48 : index
        %get3A_346 = tpu.vector_load %arg12[%get3A_344, %get3A_345] {strides = array<i32>} : memref<128x128xf32, #tpu.memory_space<vmem>>, vector<16xf32>,
        %mul3A_347 = arith.mulf %get3A_346, %gather3A_316 : vector<16xf32>
        %add3A_348 = arith.addf %scan3A_195, %mul3A_347 : vector<16xf32>
        %select_n3A_349 = arith.select %and3A_204, %add3A_348, %scan3A_195 : vector<16xf32>
        %select_n3A_350 = arith.select %and3A_318, %mul3A_347, %select_n3A_349 : vector<16xf32>
        %get3A_351 = arith.index_cast %scan3A_191 : i32 to index
        %get3A_352 = arith.constant 64 : index
        %get3A_353 = tpu.vector_load %arg12[%get3A_351, %get3A_352] {strides = array<i32>} : memref<128x128xf32, #tpu.memory_space<vmem>>, vector<16xf32>,
        %mul3A_354 = arith.mulf %get3A_353, %gather3A_316 : vector<16xf32>
        %add3A_355 = arith.addf %scan3A_196, %mul3A_354 : vector<16xf32>
        %select_n3A_356 = arith.select %and3A_204, %add3A_355, %scan3A_196 : vector<16xf32>
        %select_n3A_357 = arith.select %and3A_318, %mul3A_354, %select_n3A_356 : vector<16xf32>
        %get3A_358 = arith.index_cast %scan3A_191 : i32 to index
        %get3A_359 = arith.constant 80 : index
        %get3A_360 = tpu.vector_load %arg12[%get3A_358, %get3A_359] {strides = array<i32>} : memref<128x128xf32, #tpu.memory_space<vmem>>, vector<16xf32>,
        %mul3A_361 = arith.mulf %get3A_360, %gather3A_316 : vector<16xf32>
        %add3A_362 = arith.addf %scan3A_197, %mul3A_361 : vector<16xf32>
        %select_n3A_363 = arith.select %and3A_204, %add3A_362, %scan3A_197 : vector<16xf32>
        %select_n3A_364 = arith.select %and3A_318, %mul3A_361, %select_n3A_363 : vector<16xf32>
        %get3A_365 = arith.index_cast %scan3A_191 : i32 to index
        %get3A_366 = arith.constant 96 : index
        %get3A_367 = tpu.vector_load %arg12[%get3A_365, %get3A_366] {strides = array<i32>} : memref<128x128xf32, #tpu.memory_space<vmem>>, vector<16xf32>,
        %mul3A_368 = arith.mulf %get3A_367, %gather3A_316 : vector<16xf32>
        %add3A_369 = arith.addf %scan3A_198, %mul3A_368 : vector<16xf32>
        %select_n3A_370 = arith.select %and3A_204, %add3A_369, %scan3A_198 : vector<16xf32>
        %select_n3A_371 = arith.select %and3A_318, %mul3A_368, %select_n3A_370 : vector<16xf32>
        %get3A_372 = arith.index_cast %scan3A_191 : i32 to index
        %get3A_373 = arith.constant 112 : index
        %get3A_374 = tpu.vector_load %arg12[%get3A_372, %get3A_373] {strides = array<i32>} : memref<128x128xf32, #tpu.memory_space<vmem>>, vector<16xf32>,
        %mul3A_375 = arith.mulf %get3A_374, %gather3A_316 : vector<16xf32>
        %add3A_376 = arith.addf %scan3A_199, %mul3A_375 : vector<16xf32>
        %select_n3A_377 = arith.select %and3A_204, %add3A_376, %scan3A_199 : vector<16xf32>
        %select_n3A_378 = arith.select %and3A_318, %mul3A_375, %select_n3A_377 : vector<16xf32>
        %select_n3A_379 = arith.select %and3A_318, %reduce_max3A_262, %scan3A_200 : i32
        %or3A = arith.ori %scan3A_201, %and3A_318 : i1
        scf.yield %select_n3A_329, %select_n3A_336, %select_n3A_343, %select_n3A_350, %select_n3A_357, %select_n3A_364, %select_n3A_371, %select_n3A_378, %select_n3A_379, %or3A : vector<16xf32>, vector<16xf32>, vector<16xf32>, vector<16xf32>, vector<16xf32>, vector<16xf32>, vector<16xf32>, vector<16xf32>, i32, i1
      }
      %scan3A_190 = arith.constant 128 : i32
      scf.yield %scan3A_189#0, %scan3A_189#1, %scan3A_189#2, %scan3A_189#3, %scan3A_189#4, %scan3A_189#5, %scan3A_189#6, %scan3A_189#7, %scan3A_189#8, %scan3A_189#9 : vector<16xf32>, vector<16xf32>, vector<16xf32>, vector<16xf32>, vector<16xf32>, vector<16xf32>, vector<16xf32>, vector<16xf32>, i32, i1
    }
    %convert_element_type3A = arith.extui %while3A_167#9 : i1 to i32
    %cond3A = arith.constant 0 : i32
    %cond3A_168 = arith.cmpi ne, %convert_element_type3A, %cond3A : i32
    scf.if %cond3A_168 {
      %swap3A = arith.constant 0 : i32
      %swap3A_169 = arith.index_cast %swap3A : i32 to index
      %swap3A_170 = arith.constant 0 : index
      %swap3A_171 = tpu.vector_load %arg13[%swap3A_169, %swap3A_170] {strides = array<i32>} : memref<1x128xf32, #tpu.memory_space<vmem>>, vector<16xf32>,
      tpu.vector_store %arg13[%swap3A_169, %swap3A_170], %while3A_167#0 {strides = array<i32>} : memref<1x128xf32, #tpu.memory_space<vmem>>, vector<16xf32>,
      %swap3A_172 = arith.constant 0 : i32
      %swap3A_173 = arith.index_cast %swap3A_172 : i32 to index
      %swap3A_174 = arith.constant 16 : index
      %swap3A_175 = tpu.vector_load %arg13[%swap3A_173, %swap3A_174] {strides = array<i32>} : memref<1x128xf32, #tpu.memory_space<vmem>>, vector<16xf32>,
      tpu.vector_store %arg13[%swap3A_173, %swap3A_174], %while3A_167#1 {strides = array<i32>} : memref<1x128xf32, #tpu.memory_space<vmem>>, vector<16xf32>,
      %swap3A_176 = arith.constant 0 : i32
      %swap3A_177 = arith.index_cast %swap3A_176 : i32 to index
      %swap3A_178 = arith.constant 32 : index
      %swap3A_179 = tpu.vector_load %arg13[%swap3A_177, %swap3A_178] {strides = array<i32>} : memref<1x128xf32, #tpu.memory_space<vmem>>, vector<16xf32>,
      tpu.vector_store %arg13[%swap3A_177, %swap3A_178], %while3A_167#2 {strides = array<i32>} : memref<1x128xf32, #tpu.memory_space<vmem>>, vector<16xf32>,
      %swap3A_180 = arith.constant 0 : i32
      %swap3A_181 = arith.index_cast %swap3A_180 : i32 to index
      %swap3A_182 = arith.constant 48 : index
      %swap3A_183 = tpu.vector_load %arg13[%swap3A_181, %swap3A_182] {strides = array<i32>} : memref<1x128xf32, #tpu.memory_space<vmem>>, vector<16xf32>,
      tpu.vector_store %arg13[%swap3A_181, %swap3A_182], %while3A_167#3 {strides = array<i32>} : memref<1x128xf32, #tpu.memory_space<vmem>>, vector<16xf32>,
      %swap3A_184 = arith.constant 0 : i32
      %swap3A_185 = arith.index_cast %swap3A_184 : i32 to index
      %swap3A_186 = arith.constant 64 : index
      %swap3A_187 = tpu.vector_load %arg13[%swap3A_185, %swap3A_186] {strides = array<i32>} : memref<1x128xf32, #tpu.memory_space<vmem>>, vector<16xf32>,
      tpu.vector_store %arg13[%swap3A_185, %swap3A_186], %while3A_167#4 {strides = array<i32>} : memref<1x128xf32, #tpu.memory_space<vmem>>, vector<16xf32>,
      %swap3A_188 = arith.constant 0 : i32
      %swap3A_189 = arith.index_cast %swap3A_188 : i32 to index
      %swap3A_190 = arith.constant 80 : index
      %swap3A_191 = tpu.vector_load %arg13[%swap3A_189, %swap3A_190] {strides = array<i32>} : memref<1x128xf32, #tpu.memory_space<vmem>>, vector<16xf32>,
      tpu.vector_store %arg13[%swap3A_189, %swap3A_190], %while3A_167#5 {strides = array<i32>} : memref<1x128xf32, #tpu.memory_space<vmem>>, vector<16xf32>,
      %swap3A_192 = arith.constant 0 : i32
      %swap3A_193 = arith.index_cast %swap3A_192 : i32 to index
      %swap3A_194 = arith.constant 96 : index
      %swap3A_195 = tpu.vector_load %arg13[%swap3A_193, %swap3A_194] {strides = array<i32>} : memref<1x128xf32, #tpu.memory_space<vmem>>, vector<16xf32>,
      tpu.vector_store %arg13[%swap3A_193, %swap3A_194], %while3A_167#6 {strides = array<i32>} : memref<1x128xf32, #tpu.memory_space<vmem>>, vector<16xf32>,
      %swap3A_196 = arith.constant 0 : i32
      %swap3A_197 = arith.index_cast %swap3A_196 : i32 to index
      %swap3A_198 = arith.constant 112 : index
      %swap3A_199 = tpu.vector_load %arg13[%swap3A_197, %swap3A_198] {strides = array<i32>} : memref<1x128xf32, #tpu.memory_space<vmem>>, vector<16xf32>,
      tpu.vector_store %arg13[%swap3A_197, %swap3A_198], %while3A_167#7 {strides = array<i32>} : memref<1x128xf32, #tpu.memory_space<vmem>>, vector<16xf32>,
      "tpu.region"() ({
        %run_scoped3A = tpu.sem_alloc : memref<!tpu.dma_semaphore, #tpu.memory_space<semaphore_mem>>
        %dma_start3A = arith.constant 0 : i32
        %dma_start3A_200 = arith.constant 0 : i32
        %dma_start3A_201 = tpu.memref_slice %arg8[%while3A_167#8, %dma_start3A, %dma_start3A_200] : memref<10000x1x128xf32, #tpu.memory_space<hbm>> -> memref<1x1x128xf32, #tpu.memory_space<hbm>>
        %dma_start3A_202 = tpu.memref_squeeze %dma_start3A_201 : memref<1x1x128xf32, #tpu.memory_space<hbm>> -> memref<1x128xf32, #tpu.memory_space<hbm>>
        %dma_start3A_203 = arith.constant 0 : i32
        %dma_start3A_204 = arith.constant 0 : i32
        %dma_start3A_205 = tpu.memref_slice %arg8[%while3A_167#8, %dma_start3A_203, %dma_start3A_204] : memref<10000x1x128xf32, #tpu.memory_space<hbm>> -> memref<1x1x128xf32, #tpu.memory_space<hbm>>
        %dma_start3A_206 = tpu.memref_squeeze %dma_start3A_205 : memref<1x1x128xf32, #tpu.memory_space<hbm>> -> memref<1x128xf32, #tpu.memory_space<hbm>>
        tpu.enqueue_dma source(%arg13 : memref<1x128xf32, #tpu.memory_space<vmem>>) target(%dma_start3A_206 : memref<1x128xf32, #tpu.memory_space<hbm>>) target_semaphore(%run_scoped3A : memref<!tpu.dma_semaphore, #tpu.memory_space<semaphore_mem>>)
        %dma_wait3A = arith.constant 0 : i32
        %dma_wait3A_207 = arith.constant 0 : i32
        %dma_wait3A_208 = tpu.memref_slice %arg8[%while3A_167#8, %dma_wait3A, %dma_wait3A_207] : memref<10000x1x128xf32, #tpu.memory_space<hbm>> -> memref<1x1x128xf32, #tpu.memory_space<hbm>>
        %dma_wait3A_209 = tpu.memref_squeeze %dma_wait3A_208 : memref<1x1x128xf32, #tpu.memory_space<hbm>> -> memref<1x128xf32, #tpu.memory_space<hbm>>
        %dma_wait3A_210 = arith.constant 0 : i32
        %dma_wait3A_211 = arith.constant 0 : i32
        %dma_wait3A_212 = tpu.memref_slice %arg8[%while3A_167#8, %dma_wait3A_210, %dma_wait3A_211] : memref<10000x1x128xf32, #tpu.memory_space<hbm>> -> memref<1x1x128xf32, #tpu.memory_space<hbm>>
        %dma_wait3A_213 = tpu.memref_squeeze %dma_wait3A_212 : memref<1x1x128xf32, #tpu.memory_space<hbm>> -> memref<1x128xf32, #tpu.memory_space<hbm>>
        tpu.wait_dma2 semaphore(%run_scoped3A : memref<!tpu.dma_semaphore, #tpu.memory_space<semaphore_mem>>) src(%arg13 : memref<1x128xf32, #tpu.memory_space<vmem>>) dst(%dma_wait3A_213 : memref<1x128xf32, #tpu.memory_space<hbm>>)
        tpu.yield
      }) : () -> ()
    } else {
    }
    return
  }
}

module attributes {stable_mosaic.version = 14 : i64} {
  func.func @_tc_mask_body(%arg0: memref<10000x1x128xf32, #tpu.memory_space<vmem>>, %arg1: memref<10000x1xf32, #tpu.memory_space<vmem>>, %arg2: memref<10000x128xf32, #tpu.memory_space<vmem>>) attributes {dimension_semantics = [], scalar_prefetch = 0 : i64, scratch_operands = 0 : i64, tpu.core_type = #tpu.core_type<tc>} {
    %get3A = arith.constant 0 : index
    %get3A_0 = arith.constant 0 : index
    %get3A_1 = vector.load %arg1[%get3A, %get3A_0] : memref<10000x1xf32, #tpu.memory_space<vmem>>, vector<10000x1xf32>
    %gt3A = arith.constant 0.000000e+00 : f32
    %gt3A_2 = vector.broadcast %gt3A : f32 to vector<10000x1xf32>
    %gt3A_3 = arith.cmpf ogt, %get3A_1, %gt3A_2 : vector<10000x1xf32>
    %get3A_4 = arith.constant 0 : index
    %get3A_5 = arith.constant 0 : index
    %get3A_6 = arith.constant 0 : index
    %get3A_7 = vector.load %arg0[%get3A_4, %get3A_5, %get3A_6] : memref<10000x1x128xf32, #tpu.memory_space<vmem>>, vector<10000x1x128xf32>
    %get3A_8 = vector.shape_cast %get3A_7 : vector<10000x1x128xf32> to vector<10000x128xf32>
    %jit3A = arith.constant 0.000000e+00 : f32
    %broadcast_in_dim3A = vector.shape_cast %gt3A_3 : vector<10000x1xi1> to vector<10000x1xi1>
    %broadcast_in_dim3A_9 = vector.broadcast %broadcast_in_dim3A : vector<10000x1xi1> to vector<10000x128xi1>
    %broadcast_in_dim3A_10 = vector.broadcast %jit3A : f32 to vector<10000x128xf32>
    %select_n3A = arith.select %broadcast_in_dim3A_9, %get3A_8, %broadcast_in_dim3A_10 : vector<10000x128xi1>, vector<10000x128xf32>
    %swap3A = arith.constant 0 : index
    %swap3A_11 = arith.constant 0 : index
    %swap3A_12 = vector.load %arg2[%swap3A, %swap3A_11] : memref<10000x128xf32, #tpu.memory_space<vmem>>, vector<10000x128xf32>
    tpu.vector_store %arg2[%swap3A, %swap3A_11], %select_n3A {strides = array<i32>} : memref<10000x128xf32, #tpu.memory_space<vmem>>, vector<10000x128xf32>,
    return
  }
}

</mosaic_0001>

<sc_bundles>
// kernel: gather_offload_async_start.1
scs
__scs_entry_jumppad:
0x0: {  	(pc) =	sbr.rel $0x88, $3  }
0x1: {  	(tag) =	ssettag $0x0;
	lr =	simm.s32 $0x1  }
0x2: {  	[smem:$0x3F94] =	sst lr;
	_ =	strace $0xD0000000  }
0x3: {  	_ = 	snop  }
0x4: {  	_ = 	snop  }
0x5: {  	_ = 	snop  }
0x6: {  	_ = 	snop  }
0x7: {  	_ = 	snop  }
__scs_overlays_trampoline_lowered:
0x8: {  	[smem:$0x3FA3] =	sst s0  }
0x9: {  	[smem:$0x3FA4] =	sst s1  }
0xa: {  	[smem:$0x3FA5] =	sst s2  }
0xb: {  	[smem:$0x3FA6] =	sst s3  }
0xc: {  	[smem:$0x3FA7] =	sst s4  }
0xd: {  	[smem:$0x3FA8] =	sst s5  }
0xe: {  	[smem:$0x3FA9] =	sst s6  }
0xf: {  	[smem:$0x3FAA] =	sst s7  }
0x10: {  	[smem:$0x3FAB] =	sst s8  }
0x11: {  	[smem:$0x3FAC] =	sst s9;
	s0 =	simm.s32 @!p0 $0x0  }
0x12: {  	s1 =	sld [smem:$0x3F92];
	s0 =	simm.s32 @p0 $0x1  }
0x13: {  	[smem:$0x3FAD] =	sst s0;
	s0 =	simm.s32 @!p1 $0x0  }
0x14: {  	s2 =	sld [smem:$0x3F91];
	s0 =	simm.s32 @p1 $0x1  }
0x15: {  	[smem:$0x3FAE] =	sst s0;
	s0 =	simm.s32 @!p2 $0x0  }
0x16: {  	s3 =	sld [smem:$0x3FDB];
	s0 =	simm.s32 @p2 $0x1  }
0x17: {  	s4 =	simm.s32 $0x1BF5;
	[smem:$0x3FB0] =	sst s0  }
0x18: {  	s0 =	sld [smem:$0x3F93];
	_ =	swait.ge [sflag:s4], $0x0  }
0x19: {  	s7 =	sld [smem:$0x3F94]  }
0x1a: {  	s8 =	sadd.s32 $0xFFFFE003, lr  }
0x1b: {  	s9 =	sadd.s32 $0xFFFFFEF7, lr;
	s5 =	simm.s32 $0xFFFFFFFF;
	p2 =	slt.u32 s8, $0xFFFFF086  }
0x1c: {  	p1 =	slt.u32 s9, $0xF7A;
	s5 =	simm.s32 @!p2 $0x0  }
0x1d: {  	s5 =	simm.s32 @p1 $0x1;
	p0 =	seq.s32 s7, s2  }
0x1e: {  	s7 =	smul.u32 @!p0 $0xF7A, s2;
	p2 =	seq.s32 @!p0 s5, $0x0  }
0x1f: {  	s9 =	smul.u32 $0xF7A, s1;
	s8 =	simm.s32 @!p0 $0x1BF5;
	p2 =	por !p2, p0  }
0x20: {  	[sflag:s8] =	ssyncset.s32 @!p0 $0xFFFFF086;
	s6 =	sadd.s32 @!p0 s3, s7;
	s7 =	simm.s32 @!p0 $0x108  }
0x21: {  	s3 =	sadd.s32 s3, s9;
	s6 =	sadd.s32 @!p0 $0x88, s6;
	s7 =	simm.s32 @p2 $0x1082  }
0x22: {  	[simem:s7], [sflag:s8] =	dma.local @!p0 [hbm:s6], $0xF7A  }
0x23: {  	s9 =	sor.u32 $0xD0000000, s2;
	s6 =	simm.s32 $0x108;
	_ =	swait.ge @!p0 [sflag:s8], $0x0  }
0x24: {  	s3 =	sadd.s32 $0x88, s3;
	s6 =	simm.s32 @!p1 $0x1082;
	[sflag:s4] =	ssyncset.s32 $0xFFFFF086  }
0x25: {  	[simem:s6], [sflag:s4] =	dma.local [hbm:s3], $0xF7A  }
0x26: {  	[smem:$0x3F94] =	sst s1;
	(tag) =	ssettag s2;
	_ =	strace s9  }
0x27: {  	s1 =	sld [smem:$0x3FA4]  }
0x28: {  	s2 =	sld [smem:$0x3FA5]  }
0x29: {  	s4 =	sld [smem:$0x3FA7]  }
0x2a: {  	p0 =	seq.s32 s5, $0x0;
	s5 =	sld [smem:$0x3FA8]  }
0x2b: {  	s6 =	sld [smem:$0x3FA9]  }
0x2c: {  	s7 =	sld [smem:$0x3FAA]  }
0x2d: {  	s3 =	simm.s32 $0x108;
	s8 =	sld [smem:$0x3FAB]  }
0x2e: {  	s3 =	simm.s32 @!p0 $0x1082;
	s9 =	sld [smem:$0x3FAC]  }
0x2f: {  	lr =	sadd.s32 s0, s3;
	s0 =	sld [smem:$0x3FA3]  }
0x30: {  	s3 =	sld [smem:$0x3FA6]  }
0x31: {  	[smem:$0x3FAF] =	sst s10  }
0x32: {  	s10 =	sld [smem:$0x3FAD];
	_ =	sdelay $0x3  }
0x33: {  	p0 =	seq.s32 s10, $0x1;
	s10 =	sld [smem:$0x3FAF];
	_ =	sdelay $0x3  }
0x34: {  	[smem:$0x3FAF] =	sst s10  }
0x35: {  	s10 =	sld [smem:$0x3FAE];
	_ =	sdelay $0x3  }
0x36: {  	p1 =	seq.s32 s10, $0x1;
	s10 =	sld [smem:$0x3FAF];
	_ =	sdelay $0x3  }
0x37: {  	[smem:$0x3FAF] =	sst s10  }
0x38: {  	s10 =	sld [smem:$0x3FB0]  }
0x39: {  	_ = 	snop;
	(pc) =	sbr.ind lr, $3  }
0x3a: {  	_ = 	snop  }
0x3b: {  	_ = 	snop  }
0x3c: {  	p2 =	seq.s32 s10, $0x1;
	s10 =	sld [smem:$0x3FAF]  }
0x3d: {  	_ =	shalt  }
0x3e: {  	_ =	shalt  }
0x3f: {  	_ =	shalt  }
0x40: {  	_ =	shalt  }
0x41: {  	_ =	shalt  }
0x42: {  	_ =	shalt  }
0x43: {  	_ =	shalt  }
0x44: {  	_ =	shalt  }
0x45: {  	_ =	shalt  }
0x46: {  	_ =	shalt  }
0x47: {  	_ =	shalt  }
0x48: {  	_ =	shalt  }
0x49: {  	_ =	shalt  }
0x4a: {  	_ =	shalt  }
0x4b: {  	_ =	shalt  }
0x4c: {  	_ =	shalt  }
0x4d: {  	_ =	shalt  }
0x4e: {  	_ =	shalt  }
0x4f: {  	_ =	shalt  }
0x50: {  	_ =	shalt  }
0x51: {  	_ =	shalt  }
0x52: {  	_ =	shalt  }
0x53: {  	_ =	shalt  }
0x54: {  	_ =	shalt  }
0x55: {  	_ =	shalt  }
0x56: {  	_ =	shalt  }
0x57: {  	_ =	shalt  }
0x58: {  	_ =	shalt  }
0x59: {  	_ =	shalt  }
0x5a: {  	_ =	shalt  }
0x5b: {  	_ =	shalt  }
0x5c: {  	_ =	shalt  }
0x5d: {  	_ =	shalt  }
0x5e: {  	_ =	shalt  }
0x5f: {  	_ =	shalt  }
0x60: {  	_ =	shalt  }
0x61: {  	_ =	shalt  }
0x62: {  	_ =	shalt  }
0x63: {  	_ =	shalt  }
0x64: {  	_ =	shalt  }
0x65: {  	_ =	shalt  }
0x66: {  	_ =	shalt  }
0x67: {  	_ =	shalt  }
0x68: {  	_ =	shalt  }
0x69: {  	_ =	shalt  }
0x6a: {  	_ =	shalt  }
0x6b: {  	_ =	shalt  }
0x6c: {  	_ =	shalt  }
0x6d: {  	_ =	shalt  }
0x6e: {  	_ =	shalt  }
0x6f: {  	_ =	shalt  }
0x70: {  	_ =	shalt  }
0x71: {  	_ =	shalt  }
0x72: {  	_ =	shalt  }
0x73: {  	_ =	shalt  }
0x74: {  	_ =	shalt  }
0x75: {  	_ =	shalt  }
0x76: {  	_ =	shalt  }
0x77: {  	_ =	shalt  }
0x78: {  	_ =	shalt  }
0x79: {  	_ =	shalt  }
0x7a: {  	_ =	shalt  }
0x7b: {  	_ =	shalt  }
0x7c: {  	_ =	shalt  }
0x7d: {  	_ =	shalt  }
0x7e: {  	_ =	shalt  }
0x7f: {  	_ =	shalt  }
0x80: {  	_ =	shalt  }
0x81: {  	_ =	shalt  }
0x82: {  	_ =	shalt  }
0x83: {  	_ =	shalt  }
0x84: {  	_ =	shalt  }
0x85: {  	_ =	shalt  }
0x86: {  	_ =	shalt  }
0x87: {  	_ =	shalt  }
.Lfunc_end0:
.L_simem_size_0:
called_computation.2_lowered:
.L_overlay_start_0:
0x88: {  	s0 =	sld [smem:$0x3FD9]  }
0x89: {  	s1 =	sld [smem:$0x3FFE];
	_ =	sdelay $0x3  }
0x8a: {  	s0 =	sadd.s32 s1, s0  }
0x8b: {  	[smem:$0x3FBB] =	sst s0  }
0x8c: {  	_ = 	snop  }
0x8d: {  	(tm) =	ssettm $0x1  }
0x8e: {  	s15 =	sld [smem:$0x3FFB];
	_ =	sdelay $0x3  }
0x8f: {  	_ =	strace s15  }
0x90: {  	s0 =	sld [smem:$0x3FFC];
	_ =	sdelay $0x3  }
0x91: {  	_ =	strace s0  }
0x92: {  	s0 =	sld [smem:$0x3FFD];
	_ =	sdelay $0x3  }
0x93: {  	_ =	strace s0  }
0x94: {  	_ =	strace $0x8FFFFFFF  }
0x95: {  	s16 =	sld [smem:$0x3FDB];
	_ =	sdelay $0x1  }
0x96: {  	s17 =	simm.s32 $_scs_section_size  }
0x97: {  	s2 =	simm.s32 $_size__tile_overlayer_lowered;
	s3 =	simm.s32 $_tile_overlayer_lowered  }
0x98: {  	s20 =	simm.s32 $0x1BFF;
	s19 =	sshll.u32 s3, $0x1;
	s0 =	sadd.s32 s17, s16  }
0x99: {  	s4 =	simm.s32 $0x0;
	s18 =	sshll.u32 s2, $0x1;
	s2 =	sadd.s32 s19, s0  }
0x9a: {  	[timem:s4], [sflag:s20] =	dma.local [hbm:s2], s18  }
0x9b: {  	_ =	swait.ge [sflag:s20], s18  }
0x9c: {  	s1 =	ssub.s32 $0x0, s18;
	[sflag:s20] =	ssyncset.done $0x0  }
0x9d: {  	[sflag:s20] =	ssyncadd.s32 s1;
	_ =	sdelay $0x1  }
0x9e: {  	s21 =	simm.s32 $0x1B8B  }
0x9f: {  	_ =	swait.ge [sflag:s21], $0x1  }
0xa0: {  	[sflag:s21] =	ssyncset.done $0x0  }
0xa1: {  	s23 =	simm.s32 $0x1B8E;
	s22 =	sld [smem:$0x3FFE];
	[sflag:s21] =	ssyncadd.s32 $0xFFFFFFFF  }
0xa2: {  	s24 =	simm.s32 $execute0_lowered;
	[smem:$0x3FD2] =	sst s23  }
0xa3: {  	s2 =	sshll.u32 s24, $0x1;
	_ =	strace $0x8000005B;
	[dreg:$0x1] =	wrdreg $0xFFFFFFFF  }
0xa4: {  	s25 =	simm.s32 $_size_execute0_lowered;
	s0 =	sadd.s32 s0, s2;
	[dreg:$0x0] =	wrdreg $0x0  }
0xa5: {  	s2 =	sshll.u32 s25, $0x1;
	[dreg:$0x2] =	wrdreg s0  }
0xa6: {  	[dreg:$0x3] =	wrdreg s2  }
0xa7: {  	[dreg:$0x4] =	wrdreg $0xC0  }
0xa8: {  	_ =	task [dreg:s4], $0x5FFFF  }
0xa9: {  	[dreg:$0x1] =	wrdreg $0xFFFFFFFF  }
0xaa: {  	[dreg:$0x0] =	wrdreg $0x60  }
0xab: {  	[dreg:$0x2] =	wrdreg s22  }
0xac: {  	[dreg:$0x3] =	wrdreg $0x9  }
0xad: {  	_ =	task.clear_ibuf [dreg:s4], $0x4FFFF;
	_ =	strace $0x9000005B  }
0xae: {  	s26 =	simm.s32 $0x9;
	_ =	strace $0x8000005D  }
0xaf: {  	_ =	swait.ge [sflag:s26], $0x1  }
0xb0: {  	[sflag:s26] =	ssyncadd.s32 $0xFFFFFFFF  }
0xb1: {  	_ =	strace $0x9000005D  }
0xb2: {  	_ =	sfence  }
0xb3: {  	s28 =	sld [smem:$0x0];
	_ =	sdelay $0x1  }
0xb4: {  	s29 =	srdreg.scid  }
0xb5: {  	s30 =	sshll.u32 s29, $0xD;
	s31 =	sshrl.u32 s29, $0x2  }
0xb6: {  	s1 =	sand.u32 $0x1, s29;
	s2 =	sand.u32 $0x4000, s30;
	s0 =	sadd.s32 s31, s28  }
0xb7: {  	s1 =	sor.u32 s2, s1;
	s0 =	sshll.u32 s0, $0x11  }
0xb8: {  	s0 =	sor.u32 s0, s1  }
0xb9: {  	s0 =	sadd.s32 $0x8F2B, s0  }
0xba: {  	[sflag:s0] =	ssyncadd.remote.s32 $0x1  }
0xbb: {  	_ =	sfence.sel $0xFFFF  }
0xbc: {  	[dreg:$0x0] =	wrdreg $0xFFFFFFFF;
	(pc) =	sbr.abs _section_cstart, $3  }
0xbd: {  	[dreg:$0x1] =	wrdreg $0xFFFFFFFF  }
0xbe: {  	_ =	task.clear_ibuf [dreg:s4], $0x2FFFF;
	_ =	strace $0x9FFFFFFF  }
0xbf: {  	(tm) =	ssettm $0x7FFFFFFF  }
tec
execute0_lowered:
.L_overlay_start_1:
0x0: {  	(tag) =	ssettag $0x1  }
0x1: {  	s8 =	rddreg [dreg:$0x0]  }
0x2: {  	s0 =	rddreg [dreg:$0x1];
	_ =	strace $0x8000005C  }
0x3: {  	s4 =	simm.s32 $0x1;
	s1 =	stileid.u32;
	s7 =	simm.s32 $0x1  }
0x4: {  	s9 =	simm.s32 $0x1;
	s6 =	simm.s32 $0x2;
	s10 =	simm.s32 $0x3  }
0x5: {  	s13 =	simm.s32 $0x0;
	s12 =	simm.s32 $0x0;
	s2 =	sadd.s32 $0x27A00, s8  }
.Ltmp0:
0x6: {  	s3 =	sadd.s32 $0x600, s8;
	p0 =	slt.u32 s1, $0xA;
	(pc) =	sbr.rel .LBB2_1-.Ltmp0, $4  }
0x7: {  	[sflag:s4] =	ssyncpa.u1 $0x0;
	s7 =	simm.s32 @!p0 $0x0;
	p0 =	sne.s32 s1, $0x9  }
0x8: {  	s5 =	smul.u32 $0x190, s1;
	[sflag:s6] =	ssyncpa.u1 $0x0;
	s9 =	simm.s32 @!p0 $0x0  }
0x9: {  	s8 =	sadd.s32 $0x1000, s8;
	[sflag:s10] =	ssyncpa.u1 $0x0;
	s7 =	sadd.s32 s9, s7  }
0xa: {  	vm0 =	vmmov $0xffff;
	s10 =	simm.s32 $0x0;
	s11 =	smov.u32 s5;
	s9 =	sadd.s32 $0x1, s7  }
.LBB2_4:
0xb: {  	v2 =	vnsel vm1, $0x0, v2  }
0xc: {  	vm1 =	vgt.s32 v0, $0x0;
	v2 =	vmin.u32 v2, $0x4E1FF  }
0xd: {  	v0 =	vnsel vm1, $0x0, v0  }
0xe: {  	v0 =	vmin.u32 v0, $0x4E1FF  }
0xf: {  	[tilespmem:s18], [sflag:$0x1] =	stream.indirect_vreg.gather [hbm4b:s2+s10], $0x1, v1, vm0, $0x4038;
	[tilespmem:$0x640] =	vst v63  }
0x10: {  	(ifvalue) =	ssetifvalue $0x7FFFFFFF  }
0x11: {  	[tilespmem:s15], [sflag:$0x1] =	stream.indirect_vreg.gather [hbm4b:s2+s10], $0x1, v2, vm0, $0x4038;
	[tilespmem:$0x640] =	vst v63  }
0x12: {  	s29 =	sadd.s32 $0x10, s15;
	(ifvalue) =	ssetifvalue $0x7FFFFFFF  }
0x13: {  	[tilespmem:s29], [sflag:$0x1] =	stream.indirect_vreg.gather [hbm4b:s2+s10], $0x1, v0, vm0, $0x4038;
	[tilespmem:$0x640] =	vst v63  }
0x14: {  	_ =	swait.ge [sflag:s4], $0x190  }
0x15: {  	s30 =	sshrl.u32 s13, $0x3;
	[sflag:s4] =	ssyncset.done $0x0  }
0x16: {  	s31 =	sand.u32 $0x7, s13;
	s15 =	sadd.s32 s8, s30;
	[sflag:s4] =	ssyncadd.s32 $0xFFFFFE70  }
0x17: {  	[hbm4b:s15+s31] =	stream.linear.scatter [tilespmem:s14], [sflag:$0x3], $0x190, $0x38;
	[tilespmem:$0x640] =	vst v63  }
.LBB2_5:
0x18: {  	s15 =	sadd.s32 $0x1900, s11  }
0x19: {  	p1 =	sgt.s32 s15, $0x270F  }
0x1a: {  	s15 =	smov.u32 @p1 s5;
	p1 =	sne.s32 s12, s9  }
.Ltmp1:
0x1b: {  	p0 =	slt.u32 s12, $0x2;
	(pc) =	sbr.rel @!p1 .LBB2_6-.Ltmp1, $4  }
0x1c: {  	s14 =	simm.s32 @!p0 $0x3  }
0x1d: {  	_ =	swait.ge @!p0 [sflag:s14], $0x190  }
0x1e: {  	s16 =	sadd.s32 $0x1, s12;
	s13 =	smov.u32 s11;
	[sflag:s14] =	ssyncset.done @!p0 $0x0  }
0x1f: {  	s12 =	smov.u32 s16;
	s11 =	smov.u32 s15;
	[sflag:s14] =	ssyncadd.s32 @!p0 $0xFFFFFE70  }
.LBB2_1:
0x20: {  	p0 =	sge.u32 s12, s7  }
0x21: {  	s14 =	sxor.u32 @!p0 $0x1, s12  }
0x22: {  	s14 =	smul.u32 @!p0 $0x640, s14  }
0x23: {  	s31 =	sadd.s32 $0xFFFFFFFF, s12;
	s15 =	sshrl.u32 @!p0 s11, $0x3  }
0x24: {  	s16 =	sand.u32 @!p0 $0x7, s11;
	s15 =	sadd.s32 @!p0 s3, s15;
	s14 =	sshra.s32 @!p0 s14, $0x2  }
0x25: {  	[tilespmem:s14], [sflag:$0x2] =	stream.linear.gather @!p0 [hbm4b:s15+s16], $0x190, $0x38;
	[tilespmem:$0x640] =	vst v63  }
0x26: {  	p0 =	sge.u32 s31, s7  }
.Ltmp2:
0x27: {  	_ = 	snop;
	(pc) =	sbr.rel @p0 .LBB2_5-.Ltmp2, $1  }
0x28: {  	_ =	sdelay $0x3  }
0x29: {  	s14 =	sand.u32 $0x1, s12  }
0x2a: {  	_ =	swait.ge [sflag:s6], $0x190;
	p0 =	seq.s32 s14, $0x1;
	s14 =	simm.s32 $0x190  }
0x2b: {  	[sflag:s6] =	ssyncset.done $0x0;
	s14 =	simm.s32 @!p0 $0x0  }
0x2c: {  	[sflag:s6] =	ssyncadd.s32 $0xFFFFFE70;
	(ifvalue) =	ssetifvalue $0x7FFFFFFF;
	v0 =	vld.msk [tilespmem:s14+$0x0 ss:$0x1], $0xffff;
	_ =	sdelay $0x4  }
0x2d: {  	s15 =	sadd.s32 $0x10, s14;
	vm1 =	vgt.s32 v0, $0x0  }
0x2e: {  	v2 =	vld.msk [tilespmem:s15+$0x0 ss:$0x1], $0xffff;
	v1 =	vnsel vm1, $0x0, v0  }
0x2f: {  	v1 =	vmin.u32 v1, $0x4E1FF;
	_ =	sdelay $0x2  }
0x30: {  	s17 =	simm.s32 $0x20;
	s14 =	sadd.s32 $0x320, s14;
	s16 =	sadd.s32 $0x10, s15  }
0x31: {  	s15 =	sadd.s32 $0x10, s14;
	s18 =	smov.u32 s14;
	v0 =	vld.msk [tilespmem:s16+$0x0 ss:$0x1], $0xffff;
	vm1 =	vgt.s32 v2, $0x0;
	(ifvalue) =	ssetifvalue $0x7FFFFFFF  }
.LBB2_3:
0x32: {  	[tilespmem:s18], [sflag:$0x1] =	stream.indirect_vreg.gather [hbm4b:s2+s10], $0x1, v1, vm0, $0x4038;
	[tilespmem:$0x640] =	vst v63  }
0x33: {  	s17 =	sadd.s32 $0x10, s17  }
0x34: {  	v2 =	vnsel vm1, $0x0, v2;
	p0 =	slt.u32 s17, $0x180  }
.Ltmp3:
0x35: {  	s18 =	smov.u32 s15;
	v1 =	vmin.u32 v2, $0x4E1FF;
	(pc) =	sbr.rel @p0 .LBB2_3-.Ltmp3, $3  }
0x36: {  	_ =	sdelay $0x1  }
0x37: {  	s16 =	sadd.s32 $0x10, s16  }
0x38: {  	vm1 =	vgt.s32 v0, $0x0;
	s15 =	sadd.s32 $0x10, s15;
	v2 =	vmov v0;
	(ifvalue) =	ssetifvalue $0x7FFFFFFF;
	v0 =	vld.msk [tilespmem:s16+$0x0 ss:$0x1], $0xffff  }
.Ltmp4:
0x39: {  	_ = 	snop;
	(pc) =	sbr.rel .LBB2_4-.Ltmp4, $1  }
0x3a: {  	_ =	sdelay $0x3  }
.LBB2_6:
0x3b: {  	_ =	sfence.sel $0x180000  }
0x3c: {  	s2 =	simm.s32 $0x2;
	[bflag:$0x0] =	sbarrier.arrive $0xFFFF  }
0x3d: {  	s30 =	simm.s32 $0x3;
	[sflag:s2] =	ssyncpa.u1 $0x1  }
0x3e: {  	s31 =	simm.s32 $0x1;
	[sflag:s30] =	ssyncpa.u1 $0x1  }
0x3f: {  	[sflag:s31] =	ssyncpa.u1 $0x1  }
0x40: {  	p0 =	sne.s32 s1, $0x0;
	_ =	strace $0x9000005C  }
0x41: {  	s0 =	sadd.s32 @!p0 $0x100000, s0;
	[bflag:$0x2] =	sbarrier.arrive $0xFFFF  }
0x42: {  	[sflag:s0] =	ssyncadd.tile.s32 @!p0 $0x1;
	_ =	shalt  }
.Lfunc_end2:
_tile_overlayer_lowered:
.L_overlay_start_2:
0x43: {  	(tag) =	ssettag $0x2  }
0x44: {  	s0 =	rddreg [dreg:$0x0];
	s2 =	stileid.u32  }
0x45: {  	s1 =	rddreg [dreg:$0x1];
	p0 =	sne.s32 s2, $0x0  }
0x46: {  	s3 =	rddreg [dreg:$0x2];
	[bflag:$0x3] =	sbarrier.arrive $0xFFFF;
	s2 =	simm.s32 @!p0 $0x1C01  }
0x47: {  	[timem:s3], [sflag:s2] =	dma.local @!p0 [hbm:s0], s1  }
0x48: {  	s0 =	simm.s32 @!p0 $0x1  }
0x49: {  	_ =	swait.ge @!p0 [sflag:s0], s1  }
0x4a: {  	s1 =	ssub.s32 @!p0 $0x0, s1;
	[sflag:s0] =	ssyncset.done @!p0 $0x0  }
0x4b: {  	[sflag:s0] =	ssyncadd.s32 @!p0 s1  }
0x4c: {  	[bflag:$0x3] =	sbarrier.arrive $0xFFFF  }
0x4d: {  	_ =	shalt  }

// kernel: gather_offload_async_start.2
scs
__scs_entry_jumppad:
0x0: {  	(pc) =	sbr.rel $0x88, $3  }
0x1: {  	(tag) =	ssettag $0x0;
	lr =	simm.s32 $0x1  }
0x2: {  	[smem:$0x3F94] =	sst lr;
	_ =	strace $0xD0000000  }
0x3: {  	_ = 	snop  }
0x4: {  	_ = 	snop  }
0x5: {  	_ = 	snop  }
0x6: {  	_ = 	snop  }
0x7: {  	_ = 	snop  }
__scs_overlays_trampoline_lowered:
0x8: {  	[smem:$0x3FA3] =	sst s0  }
0x9: {  	[smem:$0x3FA4] =	sst s1  }
0xa: {  	[smem:$0x3FA5] =	sst s2  }
0xb: {  	[smem:$0x3FA6] =	sst s3  }
0xc: {  	[smem:$0x3FA7] =	sst s4  }
0xd: {  	[smem:$0x3FA8] =	sst s5  }
0xe: {  	[smem:$0x3FA9] =	sst s6  }
0xf: {  	[smem:$0x3FAA] =	sst s7  }
0x10: {  	[smem:$0x3FAB] =	sst s8  }
0x11: {  	[smem:$0x3FAC] =	sst s9;
	s0 =	simm.s32 @!p0 $0x0  }
0x12: {  	s1 =	sld [smem:$0x3F92];
	s0 =	simm.s32 @p0 $0x1  }
0x13: {  	[smem:$0x3FAD] =	sst s0;
	s0 =	simm.s32 @!p1 $0x0  }
0x14: {  	s2 =	sld [smem:$0x3F91];
	s0 =	simm.s32 @p1 $0x1  }
0x15: {  	[smem:$0x3FAE] =	sst s0;
	s0 =	simm.s32 @!p2 $0x0  }
0x16: {  	s3 =	sld [smem:$0x3FDB];
	s0 =	simm.s32 @p2 $0x1  }
0x17: {  	s4 =	simm.s32 $0x1BF5;
	[smem:$0x3FB0] =	sst s0  }
0x18: {  	s0 =	sld [smem:$0x3F93];
	_ =	swait.ge [sflag:s4], $0x0  }
0x19: {  	s7 =	sld [smem:$0x3F94]  }
0x1a: {  	s8 =	sadd.s32 $0xFFFFE003, lr  }
0x1b: {  	s9 =	sadd.s32 $0xFFFFFEF7, lr;
	s5 =	simm.s32 $0xFFFFFFFF;
	p2 =	slt.u32 s8, $0xFFFFF086  }
0x1c: {  	p1 =	slt.u32 s9, $0xF7A;
	s5 =	simm.s32 @!p2 $0x0  }
0x1d: {  	s5 =	simm.s32 @p1 $0x1;
	p0 =	seq.s32 s7, s2  }
0x1e: {  	s7 =	smul.u32 @!p0 $0xF7A, s2;
	p2 =	seq.s32 @!p0 s5, $0x0  }
0x1f: {  	s9 =	smul.u32 $0xF7A, s1;
	s8 =	simm.s32 @!p0 $0x1BF5;
	p2 =	por !p2, p0  }
0x20: {  	[sflag:s8] =	ssyncset.s32 @!p0 $0xFFFFF086;
	s6 =	sadd.s32 @!p0 s3, s7;
	s7 =	simm.s32 @!p0 $0x108  }
0x21: {  	s3 =	sadd.s32 s3, s9;
	s6 =	sadd.s32 @!p0 $0x88, s6;
	s7 =	simm.s32 @p2 $0x1082  }
0x22: {  	[simem:s7], [sflag:s8] =	dma.local @!p0 [hbm:s6], $0xF7A  }
0x23: {  	s9 =	sor.u32 $0xD0000000, s2;
	s6 =	simm.s32 $0x108;
	_ =	swait.ge @!p0 [sflag:s8], $0x0  }
0x24: {  	s3 =	sadd.s32 $0x88, s3;
	s6 =	simm.s32 @!p1 $0x1082;
	[sflag:s4] =	ssyncset.s32 $0xFFFFF086  }
0x25: {  	[simem:s6], [sflag:s4] =	dma.local [hbm:s3], $0xF7A  }
0x26: {  	[smem:$0x3F94] =	sst s1;
	(tag) =	ssettag s2;
	_ =	strace s9  }
0x27: {  	s1 =	sld [smem:$0x3FA4]  }
0x28: {  	s2 =	sld [smem:$0x3FA5]  }
0x29: {  	s4 =	sld [smem:$0x3FA7]  }
0x2a: {  	p0 =	seq.s32 s5, $0x0;
	s5 =	sld [smem:$0x3FA8]  }
0x2b: {  	s6 =	sld [smem:$0x3FA9]  }
0x2c: {  	s7 =	sld [smem:$0x3FAA]  }
0x2d: {  	s3 =	simm.s32 $0x108;
	s8 =	sld [smem:$0x3FAB]  }
0x2e: {  	s3 =	simm.s32 @!p0 $0x1082;
	s9 =	sld [smem:$0x3FAC]  }
0x2f: {  	lr =	sadd.s32 s0, s3;
	s0 =	sld [smem:$0x3FA3]  }
0x30: {  	s3 =	sld [smem:$0x3FA6]  }
0x31: {  	[smem:$0x3FAF] =	sst s10  }
0x32: {  	s10 =	sld [smem:$0x3FAD];
	_ =	sdelay $0x3  }
0x33: {  	p0 =	seq.s32 s10, $0x1;
	s10 =	sld [smem:$0x3FAF];
	_ =	sdelay $0x3  }
0x34: {  	[smem:$0x3FAF] =	sst s10  }
0x35: {  	s10 =	sld [smem:$0x3FAE];
	_ =	sdelay $0x3  }
0x36: {  	p1 =	seq.s32 s10, $0x1;
	s10 =	sld [smem:$0x3FAF];
	_ =	sdelay $0x3  }
0x37: {  	[smem:$0x3FAF] =	sst s10  }
0x38: {  	s10 =	sld [smem:$0x3FB0]  }
0x39: {  	_ = 	snop;
	(pc) =	sbr.ind lr, $3  }
0x3a: {  	_ = 	snop  }
0x3b: {  	_ = 	snop  }
0x3c: {  	p2 =	seq.s32 s10, $0x1;
	s10 =	sld [smem:$0x3FAF]  }
0x3d: {  	_ =	shalt  }
0x3e: {  	_ =	shalt  }
0x3f: {  	_ =	shalt  }
0x40: {  	_ =	shalt  }
0x41: {  	_ =	shalt  }
0x42: {  	_ =	shalt  }
0x43: {  	_ =	shalt  }
0x44: {  	_ =	shalt  }
0x45: {  	_ =	shalt  }
0x46: {  	_ =	shalt  }
0x47: {  	_ =	shalt  }
0x48: {  	_ =	shalt  }
0x49: {  	_ =	shalt  }
0x4a: {  	_ =	shalt  }
0x4b: {  	_ =	shalt  }
0x4c: {  	_ =	shalt  }
0x4d: {  	_ =	shalt  }
0x4e: {  	_ =	shalt  }
0x4f: {  	_ =	shalt  }
0x50: {  	_ =	shalt  }
0x51: {  	_ =	shalt  }
0x52: {  	_ =	shalt  }
0x53: {  	_ =	shalt  }
0x54: {  	_ =	shalt  }
0x55: {  	_ =	shalt  }
0x56: {  	_ =	shalt  }
0x57: {  	_ =	shalt  }
0x58: {  	_ =	shalt  }
0x59: {  	_ =	shalt  }
0x5a: {  	_ =	shalt  }
0x5b: {  	_ =	shalt  }
0x5c: {  	_ =	shalt  }
0x5d: {  	_ =	shalt  }
0x5e: {  	_ =	shalt  }
0x5f: {  	_ =	shalt  }
0x60: {  	_ =	shalt  }
0x61: {  	_ =	shalt  }
0x62: {  	_ =	shalt  }
0x63: {  	_ =	shalt  }
0x64: {  	_ =	shalt  }
0x65: {  	_ =	shalt  }
0x66: {  	_ =	shalt  }
0x67: {  	_ =	shalt  }
0x68: {  	_ =	shalt  }
0x69: {  	_ =	shalt  }
0x6a: {  	_ =	shalt  }
0x6b: {  	_ =	shalt  }
0x6c: {  	_ =	shalt  }
0x6d: {  	_ =	shalt  }
0x6e: {  	_ =	shalt  }
0x6f: {  	_ =	shalt  }
0x70: {  	_ =	shalt  }
0x71: {  	_ =	shalt  }
0x72: {  	_ =	shalt  }
0x73: {  	_ =	shalt  }
0x74: {  	_ =	shalt  }
0x75: {  	_ =	shalt  }
0x76: {  	_ =	shalt  }
0x77: {  	_ =	shalt  }
0x78: {  	_ =	shalt  }
0x79: {  	_ =	shalt  }
0x7a: {  	_ =	shalt  }
0x7b: {  	_ =	shalt  }
0x7c: {  	_ =	shalt  }
0x7d: {  	_ =	shalt  }
0x7e: {  	_ =	shalt  }
0x7f: {  	_ =	shalt  }
0x80: {  	_ =	shalt  }
0x81: {  	_ =	shalt  }
0x82: {  	_ =	shalt  }
0x83: {  	_ =	shalt  }
0x84: {  	_ =	shalt  }
0x85: {  	_ =	shalt  }
0x86: {  	_ =	shalt  }
0x87: {  	_ =	shalt  }
.Lfunc_end0:
.L_simem_size_0:
called_computation.3_lowered:
.L_overlay_start_0:
0x88: {  	s2 =	sld [smem:$0x3FD9]  }
0x89: {  	s3 =	sld [smem:$0x3FFE];
	_ =	sdelay $0x1  }
0x8a: {  	s1 =	srdreg.scid  }
0x8b: {  	s0 =	sand.u32 $0x1, s1  }
0x8c: {  	s16 =	sshll.u32 s0, $0xA;
	s2 =	sadd.s32 s3, s2  }
0x8d: {  	s2 =	sadd.s32 s2, s16  }
0x8e: {  	[smem:$0x3FBB] =	sst s2  }
0x8f: {  	_ = 	snop  }
0x90: {  	(tm) =	ssettm $0x1  }
0x91: {  	s17 =	sld [smem:$0x3FFB];
	_ =	sdelay $0x3  }
0x92: {  	_ =	strace s17  }
0x93: {  	s2 =	sld [smem:$0x3FFC];
	_ =	sdelay $0x3  }
0x94: {  	_ =	strace s2  }
0x95: {  	s2 =	sld [smem:$0x3FFD];
	_ =	sdelay $0x3  }
0x96: {  	_ =	strace s2  }
0x97: {  	_ =	strace $0x8FFFFFFF  }
0x98: {  	s18 =	sld [smem:$0x3FDB];
	_ =	sdelay $0x1  }
0x99: {  	s19 =	simm.s32 $_scs_section_size  }
0x9a: {  	s4 =	simm.s32 $_size__tile_overlayer_lowered;
	s5 =	simm.s32 $_tile_overlayer_lowered  }
0x9b: {  	s22 =	simm.s32 $0x1BFF;
	s21 =	sshll.u32 s5, $0x1;
	s2 =	sadd.s32 s19, s18  }
0x9c: {  	s6 =	simm.s32 $0x0;
	s20 =	sshll.u32 s4, $0x1;
	s4 =	sadd.s32 s21, s2  }
0x9d: {  	[timem:s6], [sflag:s22] =	dma.local [hbm:s4], s20  }
0x9e: {  	_ =	swait.ge [sflag:s22], s20  }
0x9f: {  	s3 =	ssub.s32 $0x0, s20;
	[sflag:s22] =	ssyncset.done $0x0  }
0xa0: {  	[sflag:s22] =	ssyncadd.s32 s3;
	_ =	sdelay $0x1  }
0xa1: {  	s23 =	simm.s32 $0x1B8B  }
0xa2: {  	_ =	swait.ge [sflag:s23], $0x1  }
0xa3: {  	[sflag:s23] =	ssyncset.done $0x0  }
0xa4: {  	s25 =	simm.s32 $0x1B8E;
	s24 =	sld [smem:$0x3FFE];
	[sflag:s23] =	ssyncadd.s32 $0xFFFFFFFF  }
0xa5: {  	s26 =	simm.s32 $execute0_lowered;
	[smem:$0x3FD2] =	sst s25  }
0xa6: {  	s4 =	sshll.u32 s26, $0x1;
	_ =	strace $0x8000004C;
	[dreg:$0x1] =	wrdreg $0xFFFFFFFF  }
0xa7: {  	s28 =	simm.s32 $_size_execute0_lowered;
	s2 =	sadd.s32 s2, s4;
	[dreg:$0x0] =	wrdreg $0x0  }
0xa8: {  	s4 =	sshll.u32 s28, $0x1;
	[dreg:$0x2] =	wrdreg s2  }
0xa9: {  	[dreg:$0x3] =	wrdreg s4  }
0xaa: {  	[dreg:$0x4] =	wrdreg $0xC0  }
0xab: {  	_ =	task [dreg:s6], $0x5FFFF  }
0xac: {  	[dreg:$0x1] =	wrdreg $0xFFFFFFFF  }
0xad: {  	[dreg:$0x0] =	wrdreg $0x60  }
0xae: {  	[dreg:$0x2] =	wrdreg s24  }
0xaf: {  	[dreg:$0x3] =	wrdreg $0x9  }
0xb0: {  	_ =	task.clear_ibuf [dreg:s6], $0x4FFFF;
	_ =	strace $0x9000004C  }
0xb1: {  	s29 =	simm.s32 $0x9;
	_ =	strace $0x8000004E  }
0xb2: {  	_ =	swait.ge [sflag:s29], $0x1  }
0xb3: {  	[sflag:s29] =	ssyncadd.s32 $0xFFFFFFFF  }
0xb4: {  	_ =	strace $0x9000004E  }
0xb5: {  	_ =	sfence  }
0xb6: {  	s30 =	sld [smem:$0x0];
	_ =	sdelay $0x2  }
0xb7: {  	s31 =	sshll.u32 s1, $0xD;
	s1 =	sshrl.u32 s1, $0x2  }
0xb8: {  	s3 =	sand.u32 $0x4000, s31;
	s1 =	sadd.s32 s1, s30  }
0xb9: {  	s0 =	sor.u32 s3, s0;
	s1 =	sshll.u32 s1, $0x11  }
0xba: {  	s0 =	sor.u32 s1, s0  }
0xbb: {  	s0 =	sadd.s32 $0x8F2B, s0  }
0xbc: {  	[sflag:s0] =	ssyncadd.remote.s32 $0x1  }
0xbd: {  	_ =	sfence.sel $0xFFFF  }
0xbe: {  	[dreg:$0x0] =	wrdreg $0xFFFFFFFF;
	(pc) =	sbr.abs _section_cstart, $3  }
0xbf: {  	[dreg:$0x1] =	wrdreg $0xFFFFFFFF  }
0xc0: {  	_ =	task.clear_ibuf [dreg:s6], $0x2FFFF;
	_ =	strace $0x9FFFFFFF  }
0xc1: {  	(tm) =	ssettm $0x7FFFFFFF  }
tec
execute0_lowered:
.L_overlay_start_1:
0x0: {  	(tag) =	ssettag $0x1  }
0x1: {  	s2 =	rddreg [dreg:$0x0]  }
0x2: {  	s0 =	rddreg [dreg:$0x1];
	s1 =	stileid.u32  }
0x3: {  	s3 =	srdreg.scid;
	_ =	strace $0x8000004D;
	s4 =	simm.s32 $0x1  }
0x4: {  	s7 =	simm.s32 $0x1;
	s8 =	simm.s32 $0x1;
	s9 =	simm.s32 $0x3  }
0x5: {  	s10 =	simm.s32 $0x0;
	s5 =	sand.u32 $0x1, s3;
	s6 =	sshll.u32 s1, $0x1  }
0x6: {  	s13 =	simm.s32 $0x0;
	s12 =	simm.s32 $0x0;
	s5 =	sor.u32 s6, s5  }
.Ltmp0:
0x7: {  	[sflag:s4] =	ssyncpa.u1 $0x0;
	p0 =	slt.u32 s5, $0x9;
	(pc) =	sbr.rel .LBB2_1-.Ltmp0, $4  }
0x8: {  	s6 =	simm.s32 $0x2;
	s7 =	simm.s32 @!p0 $0x0;
	p0 =	sne.s32 s5, $0x8  }
0x9: {  	[sflag:s6] =	ssyncpa.u1 $0x0;
	s5 =	smul.u32 $0x1F40, s5;
	s8 =	simm.s32 @!p0 $0x0  }
0xa: {  	s3 =	sadd.s32 $0x1DA00, s2;
	[sflag:s9] =	ssyncpa.u1 $0x0;
	s7 =	sadd.s32 s8, s7  }
0xb: {  	vm0 =	vmmov $0xffff;
	s8 =	sadd.s32 $0xA400, s2;
	s11 =	smov.u32 s5;
	s9 =	sadd.s32 $0x1, s7  }
.LBB2_4:
0xc: {  	v2 =	vnsel vm1, $0x0, v2  }
0xd: {  	vm1 =	vgt.s32 v0, $0x0;
	v2 =	vmin.u32 v2, $0x4E1FF  }
0xe: {  	v0 =	vnsel vm1, $0x0, v0  }
0xf: {  	v0 =	vmin.u32 v0, $0x4E1FF  }
0x10: {  	[tilespmem:s18], [sflag:$0x1] =	stream.indirect_vreg.gather [hbm4b:s2+s10], $0x1, v1, vm0, $0x4038;
	[tilespmem:$0x7D00] =	vst v63  }
0x11: {  	(ifvalue) =	ssetifvalue $0x7FFFFFFF  }
0x12: {  	[tilespmem:s15], [sflag:$0x1] =	stream.indirect_vreg.gather [hbm4b:s2+s10], $0x1, v2, vm0, $0x4038;
	[tilespmem:$0x7D00] =	vst v63  }
0x13: {  	s29 =	sadd.s32 $0x10, s15;
	(ifvalue) =	ssetifvalue $0x7FFFFFFF  }
0x14: {  	[tilespmem:s29], [sflag:$0x1] =	stream.indirect_vreg.gather [hbm4b:s2+s10], $0x1, v0, vm0, $0x4038;
	[tilespmem:$0x7D00] =	vst v63  }
0x15: {  	_ =	swait.ge [sflag:s4], $0x1F40  }
0x16: {  	s30 =	sshrl.u32 s13, $0x3;
	[sflag:s4] =	ssyncset.done $0x0  }
0x17: {  	s31 =	sand.u32 $0x7, s13;
	s15 =	sadd.s32 s8, s30;
	[sflag:s4] =	ssyncadd.s32 $0xFFFFE0C0  }
0x18: {  	[hbm4b:s15+s31] =	stream.linear.scatter [tilespmem:s14], [sflag:$0x3], $0x1F40, $0x38;
	[tilespmem:$0x7D00] =	vst v63  }
.LBB2_5:
0x19: {  	s15 =	sadd.s32 $0x3E800, s11  }
0x1a: {  	p1 =	sgt.s32 s15, $0x4E1FF  }
0x1b: {  	s15 =	smov.u32 @p1 s5;
	p1 =	sne.s32 s12, s9  }
.Ltmp1:
0x1c: {  	p0 =	slt.u32 s12, $0x2;
	(pc) =	sbr.rel @!p1 .LBB2_6-.Ltmp1, $4  }
0x1d: {  	s14 =	simm.s32 @!p0 $0x3  }
0x1e: {  	_ =	swait.ge @!p0 [sflag:s14], $0x1F40  }
0x1f: {  	s16 =	sadd.s32 $0x1, s12;
	s13 =	smov.u32 s11;
	[sflag:s14] =	ssyncset.done @!p0 $0x0  }
0x20: {  	s12 =	smov.u32 s16;
	s11 =	smov.u32 s15;
	[sflag:s14] =	ssyncadd.s32 @!p0 $0xFFFFE0C0  }
.LBB2_1:
0x21: {  	p0 =	sge.u32 s12, s7  }
0x22: {  	s14 =	sxor.u32 @!p0 $0x1, s12  }
0x23: {  	s14 =	smul.u32 @!p0 $0x7D00, s14  }
0x24: {  	s31 =	sadd.s32 $0xFFFFFFFF, s12;
	s15 =	sshrl.u32 @!p0 s11, $0x3  }
0x25: {  	s16 =	sand.u32 @!p0 $0x7, s11;
	s15 =	sadd.s32 @!p0 s3, s15;
	s14 =	sshra.s32 @!p0 s14, $0x2  }
0x26: {  	[tilespmem:s14], [sflag:$0x2] =	stream.linear.gather @!p0 [hbm4b:s15+s16], $0x1F40, $0x38;
	[tilespmem:$0x7D00] =	vst v63  }
0x27: {  	p0 =	sge.u32 s31, s7  }
.Ltmp2:
0x28: {  	_ = 	snop;
	(pc) =	sbr.rel @p0 .LBB2_5-.Ltmp2, $1  }
0x29: {  	_ =	sdelay $0x3  }
0x2a: {  	s14 =	sand.u32 $0x1, s12  }
0x2b: {  	_ =	swait.ge [sflag:s6], $0x1F40;
	p0 =	seq.s32 s14, $0x1;
	s14 =	simm.s32 $0x1F40  }
0x2c: {  	[sflag:s6] =	ssyncset.done $0x0;
	s14 =	simm.s32 @!p0 $0x0  }
0x2d: {  	[sflag:s6] =	ssyncadd.s32 $0xFFFFE0C0;
	(ifvalue) =	ssetifvalue $0x7FFFFFFF;
	v0 =	vld.msk [tilespmem:s14+$0x0 ss:$0x1], $0xffff;
	_ =	sdelay $0x4  }
0x2e: {  	s15 =	sadd.s32 $0x10, s14;
	vm1 =	vgt.s32 v0, $0x0  }
0x2f: {  	v2 =	vld.msk [tilespmem:s15+$0x0 ss:$0x1], $0xffff;
	v1 =	vnsel vm1, $0x0, v0  }
0x30: {  	v1 =	vmin.u32 v1, $0x4E1FF;
	_ =	sdelay $0x2  }
0x31: {  	s17 =	simm.s32 $0x20;
	s14 =	sadd.s32 $0x3E80, s14;
	s16 =	sadd.s32 $0x10, s15  }
0x32: {  	s15 =	sadd.s32 $0x10, s14;
	s18 =	smov.u32 s14;
	v0 =	vld.msk [tilespmem:s16+$0x0 ss:$0x1], $0xffff;
	vm1 =	vgt.s32 v2, $0x0;
	(ifvalue) =	ssetifvalue $0x7FFFFFFF  }
.LBB2_3:
0x33: {  	[tilespmem:s18], [sflag:$0x1] =	stream.indirect_vreg.gather [hbm4b:s2+s10], $0x1, v1, vm0, $0x4038;
	[tilespmem:$0x7D00] =	vst v63  }
0x34: {  	s17 =	sadd.s32 $0x10, s17  }
0x35: {  	v2 =	vnsel vm1, $0x0, v2;
	p0 =	slt.u32 s17, $0x1F30  }
.Ltmp3:
0x36: {  	s18 =	smov.u32 s15;
	v1 =	vmin.u32 v2, $0x4E1FF;
	(pc) =	sbr.rel @p0 .LBB2_3-.Ltmp3, $3  }
0x37: {  	_ =	sdelay $0x1  }
0x38: {  	s16 =	sadd.s32 $0x10, s16  }
0x39: {  	vm1 =	vgt.s32 v0, $0x0;
	s15 =	sadd.s32 $0x10, s15;
	v2 =	vmov v0;
	(ifvalue) =	ssetifvalue $0x7FFFFFFF;
	v0 =	vld.msk [tilespmem:s16+$0x0 ss:$0x1], $0xffff  }
.Ltmp4:
0x3a: {  	_ = 	snop;
	(pc) =	sbr.rel .LBB2_4-.Ltmp4, $1  }
0x3b: {  	_ =	sdelay $0x3  }
.LBB2_6:
0x3c: {  	_ =	sfence.sel $0x180000  }
0x3d: {  	s2 =	simm.s32 $0x2;
	[bflag:$0x0] =	sbarrier.arrive $0xFFFF  }
0x3e: {  	s30 =	simm.s32 $0x3;
	[sflag:s2] =	ssyncpa.u1 $0x1  }
0x3f: {  	s31 =	simm.s32 $0x1;
	[sflag:s30] =	ssyncpa.u1 $0x1  }
0x40: {  	[sflag:s31] =	ssyncpa.u1 $0x1  }
0x41: {  	p0 =	sne.s32 s1, $0x0;
	_ =	strace $0x9000004D  }
0x42: {  	s0 =	sadd.s32 @!p0 $0x100000, s0;
	[bflag:$0x2] =	sbarrier.arrive $0xFFFF  }
0x43: {  	[sflag:s0] =	ssyncadd.tile.s32 @!p0 $0x1;
	_ =	shalt  }
.Lfunc_end2:
_tile_overlayer_lowered:
.L_overlay_start_2:
0x44: {  	(tag) =	ssettag $0x2  }
0x45: {  	s0 =	rddreg [dreg:$0x0];
	s2 =	stileid.u32  }
0x46: {  	s1 =	rddreg [dreg:$0x1];
	p0 =	sne.s32 s2, $0x0  }
0x47: {  	s3 =	rddreg [dreg:$0x2];
	[bflag:$0x3] =	sbarrier.arrive $0xFFFF;
	s2 =	simm.s32 @!p0 $0x1C01  }
0x48: {  	[timem:s3], [sflag:s2] =	dma.local @!p0 [hbm:s0], s1  }
0x49: {  	s0 =	simm.s32 @!p0 $0x1  }
0x4a: {  	_ =	swait.ge @!p0 [sflag:s0], s1  }
0x4b: {  	s1 =	ssub.s32 @!p0 $0x0, s1;
	[sflag:s0] =	ssyncset.done @!p0 $0x0  }
0x4c: {  	[sflag:s0] =	ssyncadd.s32 @!p0 s1  }
0x4d: {  	[bflag:$0x3] =	sbarrier.arrive $0xFFFF  }
0x4e: {  	_ =	shalt  }

// kernel: gather_offload_async_start.3
scs
__scs_entry_jumppad:
0x0: {  	(pc) =	sbr.rel $0x88, $3  }
0x1: {  	(tag) =	ssettag $0x0;
	lr =	simm.s32 $0x1  }
0x2: {  	[smem:$0x3F94] =	sst lr;
	_ =	strace $0xD0000000  }
0x3: {  	_ = 	snop  }
0x4: {  	_ = 	snop  }
0x5: {  	_ = 	snop  }
0x6: {  	_ = 	snop  }
0x7: {  	_ = 	snop  }
__scs_overlays_trampoline_lowered:
0x8: {  	[smem:$0x3FA3] =	sst s0  }
0x9: {  	[smem:$0x3FA4] =	sst s1  }
0xa: {  	[smem:$0x3FA5] =	sst s2  }
0xb: {  	[smem:$0x3FA6] =	sst s3  }
0xc: {  	[smem:$0x3FA7] =	sst s4  }
0xd: {  	[smem:$0x3FA8] =	sst s5  }
0xe: {  	[smem:$0x3FA9] =	sst s6  }
0xf: {  	[smem:$0x3FAA] =	sst s7  }
0x10: {  	[smem:$0x3FAB] =	sst s8  }
0x11: {  	[smem:$0x3FAC] =	sst s9;
	s0 =	simm.s32 @!p0 $0x0  }
0x12: {  	s1 =	sld [smem:$0x3F92];
	s0 =	simm.s32 @p0 $0x1  }
0x13: {  	[smem:$0x3FAD] =	sst s0;
	s0 =	simm.s32 @!p1 $0x0  }
0x14: {  	s2 =	sld [smem:$0x3F91];
	s0 =	simm.s32 @p1 $0x1  }
0x15: {  	[smem:$0x3FAE] =	sst s0;
	s0 =	simm.s32 @!p2 $0x0  }
0x16: {  	s3 =	sld [smem:$0x3FDB];
	s0 =	simm.s32 @p2 $0x1  }
0x17: {  	s4 =	simm.s32 $0x1BF5;
	[smem:$0x3FB0] =	sst s0  }
0x18: {  	s0 =	sld [smem:$0x3F93];
	_ =	swait.ge [sflag:s4], $0x0  }
0x19: {  	s7 =	sld [smem:$0x3F94]  }
0x1a: {  	s8 =	sadd.s32 $0xFFFFE003, lr  }
0x1b: {  	s9 =	sadd.s32 $0xFFFFFEF7, lr;
	s5 =	simm.s32 $0xFFFFFFFF;
	p2 =	slt.u32 s8, $0xFFFFF086  }
0x1c: {  	p1 =	slt.u32 s9, $0xF7A;
	s5 =	simm.s32 @!p2 $0x0  }
0x1d: {  	s5 =	simm.s32 @p1 $0x1;
	p0 =	seq.s32 s7, s2  }
0x1e: {  	s7 =	smul.u32 @!p0 $0xF7A, s2;
	p2 =	seq.s32 @!p0 s5, $0x0  }
0x1f: {  	s9 =	smul.u32 $0xF7A, s1;
	s8 =	simm.s32 @!p0 $0x1BF5;
	p2 =	por !p2, p0  }
0x20: {  	[sflag:s8] =	ssyncset.s32 @!p0 $0xFFFFF086;
	s6 =	sadd.s32 @!p0 s3, s7;
	s7 =	simm.s32 @!p0 $0x108  }
0x21: {  	s3 =	sadd.s32 s3, s9;
	s6 =	sadd.s32 @!p0 $0x88, s6;
	s7 =	simm.s32 @p2 $0x1082  }
0x22: {  	[simem:s7], [sflag:s8] =	dma.local @!p0 [hbm:s6], $0xF7A  }
0x23: {  	s9 =	sor.u32 $0xD0000000, s2;
	s6 =	simm.s32 $0x108;
	_ =	swait.ge @!p0 [sflag:s8], $0x0  }
0x24: {  	s3 =	sadd.s32 $0x88, s3;
	s6 =	simm.s32 @!p1 $0x1082;
	[sflag:s4] =	ssyncset.s32 $0xFFFFF086  }
0x25: {  	[simem:s6], [sflag:s4] =	dma.local [hbm:s3], $0xF7A  }
0x26: {  	[smem:$0x3F94] =	sst s1;
	(tag) =	ssettag s2;
	_ =	strace s9  }
0x27: {  	s1 =	sld [smem:$0x3FA4]  }
0x28: {  	s2 =	sld [smem:$0x3FA5]  }
0x29: {  	s4 =	sld [smem:$0x3FA7]  }
0x2a: {  	p0 =	seq.s32 s5, $0x0;
	s5 =	sld [smem:$0x3FA8]  }
0x2b: {  	s6 =	sld [smem:$0x3FA9]  }
0x2c: {  	s7 =	sld [smem:$0x3FAA]  }
0x2d: {  	s3 =	simm.s32 $0x108;
	s8 =	sld [smem:$0x3FAB]  }
0x2e: {  	s3 =	simm.s32 @!p0 $0x1082;
	s9 =	sld [smem:$0x3FAC]  }
0x2f: {  	lr =	sadd.s32 s0, s3;
	s0 =	sld [smem:$0x3FA3]  }
0x30: {  	s3 =	sld [smem:$0x3FA6]  }
0x31: {  	[smem:$0x3FAF] =	sst s10  }
0x32: {  	s10 =	sld [smem:$0x3FAD];
	_ =	sdelay $0x3  }
0x33: {  	p0 =	seq.s32 s10, $0x1;
	s10 =	sld [smem:$0x3FAF];
	_ =	sdelay $0x3  }
0x34: {  	[smem:$0x3FAF] =	sst s10  }
0x35: {  	s10 =	sld [smem:$0x3FAE];
	_ =	sdelay $0x3  }
0x36: {  	p1 =	seq.s32 s10, $0x1;
	s10 =	sld [smem:$0x3FAF];
	_ =	sdelay $0x3  }
0x37: {  	[smem:$0x3FAF] =	sst s10  }
0x38: {  	s10 =	sld [smem:$0x3FB0]  }
0x39: {  	_ = 	snop;
	(pc) =	sbr.ind lr, $3  }
0x3a: {  	_ = 	snop  }
0x3b: {  	_ = 	snop  }
0x3c: {  	p2 =	seq.s32 s10, $0x1;
	s10 =	sld [smem:$0x3FAF]  }
0x3d: {  	_ =	shalt  }
0x3e: {  	_ =	shalt  }
0x3f: {  	_ =	shalt  }
0x40: {  	_ =	shalt  }
0x41: {  	_ =	shalt  }
0x42: {  	_ =	shalt  }
0x43: {  	_ =	shalt  }
0x44: {  	_ =	shalt  }
0x45: {  	_ =	shalt  }
0x46: {  	_ =	shalt  }
0x47: {  	_ =	shalt  }
0x48: {  	_ =	shalt  }
0x49: {  	_ =	shalt  }
0x4a: {  	_ =	shalt  }
0x4b: {  	_ =	shalt  }
0x4c: {  	_ =	shalt  }
0x4d: {  	_ =	shalt  }
0x4e: {  	_ =	shalt  }
0x4f: {  	_ =	shalt  }
0x50: {  	_ =	shalt  }
0x51: {  	_ =	shalt  }
0x52: {  	_ =	shalt  }
0x53: {  	_ =	shalt  }
0x54: {  	_ =	shalt  }
0x55: {  	_ =	shalt  }
0x56: {  	_ =	shalt  }
0x57: {  	_ =	shalt  }
0x58: {  	_ =	shalt  }
0x59: {  	_ =	shalt  }
0x5a: {  	_ =	shalt  }
0x5b: {  	_ =	shalt  }
0x5c: {  	_ =	shalt  }
0x5d: {  	_ =	shalt  }
0x5e: {  	_ =	shalt  }
0x5f: {  	_ =	shalt  }
0x60: {  	_ =	shalt  }
0x61: {  	_ =	shalt  }
0x62: {  	_ =	shalt  }
0x63: {  	_ =	shalt  }
0x64: {  	_ =	shalt  }
0x65: {  	_ =	shalt  }
0x66: {  	_ =	shalt  }
0x67: {  	_ =	shalt  }
0x68: {  	_ =	shalt  }
0x69: {  	_ =	shalt  }
0x6a: {  	_ =	shalt  }
0x6b: {  	_ =	shalt  }
0x6c: {  	_ =	shalt  }
0x6d: {  	_ =	shalt  }
0x6e: {  	_ =	shalt  }
0x6f: {  	_ =	shalt  }
0x70: {  	_ =	shalt  }
0x71: {  	_ =	shalt  }
0x72: {  	_ =	shalt  }
0x73: {  	_ =	shalt  }
0x74: {  	_ =	shalt  }
0x75: {  	_ =	shalt  }
0x76: {  	_ =	shalt  }
0x77: {  	_ =	shalt  }
0x78: {  	_ =	shalt  }
0x79: {  	_ =	shalt  }
0x7a: {  	_ =	shalt  }
0x7b: {  	_ =	shalt  }
0x7c: {  	_ =	shalt  }
0x7d: {  	_ =	shalt  }
0x7e: {  	_ =	shalt  }
0x7f: {  	_ =	shalt  }
0x80: {  	_ =	shalt  }
0x81: {  	_ =	shalt  }
0x82: {  	_ =	shalt  }
0x83: {  	_ =	shalt  }
0x84: {  	_ =	shalt  }
0x85: {  	_ =	shalt  }
0x86: {  	_ =	shalt  }
0x87: {  	_ =	shalt  }
.Lfunc_end0:
.L_simem_size_0:
called_computation.4_lowered:
.L_overlay_start_0:
0x88: {  	s2 =	sld [smem:$0x3FD9]  }
0x89: {  	s3 =	sld [smem:$0x3FFE];
	_ =	sdelay $0x1  }
0x8a: {  	s1 =	srdreg.scid  }
0x8b: {  	s0 =	sand.u32 $0x1, s1  }
0x8c: {  	s16 =	sshll.u32 s0, $0xA;
	s2 =	sadd.s32 s3, s2  }
0x8d: {  	s2 =	sadd.s32 s2, s16  }
0x8e: {  	[smem:$0x3FBB] =	sst s2  }
0x8f: {  	_ = 	snop  }
0x90: {  	(tm) =	ssettm $0x1  }
0x91: {  	s17 =	sld [smem:$0x3FFB];
	_ =	sdelay $0x3  }
0x92: {  	_ =	strace s17  }
0x93: {  	s2 =	sld [smem:$0x3FFC];
	_ =	sdelay $0x3  }
0x94: {  	_ =	strace s2  }
0x95: {  	s2 =	sld [smem:$0x3FFD];
	_ =	sdelay $0x3  }
0x96: {  	_ =	strace s2  }
0x97: {  	_ =	strace $0x8FFFFFFF  }
0x98: {  	s18 =	sld [smem:$0x3FDB];
	_ =	sdelay $0x1  }
0x99: {  	s19 =	simm.s32 $_scs_section_size  }
0x9a: {  	s4 =	simm.s32 $_size__tile_overlayer_lowered;
	s5 =	simm.s32 $_tile_overlayer_lowered  }
0x9b: {  	s22 =	simm.s32 $0x1BFF;
	s21 =	sshll.u32 s5, $0x1;
	s2 =	sadd.s32 s19, s18  }
0x9c: {  	s6 =	simm.s32 $0x0;
	s20 =	sshll.u32 s4, $0x1;
	s4 =	sadd.s32 s21, s2  }
0x9d: {  	[timem:s6], [sflag:s22] =	dma.local [hbm:s4], s20  }
0x9e: {  	_ =	swait.ge [sflag:s22], s20  }
0x9f: {  	s3 =	ssub.s32 $0x0, s20;
	[sflag:s22] =	ssyncset.done $0x0  }
0xa0: {  	[sflag:s22] =	ssyncadd.s32 s3;
	_ =	sdelay $0x1  }
0xa1: {  	s23 =	simm.s32 $0x1B8B  }
0xa2: {  	_ =	swait.ge [sflag:s23], $0x1  }
0xa3: {  	[sflag:s23] =	ssyncset.done $0x0  }
0xa4: {  	s25 =	simm.s32 $0x1B8E;
	s24 =	sld [smem:$0x3FFE];
	[sflag:s23] =	ssyncadd.s32 $0xFFFFFFFF  }
0xa5: {  	s26 =	simm.s32 $execute0_lowered;
	[smem:$0x3FD2] =	sst s25  }
0xa6: {  	s4 =	sshll.u32 s26, $0x1;
	_ =	strace $0x80000046;
	[dreg:$0x1] =	wrdreg $0xFFFFFFFF  }
0xa7: {  	s28 =	simm.s32 $_size_execute0_lowered;
	s2 =	sadd.s32 s2, s4;
	[dreg:$0x0] =	wrdreg $0x0  }
0xa8: {  	s4 =	sshll.u32 s28, $0x1;
	[dreg:$0x2] =	wrdreg s2  }
0xa9: {  	[dreg:$0x3] =	wrdreg s4  }
0xaa: {  	[dreg:$0x4] =	wrdreg $0xC0  }
0xab: {  	_ =	task [dreg:s6], $0x5FFFF  }
0xac: {  	[dreg:$0x1] =	wrdreg $0xFFFFFFFF  }
0xad: {  	[dreg:$0x0] =	wrdreg $0x60  }
0xae: {  	[dreg:$0x2] =	wrdreg s24  }
0xaf: {  	[dreg:$0x3] =	wrdreg $0x9  }
0xb0: {  	_ =	task.clear_ibuf [dreg:s6], $0x4FFFF;
	_ =	strace $0x90000046  }
0xb1: {  	s29 =	simm.s32 $0x9;
	_ =	strace $0x80000048  }
0xb2: {  	_ =	swait.ge [sflag:s29], $0x1  }
0xb3: {  	[sflag:s29] =	ssyncadd.s32 $0xFFFFFFFF  }
0xb4: {  	_ =	strace $0x90000048  }
0xb5: {  	_ =	sfence  }
0xb6: {  	s30 =	sld [smem:$0x0];
	_ =	sdelay $0x2  }
0xb7: {  	s31 =	sshll.u32 s1, $0xD;
	s1 =	sshrl.u32 s1, $0x2  }
0xb8: {  	s3 =	sand.u32 $0x4000, s31;
	s1 =	sadd.s32 s1, s30  }
0xb9: {  	s0 =	sor.u32 s3, s0;
	s1 =	sshll.u32 s1, $0x11  }
0xba: {  	s0 =	sor.u32 s1, s0  }
0xbb: {  	s0 =	sadd.s32 $0x8F2B, s0  }
0xbc: {  	[sflag:s0] =	ssyncadd.remote.s32 $0x1  }
0xbd: {  	_ =	sfence.sel $0xFFFF  }
0xbe: {  	[dreg:$0x0] =	wrdreg $0xFFFFFFFF;
	(pc) =	sbr.abs _section_cstart, $3  }
0xbf: {  	[dreg:$0x1] =	wrdreg $0xFFFFFFFF  }
0xc0: {  	_ =	task.clear_ibuf [dreg:s6], $0x2FFFF;
	_ =	strace $0x9FFFFFFF  }
0xc1: {  	(tm) =	ssettm $0x7FFFFFFF  }
tec
execute0_lowered:
.L_overlay_start_1:
0x0: {  	(tag) =	ssettag $0x1  }
0x1: {  	s8 =	rddreg [dreg:$0x0]  }
0x2: {  	s0 =	rddreg [dreg:$0x1];
	_ =	strace $0x80000047;
	s1 =	stileid.u32  }
0x3: {  	s3 =	srdreg.scid;
	s4 =	simm.s32 $0x1;
	s7 =	simm.s32 $0x1  }
0x4: {  	s9 =	simm.s32 $0x1;
	s10 =	simm.s32 $0x3;
	s13 =	simm.s32 $0x0  }
0x5: {  	s12 =	simm.s32 $0x0;
	s5 =	sand.u32 $0x1, s3;
	s6 =	sshll.u32 s1, $0x1  }
0x6: {  	s2 =	sadd.s32 $0x9E00, s8;
	s3 =	sadd.s32 $0x1DA00, s8;
	s5 =	sor.u32 s6, s5  }
.Ltmp0:
0x7: {  	[sflag:s4] =	ssyncpa.u1 $0x0;
	p0 =	slt.u32 s5, $0x9;
	(pc) =	sbr.rel .LBB2_1-.Ltmp0, $4  }
0x8: {  	s6 =	simm.s32 $0x2;
	s7 =	simm.s32 @!p0 $0x0;
	p0 =	sne.s32 s5, $0x8  }
0x9: {  	[sflag:s6] =	ssyncpa.u1 $0x0;
	s5 =	smul.u32 $0x1F40, s5;
	s9 =	simm.s32 @!p0 $0x0  }
0xa: {  	s8 =	sadd.s32 $0x27A00, s8;
	[sflag:s10] =	ssyncpa.u1 $0x0;
	s7 =	sadd.s32 s9, s7  }
0xb: {  	vm0 =	vmmov $0xffff;
	s10 =	simm.s32 $0x0;
	s11 =	smov.u32 s5;
	s9 =	sadd.s32 $0x1, s7  }
.LBB2_4:
0xc: {  	v2 =	vnsel vm1, $0x0, v2  }
0xd: {  	vm1 =	vgt.s32 v0, $0x0;
	v2 =	vmin.u32 v2, $0x4E1FF  }
0xe: {  	v0 =	vnsel vm1, $0x0, v0  }
0xf: {  	v0 =	vmin.u32 v0, $0x4E1FF  }
0x10: {  	[tilespmem:s18], [sflag:$0x1] =	stream.indirect_vreg.gather [hbm4b:s2+s10], $0x1, v1, vm0, $0x4038;
	[tilespmem:$0x7D00] =	vst v63  }
0x11: {  	(ifvalue) =	ssetifvalue $0x7FFFFFFF  }
0x12: {  	[tilespmem:s15], [sflag:$0x1] =	stream.indirect_vreg.gather [hbm4b:s2+s10], $0x1, v2, vm0, $0x4038;
	[tilespmem:$0x7D00] =	vst v63  }
0x13: {  	s29 =	sadd.s32 $0x10, s15;
	(ifvalue) =	ssetifvalue $0x7FFFFFFF  }
0x14: {  	[tilespmem:s29], [sflag:$0x1] =	stream.indirect_vreg.gather [hbm4b:s2+s10], $0x1, v0, vm0, $0x4038;
	[tilespmem:$0x7D00] =	vst v63  }
0x15: {  	_ =	swait.ge [sflag:s4], $0x1F40  }
0x16: {  	s30 =	sshrl.u32 s13, $0x3;
	[sflag:s4] =	ssyncset.done $0x0  }
0x17: {  	s31 =	sand.u32 $0x7, s13;
	s15 =	sadd.s32 s8, s30;
	[sflag:s4] =	ssyncadd.s32 $0xFFFFE0C0  }
0x18: {  	[hbm4b:s15+s31] =	stream.linear.scatter [tilespmem:s14], [sflag:$0x3], $0x1F40, $0x38;
	[tilespmem:$0x7D00] =	vst v63  }
.LBB2_5:
0x19: {  	s15 =	sadd.s32 $0x3E800, s11  }
0x1a: {  	p1 =	sgt.s32 s15, $0x4E1FF  }
0x1b: {  	s15 =	smov.u32 @p1 s5;
	p1 =	sne.s32 s12, s9  }
.Ltmp1:
0x1c: {  	p0 =	slt.u32 s12, $0x2;
	(pc) =	sbr.rel @!p1 .LBB2_6-.Ltmp1, $4  }
0x1d: {  	s14 =	simm.s32 @!p0 $0x3  }
0x1e: {  	_ =	swait.ge @!p0 [sflag:s14], $0x1F40  }
0x1f: {  	s16 =	sadd.s32 $0x1, s12;
	s13 =	smov.u32 s11;
	[sflag:s14] =	ssyncset.done @!p0 $0x0  }
0x20: {  	s12 =	smov.u32 s16;
	s11 =	smov.u32 s15;
	[sflag:s14] =	ssyncadd.s32 @!p0 $0xFFFFE0C0  }
.LBB2_1:
0x21: {  	p0 =	sge.u32 s12, s7  }
0x22: {  	s14 =	sxor.u32 @!p0 $0x1, s12  }
0x23: {  	s14 =	smul.u32 @!p0 $0x7D00, s14  }
0x24: {  	s31 =	sadd.s32 $0xFFFFFFFF, s12;
	s15 =	sshrl.u32 @!p0 s11, $0x3  }
0x25: {  	s16 =	sand.u32 @!p0 $0x7, s11;
	s15 =	sadd.s32 @!p0 s3, s15;
	s14 =	sshra.s32 @!p0 s14, $0x2  }
0x26: {  	[tilespmem:s14], [sflag:$0x2] =	stream.linear.gather @!p0 [hbm4b:s15+s16], $0x1F40, $0x38;
	[tilespmem:$0x7D00] =	vst v63  }
0x27: {  	p0 =	sge.u32 s31, s7  }
.Ltmp2:
0x28: {  	_ = 	snop;
	(pc) =	sbr.rel @p0 .LBB2_5-.Ltmp2, $1  }
0x29: {  	_ =	sdelay $0x3  }
0x2a: {  	s14 =	sand.u32 $0x1, s12  }
0x2b: {  	_ =	swait.ge [sflag:s6], $0x1F40;
	p0 =	seq.s32 s14, $0x1;
	s14 =	simm.s32 $0x1F40  }
0x2c: {  	[sflag:s6] =	ssyncset.done $0x0;
	s14 =	simm.s32 @!p0 $0x0  }
0x2d: {  	[sflag:s6] =	ssyncadd.s32 $0xFFFFE0C0;
	(ifvalue) =	ssetifvalue $0x7FFFFFFF;
	v0 =	vld.msk [tilespmem:s14+$0x0 ss:$0x1], $0xffff;
	_ =	sdelay $0x4  }
0x2e: {  	s15 =	sadd.s32 $0x10, s14;
	vm1 =	vgt.s32 v0, $0x0  }
0x2f: {  	v2 =	vld.msk [tilespmem:s15+$0x0 ss:$0x1], $0xffff;
	v1 =	vnsel vm1, $0x0, v0  }
0x30: {  	v1 =	vmin.u32 v1, $0x4E1FF;
	_ =	sdelay $0x2  }
0x31: {  	s17 =	simm.s32 $0x20;
	s14 =	sadd.s32 $0x3E80, s14;
	s16 =	sadd.s32 $0x10, s15  }
0x32: {  	s15 =	sadd.s32 $0x10, s14;
	s18 =	smov.u32 s14;
	v0 =	vld.msk [tilespmem:s16+$0x0 ss:$0x1], $0xffff;
	vm1 =	vgt.s32 v2, $0x0;
	(ifvalue) =	ssetifvalue $0x7FFFFFFF  }
.LBB2_3:
0x33: {  	[tilespmem:s18], [sflag:$0x1] =	stream.indirect_vreg.gather [hbm4b:s2+s10], $0x1, v1, vm0, $0x4038;
	[tilespmem:$0x7D00] =	vst v63  }
0x34: {  	s17 =	sadd.s32 $0x10, s17  }
0x35: {  	v2 =	vnsel vm1, $0x0, v2;
	p0 =	slt.u32 s17, $0x1F30  }
.Ltmp3:
0x36: {  	s18 =	smov.u32 s15;
	v1 =	vmin.u32 v2, $0x4E1FF;
	(pc) =	sbr.rel @p0 .LBB2_3-.Ltmp3, $3  }
0x37: {  	_ =	sdelay $0x1  }
0x38: {  	s16 =	sadd.s32 $0x10, s16  }
0x39: {  	vm1 =	vgt.s32 v0, $0x0;
	s15 =	sadd.s32 $0x10, s15;
	v2 =	vmov v0;
	(ifvalue) =	ssetifvalue $0x7FFFFFFF;
	v0 =	vld.msk [tilespmem:s16+$0x0 ss:$0x1], $0xffff  }
.Ltmp4:
0x3a: {  	_ = 	snop;
	(pc) =	sbr.rel .LBB2_4-.Ltmp4, $1  }
0x3b: {  	_ =	sdelay $0x3  }
.LBB2_6:
0x3c: {  	_ =	sfence.sel $0x180000  }
0x3d: {  	s2 =	simm.s32 $0x2;
	[bflag:$0x0] =	sbarrier.arrive $0xFFFF  }
0x3e: {  	s30 =	simm.s32 $0x3;
	[sflag:s2] =	ssyncpa.u1 $0x1  }
0x3f: {  	s31 =	simm.s32 $0x1;
	[sflag:s30] =	ssyncpa.u1 $0x1  }
0x40: {  	[sflag:s31] =	ssyncpa.u1 $0x1  }
0x41: {  	p0 =	sne.s32 s1, $0x0;
	_ =	strace $0x90000047  }
0x42: {  	s0 =	sadd.s32 @!p0 $0x100000, s0;
	[bflag:$0x2] =	sbarrier.arrive $0xFFFF  }
0x43: {  	[sflag:s0] =	ssyncadd.tile.s32 @!p0 $0x1;
	_ =	shalt  }
.Lfunc_end2:
_tile_overlayer_lowered:
.L_overlay_start_2:
0x44: {  	(tag) =	ssettag $0x2  }
0x45: {  	s0 =	rddreg [dreg:$0x0];
	s2 =	stileid.u32  }
0x46: {  	s1 =	rddreg [dreg:$0x1];
	p0 =	sne.s32 s2, $0x0  }
0x47: {  	s3 =	rddreg [dreg:$0x2];
	[bflag:$0x3] =	sbarrier.arrive $0xFFFF;
	s2 =	simm.s32 @!p0 $0x1C01  }
0x48: {  	[timem:s3], [sflag:s2] =	dma.local @!p0 [hbm:s0], s1  }
0x49: {  	s0 =	simm.s32 @!p0 $0x1  }
0x4a: {  	_ =	swait.ge @!p0 [sflag:s0], s1  }
0x4b: {  	s1 =	ssub.s32 @!p0 $0x0, s1;
	[sflag:s0] =	ssyncset.done @!p0 $0x0  }
0x4c: {  	[sflag:s0] =	ssyncadd.s32 @!p0 s1  }
0x4d: {  	[bflag:$0x3] =	sbarrier.arrive $0xFFFF  }
0x4e: {  	_ =	shalt  }

// kernel: gather_offload_async_start.4
scs
__scs_entry_jumppad:
0x0: {  	(pc) =	sbr.rel $0x88, $3  }
0x1: {  	(tag) =	ssettag $0x0;
	lr =	simm.s32 $0x1  }
0x2: {  	[smem:$0x3F94] =	sst lr;
	_ =	strace $0xD0000000  }
0x3: {  	_ = 	snop  }
0x4: {  	_ = 	snop  }
0x5: {  	_ = 	snop  }
0x6: {  	_ = 	snop  }
0x7: {  	_ = 	snop  }
__scs_overlays_trampoline_lowered:
0x8: {  	[smem:$0x3FA3] =	sst s0  }
0x9: {  	[smem:$0x3FA4] =	sst s1  }
0xa: {  	[smem:$0x3FA5] =	sst s2  }
0xb: {  	[smem:$0x3FA6] =	sst s3  }
0xc: {  	[smem:$0x3FA7] =	sst s4  }
0xd: {  	[smem:$0x3FA8] =	sst s5  }
0xe: {  	[smem:$0x3FA9] =	sst s6  }
0xf: {  	[smem:$0x3FAA] =	sst s7  }
0x10: {  	[smem:$0x3FAB] =	sst s8  }
0x11: {  	[smem:$0x3FAC] =	sst s9;
	s0 =	simm.s32 @!p0 $0x0  }
0x12: {  	s1 =	sld [smem:$0x3F92];
	s0 =	simm.s32 @p0 $0x1  }
0x13: {  	[smem:$0x3FAD] =	sst s0;
	s0 =	simm.s32 @!p1 $0x0  }
0x14: {  	s2 =	sld [smem:$0x3F91];
	s0 =	simm.s32 @p1 $0x1  }
0x15: {  	[smem:$0x3FAE] =	sst s0;
	s0 =	simm.s32 @!p2 $0x0  }
0x16: {  	s3 =	sld [smem:$0x3FDB];
	s0 =	simm.s32 @p2 $0x1  }
0x17: {  	s4 =	simm.s32 $0x1BF5;
	[smem:$0x3FB0] =	sst s0  }
0x18: {  	s0 =	sld [smem:$0x3F93];
	_ =	swait.ge [sflag:s4], $0x0  }
0x19: {  	s7 =	sld [smem:$0x3F94]  }
0x1a: {  	s8 =	sadd.s32 $0xFFFFE003, lr  }
0x1b: {  	s9 =	sadd.s32 $0xFFFFFEF7, lr;
	s5 =	simm.s32 $0xFFFFFFFF;
	p2 =	slt.u32 s8, $0xFFFFF086  }
0x1c: {  	p1 =	slt.u32 s9, $0xF7A;
	s5 =	simm.s32 @!p2 $0x0  }
0x1d: {  	s5 =	simm.s32 @p1 $0x1;
	p0 =	seq.s32 s7, s2  }
0x1e: {  	s7 =	smul.u32 @!p0 $0xF7A, s2;
	p2 =	seq.s32 @!p0 s5, $0x0  }
0x1f: {  	s9 =	smul.u32 $0xF7A, s1;
	s8 =	simm.s32 @!p0 $0x1BF5;
	p2 =	por !p2, p0  }
0x20: {  	[sflag:s8] =	ssyncset.s32 @!p0 $0xFFFFF086;
	s6 =	sadd.s32 @!p0 s3, s7;
	s7 =	simm.s32 @!p0 $0x108  }
0x21: {  	s3 =	sadd.s32 s3, s9;
	s6 =	sadd.s32 @!p0 $0x88, s6;
	s7 =	simm.s32 @p2 $0x1082  }
0x22: {  	[simem:s7], [sflag:s8] =	dma.local @!p0 [hbm:s6], $0xF7A  }
0x23: {  	s9 =	sor.u32 $0xD0000000, s2;
	s6 =	simm.s32 $0x108;
	_ =	swait.ge @!p0 [sflag:s8], $0x0  }
0x24: {  	s3 =	sadd.s32 $0x88, s3;
	s6 =	simm.s32 @!p1 $0x1082;
	[sflag:s4] =	ssyncset.s32 $0xFFFFF086  }
0x25: {  	[simem:s6], [sflag:s4] =	dma.local [hbm:s3], $0xF7A  }
0x26: {  	[smem:$0x3F94] =	sst s1;
	(tag) =	ssettag s2;
	_ =	strace s9  }
0x27: {  	s1 =	sld [smem:$0x3FA4]  }
0x28: {  	s2 =	sld [smem:$0x3FA5]  }
0x29: {  	s4 =	sld [smem:$0x3FA7]  }
0x2a: {  	p0 =	seq.s32 s5, $0x0;
	s5 =	sld [smem:$0x3FA8]  }
0x2b: {  	s6 =	sld [smem:$0x3FA9]  }
0x2c: {  	s7 =	sld [smem:$0x3FAA]  }
0x2d: {  	s3 =	simm.s32 $0x108;
	s8 =	sld [smem:$0x3FAB]  }
0x2e: {  	s3 =	simm.s32 @!p0 $0x1082;
	s9 =	sld [smem:$0x3FAC]  }
0x2f: {  	lr =	sadd.s32 s0, s3;
	s0 =	sld [smem:$0x3FA3]  }
0x30: {  	s3 =	sld [smem:$0x3FA6]  }
0x31: {  	[smem:$0x3FAF] =	sst s10  }
0x32: {  	s10 =	sld [smem:$0x3FAD];
	_ =	sdelay $0x3  }
0x33: {  	p0 =	seq.s32 s10, $0x1;
	s10 =	sld [smem:$0x3FAF];
	_ =	sdelay $0x3  }
0x34: {  	[smem:$0x3FAF] =	sst s10  }
0x35: {  	s10 =	sld [smem:$0x3FAE];
	_ =	sdelay $0x3  }
0x36: {  	p1 =	seq.s32 s10, $0x1;
	s10 =	sld [smem:$0x3FAF];
	_ =	sdelay $0x3  }
0x37: {  	[smem:$0x3FAF] =	sst s10  }
0x38: {  	s10 =	sld [smem:$0x3FB0]  }
0x39: {  	_ = 	snop;
	(pc) =	sbr.ind lr, $3  }
0x3a: {  	_ = 	snop  }
0x3b: {  	_ = 	snop  }
0x3c: {  	p2 =	seq.s32 s10, $0x1;
	s10 =	sld [smem:$0x3FAF]  }
0x3d: {  	_ =	shalt  }
0x3e: {  	_ =	shalt  }
0x3f: {  	_ =	shalt  }
0x40: {  	_ =	shalt  }
0x41: {  	_ =	shalt  }
0x42: {  	_ =	shalt  }
0x43: {  	_ =	shalt  }
0x44: {  	_ =	shalt  }
0x45: {  	_ =	shalt  }
0x46: {  	_ =	shalt  }
0x47: {  	_ =	shalt  }
0x48: {  	_ =	shalt  }
0x49: {  	_ =	shalt  }
0x4a: {  	_ =	shalt  }
0x4b: {  	_ =	shalt  }
0x4c: {  	_ =	shalt  }
0x4d: {  	_ =	shalt  }
0x4e: {  	_ =	shalt  }
0x4f: {  	_ =	shalt  }
0x50: {  	_ =	shalt  }
0x51: {  	_ =	shalt  }
0x52: {  	_ =	shalt  }
0x53: {  	_ =	shalt  }
0x54: {  	_ =	shalt  }
0x55: {  	_ =	shalt  }
0x56: {  	_ =	shalt  }
0x57: {  	_ =	shalt  }
0x58: {  	_ =	shalt  }
0x59: {  	_ =	shalt  }
0x5a: {  	_ =	shalt  }
0x5b: {  	_ =	shalt  }
0x5c: {  	_ =	shalt  }
0x5d: {  	_ =	shalt  }
0x5e: {  	_ =	shalt  }
0x5f: {  	_ =	shalt  }
0x60: {  	_ =	shalt  }
0x61: {  	_ =	shalt  }
0x62: {  	_ =	shalt  }
0x63: {  	_ =	shalt  }
0x64: {  	_ =	shalt  }
0x65: {  	_ =	shalt  }
0x66: {  	_ =	shalt  }
0x67: {  	_ =	shalt  }
0x68: {  	_ =	shalt  }
0x69: {  	_ =	shalt  }
0x6a: {  	_ =	shalt  }
0x6b: {  	_ =	shalt  }
0x6c: {  	_ =	shalt  }
0x6d: {  	_ =	shalt  }
0x6e: {  	_ =	shalt  }
0x6f: {  	_ =	shalt  }
0x70: {  	_ =	shalt  }
0x71: {  	_ =	shalt  }
0x72: {  	_ =	shalt  }
0x73: {  	_ =	shalt  }
0x74: {  	_ =	shalt  }
0x75: {  	_ =	shalt  }
0x76: {  	_ =	shalt  }
0x77: {  	_ =	shalt  }
0x78: {  	_ =	shalt  }
0x79: {  	_ =	shalt  }
0x7a: {  	_ =	shalt  }
0x7b: {  	_ =	shalt  }
0x7c: {  	_ =	shalt  }
0x7d: {  	_ =	shalt  }
0x7e: {  	_ =	shalt  }
0x7f: {  	_ =	shalt  }
0x80: {  	_ =	shalt  }
0x81: {  	_ =	shalt  }
0x82: {  	_ =	shalt  }
0x83: {  	_ =	shalt  }
0x84: {  	_ =	shalt  }
0x85: {  	_ =	shalt  }
0x86: {  	_ =	shalt  }
0x87: {  	_ =	shalt  }
.Lfunc_end0:
.L_simem_size_0:
called_computation.5_lowered:
.L_overlay_start_0:
0x88: {  	s2 =	sld [smem:$0x3FD9]  }
0x89: {  	s3 =	sld [smem:$0x3FFE];
	_ =	sdelay $0x1  }
0x8a: {  	s1 =	srdreg.scid  }
0x8b: {  	s0 =	sand.u32 $0x1, s1  }
0x8c: {  	s17 =	sshll.u32 s0, $0xA;
	s2 =	sadd.s32 s3, s2  }
0x8d: {  	s2 =	sadd.s32 s2, s17  }
0x8e: {  	[smem:$0x3FBB] =	sst s2  }
0x8f: {  	_ = 	snop  }
0x90: {  	s18 =	sld [smem:$0x3FC7];
	(tm) =	ssettm $0x1  }
0x91: {  	s19 =	sld [smem:$0x3FFB];
	_ =	sdelay $0x3  }
0x92: {  	_ =	strace s19  }
0x93: {  	s2 =	sld [smem:$0x3FFC];
	_ =	sdelay $0x3  }
0x94: {  	_ =	strace s2  }
0x95: {  	s2 =	sld [smem:$0x3FFD];
	_ =	sdelay $0x3  }
0x96: {  	_ =	strace s2  }
0x97: {  	_ =	strace $0x8FFFFFFF  }
0x98: {  	s20 =	sld [smem:$0x3FDB];
	_ =	sdelay $0x1  }
0x99: {  	s4 =	simm.s32 $_scs_section_size  }
0x9a: {  	s5 =	simm.s32 $_size__tile_overlayer_lowered;
	s6 =	simm.s32 $_tile_overlayer_lowered  }
0x9b: {  	s7 =	simm.s32 $0x1BFF;
	s21 =	sshll.u32 s6, $0x1;
	s4 =	sadd.s32 s4, s20  }
0x9c: {  	s22 =	simm.s32 $0x0;
	s5 =	sshll.u32 s5, $0x1;
	s6 =	sadd.s32 s21, s4  }
0x9d: {  	[timem:s22], [sflag:s7] =	dma.local [hbm:s6], s5  }
0x9e: {  	_ =	swait.ge [sflag:s7], s5  }
0x9f: {  	s5 =	ssub.s32 $0x0, s5;
	[sflag:s7] =	ssyncset.done $0x0  }
0xa0: {  	[sflag:s7] =	ssyncadd.s32 s5;
	_ =	sdelay $0x1  }
0xa1: {  	s23 =	simm.s32 $0x1B8B  }
0xa2: {  	_ =	swait.ge [sflag:s23], $0x1  }
0xa3: {  	[sflag:s23] =	ssyncset.done $0x0  }
0xa4: {  	[sflag:s23] =	ssyncadd.s32 $0xFFFFFFFF  }
0xa5: {  	s5 =	sld [smem:$0x0]  }
0xa6: {  	s6 =	sand.u32 $0xFFFFFFFE, s1  }
0xa7: {  	p0 =	sne.s32 s1, s6  }
0xa8: {  	s6 =	sshll.u32 @p0 s6, $0xE  }
0xa9: {  	s6 =	sadd.s32 @p0 $0x11B8D, s6;
	s7 =	sshll.u32 @p0 s5, $0x11  }
0xaa: {  	s6 =	sor.u32 @p0 s7, s6  }
0xab: {  	[sflag:s6] =	ssyncadd.remote.s32 @p0 $0x1;
	_ =	sdelay $0x1  }
0xac: {  	s6 =	simm.s32 @p0 $0x1B8D  }
0xad: {  	_ =	swait.eq @p0 [sflag:s6], $0x1  }
0xae: {  	[sflag:s6] =	ssyncadd.s32 @p0 $0xFFFFFFFF  }
0xaf: {  	s7 =	sshll.u32 @!p0 s1, $0xE  }
0xb0: {  	s7 =	sor.u32 @!p0 $0x4000, s7;
	s6 =	simm.s32 @!p0 $0x1B8D  }
0xb1: {  	s5 =	sshll.u32 @!p0 s5, $0x11;
	s7 =	sadd.s32 @!p0 $0x11B8D, s7;
	_ =	swait.eq @!p0 [sflag:s6], $0x1  }
0xb2: {  	s5 =	sor.u32 @!p0 s5, s7;
	[sflag:s6] =	ssyncadd.s32 @!p0 $0xFFFFFFFF  }
0xb3: {  	s25 =	simm.s32 $0x1B8E;
	s24 =	sld [smem:$0x3FFE];
	[sflag:s5] =	ssyncadd.remote.s32 @!p0 $0x1  }
0xb4: {  	s26 =	simm.s32 $execute0_lowered;
	[smem:$0x3FD2] =	sst s25  }
0xb5: {  	s6 =	sshll.u32 s26, $0x1;
	_ =	strace $0x8000004F;
	[dreg:$0x1] =	wrdreg $0xFFFFFFFF  }
0xb6: {  	s28 =	simm.s32 $_size_execute0_lowered;
	s4 =	sadd.s32 s4, s6;
	[dreg:$0x0] =	wrdreg $0x0  }
0xb7: {  	s6 =	sshll.u32 s28, $0x1;
	[dreg:$0x2] =	wrdreg s4  }
0xb8: {  	[dreg:$0x3] =	wrdreg s6  }
0xb9: {  	[dreg:$0x4] =	wrdreg $0xC0  }
0xba: {  	_ =	task [dreg:s22], $0x5FFFF  }
0xbb: {  	[dreg:$0x1] =	wrdreg $0xFFFFFFFF  }
0xbc: {  	[dreg:$0x0] =	wrdreg $0x60  }
0xbd: {  	[dreg:$0x2] =	wrdreg s18  }
0xbe: {  	[dreg:$0x3] =	wrdreg s24  }
0xbf: {  	[dreg:$0x4] =	wrdreg $0xA  }
0xc0: {  	_ =	task.clear_ibuf [dreg:s22], $0x5FFFF;
	_ =	strace $0x9000004F  }
0xc1: {  	s29 =	simm.s32 $0xA;
	_ =	strace $0x80000051  }
0xc2: {  	_ =	swait.ge [sflag:s29], $0x1  }
0xc3: {  	[sflag:s29] =	ssyncadd.s32 $0xFFFFFFFF  }
0xc4: {  	_ =	strace $0x90000051  }
0xc5: {  	_ =	sfence  }
0xc6: {  	s30 =	sld [smem:$0x0];
	_ =	sdelay $0x2  }
0xc7: {  	s31 =	sshll.u32 s1, $0xD;
	s1 =	sshrl.u32 s1, $0x2  }
0xc8: {  	s4 =	sand.u32 $0x4000, s31;
	s1 =	sadd.s32 s1, s30  }
0xc9: {  	s0 =	sor.u32 s4, s0;
	s1 =	sshll.u32 s1, $0x11  }
0xca: {  	s0 =	sor.u32 s1, s0  }
0xcb: {  	s0 =	sadd.s32 $0x8F2B, s0  }
0xcc: {  	[sflag:s0] =	ssyncadd.remote.s32 $0x1  }
0xcd: {  	_ =	sfence.sel $0xFFFF  }
0xce: {  	[dreg:$0x0] =	wrdreg $0xFFFFFFFF;
	(pc) =	sbr.abs _section_cstart, $3  }
0xcf: {  	[dreg:$0x1] =	wrdreg $0xFFFFFFFF  }
0xd0: {  	_ =	task.clear_ibuf [dreg:s22], $0x2FFFF;
	_ =	strace $0x9FFFFFFF  }
0xd1: {  	(tm) =	ssettm $0x7FFFFFFF  }
tec
execute0_lowered:
.L_overlay_start_1:
0x0: {  	(tag) =	ssettag $0x1  }
0x1: {  	s2 =	rddreg [dreg:$0x0]  }
0x2: {  	s8 =	rddreg [dreg:$0x1]  }
0x3: {  	s0 =	rddreg [dreg:$0x2];
	s1 =	stileid.u32  }
0x4: {  	s3 =	srdreg.scid;
	_ =	strace $0x80000050;
	s4 =	simm.s32 $0x1  }
0x5: {  	s7 =	simm.s32 $0x1;
	s9 =	simm.s32 $0x1;
	s10 =	simm.s32 $0x3  }
0x6: {  	s13 =	simm.s32 $0x0;
	s5 =	sand.u32 $0x1, s3;
	s6 =	sshll.u32 s1, $0x1  }
0x7: {  	s12 =	simm.s32 $0x0;
	s3 =	sadd.s32 $0x1DA00, s8;
	s5 =	sor.u32 s6, s5  }
.Ltmp0:
0x8: {  	[sflag:s4] =	ssyncpa.u1 $0x0;
	p0 =	slt.u32 s5, $0x9;
	(pc) =	sbr.rel .LBB2_1-.Ltmp0, $4  }
0x9: {  	s6 =	simm.s32 $0x2;
	s7 =	simm.s32 @!p0 $0x0;
	p0 =	sne.s32 s5, $0x8  }
0xa: {  	[sflag:s6] =	ssyncpa.u1 $0x0;
	s5 =	smul.u32 $0x1F40, s5;
	s9 =	simm.s32 @!p0 $0x0  }
0xb: {  	s8 =	sadd.s32 $0x58A00, s8;
	[sflag:s10] =	ssyncpa.u1 $0x0;
	s7 =	sadd.s32 s9, s7  }
0xc: {  	vm0 =	vmmov $0xffff;
	s10 =	simm.s32 $0x0;
	s11 =	smov.u32 s5;
	s9 =	sadd.s32 $0x1, s7  }
.LBB2_4:
0xd: {  	v2 =	vnsel vm1, $0x0, v2  }
0xe: {  	vm1 =	vgt.s32 v0, $0x0;
	v2 =	vmin.u32 v2, $0x4E1FF  }
0xf: {  	v0 =	vnsel vm1, $0x0, v0  }
0x10: {  	v0 =	vmin.u32 v0, $0x4E1FF  }
0x11: {  	[tilespmem:s18], [sflag:$0x1] =	stream.indirect_vreg.gather [hbm4b:s2+s10], $0x1, v1, vm0, $0x4038;
	[tilespmem:$0x7D00] =	vst v63  }
0x12: {  	(ifvalue) =	ssetifvalue $0x7FFFFFFF  }
0x13: {  	[tilespmem:s15], [sflag:$0x1] =	stream.indirect_vreg.gather [hbm4b:s2+s10], $0x1, v2, vm0, $0x4038;
	[tilespmem:$0x7D00] =	vst v63  }
0x14: {  	s29 =	sadd.s32 $0x10, s15;
	(ifvalue) =	ssetifvalue $0x7FFFFFFF  }
0x15: {  	[tilespmem:s29], [sflag:$0x1] =	stream.indirect_vreg.gather [hbm4b:s2+s10], $0x1, v0, vm0, $0x4038;
	[tilespmem:$0x7D00] =	vst v63  }
0x16: {  	_ =	swait.ge [sflag:s4], $0x1F40  }
0x17: {  	s30 =	sshrl.u32 s13, $0x3;
	[sflag:s4] =	ssyncset.done $0x0  }
0x18: {  	s31 =	sand.u32 $0x7, s13;
	s15 =	sadd.s32 s8, s30;
	[sflag:s4] =	ssyncadd.s32 $0xFFFFE0C0  }
0x19: {  	[hbm4b:s15+s31] =	stream.linear.scatter [tilespmem:s14], [sflag:$0x3], $0x1F40, $0x38;
	[tilespmem:$0x7D00] =	vst v63  }
.LBB2_5:
0x1a: {  	s15 =	sadd.s32 $0x3E800, s11  }
0x1b: {  	p1 =	sgt.s32 s15, $0x4E1FF  }
0x1c: {  	s15 =	smov.u32 @p1 s5;
	p1 =	sne.s32 s12, s9  }
.Ltmp1:
0x1d: {  	p0 =	slt.u32 s12, $0x2;
	(pc) =	sbr.rel @!p1 .LBB2_6-.Ltmp1, $4  }
0x1e: {  	s14 =	simm.s32 @!p0 $0x3  }
0x1f: {  	_ =	swait.ge @!p0 [sflag:s14], $0x1F40  }
0x20: {  	s16 =	sadd.s32 $0x1, s12;
	s13 =	smov.u32 s11;
	[sflag:s14] =	ssyncset.done @!p0 $0x0  }
0x21: {  	s12 =	smov.u32 s16;
	s11 =	smov.u32 s15;
	[sflag:s14] =	ssyncadd.s32 @!p0 $0xFFFFE0C0  }
.LBB2_1:
0x22: {  	p0 =	sge.u32 s12, s7  }
0x23: {  	s14 =	sxor.u32 @!p0 $0x1, s12  }
0x24: {  	s14 =	smul.u32 @!p0 $0x7D00, s14  }
0x25: {  	s31 =	sadd.s32 $0xFFFFFFFF, s12;
	s15 =	sshrl.u32 @!p0 s11, $0x3  }
0x26: {  	s16 =	sand.u32 @!p0 $0x7, s11;
	s15 =	sadd.s32 @!p0 s3, s15;
	s14 =	sshra.s32 @!p0 s14, $0x2  }
0x27: {  	[tilespmem:s14], [sflag:$0x2] =	stream.linear.gather @!p0 [hbm4b:s15+s16], $0x1F40, $0x38;
	[tilespmem:$0x7D00] =	vst v63  }
0x28: {  	p0 =	sge.u32 s31, s7  }
.Ltmp2:
0x29: {  	_ = 	snop;
	(pc) =	sbr.rel @p0 .LBB2_5-.Ltmp2, $1  }
0x2a: {  	_ =	sdelay $0x3  }
0x2b: {  	s14 =	sand.u32 $0x1, s12  }
0x2c: {  	_ =	swait.ge [sflag:s6], $0x1F40;
	p0 =	seq.s32 s14, $0x1;
	s14 =	simm.s32 $0x1F40  }
0x2d: {  	[sflag:s6] =	ssyncset.done $0x0;
	s14 =	simm.s32 @!p0 $0x0  }
0x2e: {  	[sflag:s6] =	ssyncadd.s32 $0xFFFFE0C0;
	(ifvalue) =	ssetifvalue $0x7FFFFFFF;
	v0 =	vld.msk [tilespmem:s14+$0x0 ss:$0x1], $0xffff;
	_ =	sdelay $0x4  }
0x2f: {  	s15 =	sadd.s32 $0x10, s14;
	vm1 =	vgt.s32 v0, $0x0  }
0x30: {  	v2 =	vld.msk [tilespmem:s15+$0x0 ss:$0x1], $0xffff;
	v1 =	vnsel vm1, $0x0, v0  }
0x31: {  	v1 =	vmin.u32 v1, $0x4E1FF;
	_ =	sdelay $0x2  }
0x32: {  	s17 =	simm.s32 $0x20;
	s14 =	sadd.s32 $0x3E80, s14;
	s16 =	sadd.s32 $0x10, s15  }
0x33: {  	s15 =	sadd.s32 $0x10, s14;
	s18 =	smov.u32 s14;
	v0 =	vld.msk [tilespmem:s16+$0x0 ss:$0x1], $0xffff;
	vm1 =	vgt.s32 v2, $0x0;
	(ifvalue) =	ssetifvalue $0x7FFFFFFF  }
.LBB2_3:
0x34: {  	[tilespmem:s18], [sflag:$0x1] =	stream.indirect_vreg.gather [hbm4b:s2+s10], $0x1, v1, vm0, $0x4038;
	[tilespmem:$0x7D00] =	vst v63  }
0x35: {  	s17 =	sadd.s32 $0x10, s17  }
0x36: {  	v2 =	vnsel vm1, $0x0, v2;
	p0 =	slt.u32 s17, $0x1F30  }
.Ltmp3:
0x37: {  	s18 =	smov.u32 s15;
	v1 =	vmin.u32 v2, $0x4E1FF;
	(pc) =	sbr.rel @p0 .LBB2_3-.Ltmp3, $3  }
0x38: {  	_ =	sdelay $0x1  }
0x39: {  	s16 =	sadd.s32 $0x10, s16  }
0x3a: {  	vm1 =	vgt.s32 v0, $0x0;
	s15 =	sadd.s32 $0x10, s15;
	v2 =	vmov v0;
	(ifvalue) =	ssetifvalue $0x7FFFFFFF;
	v0 =	vld.msk [tilespmem:s16+$0x0 ss:$0x1], $0xffff  }
.Ltmp4:
0x3b: {  	_ = 	snop;
	(pc) =	sbr.rel .LBB2_4-.Ltmp4, $1  }
0x3c: {  	_ =	sdelay $0x3  }
.LBB2_6:
0x3d: {  	_ =	sfence.sel $0x180000  }
0x3e: {  	s2 =	simm.s32 $0x2;
	[bflag:$0x0] =	sbarrier.arrive $0xFFFF  }
0x3f: {  	s30 =	simm.s32 $0x3;
	[sflag:s2] =	ssyncpa.u1 $0x1  }
0x40: {  	s31 =	simm.s32 $0x1;
	[sflag:s30] =	ssyncpa.u1 $0x1  }
0x41: {  	[sflag:s31] =	ssyncpa.u1 $0x1  }
0x42: {  	p0 =	sne.s32 s1, $0x0;
	_ =	strace $0x90000050  }
0x43: {  	s0 =	sadd.s32 @!p0 $0x100000, s0;
	[bflag:$0x2] =	sbarrier.arrive $0xFFFF  }
0x44: {  	[sflag:s0] =	ssyncadd.tile.s32 @!p0 $0x1;
	_ =	shalt  }
.Lfunc_end2:
_tile_overlayer_lowered:
.L_overlay_start_2:
0x45: {  	(tag) =	ssettag $0x2  }
0x46: {  	s0 =	rddreg [dreg:$0x0];
	s2 =	stileid.u32  }
0x47: {  	s1 =	rddreg [dreg:$0x1];
	p0 =	sne.s32 s2, $0x0  }
0x48: {  	s3 =	rddreg [dreg:$0x2];
	[bflag:$0x3] =	sbarrier.arrive $0xFFFF;
	s2 =	simm.s32 @!p0 $0x1C01  }
0x49: {  	[timem:s3], [sflag:s2] =	dma.local @!p0 [hbm:s0], s1  }
0x4a: {  	s0 =	simm.s32 @!p0 $0x1  }
0x4b: {  	_ =	swait.ge @!p0 [sflag:s0], s1  }
0x4c: {  	s1 =	ssub.s32 @!p0 $0x0, s1;
	[sflag:s0] =	ssyncset.done @!p0 $0x0  }
0x4d: {  	[sflag:s0] =	ssyncadd.s32 @!p0 s1  }
0x4e: {  	[bflag:$0x3] =	sbarrier.arrive $0xFFFF  }
0x4f: {  	_ =	shalt  }

// kernel: gather_offload_async_start
scs
__scs_entry_jumppad:
0x0: {  	(pc) =	sbr.rel $0x88, $3  }
0x1: {  	(tag) =	ssettag $0x0;
	lr =	simm.s32 $0x1  }
0x2: {  	[smem:$0x3F94] =	sst lr;
	_ =	strace $0xD0000000  }
0x3: {  	_ = 	snop  }
0x4: {  	_ = 	snop  }
0x5: {  	_ = 	snop  }
0x6: {  	_ = 	snop  }
0x7: {  	_ = 	snop  }
__scs_overlays_trampoline_lowered:
0x8: {  	[smem:$0x3FA3] =	sst s0  }
0x9: {  	[smem:$0x3FA4] =	sst s1  }
0xa: {  	[smem:$0x3FA5] =	sst s2  }
0xb: {  	[smem:$0x3FA6] =	sst s3  }
0xc: {  	[smem:$0x3FA7] =	sst s4  }
0xd: {  	[smem:$0x3FA8] =	sst s5  }
0xe: {  	[smem:$0x3FA9] =	sst s6  }
0xf: {  	[smem:$0x3FAA] =	sst s7  }
0x10: {  	[smem:$0x3FAB] =	sst s8  }
0x11: {  	[smem:$0x3FAC] =	sst s9;
	s0 =	simm.s32 @!p0 $0x0  }
0x12: {  	s1 =	sld [smem:$0x3F92];
	s0 =	simm.s32 @p0 $0x1  }
0x13: {  	[smem:$0x3FAD] =	sst s0;
	s0 =	simm.s32 @!p1 $0x0  }
0x14: {  	s2 =	sld [smem:$0x3F91];
	s0 =	simm.s32 @p1 $0x1  }
0x15: {  	[smem:$0x3FAE] =	sst s0;
	s0 =	simm.s32 @!p2 $0x0  }
0x16: {  	s3 =	sld [smem:$0x3FDB];
	s0 =	simm.s32 @p2 $0x1  }
0x17: {  	s4 =	simm.s32 $0x1BF5;
	[smem:$0x3FB0] =	sst s0  }
0x18: {  	s0 =	sld [smem:$0x3F93];
	_ =	swait.ge [sflag:s4], $0x0  }
0x19: {  	s7 =	sld [smem:$0x3F94]  }
0x1a: {  	s8 =	sadd.s32 $0xFFFFE003, lr  }
0x1b: {  	s9 =	sadd.s32 $0xFFFFFEF7, lr;
	s5 =	simm.s32 $0xFFFFFFFF;
	p2 =	slt.u32 s8, $0xFFFFF086  }
0x1c: {  	p1 =	slt.u32 s9, $0xF7A;
	s5 =	simm.s32 @!p2 $0x0  }
0x1d: {  	s5 =	simm.s32 @p1 $0x1;
	p0 =	seq.s32 s7, s2  }
0x1e: {  	s7 =	smul.u32 @!p0 $0xF7A, s2;
	p2 =	seq.s32 @!p0 s5, $0x0  }
0x1f: {  	s9 =	smul.u32 $0xF7A, s1;
	s8 =	simm.s32 @!p0 $0x1BF5;
	p2 =	por !p2, p0  }
0x20: {  	[sflag:s8] =	ssyncset.s32 @!p0 $0xFFFFF086;
	s6 =	sadd.s32 @!p0 s3, s7;
	s7 =	simm.s32 @!p0 $0x108  }
0x21: {  	s3 =	sadd.s32 s3, s9;
	s6 =	sadd.s32 @!p0 $0x88, s6;
	s7 =	simm.s32 @p2 $0x1082  }
0x22: {  	[simem:s7], [sflag:s8] =	dma.local @!p0 [hbm:s6], $0xF7A  }
0x23: {  	s9 =	sor.u32 $0xD0000000, s2;
	s6 =	simm.s32 $0x108;
	_ =	swait.ge @!p0 [sflag:s8], $0x0  }
0x24: {  	s3 =	sadd.s32 $0x88, s3;
	s6 =	simm.s32 @!p1 $0x1082;
	[sflag:s4] =	ssyncset.s32 $0xFFFFF086  }
0x25: {  	[simem:s6], [sflag:s4] =	dma.local [hbm:s3], $0xF7A  }
0x26: {  	[smem:$0x3F94] =	sst s1;
	(tag) =	ssettag s2;
	_ =	strace s9  }
0x27: {  	s1 =	sld [smem:$0x3FA4]  }
0x28: {  	s2 =	sld [smem:$0x3FA5]  }
0x29: {  	s4 =	sld [smem:$0x3FA7]  }
0x2a: {  	p0 =	seq.s32 s5, $0x0;
	s5 =	sld [smem:$0x3FA8]  }
0x2b: {  	s6 =	sld [smem:$0x3FA9]  }
0x2c: {  	s7 =	sld [smem:$0x3FAA]  }
0x2d: {  	s3 =	simm.s32 $0x108;
	s8 =	sld [smem:$0x3FAB]  }
0x2e: {  	s3 =	simm.s32 @!p0 $0x1082;
	s9 =	sld [smem:$0x3FAC]  }
0x2f: {  	lr =	sadd.s32 s0, s3;
	s0 =	sld [smem:$0x3FA3]  }
0x30: {  	s3 =	sld [smem:$0x3FA6]  }
0x31: {  	[smem:$0x3FAF] =	sst s10  }
0x32: {  	s10 =	sld [smem:$0x3FAD];
	_ =	sdelay $0x3  }
0x33: {  	p0 =	seq.s32 s10, $0x1;
	s10 =	sld [smem:$0x3FAF];
	_ =	sdelay $0x3  }
0x34: {  	[smem:$0x3FAF] =	sst s10  }
0x35: {  	s10 =	sld [smem:$0x3FAE];
	_ =	sdelay $0x3  }
0x36: {  	p1 =	seq.s32 s10, $0x1;
	s10 =	sld [smem:$0x3FAF];
	_ =	sdelay $0x3  }
0x37: {  	[smem:$0x3FAF] =	sst s10  }
0x38: {  	s10 =	sld [smem:$0x3FB0]  }
0x39: {  	_ = 	snop;
	(pc) =	sbr.ind lr, $3  }
0x3a: {  	_ = 	snop  }
0x3b: {  	_ = 	snop  }
0x3c: {  	p2 =	seq.s32 s10, $0x1;
	s10 =	sld [smem:$0x3FAF]  }
0x3d: {  	_ =	shalt  }
0x3e: {  	_ =	shalt  }
0x3f: {  	_ =	shalt  }
0x40: {  	_ =	shalt  }
0x41: {  	_ =	shalt  }
0x42: {  	_ =	shalt  }
0x43: {  	_ =	shalt  }
0x44: {  	_ =	shalt  }
0x45: {  	_ =	shalt  }
0x46: {  	_ =	shalt  }
0x47: {  	_ =	shalt  }
0x48: {  	_ =	shalt  }
0x49: {  	_ =	shalt  }
0x4a: {  	_ =	shalt  }
0x4b: {  	_ =	shalt  }
0x4c: {  	_ =	shalt  }
0x4d: {  	_ =	shalt  }
0x4e: {  	_ =	shalt  }
0x4f: {  	_ =	shalt  }
0x50: {  	_ =	shalt  }
0x51: {  	_ =	shalt  }
0x52: {  	_ =	shalt  }
0x53: {  	_ =	shalt  }
0x54: {  	_ =	shalt  }
0x55: {  	_ =	shalt  }
0x56: {  	_ =	shalt  }
0x57: {  	_ =	shalt  }
0x58: {  	_ =	shalt  }
0x59: {  	_ =	shalt  }
0x5a: {  	_ =	shalt  }
0x5b: {  	_ =	shalt  }
0x5c: {  	_ =	shalt  }
0x5d: {  	_ =	shalt  }
0x5e: {  	_ =	shalt  }
0x5f: {  	_ =	shalt  }
0x60: {  	_ =	shalt  }
0x61: {  	_ =	shalt  }
0x62: {  	_ =	shalt  }
0x63: {  	_ =	shalt  }
0x64: {  	_ =	shalt  }
0x65: {  	_ =	shalt  }
0x66: {  	_ =	shalt  }
0x67: {  	_ =	shalt  }
0x68: {  	_ =	shalt  }
0x69: {  	_ =	shalt  }
0x6a: {  	_ =	shalt  }
0x6b: {  	_ =	shalt  }
0x6c: {  	_ =	shalt  }
0x6d: {  	_ =	shalt  }
0x6e: {  	_ =	shalt  }
0x6f: {  	_ =	shalt  }
0x70: {  	_ =	shalt  }
0x71: {  	_ =	shalt  }
0x72: {  	_ =	shalt  }
0x73: {  	_ =	shalt  }
0x74: {  	_ =	shalt  }
0x75: {  	_ =	shalt  }
0x76: {  	_ =	shalt  }
0x77: {  	_ =	shalt  }
0x78: {  	_ =	shalt  }
0x79: {  	_ =	shalt  }
0x7a: {  	_ =	shalt  }
0x7b: {  	_ =	shalt  }
0x7c: {  	_ =	shalt  }
0x7d: {  	_ =	shalt  }
0x7e: {  	_ =	shalt  }
0x7f: {  	_ =	shalt  }
0x80: {  	_ =	shalt  }
0x81: {  	_ =	shalt  }
0x82: {  	_ =	shalt  }
0x83: {  	_ =	shalt  }
0x84: {  	_ =	shalt  }
0x85: {  	_ =	shalt  }
0x86: {  	_ =	shalt  }
0x87: {  	_ =	shalt  }
.Lfunc_end0:
.L_simem_size_0:
called_computation.1_lowered:
.L_overlay_start_0:
0x88: {  	s0 =	sld [smem:$0x3FD9]  }
0x89: {  	s1 =	sld [smem:$0x3FFE];
	_ =	sdelay $0x3  }
0x8a: {  	s0 =	sadd.s32 s1, s0  }
0x8b: {  	[smem:$0x3FBB] =	sst s0  }
0x8c: {  	_ = 	snop  }
0x8d: {  	(tm) =	ssettm $0x1  }
0x8e: {  	s15 =	sld [smem:$0x3FFB];
	_ =	sdelay $0x3  }
0x8f: {  	_ =	strace s15  }
0x90: {  	s0 =	sld [smem:$0x3FFC];
	_ =	sdelay $0x3  }
0x91: {  	_ =	strace s0  }
0x92: {  	s0 =	sld [smem:$0x3FFD];
	_ =	sdelay $0x3  }
0x93: {  	_ =	strace s0  }
0x94: {  	_ =	strace $0x8FFFFFFF  }
0x95: {  	s16 =	sld [smem:$0x3FDB];
	_ =	sdelay $0x1  }
0x96: {  	s17 =	simm.s32 $_scs_section_size  }
0x97: {  	s2 =	simm.s32 $_size__tile_overlayer_lowered;
	s3 =	simm.s32 $_tile_overlayer_lowered  }
0x98: {  	s20 =	simm.s32 $0x1BFF;
	s19 =	sshll.u32 s3, $0x1;
	s0 =	sadd.s32 s17, s16  }
0x99: {  	s4 =	simm.s32 $0x0;
	s18 =	sshll.u32 s2, $0x1;
	s2 =	sadd.s32 s19, s0  }
0x9a: {  	[timem:s4], [sflag:s20] =	dma.local [hbm:s2], s18  }
0x9b: {  	_ =	swait.ge [sflag:s20], s18  }
0x9c: {  	s1 =	ssub.s32 $0x0, s18;
	[sflag:s20] =	ssyncset.done $0x0  }
0x9d: {  	[sflag:s20] =	ssyncadd.s32 s1;
	_ =	sdelay $0x1  }
0x9e: {  	s21 =	simm.s32 $0x1B8B  }
0x9f: {  	_ =	swait.ge [sflag:s21], $0x1  }
0xa0: {  	[sflag:s21] =	ssyncset.done $0x0  }
0xa1: {  	s23 =	simm.s32 $0x1B8E;
	s22 =	sld [smem:$0x3FFE];
	[sflag:s21] =	ssyncadd.s32 $0xFFFFFFFF  }
0xa2: {  	s24 =	simm.s32 $execute0_lowered;
	[smem:$0x3FD2] =	sst s23  }
0xa3: {  	s2 =	sshll.u32 s24, $0x1;
	_ =	strace $0x80000058;
	[dreg:$0x1] =	wrdreg $0xFFFFFFFF  }
0xa4: {  	s25 =	simm.s32 $_size_execute0_lowered;
	s0 =	sadd.s32 s0, s2;
	[dreg:$0x0] =	wrdreg $0x0  }
0xa5: {  	s2 =	sshll.u32 s25, $0x1;
	[dreg:$0x2] =	wrdreg s0  }
0xa6: {  	[dreg:$0x3] =	wrdreg s2  }
0xa7: {  	[dreg:$0x4] =	wrdreg $0xC0  }
0xa8: {  	_ =	task [dreg:s4], $0x5FFFF  }
0xa9: {  	[dreg:$0x1] =	wrdreg $0xFFFFFFFF  }
0xaa: {  	[dreg:$0x0] =	wrdreg $0x60  }
0xab: {  	[dreg:$0x2] =	wrdreg s22  }
0xac: {  	[dreg:$0x3] =	wrdreg $0x9  }
0xad: {  	_ =	task.clear_ibuf [dreg:s4], $0x4FFFF;
	_ =	strace $0x90000058  }
0xae: {  	s26 =	simm.s32 $0x9;
	_ =	strace $0x8000005A  }
0xaf: {  	_ =	swait.ge [sflag:s26], $0x1  }
0xb0: {  	[sflag:s26] =	ssyncadd.s32 $0xFFFFFFFF  }
0xb1: {  	_ =	strace $0x9000005A  }
0xb2: {  	_ =	sfence  }
0xb3: {  	s28 =	sld [smem:$0x0];
	_ =	sdelay $0x1  }
0xb4: {  	s29 =	srdreg.scid  }
0xb5: {  	s30 =	sshll.u32 s29, $0xD;
	s31 =	sshrl.u32 s29, $0x2  }
0xb6: {  	s1 =	sand.u32 $0x1, s29;
	s2 =	sand.u32 $0x4000, s30;
	s0 =	sadd.s32 s31, s28  }
0xb7: {  	s1 =	sor.u32 s2, s1;
	s0 =	sshll.u32 s0, $0x11  }
0xb8: {  	s0 =	sor.u32 s0, s1  }
0xb9: {  	s0 =	sadd.s32 $0x8F2B, s0  }
0xba: {  	[sflag:s0] =	ssyncadd.remote.s32 $0x1  }
0xbb: {  	_ =	sfence.sel $0xFFFF  }
0xbc: {  	[dreg:$0x0] =	wrdreg $0xFFFFFFFF;
	(pc) =	sbr.abs _section_cstart, $3  }
0xbd: {  	[dreg:$0x1] =	wrdreg $0xFFFFFFFF  }
0xbe: {  	_ =	task.clear_ibuf [dreg:s4], $0x2FFFF;
	_ =	strace $0x9FFFFFFF  }
0xbf: {  	(tm) =	ssettm $0x7FFFFFFF  }
tec
execute0_lowered:
.L_overlay_start_1:
0x0: {  	(tag) =	ssettag $0x1  }
0x1: {  	s8 =	rddreg [dreg:$0x0]  }
0x2: {  	s0 =	rddreg [dreg:$0x1];
	_ =	strace $0x80000059  }
0x3: {  	s4 =	simm.s32 $0x1;
	s1 =	stileid.u32;
	s7 =	simm.s32 $0x1  }
0x4: {  	s9 =	simm.s32 $0x1;
	s6 =	simm.s32 $0x2;
	s10 =	simm.s32 $0x3  }
0x5: {  	s13 =	simm.s32 $0x0;
	s12 =	simm.s32 $0x0;
	s2 =	sadd.s32 $0x27A00, s8  }
.Ltmp0:
0x6: {  	s3 =	sadd.s32 $0x1000, s8;
	p0 =	slt.u32 s1, $0xA;
	(pc) =	sbr.rel .LBB2_1-.Ltmp0, $4  }
0x7: {  	[sflag:s4] =	ssyncpa.u1 $0x0;
	s7 =	simm.s32 @!p0 $0x0;
	p0 =	sne.s32 s1, $0x9  }
0x8: {  	s5 =	smul.u32 $0x190, s1;
	[sflag:s6] =	ssyncpa.u1 $0x0;
	s9 =	simm.s32 @!p0 $0x0  }
0x9: {  	s8 =	sadd.s32 $0x1600, s8;
	[sflag:s10] =	ssyncpa.u1 $0x0;
	s7 =	sadd.s32 s9, s7  }
0xa: {  	vm0 =	vmmov $0xffff;
	s10 =	simm.s32 $0x0;
	s11 =	smov.u32 s5;
	s9 =	sadd.s32 $0x1, s7  }
.LBB2_4:
0xb: {  	v2 =	vnsel vm1, $0x0, v2  }
0xc: {  	vm1 =	vgt.s32 v0, $0x0;
	v2 =	vmin.u32 v2, $0x4E1FF  }
0xd: {  	v0 =	vnsel vm1, $0x0, v0  }
0xe: {  	v0 =	vmin.u32 v0, $0x4E1FF  }
0xf: {  	[tilespmem:s18], [sflag:$0x1] =	stream.indirect_vreg.gather [hbm4b:s2+s10], $0x1, v1, vm0, $0x4038;
	[tilespmem:$0x640] =	vst v63  }
0x10: {  	(ifvalue) =	ssetifvalue $0x7FFFFFFF  }
0x11: {  	[tilespmem:s15], [sflag:$0x1] =	stream.indirect_vreg.gather [hbm4b:s2+s10], $0x1, v2, vm0, $0x4038;
	[tilespmem:$0x640] =	vst v63  }
0x12: {  	s29 =	sadd.s32 $0x10, s15;
	(ifvalue) =	ssetifvalue $0x7FFFFFFF  }
0x13: {  	[tilespmem:s29], [sflag:$0x1] =	stream.indirect_vreg.gather [hbm4b:s2+s10], $0x1, v0, vm0, $0x4038;
	[tilespmem:$0x640] =	vst v63  }
0x14: {  	_ =	swait.ge [sflag:s4], $0x190  }
0x15: {  	s30 =	sshrl.u32 s13, $0x3;
	[sflag:s4] =	ssyncset.done $0x0  }
0x16: {  	s31 =	sand.u32 $0x7, s13;
	s15 =	sadd.s32 s8, s30;
	[sflag:s4] =	ssyncadd.s32 $0xFFFFFE70  }
0x17: {  	[hbm4b:s15+s31] =	stream.linear.scatter [tilespmem:s14], [sflag:$0x3], $0x190, $0x38;
	[tilespmem:$0x640] =	vst v63  }
.LBB2_5:
0x18: {  	s15 =	sadd.s32 $0x1900, s11  }
0x19: {  	p1 =	sgt.s32 s15, $0x270F  }
0x1a: {  	s15 =	smov.u32 @p1 s5;
	p1 =	sne.s32 s12, s9  }
.Ltmp1:
0x1b: {  	p0 =	slt.u32 s12, $0x2;
	(pc) =	sbr.rel @!p1 .LBB2_6-.Ltmp1, $4  }
0x1c: {  	s14 =	simm.s32 @!p0 $0x3  }
0x1d: {  	_ =	swait.ge @!p0 [sflag:s14], $0x190  }
0x1e: {  	s16 =	sadd.s32 $0x1, s12;
	s13 =	smov.u32 s11;
	[sflag:s14] =	ssyncset.done @!p0 $0x0  }
0x1f: {  	s12 =	smov.u32 s16;
	s11 =	smov.u32 s15;
	[sflag:s14] =	ssyncadd.s32 @!p0 $0xFFFFFE70  }
.LBB2_1:
0x20: {  	p0 =	sge.u32 s12, s7  }
0x21: {  	s14 =	sxor.u32 @!p0 $0x1, s12  }
0x22: {  	s14 =	smul.u32 @!p0 $0x640, s14  }
0x23: {  	s31 =	sadd.s32 $0xFFFFFFFF, s12;
	s15 =	sshrl.u32 @!p0 s11, $0x3  }
0x24: {  	s16 =	sand.u32 @!p0 $0x7, s11;
	s15 =	sadd.s32 @!p0 s3, s15;
	s14 =	sshra.s32 @!p0 s14, $0x2  }
0x25: {  	[tilespmem:s14], [sflag:$0x2] =	stream.linear.gather @!p0 [hbm4b:s15+s16], $0x190, $0x38;
	[tilespmem:$0x640] =	vst v63  }
0x26: {  	p0 =	sge.u32 s31, s7  }
.Ltmp2:
0x27: {  	_ = 	snop;
	(pc) =	sbr.rel @p0 .LBB2_5-.Ltmp2, $1  }
0x28: {  	_ =	sdelay $0x3  }
0x29: {  	s14 =	sand.u32 $0x1, s12  }
0x2a: {  	_ =	swait.ge [sflag:s6], $0x190;
	p0 =	seq.s32 s14, $0x1;
	s14 =	simm.s32 $0x190  }
0x2b: {  	[sflag:s6] =	ssyncset.done $0x0;
	s14 =	simm.s32 @!p0 $0x0  }
0x2c: {  	[sflag:s6] =	ssyncadd.s32 $0xFFFFFE70;
	(ifvalue) =	ssetifvalue $0x7FFFFFFF;
	v0 =	vld.msk [tilespmem:s14+$0x0 ss:$0x1], $0xffff;
	_ =	sdelay $0x4  }
0x2d: {  	s15 =	sadd.s32 $0x10, s14;
	vm1 =	vgt.s32 v0, $0x0  }
0x2e: {  	v2 =	vld.msk [tilespmem:s15+$0x0 ss:$0x1], $0xffff;
	v1 =	vnsel vm1, $0x0, v0  }
0x2f: {  	v1 =	vmin.u32 v1, $0x4E1FF;
	_ =	sdelay $0x2  }
0x30: {  	s17 =	simm.s32 $0x20;
	s14 =	sadd.s32 $0x320, s14;
	s16 =	sadd.s32 $0x10, s15  }
0x31: {  	s15 =	sadd.s32 $0x10, s14;
	s18 =	smov.u32 s14;
	v0 =	vld.msk [tilespmem:s16+$0x0 ss:$0x1], $0xffff;
	vm1 =	vgt.s32 v2, $0x0;
	(ifvalue) =	ssetifvalue $0x7FFFFFFF  }
.LBB2_3:
0x32: {  	[tilespmem:s18], [sflag:$0x1] =	stream.indirect_vreg.gather [hbm4b:s2+s10], $0x1, v1, vm0, $0x4038;
	[tilespmem:$0x640] =	vst v63  }
0x33: {  	s17 =	sadd.s32 $0x10, s17  }
0x34: {  	v2 =	vnsel vm1, $0x0, v2;
	p0 =	slt.u32 s17, $0x180  }
.Ltmp3:
0x35: {  	s18 =	smov.u32 s15;
	v1 =	vmin.u32 v2, $0x4E1FF;
	(pc) =	sbr.rel @p0 .LBB2_3-.Ltmp3, $3  }
0x36: {  	_ =	sdelay $0x1  }
0x37: {  	s16 =	sadd.s32 $0x10, s16  }
0x38: {  	vm1 =	vgt.s32 v0, $0x0;
	s15 =	sadd.s32 $0x10, s15;
	v2 =	vmov v0;
	(ifvalue) =	ssetifvalue $0x7FFFFFFF;
	v0 =	vld.msk [tilespmem:s16+$0x0 ss:$0x1], $0xffff  }
.Ltmp4:
0x39: {  	_ = 	snop;
	(pc) =	sbr.rel .LBB2_4-.Ltmp4, $1  }
0x3a: {  	_ =	sdelay $0x3  }
.LBB2_6:
0x3b: {  	_ =	sfence.sel $0x180000  }
0x3c: {  	s2 =	simm.s32 $0x2;
	[bflag:$0x0] =	sbarrier.arrive $0xFFFF  }
0x3d: {  	s30 =	simm.s32 $0x3;
	[sflag:s2] =	ssyncpa.u1 $0x1  }
0x3e: {  	s31 =	simm.s32 $0x1;
	[sflag:s30] =	ssyncpa.u1 $0x1  }
0x3f: {  	[sflag:s31] =	ssyncpa.u1 $0x1  }
0x40: {  	p0 =	sne.s32 s1, $0x0;
	_ =	strace $0x90000059  }
0x41: {  	s0 =	sadd.s32 @!p0 $0x100000, s0;
	[bflag:$0x2] =	sbarrier.arrive $0xFFFF  }
0x42: {  	[sflag:s0] =	ssyncadd.tile.s32 @!p0 $0x1;
	_ =	shalt  }
.Lfunc_end2:
_tile_overlayer_lowered:
.L_overlay_start_2:
0x43: {  	(tag) =	ssettag $0x2  }
0x44: {  	s0 =	rddreg [dreg:$0x0];
	s2 =	stileid.u32  }
0x45: {  	s1 =	rddreg [dreg:$0x1];
	p0 =	sne.s32 s2, $0x0  }
0x46: {  	s3 =	rddreg [dreg:$0x2];
	[bflag:$0x3] =	sbarrier.arrive $0xFFFF;
	s2 =	simm.s32 @!p0 $0x1C01  }
0x47: {  	[timem:s3], [sflag:s2] =	dma.local @!p0 [hbm:s0], s1  }
0x48: {  	s0 =	simm.s32 @!p0 $0x1  }
0x49: {  	_ =	swait.ge @!p0 [sflag:s0], s1  }
0x4a: {  	s1 =	ssub.s32 @!p0 $0x0, s1;
	[sflag:s0] =	ssyncset.done @!p0 $0x0  }
0x4b: {  	[sflag:s0] =	ssyncadd.s32 @!p0 s1  }
0x4c: {  	[bflag:$0x3] =	sbarrier.arrive $0xFFFF  }
0x4d: {  	_ =	shalt  }

// kernel: kernel.6.cloned.1.call-start
scs
__scs_entry_jumppad:
0x0: {  	(pc) =	sbr.rel $0x88, $3  }
0x1: {  	(tag) =	ssettag $0x0;
	lr =	simm.s32 $0x1  }
0x2: {  	[smem:$0x3F94] =	sst lr;
	_ =	strace $0xD0000000  }
0x3: {  	_ = 	snop  }
0x4: {  	_ = 	snop  }
0x5: {  	_ = 	snop  }
0x6: {  	_ = 	snop  }
0x7: {  	_ = 	snop  }
__scs_overlays_trampoline_lowered:
0x8: {  	[smem:$0x3FA3] =	sst s0  }
0x9: {  	[smem:$0x3FA4] =	sst s1  }
0xa: {  	[smem:$0x3FA5] =	sst s2  }
0xb: {  	[smem:$0x3FA6] =	sst s3  }
0xc: {  	[smem:$0x3FA7] =	sst s4  }
0xd: {  	[smem:$0x3FA8] =	sst s5  }
0xe: {  	[smem:$0x3FA9] =	sst s6  }
0xf: {  	[smem:$0x3FAA] =	sst s7  }
0x10: {  	[smem:$0x3FAB] =	sst s8  }
0x11: {  	[smem:$0x3FAC] =	sst s9;
	s0 =	simm.s32 @!p0 $0x0  }
0x12: {  	s1 =	sld [smem:$0x3F92];
	s0 =	simm.s32 @p0 $0x1  }
0x13: {  	[smem:$0x3FAD] =	sst s0;
	s0 =	simm.s32 @!p1 $0x0  }
0x14: {  	s2 =	sld [smem:$0x3F91];
	s0 =	simm.s32 @p1 $0x1  }
0x15: {  	[smem:$0x3FAE] =	sst s0;
	s0 =	simm.s32 @!p2 $0x0  }
0x16: {  	s3 =	sld [smem:$0x3FDB];
	s0 =	simm.s32 @p2 $0x1  }
0x17: {  	s4 =	simm.s32 $0x1BF5;
	[smem:$0x3FB0] =	sst s0  }
0x18: {  	s0 =	sld [smem:$0x3F93];
	_ =	swait.ge [sflag:s4], $0x0  }
0x19: {  	s7 =	sld [smem:$0x3F94]  }
0x1a: {  	s8 =	sadd.s32 $0xFFFFE003, lr  }
0x1b: {  	s9 =	sadd.s32 $0xFFFFFEF7, lr;
	s5 =	simm.s32 $0xFFFFFFFF;
	p2 =	slt.u32 s8, $0xFFFFF086  }
0x1c: {  	p1 =	slt.u32 s9, $0xF7A;
	s5 =	simm.s32 @!p2 $0x0  }
0x1d: {  	s5 =	simm.s32 @p1 $0x1;
	p0 =	seq.s32 s7, s2  }
0x1e: {  	s7 =	smul.u32 @!p0 $0xF7A, s2;
	p2 =	seq.s32 @!p0 s5, $0x0  }
0x1f: {  	s9 =	smul.u32 $0xF7A, s1;
	s8 =	simm.s32 @!p0 $0x1BF5;
	p2 =	por !p2, p0  }
0x20: {  	[sflag:s8] =	ssyncset.s32 @!p0 $0xFFFFF086;
	s6 =	sadd.s32 @!p0 s3, s7;
	s7 =	simm.s32 @!p0 $0x108  }
0x21: {  	s3 =	sadd.s32 s3, s9;
	s6 =	sadd.s32 @!p0 $0x88, s6;
	s7 =	simm.s32 @p2 $0x1082  }
0x22: {  	[simem:s7], [sflag:s8] =	dma.local @!p0 [hbm:s6], $0xF7A  }
0x23: {  	s9 =	sor.u32 $0xD0000000, s2;
	s6 =	simm.s32 $0x108;
	_ =	swait.ge @!p0 [sflag:s8], $0x0  }
0x24: {  	s3 =	sadd.s32 $0x88, s3;
	s6 =	simm.s32 @!p1 $0x1082;
	[sflag:s4] =	ssyncset.s32 $0xFFFFF086  }
0x25: {  	[simem:s6], [sflag:s4] =	dma.local [hbm:s3], $0xF7A  }
0x26: {  	[smem:$0x3F94] =	sst s1;
	(tag) =	ssettag s2;
	_ =	strace s9  }
0x27: {  	s1 =	sld [smem:$0x3FA4]  }
0x28: {  	s2 =	sld [smem:$0x3FA5]  }
0x29: {  	s4 =	sld [smem:$0x3FA7]  }
0x2a: {  	p0 =	seq.s32 s5, $0x0;
	s5 =	sld [smem:$0x3FA8]  }
0x2b: {  	s6 =	sld [smem:$0x3FA9]  }
0x2c: {  	s7 =	sld [smem:$0x3FAA]  }
0x2d: {  	s3 =	simm.s32 $0x108;
	s8 =	sld [smem:$0x3FAB]  }
0x2e: {  	s3 =	simm.s32 @!p0 $0x1082;
	s9 =	sld [smem:$0x3FAC]  }
0x2f: {  	lr =	sadd.s32 s0, s3;
	s0 =	sld [smem:$0x3FA3]  }
0x30: {  	s3 =	sld [smem:$0x3FA6]  }
0x31: {  	[smem:$0x3FAF] =	sst s10  }
0x32: {  	s10 =	sld [smem:$0x3FAD];
	_ =	sdelay $0x3  }
0x33: {  	p0 =	seq.s32 s10, $0x1;
	s10 =	sld [smem:$0x3FAF];
	_ =	sdelay $0x3  }
0x34: {  	[smem:$0x3FAF] =	sst s10  }
0x35: {  	s10 =	sld [smem:$0x3FAE];
	_ =	sdelay $0x3  }
0x36: {  	p1 =	seq.s32 s10, $0x1;
	s10 =	sld [smem:$0x3FAF];
	_ =	sdelay $0x3  }
0x37: {  	[smem:$0x3FAF] =	sst s10  }
0x38: {  	s10 =	sld [smem:$0x3FB0]  }
0x39: {  	_ = 	snop;
	(pc) =	sbr.ind lr, $3  }
0x3a: {  	_ = 	snop  }
0x3b: {  	_ = 	snop  }
0x3c: {  	p2 =	seq.s32 s10, $0x1;
	s10 =	sld [smem:$0x3FAF]  }
0x3d: {  	_ =	shalt  }
0x3e: {  	_ =	shalt  }
0x3f: {  	_ =	shalt  }
0x40: {  	_ =	shalt  }
0x41: {  	_ =	shalt  }
0x42: {  	_ =	shalt  }
0x43: {  	_ =	shalt  }
0x44: {  	_ =	shalt  }
0x45: {  	_ =	shalt  }
0x46: {  	_ =	shalt  }
0x47: {  	_ =	shalt  }
0x48: {  	_ =	shalt  }
0x49: {  	_ =	shalt  }
0x4a: {  	_ =	shalt  }
0x4b: {  	_ =	shalt  }
0x4c: {  	_ =	shalt  }
0x4d: {  	_ =	shalt  }
0x4e: {  	_ =	shalt  }
0x4f: {  	_ =	shalt  }
0x50: {  	_ =	shalt  }
0x51: {  	_ =	shalt  }
0x52: {  	_ =	shalt  }
0x53: {  	_ =	shalt  }
0x54: {  	_ =	shalt  }
0x55: {  	_ =	shalt  }
0x56: {  	_ =	shalt  }
0x57: {  	_ =	shalt  }
0x58: {  	_ =	shalt  }
0x59: {  	_ =	shalt  }
0x5a: {  	_ =	shalt  }
0x5b: {  	_ =	shalt  }
0x5c: {  	_ =	shalt  }
0x5d: {  	_ =	shalt  }
0x5e: {  	_ =	shalt  }
0x5f: {  	_ =	shalt  }
0x60: {  	_ =	shalt  }
0x61: {  	_ =	shalt  }
0x62: {  	_ =	shalt  }
0x63: {  	_ =	shalt  }
0x64: {  	_ =	shalt  }
0x65: {  	_ =	shalt  }
0x66: {  	_ =	shalt  }
0x67: {  	_ =	shalt  }
0x68: {  	_ =	shalt  }
0x69: {  	_ =	shalt  }
0x6a: {  	_ =	shalt  }
0x6b: {  	_ =	shalt  }
0x6c: {  	_ =	shalt  }
0x6d: {  	_ =	shalt  }
0x6e: {  	_ =	shalt  }
0x6f: {  	_ =	shalt  }
0x70: {  	_ =	shalt  }
0x71: {  	_ =	shalt  }
0x72: {  	_ =	shalt  }
0x73: {  	_ =	shalt  }
0x74: {  	_ =	shalt  }
0x75: {  	_ =	shalt  }
0x76: {  	_ =	shalt  }
0x77: {  	_ =	shalt  }
0x78: {  	_ =	shalt  }
0x79: {  	_ =	shalt  }
0x7a: {  	_ =	shalt  }
0x7b: {  	_ =	shalt  }
0x7c: {  	_ =	shalt  }
0x7d: {  	_ =	shalt  }
0x7e: {  	_ =	shalt  }
0x7f: {  	_ =	shalt  }
0x80: {  	_ =	shalt  }
0x81: {  	_ =	shalt  }
0x82: {  	_ =	shalt  }
0x83: {  	_ =	shalt  }
0x84: {  	_ =	shalt  }
0x85: {  	_ =	shalt  }
0x86: {  	_ =	shalt  }
0x87: {  	_ =	shalt  }
.Lfunc_end0:
.L_simem_size_0:
called_computation.6_lowered:
.L_overlay_start_0:
0x88: {  	s2 =	sld [smem:$0x3FD9]  }
0x89: {  	s3 =	sld [smem:$0x3FFE];
	_ =	sdelay $0x1  }
0x8a: {  	s1 =	srdreg.scid  }
0x8b: {  	s0 =	sand.u32 $0x1, s1  }
0x8c: {  	s17 =	sshll.u32 s0, $0xA;
	s2 =	sadd.s32 s3, s2  }
0x8d: {  	s2 =	sadd.s32 s2, s17  }
0x8e: {  	[smem:$0x3FBB] =	sst s2  }
0x8f: {  	_ = 	snop  }
0x90: {  	s2 =	sld [smem:$0x3FD0];
	(tm) =	ssettm $0x1  }
0x91: {  	s18 =	sld [smem:$0x3FFB];
	_ =	sdelay $0x3  }
0x92: {  	_ =	strace s18  }
0x93: {  	s3 =	sld [smem:$0x3FFC];
	_ =	sdelay $0x3  }
0x94: {  	_ =	strace s3  }
0x95: {  	s3 =	sld [smem:$0x3FFD];
	_ =	sdelay $0x3  }
0x96: {  	_ =	strace s3  }
0x97: {  	_ =	strace $0x8FFFFFFF  }
0x98: {  	s19 =	sld [smem:$0x3FDB];
	_ =	sdelay $0x1  }
0x99: {  	s4 =	simm.s32 $_scs_section_size  }
0x9a: {  	s5 =	simm.s32 $_size__tile_overlayer_lowered;
	s6 =	simm.s32 $_tile_overlayer_lowered  }
0x9b: {  	s22 =	simm.s32 $0x1BFF;
	s21 =	sshll.u32 s6, $0x1;
	s3 =	sadd.s32 s4, s19  }
0x9c: {  	s7 =	simm.s32 $0x0;
	s20 =	sshll.u32 s5, $0x1;
	s5 =	sadd.s32 s21, s3  }
0x9d: {  	[timem:s7], [sflag:s22] =	dma.local [hbm:s5], s20  }
0x9e: {  	_ =	swait.ge [sflag:s22], s20  }
0x9f: {  	s4 =	ssub.s32 $0x0, s20;
	[sflag:s22] =	ssyncset.done $0x0  }
0xa0: {  	[sflag:s22] =	ssyncadd.s32 s4;
	_ =	sdelay $0x1  }
0xa1: {  	s23 =	simm.s32 $0x1B8B  }
0xa2: {  	_ =	swait.ge [sflag:s23], $0x1  }
0xa3: {  	[sflag:s23] =	ssyncset.done $0x0  }
0xa4: {  	s25 =	simm.s32 $0x1B8E;
	s24 =	sld [smem:$0x3FFE];
	[sflag:s23] =	ssyncadd.s32 $0xFFFFFFFF  }
0xa5: {  	s26 =	simm.s32 $execute0_lowered;
	[smem:$0x3FD2] =	sst s25  }
0xa6: {  	s5 =	sshll.u32 s26, $0x1;
	_ =	strace $0x80000052;
	[dreg:$0x1] =	wrdreg $0xFFFFFFFF  }
0xa7: {  	s28 =	simm.s32 $_size_execute0_lowered;
	s3 =	sadd.s32 s3, s5;
	[dreg:$0x0] =	wrdreg $0x0  }
0xa8: {  	s5 =	sshll.u32 s28, $0x1;
	[dreg:$0x2] =	wrdreg s3  }
0xa9: {  	[dreg:$0x3] =	wrdreg s5  }
0xaa: {  	[dreg:$0x4] =	wrdreg $0xC0  }
0xab: {  	_ =	task [dreg:s7], $0x5FFFF  }
0xac: {  	[dreg:$0x1] =	wrdreg $0xFFFFFFFF  }
0xad: {  	[dreg:$0x0] =	wrdreg $0x60  }
0xae: {  	[dreg:$0x2] =	wrdreg s24  }
0xaf: {  	[dreg:$0x3] =	wrdreg s2  }
0xb0: {  	[dreg:$0x4] =	wrdreg $0x9  }
0xb1: {  	_ =	task.clear_ibuf [dreg:s7], $0x5FFFF;
	_ =	strace $0x90000052  }
0xb2: {  	s29 =	simm.s32 $0x9;
	_ =	strace $0x80000054  }
0xb3: {  	_ =	swait.ge [sflag:s29], $0x1  }
0xb4: {  	[sflag:s29] =	ssyncadd.s32 $0xFFFFFFFF  }
0xb5: {  	_ =	strace $0x90000054  }
0xb6: {  	_ =	sfence  }
0xb7: {  	s30 =	sld [smem:$0x0];
	_ =	sdelay $0x2  }
0xb8: {  	s31 =	sshll.u32 s1, $0xD;
	s1 =	sshrl.u32 s1, $0x2  }
0xb9: {  	s3 =	sand.u32 $0x4000, s31;
	s1 =	sadd.s32 s1, s30  }
0xba: {  	s0 =	sor.u32 s3, s0;
	s1 =	sshll.u32 s1, $0x11  }
0xbb: {  	s0 =	sor.u32 s1, s0  }
0xbc: {  	s0 =	sadd.s32 $0x8F2B, s0  }
0xbd: {  	[sflag:s0] =	ssyncadd.remote.s32 $0x1  }
0xbe: {  	_ =	sfence.sel $0xFFFF  }
0xbf: {  	[dreg:$0x0] =	wrdreg $0xFFFFFFFF;
	(pc) =	sbr.abs _section_cstart, $3  }
0xc0: {  	[dreg:$0x1] =	wrdreg $0xFFFFFFFF  }
0xc1: {  	_ =	task.clear_ibuf [dreg:s7], $0x2FFFF;
	_ =	strace $0x9FFFFFFF  }
0xc2: {  	(tm) =	ssettm $0x7FFFFFFF  }
0xc3: {  	_ =	shalt  }
tec
execute0_lowered:
.L_overlay_start_1:
0x0: {  	(tag) =	ssettag $0x1  }
0x1: {  	s0 =	rddreg [dreg:$0x0]  }
0x2: {  	s2 =	rddreg [dreg:$0x1];
	s1 =	simm.s32 $0x0  }
0x3: {  	s3 =	srdreg.scid;
	s13 =	stileid.u32;
	s11 =	simm.s32 $0x1  }
0x4: {  	s12 =	simm.s32 $0x4200;
	s14 =	simm.s32 $0x4280;
	s15 =	simm.s32 $0x80  }
0x5: {  	s16 =	simm.s32 $0x100;
	s17 =	simm.s32 $0x180;
	s18 =	simm.s32 $0x0  }
0x6: {  	[smem:$0x7FF] =	sst s1;
	s10 =	sand.u32 $0x1, s3;
	s3 =	sadd.s32 $0x31800, s0  }
0x7: {  	s4 =	sadd.s32 $0xA400, s0;
	s5 =	sadd.s32 $0x27A00, s0;
	p1 =	sne.s32 s13, $0x0  }
0x8: {  	s7 =	sadd.s32 $0x27800, s0;
	_ =	strace $0x80000053;
	s6 =	sor.u32 s13, s10  }
0x9: {  	s8 =	simm.s32 @!p1 $0x0;
	s9 =	ssub.s32 $0x2, s10;
	p0 =	seq.s32 s6, $0x0  }
.Ltmp0:
0xa: {  	v1 =	vmov s13;
	s13 =	simm.s32 $0x2;
	p0 =	por !p1, !p0;
	(pc) =	sbr.rel .LBB2_1-.Ltmp0, $4  }
0xb: {  	s6 =	sadd.s32 $0x58A00, s0;
	s8 =	simm.s32 @p1 $0x1;
	p0 =	por !p0, !p0  }
0xc: {  	s31 =	sshrl.u32 s9, $0x1;
	[smem:$0x7FD] =	sst s8;
	s11 =	simm.s32 @!p0 $0x0  }
0xd: {  	v0 =	vlaneseq.u32;
	s8 =	sadd.s32 $0x62800, s0;
	s0 =	ssub.s32 s9, s31;
	s10 =	ssub.s32 s10, s11  }
0xe: {  	vm0 =	veq.s32 v1, v0;
	s9 =	simm.s32 $0x1;
	s11 =	smax.u32 s0, $0x1;
	s10 =	sshll.u32 s10, $0x4  }
.LBB2_7:
0xf: {  	s18 =	sadd.s32 $0x1, s18  }
0x10: {  	p0 =	sne.s32 s18, s11  }
.Ltmp1:
0x11: {  	_ = 	snop;
	(pc) =	sbr.rel @!p0 .LBB2_8-.Ltmp1, $1  }
0x12: {  	_ =	sdelay $0x3  }
.LBB2_1:
0x13: {  	[tilespmem:s12], [sflag:$0x2] =	stream.linear.gather [hbm4b:s7+s1], $0x80, $0x38;
	[tilespmem:$0x4300] =	vst v63  }
0x14: {  	_ =	swait.ge [sflag:s13], $0x80  }
0x15: {  	[sflag:s13] =	ssyncset.done $0x0  }
0x16: {  	[sflag:s13] =	ssyncadd.s32 $0xFFFFFF80  }
0x17: {  	[tilespmem:s14], [sflag:$0x2] =	stream.linear.gather [hbm4b:s2+s1], $0x80, $0x38;
	[tilespmem:$0x4300] =	vst v63  }
0x18: {  	_ =	swait.ge [sflag:s13], $0x80  }
0x19: {  	[sflag:s13] =	ssyncset.done $0x0  }
0x1a: {  	[sflag:s13] =	ssyncadd.s32 $0xFFFFFF80  }
0x1b: {  	v1 =	vld [tilespmem:s10+$0x4200];
	_ =	sdelay $0x1  }
0x1c: {  	v2 =	vld [tilespmem:s10+$0x4280];
	_ =	sdelay $0x2  }
0x1d: {  	v1 =	vxor.u32 $0x80000000, v1  }
0x1e: {  	v1 =	vnsel vm0, $0x0, v1  }
0x1f: {  	(xrf0) =	vmax.scan.msk.u32 $0xffff, v1;
	v1 =	vxor.u32 $0x80000000, v2  }
0x20: {  	v1 =	vnsel vm0, $0x0, v1  }
0x21: {  	(xrf0) =	vmax.scan.msk.u32 $0xffff, v1;
	_ =	sdelay $0x3  }
0x22: {  	v1, _, _ =	vpop (xrf0)  }
0x23: {  	(v2sf) =	vpush v1, $0xF  }
0x24: {  	v1, _, _ =	vpop (xrf0)  }
0x25: {  	(v2sf) =	vpush v1, $0xF;
	_ =	sdelay $0xc  }
0x26: {  	s20 =	spop (v2sf)  }
0x27: {  	s19 =	sxor.u32 $0x80000000, s20;
	p1 =	sgt.s32 s20, $0xFFFFFFFF;
	s20 =	sand.u32 $0x7F, s20  }
0x28: {  	s0 =	spop (v2sf);
	s21 =	sshra.s32 s19, $0x1F;
	p0 =	slt.s32 s19, $0x1  }
0x29: {  	p5 =	sne.s32 s20, $0x0;
	s20 =	simm.s32 $0x1;
	s21 =	sshrl.u32 s21, $0x19  }
0x2a: {  	p0 =	por p1, p0;
	s30 =	sadd.s32 $0x8000007F, s0;
	s29 =	sadd.s32 s21, s19  }
0x2b: {  	p0 =	por !p5, !p0;
	s31 =	sand.u32 $0x7F, s30;
	s23 =	sshra.s32 s30, $0x1F  }
0x2c: {  	p6 =	slt.s32 s30, $0x1;
	s22 =	sshra.s32 s29, $0x7;
	p2 =	sne.s32 s31, $0x0  }
0x2d: {  	p0 =	por !p0, !p0;
	s23 =	sshrl.u32 s23, $0x19;
	p1 =	por !p6, !p2  }
0x2e: {  	s21 =	sadd.s32 s23, s30;
	s23 =	simm.s32 $0x1;
	p1 =	por !p1, !p1  }
0x2f: {  	s20 =	simm.s32 @!p0 $0x0;
	s21 =	sshra.s32 s21, $0x7;
	s23 =	simm.s32 @!p1 $0x0  }
0x30: {  	s20 =	ssub.s32 s22, s20;
	s21 =	ssub.s32 s21, s23  }
0x31: {  	p1 =	sge.s32 s20, s21  }
.Ltmp2:
0x32: {  	_ = 	snop;
	(pc) =	sbr.rel @p1 .LBB2_7-.Ltmp2, $1  }
0x33: {  	_ =	sdelay $0x3  }
0x34: {  	s24 =	simm.s32 $0xFFFFFFFF  }
0x35: {  	v3 =	vimm.f32 $0.0e+00;
	v5 =	vimm.f32 $0.0e+00;
	s24 =	simm.s32 @!p0 $0x0  }
0x36: {  	s23 =	sxor.u32 $0x80000000, s0;
	s30 =	sshll.u32 s22, $0x7;
	v4 =	vimm.f32 $0.0e+00;
	v7 =	vimm.f32 $0.0e+00;
	v6 =	vimm.f32 $0.0e+00;
	s31 =	sshll.u32 s24, $0x7  }
0x37: {  	s22 =	simm.s32 $0xFFFFFFFF;
	p1 =	por $0x0, $0x0;
	v1 =	vimm.f32 $0.0e+00;
	v8 =	vimm.f32 $0.0e+00;
	v2 =	vimm.f32 $0.0e+00;
	s24 =	sadd.s32 s31, s30  }
.LBB2_3:
0x38: {  	s0 =	sshll.u32 s20, $0x4  }
0x39: {  	s0 =	sand.u32 $0x1FFFFFF0, s0  }
0x3a: {  	s29 =	simm.s32 $0x0;
	s25 =	sadd.s32 s4, s0  }
0x3b: {  	[tilespmem:s29], [sflag:$0x2] =	stream.linear.gather [hbm4b:s25+s29], $0x80, $0x38;
	[tilespmem:$0x4300] =	vst v63  }
0x3c: {  	_ =	swait.ge [sflag:s13], $0x80  }
0x3d: {  	[sflag:s13] =	ssyncset.done $0x0  }
0x3e: {  	s14 =	sadd.s32 s5, s0;
	[sflag:s13] =	ssyncadd.s32 $0xFFFFFF80  }
0x3f: {  	[tilespmem:s15], [sflag:$0x2] =	stream.linear.gather [hbm4b:s14+s29], $0x80, $0x38;
	[tilespmem:$0x4300] =	vst v63  }
0x40: {  	_ =	swait.ge [sflag:s13], $0x80  }
0x41: {  	[sflag:s13] =	ssyncset.done $0x0  }
0x42: {  	s0 =	sadd.s32 s6, s0;
	[sflag:s13] =	ssyncadd.s32 $0xFFFFFF80  }
0x43: {  	[tilespmem:s16], [sflag:$0x2] =	stream.linear.gather [hbm4b:s0+s29], $0x80, $0x38;
	[tilespmem:$0x4300] =	vst v63  }
0x44: {  	_ =	swait.ge [sflag:s13], $0x80  }
0x45: {  	[sflag:s13] =	ssyncset.done $0x0  }
0x46: {  	[sflag:s13] =	ssyncadd.s32 $0xFFFFFF80  }
0x47: {  	[tilespmem:s17], [sflag:$0x1] =	stream.indirect.gather [hbm4b:s3+s15], $0x80, s29, s15, $0xb8;
	[tilespmem:$0x4300] =	vst v63  }
0x48: {  	_ =	swait.ge [sflag:s9], $0x4000  }
0x49: {  	[sflag:s9] =	ssyncset.done $0x0  }
0x4a: {  	s0 =	sand.u32 $0x70, s29;
	[sflag:s9] =	ssyncadd.s32 $0xFFFFC000  }
0x4b: {  	v10 =	vld [tilespmem:s0+$0x80];
	_ =	sdelay $0x2  }
0x4c: {  	s26 =	sand.u32 $0xF, s29  }
0x4d: {  	v9 =	vmov s26  }
0x4e: {  	vm1 =	veq.s32 v9, v0;
	v10 =	vxor.u32 $0x80000000, v10  }
0x4f: {  	v10 =	vnsel vm1, $0x0, v10  }
0x50: {  	(xrf0) =	vmax.scan.msk.u32 $0xffff, v10;
	_ =	sdelay $0x5  }
0x51: {  	s31 =	simm.s32 $0x2;
	s30 =	smov.u32 s22;
	v10, _, _ =	vpop (xrf0)  }
0x52: {  	s28 =	simm.s32 $0x1C0;
	s26 =	simm.s32 $0x1;
	s25 =	simm.s32 $0x1C0;
	(v2sf) =	vpush v10, $0xF  }
.LBB2_4:
0x53: {  	_ =	sdelay $0x7  }
0x54: {  	s25 =	sadd.s32 $0x80, s25;
	s1 =	smov.u32 s31;
	s31 =	sadd.s32 $0x1, s31  }
0x55: {  	p2 =	sne.s32 s31, $0x80;
	_ =	sdelay $0x2  }
0x56: {  	s12 =	sadd.s32 s29, s24;
	s29 =	smov.u32 s26;
	s26 =	smov.u32 s1  }
0x57: {  	p0 =	sge.s32 s12, s19;
	p3 =	slt.s32 s12, s23  }
0x58: {  	p0 =	por !p0, !p3;
	s1 =	spop (v2sf)  }
0x59: {  	p3 =	por !p0, !p0;
	s1 =	sxor.u32 $0x80000000, s1  }
0x5a: {  	p4 =	sne.s32 s1, s30;
	s22 =	smov.u32 @p3 s1  }
0x5b: {  	p0 =	por !p3, !p4  }
0x5c: {  	p5 =	por !p0, !p0  }
0x5d: {  	v10 =	vld [tilespmem:s0+$0x100];
	p0 =	por !p5, !p1;
	p1 =	por p1, p5  }
0x5e: {  	[tilespmem:$0x41B0] =	vst @!p0 v6;
	s0 =	sshll.u32 @!p0 s30, $0x4;
	s30 =	smov.u32 s22  }
0x5f: {  	[tilespmem:$0x41C0] =	vst @!p0 v7;
	s0 =	sand.u32 @!p0 $0x1FFFFFF0, s0  }
0x60: {  	[tilespmem:$0x4190] =	vst @!p0 v8;
	s0 =	sadd.s32 @!p0 s8, s0  }
0x61: {  	[tilespmem:$0x41E0] =	vst @!p0 v5  }
0x62: {  	[tilespmem:$0x41D0] =	vst @!p0 v4  }
0x63: {  	[tilespmem:$0x41F0] =	vst @!p0 v3  }
0x64: {  	[tilespmem:$0x41A0] =	vst @!p0 v1  }
0x65: {  	s1 =	simm.s32 @!p0 $0x0;
	s12 =	simm.s32 @!p0 $0x4180;
	s14 =	simm.s32 @!p0 $0x2;
	[tilespmem:$0x4180] =	vst @!p0 v2  }
0x66: {  	[hbm4b:s0+s1] =	stream.linear.scatter @!p0 [tilespmem:s12], [sflag:$0x2], $0x80, $0x38;
	[tilespmem:$0x4300] =	vst v63  }
0x67: {  	_ =	swait.ge @!p0 [sflag:s14], $0x80  }
0x68: {  	[sflag:s14] =	ssyncset.done @!p0 $0x0  }
0x69: {  	[sflag:s14] =	ssyncadd.s32 @!p0 $0xFFFFFF80  }
0x6a: {  	v11 =	vld [tilespmem:s28+$0xFFFFFFC0]  }
0x6b: {  	v12 =	vld [tilespmem:s28+$0xFFFFFFD0]  }
0x6c: {  	v13 =	vld [tilespmem:s28+$0xFFFFFFE0]  }
0x6d: {  	v10 =	vperm.xlane v10, v9;
	v9 =	vld [tilespmem:s28+$0xFFFFFFF0]  }
0x6e: {  	s0 =	sand.u32 $0x70, s29;
	v14 =	vld [tilespmem:s28+$0x0]  }
0x6f: {  	v15 =	vld [tilespmem:s0+$0x80];
	v11 =	vmul.f32 v11, v10  }
0x70: {  	v12 =	vmul.f32 v12, v10;
	v16 =	vld [tilespmem:s28+$0x10]  }
0x71: {  	v17 =	vadd.f32 v11, v2;
	v13 =	vmul.f32 v13, v10;
	v18 =	vld [tilespmem:s28+$0x20]  }
0x72: {  	s1 =	sand.u32 $0xF, s29;
	v19 =	vadd.f32 v12, v8;
	v20 =	vmul.f32 v9, v10;
	v21 =	vld [tilespmem:s28+$0x30];
	s28 =	smov.u32 s25  }
0x73: {  	v9 =	vmov s1;
	v11 =	vpsel p4, v11, v17;
	v17 =	vadd.f32 v13, v1  }
0x74: {  	vm1 =	veq.s32 v9, v0;
	v15 =	vxor.u32 $0x80000000, v15;
	v12 =	vpsel p4, v12, v19  }
0x75: {  	v15 =	vnsel vm1, $0x0, v15;
	v13 =	vpsel p4, v13, v17;
	v16 =	vmul.f32 v16, v10  }
0x76: {  	(xrf0) =	vmax.scan.msk.u32 $0xffff, v15;
	v1 =	vpsel p3, v13, v1;
	v13 =	vadd.f32 v20, v6;
	v15 =	vmul.f32 v18, v10  }
0x77: {  	v14 =	vmul.f32 v14, v10;
	v17 =	vadd.f32 v16, v4;
	v10 =	vmul.f32 v21, v10  }
0x78: {  	v2 =	vpsel p3, v11, v2;
	v11 =	vpsel p4, v20, v13;
	v13 =	vadd.f32 v15, v5  }
.Ltmp3:
0x79: {  	v18 =	vadd.f32 v14, v7;
	v16 =	vpsel p4, v16, v17;
	v17 =	vadd.f32 v10, v3;
	(pc) =	sbr.rel @p2 .LBB2_4-.Ltmp3, $4  }
0x7a: {  	v6 =	vpsel p3, v11, v6;
	v4 =	vpsel p3, v16, v4;
	v15 =	vpsel p4, v15, v13  }
0x7b: {  	v13 =	vpsel p4, v14, v18;
	v5 =	vpsel p3, v15, v5;
	v10 =	vpsel p4, v10, v17  }
0x7c: {  	v8 =	vpsel p3, v12, v8;
	v7 =	vpsel p3, v13, v7;
	v11, _, _ =	vpop (xrf0);
	v3 =	vpsel p3, v10, v3  }
0x7d: {  	(v2sf) =	vpush v11, $0xF  }
0x7e: {  	_ =	sdelay $0xc  }
0x7f: {  	s1 =	sadd.s32 s29, s24  }
0x80: {  	p0 =	sge.s32 s1, s19;
	p2 =	slt.s32 s1, s23;
	s29 =	spop (v2sf)  }
0x81: {  	p0 =	por !p0, !p2;
	s1 =	sxor.u32 $0x80000000, s29  }
0x82: {  	p3 =	por !p0, !p0;
	p4 =	sne.s32 s1, s30  }
0x83: {  	p0 =	por !p3, !p4  }
0x84: {  	p6 =	por !p0, !p0  }
0x85: {  	p0 =	por !p6, !p1  }
0x86: {  	v10 =	vld [tilespmem:s0+$0x100];
	[tilespmem:$0x41B0] =	vst @!p0 v6  }
0x87: {  	[tilespmem:$0x41C0] =	vst @!p0 v7  }
0x88: {  	[tilespmem:$0x4190] =	vst @!p0 v8  }
0x89: {  	[tilespmem:$0x41E0] =	vst @!p0 v5  }
0x8a: {  	[tilespmem:$0x41D0] =	vst @!p0 v4  }
0x8b: {  	s0 =	sshll.u32 @!p0 s30, $0x4;
	[tilespmem:$0x41F0] =	vst @!p0 v3  }
0x8c: {  	[tilespmem:$0x41A0] =	vst @!p0 v1;
	s0 =	sand.u32 @!p0 $0x1FFFFFF0, s0  }
0x8d: {  	[tilespmem:$0x4180] =	vst @!p0 v2;
	s12 =	simm.s32 @!p0 $0x0;
	s14 =	simm.s32 @!p0 $0x4180;
	s0 =	sadd.s32 @!p0 s8, s0  }
0x8e: {  	[hbm4b:s0+s12] =	stream.linear.scatter @!p0 [tilespmem:s14], [sflag:$0x2], $0x80, $0x38;
	[tilespmem:$0x4300] =	vst v63  }
0x8f: {  	s0 =	simm.s32 @!p0 $0x2  }
0x90: {  	_ =	swait.ge @!p0 [sflag:s0], $0x80  }
0x91: {  	[sflag:s0] =	ssyncset.done @!p0 $0x0  }
0x92: {  	s31 =	sand.u32 $0x70, s26;
	[sflag:s0] =	ssyncadd.s32 @!p0 $0xFFFFFF80  }
0x93: {  	v11 =	vld [tilespmem:s31+$0x80];
	_ =	sdelay $0x2  }
0x94: {  	s14 =	sand.u32 $0xF, s26  }
0x95: {  	v12 =	vmov s14  }
0x96: {  	vm1 =	veq.s32 v12, v0;
	v11 =	vxor.u32 $0x80000000, v11  }
0x97: {  	v11 =	vnsel vm1, $0x0, v11  }
0x98: {  	(xrf0) =	vmax.scan.msk.u32 $0xffff, v11;
	_ =	sdelay $0x5  }
0x99: {  	v11, _, _ =	vpop (xrf0)  }
0x9a: {  	(v2sf) =	vpush v11, $0xF;
	_ =	sdelay $0x7  }
0x9b: {  	v13 =	vld [tilespmem:s28+$0xFFFFFFD0]  }
0x9c: {  	v15 =	vld [tilespmem:s28+$0xFFFFFFF0]  }
0x9d: {  	v16 =	vld [tilespmem:s28+$0x0]  }
0x9e: {  	v14 =	vld [tilespmem:s28+$0xFFFFFFE0]  }
0x9f: {  	v9 =	vperm.xlane v10, v9;
	v10 =	vld [tilespmem:s28+$0x20]  }
0xa0: {  	v17 =	vld [tilespmem:s28+$0x10]  }
0xa1: {  	s29 =	sadd.s32 s26, s24;
	v18 =	vld [tilespmem:s28+$0x30]  }
0xa2: {  	p2 =	sge.s32 s29, s19;
	p5 =	slt.s32 s29, s23;
	v15 =	vmul.f32 v15, v9;
	v16 =	vmul.f32 v16, v9;
	v11 =	vld [tilespmem:s28+$0xFFFFFFC0];
	s30 =	spop (v2sf)  }
0xa3: {  	s22 =	smov.u32 @p3 s1;
	p0 =	por !p2, !p5;
	v13 =	vmul.f32 v13, v9;
	s0 =	sxor.u32 $0x80000000, s30  }
0xa4: {  	p2 =	por !p0, !p0;
	v10 =	vmul.f32 v10, v9;
	v19 =	vadd.f32 v15, v6;
	v21 =	vadd.f32 v16, v7;
	p5 =	sne.s32 s0, s22  }
0xa5: {  	v14 =	vmul.f32 v14, v9;
	v17 =	vmul.f32 v17, v9;
	v20 =	vadd.f32 v13, v8;
	p0 =	por !p2, !p5  }
0xa6: {  	p1 =	por p1, p6;
	v47 =	vadd.f32 v10, v5;
	v15 =	vpsel p4, v15, v19;
	v48 =	vpsel p4, v16, v21;
	p6 =	por !p0, !p0  }
0xa7: {  	v6 =	vpsel p3, v15, v6;
	v11 =	vmul.f32 v11, v9;
	v9 =	vmul.f32 v18, v9;
	p0 =	por !p6, !p1  }
0xa8: {  	v49 =	vld [tilespmem:s31+$0x100];
	v50 =	vadd.f32 v17, v4;
	v13 =	vpsel p4, v13, v20;
	v7 =	vpsel p3, v48, v7;
	[tilespmem:$0x41B0] =	vst @!p0 v6  }
0xa9: {  	v10 =	vpsel p4, v10, v47;
	v8 =	vpsel p3, v13, v8;
	v51 =	vadd.f32 v9, v3;
	[tilespmem:$0x41C0] =	vst @!p0 v7  }
0xaa: {  	v52 =	vadd.f32 v14, v1;
	v17 =	vpsel p4, v17, v50;
	v5 =	vpsel p3, v10, v5;
	[tilespmem:$0x4190] =	vst @!p0 v8  }
0xab: {  	v4 =	vpsel p3, v17, v4;
	v10 =	vadd.f32 v11, v2;
	v9 =	vpsel p4, v9, v51;
	[tilespmem:$0x41E0] =	vst @!p0 v5  }
0xac: {  	v13 =	vpsel p4, v14, v52;
	v3 =	vpsel p3, v9, v3;
	[tilespmem:$0x41D0] =	vst @!p0 v4  }
0xad: {  	v1 =	vpsel p3, v13, v1;
	v9 =	vpsel p4, v11, v10;
	s1 =	sshll.u32 @!p0 s22, $0x4;
	[tilespmem:$0x41F0] =	vst @!p0 v3  }
0xae: {  	v2 =	vpsel p3, v9, v2;
	[tilespmem:$0x41A0] =	vst @!p0 v1;
	s12 =	simm.s32 @!p0 $0x0;
	s1 =	sand.u32 @!p0 $0x1FFFFFF0, s1  }
0xaf: {  	[tilespmem:$0x4180] =	vst @!p0 v2;
	s14 =	simm.s32 @!p0 $0x4180;
	s26 =	simm.s32 @!p0 $0x2;
	s1 =	sadd.s32 @!p0 s8, s1  }
0xb0: {  	[hbm4b:s1+s12] =	stream.linear.scatter @!p0 [tilespmem:s14], [sflag:$0x2], $0x80, $0x38;
	[tilespmem:$0x4300] =	vst v63  }
0xb1: {  	_ =	swait.ge @!p0 [sflag:s26], $0x80  }
0xb2: {  	[sflag:s26] =	ssyncset.done @!p0 $0x0  }
0xb3: {  	s31 =	sadd.s32 $0x80, s25;
	[sflag:s26] =	ssyncadd.s32 @!p0 $0xFFFFFF80  }
0xb4: {  	v9 =	vld [tilespmem:s31+$0xFFFFFFC0]  }
0xb5: {  	v10 =	vld [tilespmem:s31+$0xFFFFFFD0]  }
0xb6: {  	v11 =	vld [tilespmem:s31+$0xFFFFFFE0]  }
0xb7: {  	v53 =	vld [tilespmem:s31+$0xFFFFFFF0]  }
0xb8: {  	v54 =	vld [tilespmem:s31+$0x0]  }
0xb9: {  	v55 =	vld [tilespmem:s31+$0x10]  }
0xba: {  	v12 =	vperm.xlane v49, v12;
	v56 =	vld [tilespmem:s31+$0x20]  }
0xbb: {  	v58 =	vld [tilespmem:s31+$0x30]  }
0xbc: {  	v11 =	vmul.f32 v11, v12  }
0xbd: {  	v9 =	vmul.f32 v9, v12;
	v10 =	vmul.f32 v10, v12  }
0xbe: {  	v13 =	vmul.f32 v53, v12;
	v15 =	vmul.f32 v55, v12;
	v60 =	vadd.f32 v11, v1  }
0xbf: {  	v16 =	vmul.f32 v56, v12;
	v14 =	vmul.f32 v54, v12  }
0xc0: {  	v12 =	vmul.f32 v58, v12;
	v57 =	vadd.f32 v9, v2;
	v11 =	vpsel p5, v11, v60  }
0xc1: {  	s20 =	sadd.s32 $0x1, s20;
	v59 =	vadd.f32 v10, v8;
	v1 =	vpsel p2, v11, v1;
	v11 =	vadd.f32 v13, v6  }
0xc2: {  	p0 =	slt.s32 s20, s21;
	v61 =	vadd.f32 v15, v4;
	v62 =	vadd.f32 v14, v7;
	v9 =	vpsel p5, v9, v57  }
.Ltmp4:
0xc3: {  	v2 =	vpsel p2, v9, v2;
	v9 =	vpsel p5, v13, v11;
	v11 =	vadd.f32 v16, v5;
	(pc) =	sbr.rel @p0 .LBB2_3-.Ltmp4, $4  }
0xc4: {  	v63 =	vadd.f32 v12, v3;
	v10 =	vpsel p5, v10, v59;
	v15 =	vpsel p5, v15, v61  }
0xc5: {  	v4 =	vpsel p2, v15, v4;
	v6 =	vpsel p2, v9, v6;
	v9 =	vpsel p5, v16, v11  }
0xc6: {  	v11 =	vpsel p5, v14, v62;
	v5 =	vpsel p2, v9, v5;
	v9 =	vpsel p5, v12, v63  }
0xc7: {  	s24 =	sadd.s32 $0x80, s24;
	p1 =	por p1, p6;
	s22 =	smov.u32 @p2 s0;
	v8 =	vpsel p2, v10, v8;
	v7 =	vpsel p2, v11, v7;
	v3 =	vpsel p2, v9, v3  }
0xc8: {  	[tilespmem:$0x4180] =	vst @p1 v2  }
0xc9: {  	[tilespmem:$0x4190] =	vst @p1 v8  }
0xca: {  	[tilespmem:$0x41A0] =	vst @p1 v1  }
0xcb: {  	[tilespmem:$0x41B0] =	vst @p1 v6  }
0xcc: {  	[tilespmem:$0x41C0] =	vst @p1 v7  }
0xcd: {  	[tilespmem:$0x41D0] =	vst @p1 v4;
	s0 =	sshll.u32 @p1 s22, $0x4  }
0xce: {  	[tilespmem:$0x41E0] =	vst @p1 v5;
	s0 =	sand.u32 @p1 $0x1FFFFFF0, s0  }
0xcf: {  	[tilespmem:$0x41F0] =	vst @p1 v3;
	s1 =	simm.s32 @p1 $0x0;
	s12 =	simm.s32 @p1 $0x4180;
	s0 =	sadd.s32 @p1 s8, s0  }
0xd0: {  	[hbm4b:s0+s1] =	stream.linear.scatter @p1 [tilespmem:s12], [sflag:$0x2], $0x80, $0x38;
	[tilespmem:$0x4300] =	vst v63  }
.Ltmp5:
0xd1: {  	_ = 	snop;
	(pc) =	sbr.rel .LBB2_7-.Ltmp5, $4  }
0xd2: {  	s0 =	simm.s32 @p1 $0x2  }
0xd3: {  	_ =	swait.ge @p1 [sflag:s0], $0x80  }
0xd4: {  	s14 =	simm.s32 $0x4280;
	[sflag:s0] =	ssyncset.done @p1 $0x0  }
0xd5: {  	s1 =	simm.s32 $0x0;
	s12 =	simm.s32 $0x4200;
	[sflag:s0] =	ssyncadd.s32 @p1 $0xFFFFFF80  }
.LBB2_8:
0xd6: {  	_ =	sfence.sel $0x180000  }
0xd7: {  	[bflag:$0x0] =	sbarrier.arrive $0xFFFF  }
0xd8: {  	_ =	strace $0x90000053  }
0xd9: {  	[bflag:$0x2] =	sbarrier.arrive $0xFFFF  }
0xda: {  	s1 =	sld [smem:$0x7FD];
	_ =	sdelay $0x2  }
0xdb: {  	s0 =	rddreg [dreg:$0x2];
	p0 =	seq.s32 s1, $0x1  }
0xdc: {  	s0 =	sadd.s32 @!p0 $0x100000, s0  }
0xdd: {  	[sflag:s0] =	ssyncadd.tile.s32 @!p0 $0x1;
	_ =	shalt  }
.Lfunc_end2:
_tile_overlayer_lowered:
.L_overlay_start_2:
0xde: {  	(tag) =	ssettag $0x2  }
0xdf: {  	s0 =	rddreg [dreg:$0x0];
	s2 =	stileid.u32  }
0xe0: {  	s1 =	rddreg [dreg:$0x1];
	p0 =	sne.s32 s2, $0x0  }
0xe1: {  	s3 =	rddreg [dreg:$0x2];
	[bflag:$0x3] =	sbarrier.arrive $0xFFFF;
	s2 =	simm.s32 @!p0 $0x1C02  }
0xe2: {  	[timem:s3], [sflag:s2] =	dma.local @!p0 [hbm:s0], s1  }
0xe3: {  	s0 =	simm.s32 @!p0 $0x2  }
0xe4: {  	_ =	swait.ge @!p0 [sflag:s0], s1  }
0xe5: {  	s1 =	ssub.s32 @!p0 $0x0, s1;
	[sflag:s0] =	ssyncset.done @!p0 $0x0  }
0xe6: {  	[sflag:s0] =	ssyncadd.s32 @!p0 s1  }
0xe7: {  	[bflag:$0x3] =	sbarrier.arrive $0xFFFF  }
0xe8: {  	_ =	shalt  }

// kernel: kernel.9.cloned.1.call-start
scs
__scs_entry_jumppad:
0x0: {  	(pc) =	sbr.rel $0x88, $3  }
0x1: {  	(tag) =	ssettag $0x0;
	lr =	simm.s32 $0x1  }
0x2: {  	[smem:$0x3F94] =	sst lr;
	_ =	strace $0xD0000000  }
0x3: {  	_ = 	snop  }
0x4: {  	_ = 	snop  }
0x5: {  	_ = 	snop  }
0x6: {  	_ = 	snop  }
0x7: {  	_ = 	snop  }
__scs_overlays_trampoline_lowered:
0x8: {  	[smem:$0x3FA3] =	sst s0  }
0x9: {  	[smem:$0x3FA4] =	sst s1  }
0xa: {  	[smem:$0x3FA5] =	sst s2  }
0xb: {  	[smem:$0x3FA6] =	sst s3  }
0xc: {  	[smem:$0x3FA7] =	sst s4  }
0xd: {  	[smem:$0x3FA8] =	sst s5  }
0xe: {  	[smem:$0x3FA9] =	sst s6  }
0xf: {  	[smem:$0x3FAA] =	sst s7  }
0x10: {  	[smem:$0x3FAB] =	sst s8  }
0x11: {  	[smem:$0x3FAC] =	sst s9;
	s0 =	simm.s32 @!p0 $0x0  }
0x12: {  	s1 =	sld [smem:$0x3F92];
	s0 =	simm.s32 @p0 $0x1  }
0x13: {  	[smem:$0x3FAD] =	sst s0;
	s0 =	simm.s32 @!p1 $0x0  }
0x14: {  	s2 =	sld [smem:$0x3F91];
	s0 =	simm.s32 @p1 $0x1  }
0x15: {  	[smem:$0x3FAE] =	sst s0;
	s0 =	simm.s32 @!p2 $0x0  }
0x16: {  	s3 =	sld [smem:$0x3FDB];
	s0 =	simm.s32 @p2 $0x1  }
0x17: {  	s4 =	simm.s32 $0x1BF5;
	[smem:$0x3FB0] =	sst s0  }
0x18: {  	s0 =	sld [smem:$0x3F93];
	_ =	swait.ge [sflag:s4], $0x0  }
0x19: {  	s7 =	sld [smem:$0x3F94]  }
0x1a: {  	s8 =	sadd.s32 $0xFFFFE003, lr  }
0x1b: {  	s9 =	sadd.s32 $0xFFFFFEF7, lr;
	s5 =	simm.s32 $0xFFFFFFFF;
	p2 =	slt.u32 s8, $0xFFFFF086  }
0x1c: {  	p1 =	slt.u32 s9, $0xF7A;
	s5 =	simm.s32 @!p2 $0x0  }
0x1d: {  	s5 =	simm.s32 @p1 $0x1;
	p0 =	seq.s32 s7, s2  }
0x1e: {  	s7 =	smul.u32 @!p0 $0xF7A, s2;
	p2 =	seq.s32 @!p0 s5, $0x0  }
0x1f: {  	s9 =	smul.u32 $0xF7A, s1;
	s8 =	simm.s32 @!p0 $0x1BF5;
	p2 =	por !p2, p0  }
0x20: {  	[sflag:s8] =	ssyncset.s32 @!p0 $0xFFFFF086;
	s6 =	sadd.s32 @!p0 s3, s7;
	s7 =	simm.s32 @!p0 $0x108  }
0x21: {  	s3 =	sadd.s32 s3, s9;
	s6 =	sadd.s32 @!p0 $0x88, s6;
	s7 =	simm.s32 @p2 $0x1082  }
0x22: {  	[simem:s7], [sflag:s8] =	dma.local @!p0 [hbm:s6], $0xF7A  }
0x23: {  	s9 =	sor.u32 $0xD0000000, s2;
	s6 =	simm.s32 $0x108;
	_ =	swait.ge @!p0 [sflag:s8], $0x0  }
0x24: {  	s3 =	sadd.s32 $0x88, s3;
	s6 =	simm.s32 @!p1 $0x1082;
	[sflag:s4] =	ssyncset.s32 $0xFFFFF086  }
0x25: {  	[simem:s6], [sflag:s4] =	dma.local [hbm:s3], $0xF7A  }
0x26: {  	[smem:$0x3F94] =	sst s1;
	(tag) =	ssettag s2;
	_ =	strace s9  }
0x27: {  	s1 =	sld [smem:$0x3FA4]  }
0x28: {  	s2 =	sld [smem:$0x3FA5]  }
0x29: {  	s4 =	sld [smem:$0x3FA7]  }
0x2a: {  	p0 =	seq.s32 s5, $0x0;
	s5 =	sld [smem:$0x3FA8]  }
0x2b: {  	s6 =	sld [smem:$0x3FA9]  }
0x2c: {  	s7 =	sld [smem:$0x3FAA]  }
0x2d: {  	s3 =	simm.s32 $0x108;
	s8 =	sld [smem:$0x3FAB]  }
0x2e: {  	s3 =	simm.s32 @!p0 $0x1082;
	s9 =	sld [smem:$0x3FAC]  }
0x2f: {  	lr =	sadd.s32 s0, s3;
	s0 =	sld [smem:$0x3FA3]  }
0x30: {  	s3 =	sld [smem:$0x3FA6]  }
0x31: {  	[smem:$0x3FAF] =	sst s10  }
0x32: {  	s10 =	sld [smem:$0x3FAD];
	_ =	sdelay $0x3  }
0x33: {  	p0 =	seq.s32 s10, $0x1;
	s10 =	sld [smem:$0x3FAF];
	_ =	sdelay $0x3  }
0x34: {  	[smem:$0x3FAF] =	sst s10  }
0x35: {  	s10 =	sld [smem:$0x3FAE];
	_ =	sdelay $0x3  }
0x36: {  	p1 =	seq.s32 s10, $0x1;
	s10 =	sld [smem:$0x3FAF];
	_ =	sdelay $0x3  }
0x37: {  	[smem:$0x3FAF] =	sst s10  }
0x38: {  	s10 =	sld [smem:$0x3FB0]  }
0x39: {  	_ = 	snop;
	(pc) =	sbr.ind lr, $3  }
0x3a: {  	_ = 	snop  }
0x3b: {  	_ = 	snop  }
0x3c: {  	p2 =	seq.s32 s10, $0x1;
	s10 =	sld [smem:$0x3FAF]  }
0x3d: {  	_ =	shalt  }
0x3e: {  	_ =	shalt  }
0x3f: {  	_ =	shalt  }
0x40: {  	_ =	shalt  }
0x41: {  	_ =	shalt  }
0x42: {  	_ =	shalt  }
0x43: {  	_ =	shalt  }
0x44: {  	_ =	shalt  }
0x45: {  	_ =	shalt  }
0x46: {  	_ =	shalt  }
0x47: {  	_ =	shalt  }
0x48: {  	_ =	shalt  }
0x49: {  	_ =	shalt  }
0x4a: {  	_ =	shalt  }
0x4b: {  	_ =	shalt  }
0x4c: {  	_ =	shalt  }
0x4d: {  	_ =	shalt  }
0x4e: {  	_ =	shalt  }
0x4f: {  	_ =	shalt  }
0x50: {  	_ =	shalt  }
0x51: {  	_ =	shalt  }
0x52: {  	_ =	shalt  }
0x53: {  	_ =	shalt  }
0x54: {  	_ =	shalt  }
0x55: {  	_ =	shalt  }
0x56: {  	_ =	shalt  }
0x57: {  	_ =	shalt  }
0x58: {  	_ =	shalt  }
0x59: {  	_ =	shalt  }
0x5a: {  	_ =	shalt  }
0x5b: {  	_ =	shalt  }
0x5c: {  	_ =	shalt  }
0x5d: {  	_ =	shalt  }
0x5e: {  	_ =	shalt  }
0x5f: {  	_ =	shalt  }
0x60: {  	_ =	shalt  }
0x61: {  	_ =	shalt  }
0x62: {  	_ =	shalt  }
0x63: {  	_ =	shalt  }
0x64: {  	_ =	shalt  }
0x65: {  	_ =	shalt  }
0x66: {  	_ =	shalt  }
0x67: {  	_ =	shalt  }
0x68: {  	_ =	shalt  }
0x69: {  	_ =	shalt  }
0x6a: {  	_ =	shalt  }
0x6b: {  	_ =	shalt  }
0x6c: {  	_ =	shalt  }
0x6d: {  	_ =	shalt  }
0x6e: {  	_ =	shalt  }
0x6f: {  	_ =	shalt  }
0x70: {  	_ =	shalt  }
0x71: {  	_ =	shalt  }
0x72: {  	_ =	shalt  }
0x73: {  	_ =	shalt  }
0x74: {  	_ =	shalt  }
0x75: {  	_ =	shalt  }
0x76: {  	_ =	shalt  }
0x77: {  	_ =	shalt  }
0x78: {  	_ =	shalt  }
0x79: {  	_ =	shalt  }
0x7a: {  	_ =	shalt  }
0x7b: {  	_ =	shalt  }
0x7c: {  	_ =	shalt  }
0x7d: {  	_ =	shalt  }
0x7e: {  	_ =	shalt  }
0x7f: {  	_ =	shalt  }
0x80: {  	_ =	shalt  }
0x81: {  	_ =	shalt  }
0x82: {  	_ =	shalt  }
0x83: {  	_ =	shalt  }
0x84: {  	_ =	shalt  }
0x85: {  	_ =	shalt  }
0x86: {  	_ =	shalt  }
0x87: {  	_ =	shalt  }
.Lfunc_end0:
.L_simem_size_0:
called_computation.7_lowered:
.L_overlay_start_0:
0x88: {  	s2 =	sld [smem:$0x3FD9]  }
0x89: {  	s3 =	sld [smem:$0x3FFE];
	_ =	sdelay $0x1  }
0x8a: {  	s1 =	srdreg.scid  }
0x8b: {  	s0 =	sand.u32 $0x1, s1  }
0x8c: {  	s17 =	sshll.u32 s0, $0xA;
	s2 =	sadd.s32 s3, s2  }
0x8d: {  	s2 =	sadd.s32 s2, s17  }
0x8e: {  	[smem:$0x3FBB] =	sst s2  }
0x8f: {  	_ = 	snop  }
0x90: {  	s2 =	sld [smem:$0x3FD0];
	(tm) =	ssettm $0x1  }
0x91: {  	s18 =	sld [smem:$0x3FFB];
	_ =	sdelay $0x3  }
0x92: {  	_ =	strace s18  }
0x93: {  	s3 =	sld [smem:$0x3FFC];
	_ =	sdelay $0x3  }
0x94: {  	_ =	strace s3  }
0x95: {  	s3 =	sld [smem:$0x3FFD];
	_ =	sdelay $0x3  }
0x96: {  	_ =	strace s3  }
0x97: {  	_ =	strace $0x8FFFFFFF  }
0x98: {  	s19 =	sld [smem:$0x3FDB];
	_ =	sdelay $0x1  }
0x99: {  	s4 =	simm.s32 $_scs_section_size  }
0x9a: {  	s5 =	simm.s32 $_size__tile_overlayer_lowered;
	s6 =	simm.s32 $_tile_overlayer_lowered  }
0x9b: {  	s22 =	simm.s32 $0x1BFF;
	s21 =	sshll.u32 s6, $0x1;
	s3 =	sadd.s32 s4, s19  }
0x9c: {  	s7 =	simm.s32 $0x0;
	s20 =	sshll.u32 s5, $0x1;
	s5 =	sadd.s32 s21, s3  }
0x9d: {  	[timem:s7], [sflag:s22] =	dma.local [hbm:s5], s20  }
0x9e: {  	_ =	swait.ge [sflag:s22], s20  }
0x9f: {  	s4 =	ssub.s32 $0x0, s20;
	[sflag:s22] =	ssyncset.done $0x0  }
0xa0: {  	[sflag:s22] =	ssyncadd.s32 s4;
	_ =	sdelay $0x1  }
0xa1: {  	s23 =	simm.s32 $0x1B8B  }
0xa2: {  	_ =	swait.ge [sflag:s23], $0x1  }
0xa3: {  	[sflag:s23] =	ssyncset.done $0x0  }
0xa4: {  	s25 =	simm.s32 $0x1B8E;
	s24 =	sld [smem:$0x3FFE];
	[sflag:s23] =	ssyncadd.s32 $0xFFFFFFFF  }
0xa5: {  	s26 =	simm.s32 $execute0_lowered;
	[smem:$0x3FD2] =	sst s25  }
0xa6: {  	s5 =	sshll.u32 s26, $0x1;
	_ =	strace $0x80000055;
	[dreg:$0x1] =	wrdreg $0xFFFFFFFF  }
0xa7: {  	s28 =	simm.s32 $_size_execute0_lowered;
	s3 =	sadd.s32 s3, s5;
	[dreg:$0x0] =	wrdreg $0x0  }
0xa8: {  	s5 =	sshll.u32 s28, $0x1;
	[dreg:$0x2] =	wrdreg s3  }
0xa9: {  	[dreg:$0x3] =	wrdreg s5  }
0xaa: {  	[dreg:$0x4] =	wrdreg $0xC0  }
0xab: {  	_ =	task [dreg:s7], $0x5FFFF  }
0xac: {  	[dreg:$0x1] =	wrdreg $0xFFFFFFFF  }
0xad: {  	[dreg:$0x0] =	wrdreg $0x60  }
0xae: {  	[dreg:$0x2] =	wrdreg s24  }
0xaf: {  	[dreg:$0x3] =	wrdreg s2  }
0xb0: {  	[dreg:$0x4] =	wrdreg $0x9  }
0xb1: {  	_ =	task.clear_ibuf [dreg:s7], $0x5FFFF;
	_ =	strace $0x90000055  }
0xb2: {  	s29 =	simm.s32 $0x9;
	_ =	strace $0x80000057  }
0xb3: {  	_ =	swait.ge [sflag:s29], $0x1  }
0xb4: {  	[sflag:s29] =	ssyncadd.s32 $0xFFFFFFFF  }
0xb5: {  	_ =	strace $0x90000057  }
0xb6: {  	_ =	sfence  }
0xb7: {  	s30 =	sld [smem:$0x0];
	_ =	sdelay $0x2  }
0xb8: {  	s31 =	sshll.u32 s1, $0xD;
	s1 =	sshrl.u32 s1, $0x2  }
0xb9: {  	s3 =	sand.u32 $0x4000, s31;
	s1 =	sadd.s32 s1, s30  }
0xba: {  	s0 =	sor.u32 s3, s0;
	s1 =	sshll.u32 s1, $0x11  }
0xbb: {  	s0 =	sor.u32 s1, s0  }
0xbc: {  	s0 =	sadd.s32 $0x8F2B, s0  }
0xbd: {  	[sflag:s0] =	ssyncadd.remote.s32 $0x1  }
0xbe: {  	_ =	sfence.sel $0xFFFF  }
0xbf: {  	[dreg:$0x0] =	wrdreg $0xFFFFFFFF;
	(pc) =	sbr.abs _section_cstart, $3  }
0xc0: {  	[dreg:$0x1] =	wrdreg $0xFFFFFFFF  }
0xc1: {  	_ =	task.clear_ibuf [dreg:s7], $0x2FFFF;
	_ =	strace $0x9FFFFFFF  }
0xc2: {  	(tm) =	ssettm $0x7FFFFFFF  }
0xc3: {  	_ =	shalt  }
tec
execute0_lowered:
.L_overlay_start_1:
0x0: {  	(tag) =	ssettag $0x1  }
0x1: {  	s0 =	rddreg [dreg:$0x0]  }
0x2: {  	s2 =	rddreg [dreg:$0x1];
	s1 =	simm.s32 $0x0  }
0x3: {  	s3 =	srdreg.scid;
	s13 =	stileid.u32;
	s11 =	simm.s32 $0x1  }
0x4: {  	s12 =	simm.s32 $0x4200;
	s14 =	simm.s32 $0x4280;
	s15 =	simm.s32 $0x80  }
0x5: {  	s16 =	simm.s32 $0x100;
	s17 =	simm.s32 $0x180;
	s18 =	simm.s32 $0x0  }
0x6: {  	[smem:$0x7FF] =	sst s1;
	s10 =	sand.u32 $0x1, s3;
	s3 =	sadd.s32 $0x31800, s0  }
0x7: {  	s4 =	sadd.s32 $0xA400, s0;
	s5 =	sadd.s32 $0x27A00, s0;
	p1 =	sne.s32 s13, $0x0  }
0x8: {  	s7 =	sadd.s32 $0x27800, s0;
	_ =	strace $0x80000056;
	s6 =	sor.u32 s13, s10  }
0x9: {  	s8 =	simm.s32 @!p1 $0x0;
	s9 =	ssub.s32 $0x2, s10;
	p0 =	seq.s32 s6, $0x0  }
.Ltmp0:
0xa: {  	v1 =	vmov s13;
	s13 =	simm.s32 $0x2;
	p0 =	por !p1, !p0;
	(pc) =	sbr.rel .LBB2_1-.Ltmp0, $4  }
0xb: {  	s6 =	sadd.s32 $0x58A00, s0;
	s8 =	simm.s32 @p1 $0x1;
	p0 =	por !p0, !p0  }
0xc: {  	s31 =	sshrl.u32 s9, $0x1;
	[smem:$0x7FD] =	sst s8;
	s11 =	simm.s32 @!p0 $0x0  }
0xd: {  	v0 =	vlaneseq.u32;
	s8 =	sadd.s32 $0x62800, s0;
	s0 =	ssub.s32 s9, s31;
	s10 =	ssub.s32 s10, s11  }
0xe: {  	vm0 =	veq.s32 v1, v0;
	s9 =	simm.s32 $0x1;
	s11 =	smax.u32 s0, $0x1;
	s10 =	sshll.u32 s10, $0x4  }
.LBB2_7:
0xf: {  	s18 =	sadd.s32 $0x1, s18  }
0x10: {  	p0 =	sne.s32 s18, s11  }
.Ltmp1:
0x11: {  	_ = 	snop;
	(pc) =	sbr.rel @!p0 .LBB2_8-.Ltmp1, $1  }
0x12: {  	_ =	sdelay $0x3  }
.LBB2_1:
0x13: {  	[tilespmem:s12], [sflag:$0x2] =	stream.linear.gather [hbm4b:s7+s1], $0x80, $0x38;
	[tilespmem:$0x4300] =	vst v63  }
0x14: {  	_ =	swait.ge [sflag:s13], $0x80  }
0x15: {  	[sflag:s13] =	ssyncset.done $0x0  }
0x16: {  	[sflag:s13] =	ssyncadd.s32 $0xFFFFFF80  }
0x17: {  	[tilespmem:s14], [sflag:$0x2] =	stream.linear.gather [hbm4b:s2+s1], $0x80, $0x38;
	[tilespmem:$0x4300] =	vst v63  }
0x18: {  	_ =	swait.ge [sflag:s13], $0x80  }
0x19: {  	[sflag:s13] =	ssyncset.done $0x0  }
0x1a: {  	[sflag:s13] =	ssyncadd.s32 $0xFFFFFF80  }
0x1b: {  	v1 =	vld [tilespmem:s10+$0x4200];
	_ =	sdelay $0x1  }
0x1c: {  	v2 =	vld [tilespmem:s10+$0x4280];
	_ =	sdelay $0x2  }
0x1d: {  	v1 =	vxor.u32 $0x80000000, v1  }
0x1e: {  	v1 =	vnsel vm0, $0x0, v1  }
0x1f: {  	(xrf0) =	vmax.scan.msk.u32 $0xffff, v1;
	v1 =	vxor.u32 $0x80000000, v2  }
0x20: {  	v1 =	vnsel vm0, $0x0, v1  }
0x21: {  	(xrf0) =	vmax.scan.msk.u32 $0xffff, v1;
	_ =	sdelay $0x3  }
0x22: {  	v1, _, _ =	vpop (xrf0)  }
0x23: {  	(v2sf) =	vpush v1, $0xF  }
0x24: {  	v1, _, _ =	vpop (xrf0)  }
0x25: {  	(v2sf) =	vpush v1, $0xF;
	_ =	sdelay $0xc  }
0x26: {  	s20 =	spop (v2sf)  }
0x27: {  	s19 =	sxor.u32 $0x80000000, s20;
	p1 =	sgt.s32 s20, $0xFFFFFFFF;
	s20 =	sand.u32 $0x7F, s20  }
0x28: {  	s0 =	spop (v2sf);
	s21 =	sshra.s32 s19, $0x1F;
	p0 =	slt.s32 s19, $0x1  }
0x29: {  	p5 =	sne.s32 s20, $0x0;
	s20 =	simm.s32 $0x1;
	s21 =	sshrl.u32 s21, $0x19  }
0x2a: {  	p0 =	por p1, p0;
	s30 =	sadd.s32 $0x8000007F, s0;
	s29 =	sadd.s32 s21, s19  }
0x2b: {  	p0 =	por !p5, !p0;
	s31 =	sand.u32 $0x7F, s30;
	s23 =	sshra.s32 s30, $0x1F  }
0x2c: {  	p6 =	slt.s32 s30, $0x1;
	s22 =	sshra.s32 s29, $0x7;
	p2 =	sne.s32 s31, $0x0  }
0x2d: {  	p0 =	por !p0, !p0;
	s23 =	sshrl.u32 s23, $0x19;
	p1 =	por !p6, !p2  }
0x2e: {  	s21 =	sadd.s32 s23, s30;
	s23 =	simm.s32 $0x1;
	p1 =	por !p1, !p1  }
0x2f: {  	s20 =	simm.s32 @!p0 $0x0;
	s21 =	sshra.s32 s21, $0x7;
	s23 =	simm.s32 @!p1 $0x0  }
0x30: {  	s20 =	ssub.s32 s22, s20;
	s21 =	ssub.s32 s21, s23  }
0x31: {  	p1 =	sge.s32 s20, s21  }
.Ltmp2:
0x32: {  	_ = 	snop;
	(pc) =	sbr.rel @p1 .LBB2_7-.Ltmp2, $1  }
0x33: {  	_ =	sdelay $0x3  }
0x34: {  	s24 =	simm.s32 $0xFFFFFFFF  }
0x35: {  	v3 =	vimm.f32 $0.0e+00;
	v5 =	vimm.f32 $0.0e+00;
	s24 =	simm.s32 @!p0 $0x0  }
0x36: {  	s23 =	sxor.u32 $0x80000000, s0;
	s30 =	sshll.u32 s22, $0x7;
	v4 =	vimm.f32 $0.0e+00;
	v7 =	vimm.f32 $0.0e+00;
	v6 =	vimm.f32 $0.0e+00;
	s31 =	sshll.u32 s24, $0x7  }
0x37: {  	s22 =	simm.s32 $0xFFFFFFFF;
	p1 =	por $0x0, $0x0;
	v1 =	vimm.f32 $0.0e+00;
	v8 =	vimm.f32 $0.0e+00;
	v2 =	vimm.f32 $0.0e+00;
	s24 =	sadd.s32 s31, s30  }
.LBB2_3:
0x38: {  	s0 =	sshll.u32 s20, $0x4  }
0x39: {  	s0 =	sand.u32 $0x1FFFFFF0, s0  }
0x3a: {  	s29 =	simm.s32 $0x0;
	s25 =	sadd.s32 s4, s0  }
0x3b: {  	[tilespmem:s29], [sflag:$0x2] =	stream.linear.gather [hbm4b:s25+s29], $0x80, $0x38;
	[tilespmem:$0x4300] =	vst v63  }
0x3c: {  	_ =	swait.ge [sflag:s13], $0x80  }
0x3d: {  	[sflag:s13] =	ssyncset.done $0x0  }
0x3e: {  	s14 =	sadd.s32 s5, s0;
	[sflag:s13] =	ssyncadd.s32 $0xFFFFFF80  }
0x3f: {  	[tilespmem:s15], [sflag:$0x2] =	stream.linear.gather [hbm4b:s14+s29], $0x80, $0x38;
	[tilespmem:$0x4300] =	vst v63  }
0x40: {  	_ =	swait.ge [sflag:s13], $0x80  }
0x41: {  	[sflag:s13] =	ssyncset.done $0x0  }
0x42: {  	s0 =	sadd.s32 s6, s0;
	[sflag:s13] =	ssyncadd.s32 $0xFFFFFF80  }
0x43: {  	[tilespmem:s16], [sflag:$0x2] =	stream.linear.gather [hbm4b:s0+s29], $0x80, $0x38;
	[tilespmem:$0x4300] =	vst v63  }
0x44: {  	_ =	swait.ge [sflag:s13], $0x80  }
0x45: {  	[sflag:s13] =	ssyncset.done $0x0  }
0x46: {  	[sflag:s13] =	ssyncadd.s32 $0xFFFFFF80  }
0x47: {  	[tilespmem:s17], [sflag:$0x1] =	stream.indirect.gather [hbm4b:s3+s15], $0x80, s29, s15, $0xb8;
	[tilespmem:$0x4300] =	vst v63  }
0x48: {  	_ =	swait.ge [sflag:s9], $0x4000  }
0x49: {  	[sflag:s9] =	ssyncset.done $0x0  }
0x4a: {  	s0 =	sand.u32 $0x70, s29;
	[sflag:s9] =	ssyncadd.s32 $0xFFFFC000  }
0x4b: {  	v10 =	vld [tilespmem:s0+$0x80];
	_ =	sdelay $0x2  }
0x4c: {  	s26 =	sand.u32 $0xF, s29  }
0x4d: {  	v9 =	vmov s26  }
0x4e: {  	vm1 =	veq.s32 v9, v0;
	v10 =	vxor.u32 $0x80000000, v10  }
0x4f: {  	v10 =	vnsel vm1, $0x0, v10  }
0x50: {  	(xrf0) =	vmax.scan.msk.u32 $0xffff, v10;
	_ =	sdelay $0x5  }
0x51: {  	s31 =	simm.s32 $0x2;
	s30 =	smov.u32 s22;
	v10, _, _ =	vpop (xrf0)  }
0x52: {  	s28 =	simm.s32 $0x1C0;
	s26 =	simm.s32 $0x1;
	s25 =	simm.s32 $0x1C0;
	(v2sf) =	vpush v10, $0xF  }
.LBB2_4:
0x53: {  	_ =	sdelay $0x7  }
0x54: {  	s25 =	sadd.s32 $0x80, s25;
	s1 =	smov.u32 s31;
	s31 =	sadd.s32 $0x1, s31  }
0x55: {  	p2 =	sne.s32 s31, $0x80;
	_ =	sdelay $0x2  }
0x56: {  	s12 =	sadd.s32 s29, s24;
	s29 =	smov.u32 s26;
	s26 =	smov.u32 s1  }
0x57: {  	p0 =	sge.s32 s12, s19;
	p3 =	slt.s32 s12, s23  }
0x58: {  	p0 =	por !p0, !p3;
	s1 =	spop (v2sf)  }
0x59: {  	p3 =	por !p0, !p0;
	s1 =	sxor.u32 $0x80000000, s1  }
0x5a: {  	p4 =	sne.s32 s1, s30;
	s22 =	smov.u32 @p3 s1  }
0x5b: {  	p0 =	por !p3, !p4  }
0x5c: {  	p5 =	por !p0, !p0  }
0x5d: {  	v10 =	vld [tilespmem:s0+$0x100];
	p0 =	por !p5, !p1;
	p1 =	por p1, p5  }
0x5e: {  	[tilespmem:$0x41B0] =	vst @!p0 v6;
	s0 =	sshll.u32 @!p0 s30, $0x4;
	s30 =	smov.u32 s22  }
0x5f: {  	[tilespmem:$0x41C0] =	vst @!p0 v7;
	s0 =	sand.u32 @!p0 $0x1FFFFFF0, s0  }
0x60: {  	[tilespmem:$0x4190] =	vst @!p0 v8;
	s0 =	sadd.s32 @!p0 s8, s0  }
0x61: {  	[tilespmem:$0x41E0] =	vst @!p0 v5  }
0x62: {  	[tilespmem:$0x41D0] =	vst @!p0 v4  }
0x63: {  	[tilespmem:$0x41F0] =	vst @!p0 v3  }
0x64: {  	[tilespmem:$0x41A0] =	vst @!p0 v1  }
0x65: {  	s1 =	simm.s32 @!p0 $0x0;
	s12 =	simm.s32 @!p0 $0x4180;
	s14 =	simm.s32 @!p0 $0x2;
	[tilespmem:$0x4180] =	vst @!p0 v2  }
0x66: {  	[hbm4b:s0+s1] =	stream.linear.scatter @!p0 [tilespmem:s12], [sflag:$0x2], $0x80, $0x38;
	[tilespmem:$0x4300] =	vst v63  }
0x67: {  	_ =	swait.ge @!p0 [sflag:s14], $0x80  }
0x68: {  	[sflag:s14] =	ssyncset.done @!p0 $0x0  }
0x69: {  	[sflag:s14] =	ssyncadd.s32 @!p0 $0xFFFFFF80  }
0x6a: {  	v11 =	vld [tilespmem:s28+$0xFFFFFFC0]  }
0x6b: {  	v12 =	vld [tilespmem:s28+$0xFFFFFFD0]  }
0x6c: {  	v13 =	vld [tilespmem:s28+$0xFFFFFFE0]  }
0x6d: {  	v10 =	vperm.xlane v10, v9;
	v9 =	vld [tilespmem:s28+$0xFFFFFFF0]  }
0x6e: {  	s0 =	sand.u32 $0x70, s29;
	v14 =	vld [tilespmem:s28+$0x0]  }
0x6f: {  	v15 =	vld [tilespmem:s0+$0x80];
	v11 =	vmul.f32 v11, v10  }
0x70: {  	v12 =	vmul.f32 v12, v10;
	v16 =	vld [tilespmem:s28+$0x10]  }
0x71: {  	v17 =	vadd.f32 v11, v2;
	v13 =	vmul.f32 v13, v10;
	v18 =	vld [tilespmem:s28+$0x20]  }
0x72: {  	s1 =	sand.u32 $0xF, s29;
	v19 =	vadd.f32 v12, v8;
	v20 =	vmul.f32 v9, v10;
	v21 =	vld [tilespmem:s28+$0x30];
	s28 =	smov.u32 s25  }
0x73: {  	v9 =	vmov s1;
	v11 =	vpsel p4, v11, v17;
	v17 =	vadd.f32 v13, v1  }
0x74: {  	vm1 =	veq.s32 v9, v0;
	v15 =	vxor.u32 $0x80000000, v15;
	v12 =	vpsel p4, v12, v19  }
0x75: {  	v15 =	vnsel vm1, $0x0, v15;
	v13 =	vpsel p4, v13, v17;
	v16 =	vmul.f32 v16, v10  }
0x76: {  	(xrf0) =	vmax.scan.msk.u32 $0xffff, v15;
	v1 =	vpsel p3, v13, v1;
	v13 =	vadd.f32 v20, v6;
	v15 =	vmul.f32 v18, v10  }
0x77: {  	v14 =	vmul.f32 v14, v10;
	v17 =	vadd.f32 v16, v4;
	v10 =	vmul.f32 v21, v10  }
0x78: {  	v2 =	vpsel p3, v11, v2;
	v11 =	vpsel p4, v20, v13;
	v13 =	vadd.f32 v15, v5  }
.Ltmp3:
0x79: {  	v18 =	vadd.f32 v14, v7;
	v16 =	vpsel p4, v16, v17;
	v17 =	vadd.f32 v10, v3;
	(pc) =	sbr.rel @p2 .LBB2_4-.Ltmp3, $4  }
0x7a: {  	v6 =	vpsel p3, v11, v6;
	v4 =	vpsel p3, v16, v4;
	v15 =	vpsel p4, v15, v13  }
0x7b: {  	v13 =	vpsel p4, v14, v18;
	v5 =	vpsel p3, v15, v5;
	v10 =	vpsel p4, v10, v17  }
0x7c: {  	v8 =	vpsel p3, v12, v8;
	v7 =	vpsel p3, v13, v7;
	v11, _, _ =	vpop (xrf0);
	v3 =	vpsel p3, v10, v3  }
0x7d: {  	(v2sf) =	vpush v11, $0xF  }
0x7e: {  	_ =	sdelay $0xc  }
0x7f: {  	s1 =	sadd.s32 s29, s24  }
0x80: {  	p0 =	sge.s32 s1, s19;
	p2 =	slt.s32 s1, s23;
	s29 =	spop (v2sf)  }
0x81: {  	p0 =	por !p0, !p2;
	s1 =	sxor.u32 $0x80000000, s29  }
0x82: {  	p3 =	por !p0, !p0;
	p4 =	sne.s32 s1, s30  }
0x83: {  	p0 =	por !p3, !p4  }
0x84: {  	p6 =	por !p0, !p0  }
0x85: {  	p0 =	por !p6, !p1  }
0x86: {  	v10 =	vld [tilespmem:s0+$0x100];
	[tilespmem:$0x41B0] =	vst @!p0 v6  }
0x87: {  	[tilespmem:$0x41C0] =	vst @!p0 v7  }
0x88: {  	[tilespmem:$0x4190] =	vst @!p0 v8  }
0x89: {  	[tilespmem:$0x41E0] =	vst @!p0 v5  }
0x8a: {  	[tilespmem:$0x41D0] =	vst @!p0 v4  }
0x8b: {  	s0 =	sshll.u32 @!p0 s30, $0x4;
	[tilespmem:$0x41F0] =	vst @!p0 v3  }
0x8c: {  	[tilespmem:$0x41A0] =	vst @!p0 v1;
	s0 =	sand.u32 @!p0 $0x1FFFFFF0, s0  }
0x8d: {  	[tilespmem:$0x4180] =	vst @!p0 v2;
	s12 =	simm.s32 @!p0 $0x0;
	s14 =	simm.s32 @!p0 $0x4180;
	s0 =	sadd.s32 @!p0 s8, s0  }
0x8e: {  	[hbm4b:s0+s12] =	stream.linear.scatter @!p0 [tilespmem:s14], [sflag:$0x2], $0x80, $0x38;
	[tilespmem:$0x4300] =	vst v63  }
0x8f: {  	s0 =	simm.s32 @!p0 $0x2  }
0x90: {  	_ =	swait.ge @!p0 [sflag:s0], $0x80  }
0x91: {  	[sflag:s0] =	ssyncset.done @!p0 $0x0  }
0x92: {  	s31 =	sand.u32 $0x70, s26;
	[sflag:s0] =	ssyncadd.s32 @!p0 $0xFFFFFF80  }
0x93: {  	v11 =	vld [tilespmem:s31+$0x80];
	_ =	sdelay $0x2  }
0x94: {  	s14 =	sand.u32 $0xF, s26  }
0x95: {  	v12 =	vmov s14  }
0x96: {  	vm1 =	veq.s32 v12, v0;
	v11 =	vxor.u32 $0x80000000, v11  }
0x97: {  	v11 =	vnsel vm1, $0x0, v11  }
0x98: {  	(xrf0) =	vmax.scan.msk.u32 $0xffff, v11;
	_ =	sdelay $0x5  }
0x99: {  	v11, _, _ =	vpop (xrf0)  }
0x9a: {  	(v2sf) =	vpush v11, $0xF;
	_ =	sdelay $0x7  }
0x9b: {  	v13 =	vld [tilespmem:s28+$0xFFFFFFD0]  }
0x9c: {  	v15 =	vld [tilespmem:s28+$0xFFFFFFF0]  }
0x9d: {  	v16 =	vld [tilespmem:s28+$0x0]  }
0x9e: {  	v14 =	vld [tilespmem:s28+$0xFFFFFFE0]  }
0x9f: {  	v9 =	vperm.xlane v10, v9;
	v10 =	vld [tilespmem:s28+$0x20]  }
0xa0: {  	v17 =	vld [tilespmem:s28+$0x10]  }
0xa1: {  	s29 =	sadd.s32 s26, s24;
	v18 =	vld [tilespmem:s28+$0x30]  }
0xa2: {  	p2 =	sge.s32 s29, s19;
	p5 =	slt.s32 s29, s23;
	v15 =	vmul.f32 v15, v9;
	v16 =	vmul.f32 v16, v9;
	v11 =	vld [tilespmem:s28+$0xFFFFFFC0];
	s30 =	spop (v2sf)  }
0xa3: {  	s22 =	smov.u32 @p3 s1;
	p0 =	por !p2, !p5;
	v13 =	vmul.f32 v13, v9;
	s0 =	sxor.u32 $0x80000000, s30  }
0xa4: {  	p2 =	por !p0, !p0;
	v10 =	vmul.f32 v10, v9;
	v19 =	vadd.f32 v15, v6;
	v21 =	vadd.f32 v16, v7;
	p5 =	sne.s32 s0, s22  }
0xa5: {  	v14 =	vmul.f32 v14, v9;
	v17 =	vmul.f32 v17, v9;
	v20 =	vadd.f32 v13, v8;
	p0 =	por !p2, !p5  }
0xa6: {  	p1 =	por p1, p6;
	v47 =	vadd.f32 v10, v5;
	v15 =	vpsel p4, v15, v19;
	v48 =	vpsel p4, v16, v21;
	p6 =	por !p0, !p0  }
0xa7: {  	v6 =	vpsel p3, v15, v6;
	v11 =	vmul.f32 v11, v9;
	v9 =	vmul.f32 v18, v9;
	p0 =	por !p6, !p1  }
0xa8: {  	v49 =	vld [tilespmem:s31+$0x100];
	v50 =	vadd.f32 v17, v4;
	v13 =	vpsel p4, v13, v20;
	v7 =	vpsel p3, v48, v7;
	[tilespmem:$0x41B0] =	vst @!p0 v6  }
0xa9: {  	v10 =	vpsel p4, v10, v47;
	v8 =	vpsel p3, v13, v8;
	v51 =	vadd.f32 v9, v3;
	[tilespmem:$0x41C0] =	vst @!p0 v7  }
0xaa: {  	v52 =	vadd.f32 v14, v1;
	v17 =	vpsel p4, v17, v50;
	v5 =	vpsel p3, v10, v5;
	[tilespmem:$0x4190] =	vst @!p0 v8  }
0xab: {  	v4 =	vpsel p3, v17, v4;
	v10 =	vadd.f32 v11, v2;
	v9 =	vpsel p4, v9, v51;
	[tilespmem:$0x41E0] =	vst @!p0 v5  }
0xac: {  	v13 =	vpsel p4, v14, v52;
	v3 =	vpsel p3, v9, v3;
	[tilespmem:$0x41D0] =	vst @!p0 v4  }
0xad: {  	v1 =	vpsel p3, v13, v1;
	v9 =	vpsel p4, v11, v10;
	s1 =	sshll.u32 @!p0 s22, $0x4;
	[tilespmem:$0x41F0] =	vst @!p0 v3  }
0xae: {  	v2 =	vpsel p3, v9, v2;
	[tilespmem:$0x41A0] =	vst @!p0 v1;
	s12 =	simm.s32 @!p0 $0x0;
	s1 =	sand.u32 @!p0 $0x1FFFFFF0, s1  }
0xaf: {  	[tilespmem:$0x4180] =	vst @!p0 v2;
	s14 =	simm.s32 @!p0 $0x4180;
	s26 =	simm.s32 @!p0 $0x2;
	s1 =	sadd.s32 @!p0 s8, s1  }
0xb0: {  	[hbm4b:s1+s12] =	stream.linear.scatter @!p0 [tilespmem:s14], [sflag:$0x2], $0x80, $0x38;
	[tilespmem:$0x4300] =	vst v63  }
0xb1: {  	_ =	swait.ge @!p0 [sflag:s26], $0x80  }
0xb2: {  	[sflag:s26] =	ssyncset.done @!p0 $0x0  }
0xb3: {  	s31 =	sadd.s32 $0x80, s25;
	[sflag:s26] =	ssyncadd.s32 @!p0 $0xFFFFFF80  }
0xb4: {  	v9 =	vld [tilespmem:s31+$0xFFFFFFC0]  }
0xb5: {  	v10 =	vld [tilespmem:s31+$0xFFFFFFD0]  }
0xb6: {  	v11 =	vld [tilespmem:s31+$0xFFFFFFE0]  }
0xb7: {  	v53 =	vld [tilespmem:s31+$0xFFFFFFF0]  }
0xb8: {  	v54 =	vld [tilespmem:s31+$0x0]  }
0xb9: {  	v55 =	vld [tilespmem:s31+$0x10]  }
0xba: {  	v12 =	vperm.xlane v49, v12;
	v56 =	vld [tilespmem:s31+$0x20]  }
0xbb: {  	v58 =	vld [tilespmem:s31+$0x30]  }
0xbc: {  	v11 =	vmul.f32 v11, v12  }
0xbd: {  	v9 =	vmul.f32 v9, v12;
	v10 =	vmul.f32 v10, v12  }
0xbe: {  	v13 =	vmul.f32 v53, v12;
	v15 =	vmul.f32 v55, v12;
	v60 =	vadd.f32 v11, v1  }
0xbf: {  	v16 =	vmul.f32 v56, v12;
	v14 =	vmul.f32 v54, v12  }
0xc0: {  	v12 =	vmul.f32 v58, v12;
	v57 =	vadd.f32 v9, v2;
	v11 =	vpsel p5, v11, v60  }
0xc1: {  	s20 =	sadd.s32 $0x1, s20;
	v59 =	vadd.f32 v10, v8;
	v1 =	vpsel p2, v11, v1;
	v11 =	vadd.f32 v13, v6  }
0xc2: {  	p0 =	slt.s32 s20, s21;
	v61 =	vadd.f32 v15, v4;
	v62 =	vadd.f32 v14, v7;
	v9 =	vpsel p5, v9, v57  }
.Ltmp4:
0xc3: {  	v2 =	vpsel p2, v9, v2;
	v9 =	vpsel p5, v13, v11;
	v11 =	vadd.f32 v16, v5;
	(pc) =	sbr.rel @p0 .LBB2_3-.Ltmp4, $4  }
0xc4: {  	v63 =	vadd.f32 v12, v3;
	v10 =	vpsel p5, v10, v59;
	v15 =	vpsel p5, v15, v61  }
0xc5: {  	v4 =	vpsel p2, v15, v4;
	v6 =	vpsel p2, v9, v6;
	v9 =	vpsel p5, v16, v11  }
0xc6: {  	v11 =	vpsel p5, v14, v62;
	v5 =	vpsel p2, v9, v5;
	v9 =	vpsel p5, v12, v63  }
0xc7: {  	s24 =	sadd.s32 $0x80, s24;
	p1 =	por p1, p6;
	s22 =	smov.u32 @p2 s0;
	v8 =	vpsel p2, v10, v8;
	v7 =	vpsel p2, v11, v7;
	v3 =	vpsel p2, v9, v3  }
0xc8: {  	[tilespmem:$0x4180] =	vst @p1 v2  }
0xc9: {  	[tilespmem:$0x4190] =	vst @p1 v8  }
0xca: {  	[tilespmem:$0x41A0] =	vst @p1 v1  }
0xcb: {  	[tilespmem:$0x41B0] =	vst @p1 v6  }
0xcc: {  	[tilespmem:$0x41C0] =	vst @p1 v7  }
0xcd: {  	[tilespmem:$0x41D0] =	vst @p1 v4;
	s0 =	sshll.u32 @p1 s22, $0x4  }
0xce: {  	[tilespmem:$0x41E0] =	vst @p1 v5;
	s0 =	sand.u32 @p1 $0x1FFFFFF0, s0  }
0xcf: {  	[tilespmem:$0x41F0] =	vst @p1 v3;
	s1 =	simm.s32 @p1 $0x0;
	s12 =	simm.s32 @p1 $0x4180;
	s0 =	sadd.s32 @p1 s8, s0  }
0xd0: {  	[hbm4b:s0+s1] =	stream.linear.scatter @p1 [tilespmem:s12], [sflag:$0x2], $0x80, $0x38;
	[tilespmem:$0x4300] =	vst v63  }
.Ltmp5:
0xd1: {  	_ = 	snop;
	(pc) =	sbr.rel .LBB2_7-.Ltmp5, $4  }
0xd2: {  	s0 =	simm.s32 @p1 $0x2  }
0xd3: {  	_ =	swait.ge @p1 [sflag:s0], $0x80  }
0xd4: {  	s14 =	simm.s32 $0x4280;
	[sflag:s0] =	ssyncset.done @p1 $0x0  }
0xd5: {  	s1 =	simm.s32 $0x0;
	s12 =	simm.s32 $0x4200;
	[sflag:s0] =	ssyncadd.s32 @p1 $0xFFFFFF80  }
.LBB2_8:
0xd6: {  	_ =	sfence.sel $0x180000  }
0xd7: {  	[bflag:$0x0] =	sbarrier.arrive $0xFFFF  }
0xd8: {  	_ =	strace $0x90000056  }
0xd9: {  	[bflag:$0x2] =	sbarrier.arrive $0xFFFF  }
0xda: {  	s1 =	sld [smem:$0x7FD];
	_ =	sdelay $0x2  }
0xdb: {  	s0 =	rddreg [dreg:$0x2];
	p0 =	seq.s32 s1, $0x1  }
0xdc: {  	s0 =	sadd.s32 @!p0 $0x100000, s0  }
0xdd: {  	[sflag:s0] =	ssyncadd.tile.s32 @!p0 $0x1;
	_ =	shalt  }
.Lfunc_end2:
_tile_overlayer_lowered:
.L_overlay_start_2:
0xde: {  	(tag) =	ssettag $0x2  }
0xdf: {  	s0 =	rddreg [dreg:$0x0];
	s2 =	stileid.u32  }
0xe0: {  	s1 =	rddreg [dreg:$0x1];
	p0 =	sne.s32 s2, $0x0  }
0xe1: {  	s3 =	rddreg [dreg:$0x2];
	[bflag:$0x3] =	sbarrier.arrive $0xFFFF;
	s2 =	simm.s32 @!p0 $0x1C02  }
0xe2: {  	[timem:s3], [sflag:s2] =	dma.local @!p0 [hbm:s0], s1  }
0xe3: {  	s0 =	simm.s32 @!p0 $0x2  }
0xe4: {  	_ =	swait.ge @!p0 [sflag:s0], s1  }
0xe5: {  	s1 =	ssub.s32 @!p0 $0x0, s1;
	[sflag:s0] =	ssyncset.done @!p0 $0x0  }
0xe6: {  	[sflag:s0] =	ssyncadd.s32 @!p0 s1  }
0xe7: {  	[bflag:$0x3] =	sbarrier.arrive $0xFFFF  }
0xe8: {  	_ =	shalt  }

// kernel: scatter_offload_async_start
scs
__scs_entry_jumppad:
0x0: {  	(pc) =	sbr.rel $0x88, $3  }
0x1: {  	(tag) =	ssettag $0x0;
	lr =	simm.s32 $0x1  }
0x2: {  	[smem:$0x3F94] =	sst lr;
	_ =	strace $0xD0000000  }
0x3: {  	_ = 	snop  }
0x4: {  	_ = 	snop  }
0x5: {  	_ = 	snop  }
0x6: {  	_ = 	snop  }
0x7: {  	_ = 	snop  }
__scs_overlays_trampoline_lowered:
0x8: {  	[smem:$0x3FA3] =	sst s0  }
0x9: {  	[smem:$0x3FA4] =	sst s1  }
0xa: {  	[smem:$0x3FA5] =	sst s2  }
0xb: {  	[smem:$0x3FA6] =	sst s3  }
0xc: {  	[smem:$0x3FA7] =	sst s4  }
0xd: {  	[smem:$0x3FA8] =	sst s5  }
0xe: {  	[smem:$0x3FA9] =	sst s6  }
0xf: {  	[smem:$0x3FAA] =	sst s7  }
0x10: {  	[smem:$0x3FAB] =	sst s8  }
0x11: {  	[smem:$0x3FAC] =	sst s9;
	s0 =	simm.s32 @!p0 $0x0  }
0x12: {  	s1 =	sld [smem:$0x3F92];
	s0 =	simm.s32 @p0 $0x1  }
0x13: {  	[smem:$0x3FAD] =	sst s0;
	s0 =	simm.s32 @!p1 $0x0  }
0x14: {  	s2 =	sld [smem:$0x3F91];
	s0 =	simm.s32 @p1 $0x1  }
0x15: {  	[smem:$0x3FAE] =	sst s0;
	s0 =	simm.s32 @!p2 $0x0  }
0x16: {  	s3 =	sld [smem:$0x3FDB];
	s0 =	simm.s32 @p2 $0x1  }
0x17: {  	s4 =	simm.s32 $0x1BF5;
	[smem:$0x3FB0] =	sst s0  }
0x18: {  	s0 =	sld [smem:$0x3F93];
	_ =	swait.ge [sflag:s4], $0x0  }
0x19: {  	s7 =	sld [smem:$0x3F94]  }
0x1a: {  	s8 =	sadd.s32 $0xFFFFE003, lr  }
0x1b: {  	s9 =	sadd.s32 $0xFFFFFEF7, lr;
	s5 =	simm.s32 $0xFFFFFFFF;
	p2 =	slt.u32 s8, $0xFFFFF086  }
0x1c: {  	p1 =	slt.u32 s9, $0xF7A;
	s5 =	simm.s32 @!p2 $0x0  }
0x1d: {  	s5 =	simm.s32 @p1 $0x1;
	p0 =	seq.s32 s7, s2  }
0x1e: {  	s7 =	smul.u32 @!p0 $0xF7A, s2;
	p2 =	seq.s32 @!p0 s5, $0x0  }
0x1f: {  	s9 =	smul.u32 $0xF7A, s1;
	s8 =	simm.s32 @!p0 $0x1BF5;
	p2 =	por !p2, p0  }
0x20: {  	[sflag:s8] =	ssyncset.s32 @!p0 $0xFFFFF086;
	s6 =	sadd.s32 @!p0 s3, s7;
	s7 =	simm.s32 @!p0 $0x108  }
0x21: {  	s3 =	sadd.s32 s3, s9;
	s6 =	sadd.s32 @!p0 $0x88, s6;
	s7 =	simm.s32 @p2 $0x1082  }
0x22: {  	[simem:s7], [sflag:s8] =	dma.local @!p0 [hbm:s6], $0xF7A  }
0x23: {  	s9 =	sor.u32 $0xD0000000, s2;
	s6 =	simm.s32 $0x108;
	_ =	swait.ge @!p0 [sflag:s8], $0x0  }
0x24: {  	s3 =	sadd.s32 $0x88, s3;
	s6 =	simm.s32 @!p1 $0x1082;
	[sflag:s4] =	ssyncset.s32 $0xFFFFF086  }
0x25: {  	[simem:s6], [sflag:s4] =	dma.local [hbm:s3], $0xF7A  }
0x26: {  	[smem:$0x3F94] =	sst s1;
	(tag) =	ssettag s2;
	_ =	strace s9  }
0x27: {  	s1 =	sld [smem:$0x3FA4]  }
0x28: {  	s2 =	sld [smem:$0x3FA5]  }
0x29: {  	s4 =	sld [smem:$0x3FA7]  }
0x2a: {  	p0 =	seq.s32 s5, $0x0;
	s5 =	sld [smem:$0x3FA8]  }
0x2b: {  	s6 =	sld [smem:$0x3FA9]  }
0x2c: {  	s7 =	sld [smem:$0x3FAA]  }
0x2d: {  	s3 =	simm.s32 $0x108;
	s8 =	sld [smem:$0x3FAB]  }
0x2e: {  	s3 =	simm.s32 @!p0 $0x1082;
	s9 =	sld [smem:$0x3FAC]  }
0x2f: {  	lr =	sadd.s32 s0, s3;
	s0 =	sld [smem:$0x3FA3]  }
0x30: {  	s3 =	sld [smem:$0x3FA6]  }
0x31: {  	[smem:$0x3FAF] =	sst s10  }
0x32: {  	s10 =	sld [smem:$0x3FAD];
	_ =	sdelay $0x3  }
0x33: {  	p0 =	seq.s32 s10, $0x1;
	s10 =	sld [smem:$0x3FAF];
	_ =	sdelay $0x3  }
0x34: {  	[smem:$0x3FAF] =	sst s10  }
0x35: {  	s10 =	sld [smem:$0x3FAE];
	_ =	sdelay $0x3  }
0x36: {  	p1 =	seq.s32 s10, $0x1;
	s10 =	sld [smem:$0x3FAF];
	_ =	sdelay $0x3  }
0x37: {  	[smem:$0x3FAF] =	sst s10  }
0x38: {  	s10 =	sld [smem:$0x3FB0]  }
0x39: {  	_ = 	snop;
	(pc) =	sbr.ind lr, $3  }
0x3a: {  	_ = 	snop  }
0x3b: {  	_ = 	snop  }
0x3c: {  	p2 =	seq.s32 s10, $0x1;
	s10 =	sld [smem:$0x3FAF]  }
0x3d: {  	_ =	shalt  }
0x3e: {  	_ =	shalt  }
0x3f: {  	_ =	shalt  }
0x40: {  	_ =	shalt  }
0x41: {  	_ =	shalt  }
0x42: {  	_ =	shalt  }
0x43: {  	_ =	shalt  }
0x44: {  	_ =	shalt  }
0x45: {  	_ =	shalt  }
0x46: {  	_ =	shalt  }
0x47: {  	_ =	shalt  }
0x48: {  	_ =	shalt  }
0x49: {  	_ =	shalt  }
0x4a: {  	_ =	shalt  }
0x4b: {  	_ =	shalt  }
0x4c: {  	_ =	shalt  }
0x4d: {  	_ =	shalt  }
0x4e: {  	_ =	shalt  }
0x4f: {  	_ =	shalt  }
0x50: {  	_ =	shalt  }
0x51: {  	_ =	shalt  }
0x52: {  	_ =	shalt  }
0x53: {  	_ =	shalt  }
0x54: {  	_ =	shalt  }
0x55: {  	_ =	shalt  }
0x56: {  	_ =	shalt  }
0x57: {  	_ =	shalt  }
0x58: {  	_ =	shalt  }
0x59: {  	_ =	shalt  }
0x5a: {  	_ =	shalt  }
0x5b: {  	_ =	shalt  }
0x5c: {  	_ =	shalt  }
0x5d: {  	_ =	shalt  }
0x5e: {  	_ =	shalt  }
0x5f: {  	_ =	shalt  }
0x60: {  	_ =	shalt  }
0x61: {  	_ =	shalt  }
0x62: {  	_ =	shalt  }
0x63: {  	_ =	shalt  }
0x64: {  	_ =	shalt  }
0x65: {  	_ =	shalt  }
0x66: {  	_ =	shalt  }
0x67: {  	_ =	shalt  }
0x68: {  	_ =	shalt  }
0x69: {  	_ =	shalt  }
0x6a: {  	_ =	shalt  }
0x6b: {  	_ =	shalt  }
0x6c: {  	_ =	shalt  }
0x6d: {  	_ =	shalt  }
0x6e: {  	_ =	shalt  }
0x6f: {  	_ =	shalt  }
0x70: {  	_ =	shalt  }
0x71: {  	_ =	shalt  }
0x72: {  	_ =	shalt  }
0x73: {  	_ =	shalt  }
0x74: {  	_ =	shalt  }
0x75: {  	_ =	shalt  }
0x76: {  	_ =	shalt  }
0x77: {  	_ =	shalt  }
0x78: {  	_ =	shalt  }
0x79: {  	_ =	shalt  }
0x7a: {  	_ =	shalt  }
0x7b: {  	_ =	shalt  }
0x7c: {  	_ =	shalt  }
0x7d: {  	_ =	shalt  }
0x7e: {  	_ =	shalt  }
0x7f: {  	_ =	shalt  }
0x80: {  	_ =	shalt  }
0x81: {  	_ =	shalt  }
0x82: {  	_ =	shalt  }
0x83: {  	_ =	shalt  }
0x84: {  	_ =	shalt  }
0x85: {  	_ =	shalt  }
0x86: {  	_ =	shalt  }
0x87: {  	_ =	shalt  }
.Lfunc_end0:
.L_simem_size_0:
called_computation_lowered:
.L_overlay_start_0:
0x88: {  	s0 =	sld [smem:$0x3FD9]  }
0x89: {  	s1 =	sld [smem:$0x3FFE];
	_ =	sdelay $0x3  }
0x8a: {  	s0 =	sadd.s32 s1, s0  }
0x8b: {  	[smem:$0x3FBB] =	sst s0  }
0x8c: {  	_ = 	snop  }
0x8d: {  	(tm) =	ssettm $0x1  }
0x8e: {  	s15 =	sld [smem:$0x3FFB];
	_ =	sdelay $0x3  }
0x8f: {  	_ =	strace s15  }
0x90: {  	s0 =	sld [smem:$0x3FFC];
	_ =	sdelay $0x3  }
0x91: {  	_ =	strace s0  }
0x92: {  	s0 =	sld [smem:$0x3FFD];
	_ =	sdelay $0x3  }
0x93: {  	_ =	strace s0  }
0x94: {  	_ =	strace $0x8FFFFFFF  }
0x95: {  	s16 =	sld [smem:$0x3FDB];
	_ =	sdelay $0x1  }
0x96: {  	s17 =	simm.s32 $_scs_section_size  }
0x97: {  	s2 =	simm.s32 $_size__tile_overlayer_lowered;
	s3 =	simm.s32 $_tile_overlayer_lowered  }
0x98: {  	s20 =	simm.s32 $0x1BFF;
	s19 =	sshll.u32 s3, $0x1;
	s0 =	sadd.s32 s17, s16  }
0x99: {  	s4 =	simm.s32 $0x0;
	s18 =	sshll.u32 s2, $0x1;
	s2 =	sadd.s32 s19, s0  }
0x9a: {  	[timem:s4], [sflag:s20] =	dma.local [hbm:s2], s18  }
0x9b: {  	_ =	swait.ge [sflag:s20], s18  }
0x9c: {  	s1 =	ssub.s32 $0x0, s18;
	[sflag:s20] =	ssyncset.done $0x0  }
0x9d: {  	[sflag:s20] =	ssyncadd.s32 s1;
	_ =	sdelay $0x1  }
0x9e: {  	s21 =	simm.s32 $0x1B8B  }
0x9f: {  	_ =	swait.ge [sflag:s21], $0x1  }
0xa0: {  	[sflag:s21] =	ssyncset.done $0x0  }
0xa1: {  	s23 =	simm.s32 $0x1B8E;
	s22 =	sld [smem:$0x3FFE];
	[sflag:s21] =	ssyncadd.s32 $0xFFFFFFFF  }
0xa2: {  	s24 =	simm.s32 $execute0_lowered;
	[smem:$0x3FD2] =	sst s23  }
0xa3: {  	s2 =	sshll.u32 s24, $0x1;
	_ =	strace $0x80000049;
	[dreg:$0x1] =	wrdreg $0xFFFFFFFF  }
0xa4: {  	s25 =	simm.s32 $_size_execute0_lowered;
	s0 =	sadd.s32 s0, s2;
	[dreg:$0x0] =	wrdreg $0x0  }
0xa5: {  	s2 =	sshll.u32 s25, $0x1;
	[dreg:$0x2] =	wrdreg s0  }
0xa6: {  	[dreg:$0x3] =	wrdreg s2  }
0xa7: {  	[dreg:$0x4] =	wrdreg $0xC0  }
0xa8: {  	_ =	task [dreg:s4], $0x5FFFF  }
0xa9: {  	[dreg:$0x1] =	wrdreg $0xFFFFFFFF  }
0xaa: {  	[dreg:$0x0] =	wrdreg $0x60  }
0xab: {  	[dreg:$0x2] =	wrdreg s22  }
0xac: {  	[dreg:$0x3] =	wrdreg $0x9  }
0xad: {  	_ =	task.clear_ibuf [dreg:s4], $0x4FFFF;
	_ =	strace $0x90000049  }
0xae: {  	s26 =	simm.s32 $0x9;
	_ =	strace $0x8000004B  }
0xaf: {  	_ =	swait.ge [sflag:s26], $0x1  }
0xb0: {  	[sflag:s26] =	ssyncadd.s32 $0xFFFFFFFF  }
0xb1: {  	_ =	strace $0x9000004B  }
0xb2: {  	_ =	sfence  }
0xb3: {  	s28 =	sld [smem:$0x0];
	_ =	sdelay $0x1  }
0xb4: {  	s29 =	srdreg.scid  }
0xb5: {  	s30 =	sshll.u32 s29, $0xD;
	s31 =	sshrl.u32 s29, $0x2  }
0xb6: {  	s1 =	sand.u32 $0x1, s29;
	s2 =	sand.u32 $0x4000, s30;
	s0 =	sadd.s32 s31, s28  }
0xb7: {  	s1 =	sor.u32 s2, s1;
	s0 =	sshll.u32 s0, $0x11  }
0xb8: {  	s0 =	sor.u32 s0, s1  }
0xb9: {  	s0 =	sadd.s32 $0x8F2B, s0  }
0xba: {  	[sflag:s0] =	ssyncadd.remote.s32 $0x1  }
0xbb: {  	_ =	sfence.sel $0xFFFF  }
0xbc: {  	[dreg:$0x0] =	wrdreg $0xFFFFFFFF;
	(pc) =	sbr.abs _section_cstart, $3  }
0xbd: {  	[dreg:$0x1] =	wrdreg $0xFFFFFFFF  }
0xbe: {  	_ =	task.clear_ibuf [dreg:s4], $0x2FFFF;
	_ =	strace $0x9FFFFFFF  }
0xbf: {  	(tm) =	ssettm $0x7FFFFFFF  }
tec
execute0_lowered:
.L_overlay_start_1:
0x0: {  	(tag) =	ssettag $0x1  }
0x1: {  	s0 =	rddreg [dreg:$0x0];
	_ =	strace $0x8000004A;
	s15 =	stileid.u32  }
0x2: {  	s2 =	simm.s32 $0x1;
	s1 =	smin.u32 s15, $0x8;
	s3 =	sshll.u32 s15, $0x1  }
0x3: {  	v1 =	vimm.s32 $0xFFFFFFFF;
	[sflag:s2] =	ssyncpa.u1 $0x0;
	s1 =	sadd.s32 s1, s3  }
0x4: {  	p0 =	slt.u32 s15, $0x8;
	[tilespmem:$0x10] =	vst v1;
	s4 =	smul.u32 $0x1F40, s1;
	s1 =	simm.s32 $0x5DC0  }
0x5: {  	v0 =	vimm.f32 $0.0e+00;
	[tilespmem:$0x20] =	vst v1;
	s1 =	simm.s32 @!p0 $0x3E80  }
0x6: {  	[tilespmem:$0x30] =	vst v0;
	s1 =	sadd.s32 s1, s4  }
0x7: {  	[tilespmem:$0x40] =	vst v0;
	s5 =	smin.u32 s1, $0x4E200  }
0x8: {  	s7 =	simm.s32 $0x2;
	s8 =	simm.s32 $0x8;
	[tilespmem:$0x50] =	vst v0;
	s9 =	ssub.s32 s5, s4  }
0x9: {  	s31 =	simm.s32 $0x9;
	s16 =	simm.s32 $0x0;
	[tilespmem:$0x60] =	vst v1;
	p0 =	sgt.s32 s9, $0x0  }
0xa: {  	s17 =	simm.s32 $0xF0;
	s18 =	simm.s32 $0xFFFFFFFF;
	[tilespmem:$0x70] =	vst v1;
	s9 =	simm.s32 @!p0 $0x0  }
0xb: {  	s19 =	simm.s32 $0xFFFFC280;
	s20 =	simm.s32 $0xFFFFFFFE;
	[tilespmem:$0x80] =	vst v1;
	s30 =	smulhi.u32 $0x10624DD3, s9  }
0xc: {  	s21 =	simm.s32 $0xF;
	s25 =	simm.s32 $0x0;
	s24 =	simm.s32 $0x0;
	v1 =	vimm.s32 $0x0;
	[tilespmem:$0xB0] =	vst v0  }
0xd: {  	s6 =	sadd.s32 $0x13C00, s0;
	s15 =	sshllo.u32 s15, $0x1;
	[tilespmem:$0x90] =	vst v1;
	s10 =	sshrl.u32 s30, $0x9  }
0xe: {  	[tilespmem:$0xA0] =	vst v1;
	[sflag:s7] =	ssyncpa.u1 $0x0;
	s7 =	simm.s32 $0x7;
	s11 =	smul.u32 $0x1F40, s10  }
.Ltmp0:
0xf: {  	s13 =	sor.u32 $0x80, s3;
	[sflag:s7] =	ssyncpa.u1 $0x0;
	(pc) =	sbr.rel .LBB2_1-.Ltmp0, $4  }
0x10: {  	s14 =	sor.u32 $0x81, s3;
	[sflag:s8] =	ssyncpa.u1 $0x0;
	p0 =	sne.s32 s9, s11  }
0x11: {  	s23 =	smov.u32 s4;
	s1 =	sadd.s32 $0x3B600, s0;
	s2 =	simm.s32 @!p0 $0x0  }
0x12: {  	vm0 =	vmmov $0xffff;
	v2 =	vlaneseq.u32;
	[sflag:s31] =	ssyncpa.u1 $0x0;
	s9 =	sadd.s32 $0x31800, s0;
	s10 =	sadd.s32 s2, s10  }
0x13: {  	vm1 =	vmxor vm1, vm1;
	vm2 =	vmmov $0x1;
	vm3 =	vcmask $0x3F3C;
	p0 =	por $0x0, $0x0;
	s11 =	sadd.s32 $0x1, s10;
	s12 =	sadd.s32 $0x2, s10  }
.LBB2_9:
0x14: {  	p1 =	slt.u32 s24, $0x3  }
0x15: {  	s0 =	simm.s32 @!p1 $0x2  }
0x16: {  	_ =	swait.ge @!p1 [sflag:s0], $0x1F40  }
0x17: {  	[sflag:s0] =	ssyncset.done @!p1 $0x0  }
0x18: {  	[sflag:s0] =	ssyncadd.s32 @!p1 $0xFFFFE0C0;
	s0 =	simm.s32 @!p1 $0x9  }
0x19: {  	_ =	swait.ge @!p1 [sflag:s0], $0x10  }
0x1a: {  	[sflag:s0] =	ssyncset.done @!p1 $0x0  }
0x1b: {  	[sflag:s0] =	ssyncadd.s32 @!p1 $0xFFFFFFF0;
	p1 =	sne.s32 s24, s12  }
.Ltmp1:
0x1c: {  	s2 =	sadd.s32 $0x1F40, s23;
	(pc) =	sbr.rel @!p1 .LBB2_10-.Ltmp1, $4  }
0x1d: {  	s22 =	smov.u32 s4;
	s31 =	sadd.s32 $0x1, s24;
	s17 =	sadd.s32 $0x1F40, s17  }
0x1e: {  	s18 =	sadd.s32 $0x1, s18;
	s25 =	smov.u32 s23;
	p2 =	slt.s32 s2, s5  }
0x1f: {  	p0 =	por !p0, !p0;
	s19 =	sadd.s32 $0x1F40, s19;
	s22 =	smov.u32 @p2 s2  }
0x20: {  	s20 =	sadd.s32 $0x1, s20;
	s23 =	smov.u32 s22;
	s24 =	smov.u32 s31  }
.LBB2_1:
0x21: {  	p1 =	sge.u32 s24, s10  }
0x22: {  	s0 =	smulhi.u32 @!p1 $0xAAAAAAAB, s24;
	_ =	sdelay $0x1  }
0x23: {  	s0 =	sshrl.u32 @!p1 s0, $0x1  }
0x24: {  	s0 =	smul.u32 @!p1 $0x3, s0;
	_ =	sdelay $0x1  }
0x25: {  	s0 =	ssub.s32 @!p1 s24, s0  }
0x26: {  	s0 =	smul.u32 @!p1 $0x7D00, s0;
	_ =	sdelay $0x1  }
0x27: {  	s2 =	sshrl.u32 @!p1 s23, $0x3;
	s0 =	sshrl.u32 @!p1 s0, $0x2  }
0x28: {  	s22 =	sand.u32 @!p1 $0x7, s23;
	s2 =	sadd.s32 @!p1 s6, s2;
	s0 =	sadd.s32 @!p1 $0x100, s0  }
0x29: {  	[tilespmem:s0], [sflag:$0x7] =	stream.linear.gather @!p1 [hbm4b:s2+s22], $0x1F40, $0x38;
	[tilespmem:$0x11A60] =	vst v63  }
0x2a: {  	s0 =	sadd.s32 $0xFFFFFFFF, s24  }
0x2b: {  	p1 =	sge.u32 s0, s10  }
.Ltmp2:
0x2c: {  	_ = 	snop;
	(pc) =	sbr.rel @p1 .LBB2_5-.Ltmp2, $1  }
0x2d: {  	_ =	sdelay $0x3  }
0x2e: {  	s2 =	smulhi.u32 $0xAAAAAAAB, s0;
	_ =	sdelay $0x1  }
0x2f: {  	s2 =	sshrl.u32 s2, $0x1  }
0x30: {  	s2 =	smul.u32 $0x3, s2;
	_ =	sdelay $0x1  }
0x31: {  	s2 =	ssub.s32 s0, s2  }
0x32: {  	s2 =	smul.u32 $0x7D00, s2  }
0x33: {  	_ =	swait.ge [sflag:s7], $0x1F40  }
0x34: {  	[sflag:s7] =	ssyncset.done $0x0;
	s2 =	sshrl.u32 s2, $0x2  }
0x35: {  	[sflag:s7] =	ssyncadd.s32 $0xFFFFE0C0;
	(ifvalue) =	ssetifvalue $0xFFFFFFFF;
	v3 =	vld.msk [tilespmem:s2+$0x100 ss:$0x1], $0xffff;
	_ =	sdelay $0x2  }
0x36: {  	s30 =	smulhi.u32 $0xAAAAAAAB, s18;
	p1 =	sne.s32 s24, $0x1  }
0x37: {  	v4 =	vimm.s32 @!p1 $0x0  }
0x38: {  	s2 =	sshrl.u32 s30, $0x1;
	v4 =	vperm.xlane @!p1 v3, v4  }
0x39: {  	s22 =	sshll.u32 s24, $0x4;
	s2 =	smul.u32 $0xFFFE8900, s2;
	vm4 =	vlt.u32 v3, $0x2800  }
0x3a: {  	s22 =	sand.u32 $0x10, s22;
	v3 =	vnsel vm4, $0xFFFFFFFE, v3;
	vm4 =	vlt.u32 @!p1 v4, $0x2800  }
0x3b: {  	s2 =	sshra.s32 s2, $0x2;
	[tilespmem:s22+$0x60] =	vst v3;
	v3 =	vnsel @!p1 vm4, $0xFFFFFFFE, v4  }
0x3c: {  	s28 =	sadd.s32 s2, s17;
	[tilespmem:$0x80] =	vst @!p1 v3  }
0x3d: {  	v3 =	vld.msk [tilespmem:s28+$0x0 ss:$0x1], $0xffff;
	_ =	sdelay $0x4  }
0x3e: {  	(xrf1) =	vunique.msk.u32 $0xffff, v3;
	_ =	sdelay $0xd  }
0x3f: {  	v4 =	vimm.s32 $0xFFFFFFFF;
	v5, _, _ =	vpop (xrf1)  }
0x40: {  	vm5 =	vne.s32 v3, v4;
	vm4 =	veq.s32 v5, v2  }
0x41: {  	vm6 =	vlt.u32 v3, $0x2800;
	vm4 =	vmand vm5, vm4  }
0x42: {  	vm4 =	vmand vm6, vm4  }
0x43: {  	v4 =	vnsel vm4, $0xFFFFFFFF, v3  }
0x44: {  	s31 =	sand.u32 $0x1, s0  }
0x45: {  	s0 =	simm.s32 $0x1F40;
	p1 =	seq.s32 s31, $0x1  }
0x46: {  	s0 =	simm.s32 @!p1 $0x0  }
0x47: {  	s26 =	sadd.s32 $0x7DF0, s0;
	(ifvalue) =	ssetifvalue $0xFFFFFFFF  }
0x48: {  	v3 =	vperm.xlane v3, v1;
	[tilespmem:s26], [sflag:$0x8] =	stream.indirect_vreg.gather [hbm4b:s1+s16], $0x1, v4, vm0, $0x4038;
	v4 =	vnsel vm6, $0xFFFFFFFE, v4;
	[tilespmem:$0x11A60] =	vst v63  }
0x49: {  	s2 =	simm.s32 $0x0;
	s22 =	sadd.s32 $0xFFFFFFF0, s28;
	[tilespmem:s28+$0x0] =	vst v4  }
.LBB2_3:
0x4a: {  	v4 =	vld.msk [tilespmem:s22+$0x0 ss:$0x1], $0xffff;
	s2 =	sadd.s32 $0x10, s2;
	v5 =	vmov v3;
	s28 =	smov.u32 s22  }
0x4b: {  	p1 =	slt.u32 s2, $0x1F30;
	_ =	sdelay $0x4  }
0x4c: {  	v3 =	vperm.xlane v4, v1;
	(xrf1) =	vunique.msk.u32 $0xffff, v4;
	_ =	sdelay $0xd  }
0x4d: {  	v6, _, _ =	vpop (xrf1)  }
0x4e: {  	vm5 =	vne.s32 v4, v5;
	vm4 =	veq.s32 v6, v2  }
0x4f: {  	vm6 =	vlt.u32 v4, $0x2800;
	vm4 =	vmand vm5, vm4  }
0x50: {  	vm4 =	vmand vm6, vm4  }
0x51: {  	v4 =	vnsel vm4, $0xFFFFFFFF, v4  }
.Ltmp3:
0x52: {  	v5 =	vnsel vm6, $0xFFFFFFFE, v4;
	(pc) =	sbr.rel @p1 .LBB2_3-.Ltmp3, $3  }
0x53: {  	_ =	sdelay $0x1  }
0x54: {  	s22 =	sadd.s32 $0xFFFFFFF0, s22;
	s26 =	sadd.s32 $0xFFFFFFF0, s26;
	(ifvalue) =	ssetifvalue $0xFFFFFFFF  }
0x55: {  	[tilespmem:s26], [sflag:$0x8] =	stream.indirect_vreg.gather [hbm4b:s1+s16], $0x1, v4, vm0, $0x4038;
	[tilespmem:s28+$0x0] =	vst v5  }
0x56: {  	s2 =	sshrl.u32 s25, $0x3  }
0x57: {  	s0 =	sadd.s32 $0x9D40, s0;
	s2 =	sadd.s32 s9, s2  }
0x58: {  	[tilespmem:s0], [sflag:$0x8] =	stream.linear.gather [hbm:s2], $0x1F40, $0x38;
	[tilespmem:$0x11A60] =	vst v63  }
.LBB2_5:
0x59: {  	p1 =	slt.u32 s24, $0x2  }
0x5a: {  	p2 =	sge.u32 @!p1 s24, s12  }
0x5b: {  	p1 =	por p1, p2  }
.Ltmp4:
0x5c: {  	_ = 	snop;
	(pc) =	sbr.rel @p1 .LBB2_9-.Ltmp4, $1  }
0x5d: {  	_ =	sdelay $0x3  }
0x5e: {  	s0 =	sadd.s32 $0xFFFFFFFE, s24  }
0x5f: {  	s2 =	smulhi.u32 $0xAAAAAAAB, s0;
	_ =	sdelay $0x1  }
0x60: {  	s2 =	sshrl.u32 s2, $0x1  }
0x61: {  	s2 =	smul.u32 $0x3, s2;
	_ =	sdelay $0x1  }
0x62: {  	s0 =	ssub.s32 s0, s2  }
0x63: {  	_ =	swait.ge [sflag:s8], $0x3E80;
	s0 =	smul.u32 $0x1F40, s0  }
0x64: {  	p1 =	sne.s32 s24, s11;
	[sflag:s8] =	ssyncset.done $0x0  }
0x65: {  	[sflag:s8] =	ssyncadd.s32 $0xFFFFC180;
	s2 =	sadd.s32 @!p1 $0x203F, s0  }
0x66: {  	[spmem:s14] =	stream.linear.scatter @!p1 [tilespmem:s2], [sflag:$0x1], $0x1, $0x38;
	[tilespmem:$0x11A60] =	vst v63  }
0x67: {  	s2 =	simm.s32 @!p1 $0x1  }
0x68: {  	_ =	swait.ge @!p1 [sflag:s2], $0x1  }
0x69: {  	s22 =	sshll.u32 s24, $0x4;
	[sflag:s2] =	ssyncset.done @!p1 $0x0  }
0x6a: {  	s25 =	sand.u32 $0x10, s22;
	[sflag:s2] =	ssyncadd.s32 @!p1 $0xFFFFFFFF  }
0x6b: {  	s2 =	sxor.u32 $0x10, s25;
	v4 =	vld [tilespmem:s25+$0x10]  }
0x6c: {  	v5 =	vld [tilespmem:s2+$0x60]  }
0x6d: {  	v3 =	vld [tilespmem:$0x80];
	_ =	sdelay $0x2  }
0x6e: {  	(v2sf) =	vpush v4, $0x0  }
0x6f: {  	(v2sf) =	vpush v5, $0x0  }
0x70: {  	(v2sf) =	vpush v3, $0x0;
	_ =	sdelay $0xc  }
0x71: {  	s22 =	spop (v2sf)  }
0x72: {  	s26 =	spop (v2sf)  }
0x73: {  	s28 =	spop (v2sf)  }
0x74: {  	p2 =	seq.s32 s22, s26;
	p3 =	seq.s32 s28, s22  }
0x75: {  	p3 =	por p2, p3  }
0x76: {  	s26 =	sand.u32 $0x1, s24;
	v4 =	vpsel p3, $0xFFFFFFFF, v4  }
0x77: {  	s29 =	smul.u32 $0x1F40, s26;
	[tilespmem:s25+$0x10] =	vst.msk $0x1, v4  }
0x78: {  	v4 =	vld [tilespmem:$0x30]  }
0x79: {  	v5 =	vld [tilespmem:s29+$0x9D40]  }
0x7a: {  	v6 =	vld [tilespmem:s25+$0x40];
	_ =	sdelay $0x3  }
0x7b: {  	vm4 =	vmmov vm1;
	v5 =	vadd.f32 v5, v4  }
0x7c: {  	vm5 =	vmmov vm2;
	vm4 =	vmmov @p2 vm2;
	s22 =	sshll.u32 s26, $0x4;
	v4 =	vadd.f32 v6, v4  }
0x7d: {  	s26 =	sor.u32 $0x11A40, s22;
	vm5 =	vmmov @p3 vm1;
	[tilespmem:s29+$0x9D40] =	vst.msk vm4, v5  }
0x7e: {  	[tilespmem:s26+$0x0] =	vst.msk vm5, v4  }
0x7f: {  	v4 =	vld [tilespmem:s29+$0x7DF0];
	_ =	sdelay $0x3  }
0x80: {  	v5 =	vimm.f32 $0.0e+00  }
0x81: {  	v4 =	vshift.insert v4, v5, s21  }
0x82: {  	s22 =	sor.u32 $0x40, s2  }
0x83: {  	[tilespmem:s22+$0x0] =	vst.msk $0x1, v4  }
0x84: {  	[tilespmem:s29+$0x7DFF] =	vst.msk $0x1, v5  }
0x85: {  	v4 =	vld [tilespmem:s0+$0x2030];
	_ =	sdelay $0x1  }
0x86: {  	s22 =	smulhi.u32 $0xAAAAAAAB, s20;
	s0 =	simm.s32 $0x1  }
0x87: {  	s0 =	simm.s32 @!p0 $0x0  }
0x88: {  	s22 =	sshrl.u32 s22, $0x1;
	s0 =	smul.u32 $0x7D00, s0  }
0x89: {  	s22 =	smul.u32 $0xFFFE8900, s22;
	v4 =	vshift.insert v4, v1, s21  }
0x8a: {  	s0 =	sshrl.u32 s0, $0x2  }
0x8b: {  	s22 =	sshra.s32 s22, $0x2;
	s30 =	sadd.s32 $0x9D40, s0;
	[tilespmem:s2+$0x10] =	vst.msk $0x1, v4  }
0x8c: {  	s22 =	sadd.s32 s22, s19;
	v6 =	vld [tilespmem:s30+$0x0]  }
0x8d: {  	v7 =	vld [tilespmem:s22+$0x0];
	_ =	sdelay $0x3  }
0x8e: {  	v5 =	vadd.f32 v6, v5  }
0x8f: {  	vm4 =	vne.s32 v7, $0xFFFFFFFF  }
0x90: {  	(xrf2) =	vadd.seg.scan.f32 vm4, v5;
	_ =	sdelay $0x3  }
0x91: {  	s31 =	sadd.s32 $0x5EC0, s0;
	v5 =	vperm.xlane v4, v1  }
0x92: {  	v6 =	vld [tilespmem:s31+$0x0]  }
0x93: {  	vm5 =	veq.s32 v7, v3;
	vm6 =	veq.s32 v7, v5  }
0x94: {  	vm7 =	vgt.u32 v7, $0xFFFFFFFD;
	vm6 =	vmor vm6, vm5  }
0x95: {  	vm6 =	vmor vm6, vm7  }
0x96: {  	v9 =	vld [tilespmem:$0xA0];
	v7 =	vsel vm6, $0xFFFFFFFF, v7  }
0x97: {  	v10 =	vld [tilespmem:$0x90];
	v6 =	vsel vm5, $0x0, v6;
	v8, _, _ =	vpop (xrf2)  }
0x98: {  	v6 =	vadd.f32 v8, v6  }
0x99: {  	s0 =	sadd.s32 $0xDBC0, s0  }
0x9a: {  	vm4 =	vmand vm4, vm3;
	[tilespmem:s0+$0x0] =	vst v6;
	(ifvalue) =	ssetifvalue $0xFFFFFFFF  }
0x9b: {  	vm6 =	veq.s32 v9, $0x1;
	[hbm4b:s1+s16] =	stream.indirect_vreg.scatter [tilespmem:s0], [sflag:$0x2], $0x1, v7, vm0, $0x4038;
	v7 =	vsel vm4, $0x0, v8;
	[tilespmem:$0x11A60] =	vst v63  }
0x9c: {  	s2 =	simm.s32 $0x0;
	s22 =	sadd.s32 $0x10, s22;
	vm4 =	vmor vm6, vm5;
	v6 =	vsel vm5, v8, v10;
	v7 =	vshift.insert v7, v0, s21  }
.LBB2_7:
0x9d: {  	v8 =	vld [tilespmem:s22+$0x0];
	s30 =	sadd.s32 $0x10, s30  }
0x9e: {  	s31 =	sadd.s32 $0x10, s31;
	v9 =	vld [tilespmem:s30+$0x0]  }
0x9f: {  	s2 =	sadd.s32 $0x10, s2;
	v10 =	vld [tilespmem:s31+$0x0]  }
0xa0: {  	p2 =	slt.u32 s2, $0x1F30;
	_ =	sdelay $0x2  }
0xa1: {  	v7 =	vadd.f32 v9, v7  }
0xa2: {  	vm5 =	vne.s32 v8, $0xFFFFFFFF  }
0xa3: {  	vm6 =	vmand vm5, vm3;
	(xrf2) =	vadd.seg.scan.f32 vm5, v7;
	_ =	sdelay $0x5  }
0xa4: {  	vm7 =	veq.s32 v8, v5;
	vm5 =	veq.s32 v8, v3  }
0xa5: {  	vm8 =	vgt.u32 v8, $0xFFFFFFFD;
	vm4 =	vmor vm4, vm5;
	vm7 =	vmor vm7, vm5  }
0xa6: {  	vm7 =	vmor vm7, vm8  }
0xa7: {  	v8 =	vsel vm7, $0xFFFFFFFF, v8  }
.Ltmp5:
0xa8: {  	v7 =	vsel vm5, $0x0, v10;
	v9, _, _ =	vpop (xrf2);
	(pc) =	sbr.rel @p2 .LBB2_7-.Ltmp5, $4  }
0xa9: {  	v6 =	vsel vm5, v9, v6;
	v10 =	vadd.f32 v9, v7;
	v7 =	vsel vm6, $0x0, v9  }
0xaa: {  	s0 =	sadd.s32 $0x10, s0;
	v7 =	vshift.insert v7, v0, s21  }
0xab: {  	s22 =	sadd.s32 $0x10, s22;
	[tilespmem:s0+$0x0] =	vst v10;
	(ifvalue) =	ssetifvalue $0xFFFFFFFF  }
0xac: {  	[hbm4b:s1+s16] =	stream.indirect_vreg.scatter [tilespmem:s0], [sflag:$0x2], $0x1, v8, vm0, $0x4038;
	[tilespmem:$0x11A60] =	vst v63  }
0xad: {  	v3 =	vld [tilespmem:s29+$0xFAF0];
	_ =	sdelay $0x4  }
0xae: {  	v3 =	vshift.insert v3, v0, s21  }
0xaf: {  	s0 =	simm.s32 $0x30  }
0xb0: {  	[tilespmem:s0+$0x0] =	vst.msk $0x1, v3  }
0xb1: {  	v3 =	vsel vm4, $0x1, v1;
	[tilespmem:$0x90] =	vst v6  }
0xb2: {  	s0 =	sadd.s32 @!p1 $0xFAFF, s29;
	[tilespmem:$0xA0] =	vst v3  }
0xb3: {  	[spmem:s15] =	stream.linear.scatter @!p1 [tilespmem:s0], [sflag:$0x1], $0x1, $0x38;
	[tilespmem:$0x11A60] =	vst v63  }
0xb4: {  	s0 =	simm.s32 @!p1 $0x1  }
0xb5: {  	v3 =	vmctz.xlane @!p1 vm4;
	_ =	swait.ge @!p1 [sflag:s0], $0x1  }
0xb6: {  	(v2sf) =	vpush @!p1 v4, $0x0  }
0xb7: {  	(v2sf) =	vpush @!p1 v3, $0x0;
	_ =	sdelay $0xd  }
0xb8: {  	s2 =	spop @!p1 (v2sf)  }
0xb9: {  	s22 =	spop @!p1 (v2sf)  }
0xba: {  	p2 =	sne.s32 @!p1 s28, s2;
	p3 =	slt.s32 @!p1 s22, $0xF  }
0xbb: {  	[sflag:s0] =	ssyncset.done @!p1 $0x0;
	p2 =	por p2, p1;
	p3 =	por !p3, p1  }
0xbc: {  	[sflag:s0] =	ssyncadd.s32 @!p1 $0xFFFFFFFF;
	v3 =	vimm.s32 @!p2 $0xFFFFFFFF;
	s22 =	simm.s32 @p3 $0xF  }
0xbd: {  	[tilespmem:$0x80] =	vst @!p2 v3;
	s2 =	sadd.s32 @!p1 $0x90, s22  }
0xbe: {  	[spmem:s3] =	stream.linear.scatter @!p1 [tilespmem:s2], [sflag:$0x1], $0x1, $0x38;
	[tilespmem:$0x11A60] =	vst v63  }
0xbf: {  	_ =	swait.ge @!p1 [sflag:s0], $0x1  }
0xc0: {  	[sflag:s0] =	ssyncset.done @!p1 $0x0  }
0xc1: {  	s2 =	simm.s32 @!p1 $0x80;
	[sflag:s0] =	ssyncadd.s32 @!p1 $0xFFFFFFFF  }
0xc2: {  	[spmem:s13] =	stream.linear.scatter @!p1 [tilespmem:s2], [sflag:$0x1], $0x1, $0x38;
	[tilespmem:$0x11A60] =	vst v63  }
0xc3: {  	_ =	swait.ge @!p1 [sflag:s0], $0x1  }
0xc4: {  	[sflag:s0] =	ssyncset.done @!p1 $0x0  }
0xc5: {  	[sflag:s0] =	ssyncadd.s32 @!p1 $0xFFFFFFFF;
	(ifvalue) =	ssetifvalue $0xFFFFFFFF;
	v3 =	vld [tilespmem:s25+$0x10];
	_ =	sdelay $0x3  }
.Ltmp6:
0xc6: {  	_ = 	snop;
	(pc) =	sbr.rel .LBB2_9-.Ltmp6, $3  }
0xc7: {  	_ =	sdelay $0x1  }
0xc8: {  	(ifvalue) =	ssetifvalue $0xFFFFFFFF  }
0xc9: {  	[hbm4b:s1+s16] =	stream.indirect_vreg.scatter [tilespmem:s26], [sflag:$0x9], $0x1, v3, vm0, $0x4038;
	[tilespmem:$0x11A60] =	vst v63  }
.LBB2_10:
0xca: {  	_ =	sfence.sel $0x180000  }
0xcb: {  	s0 =	simm.s32 $0x7;
	[bflag:$0x0] =	sbarrier.arrive $0xFFFF  }
0xcc: {  	s26 =	simm.s32 $0x8;
	[sflag:s0] =	ssyncpa.u1 $0x1  }
0xcd: {  	s28 =	simm.s32 $0x9;
	[sflag:s26] =	ssyncpa.u1 $0x1  }
0xce: {  	[sflag:s28] =	ssyncpa.u1 $0x1  }
0xcf: {  	_ =	sfence.stream.spmem  }
0xd0: {  	s29 =	simm.s32 $0x3;
	[bflag:$0x0] =	sbarrier.arrive $0xFFFF  }
0xd1: {  	s30 =	simm.s32 $0x4;
	[sflag:s29] =	ssyncpa.u1 $0x1  }
0xd2: {  	s31 =	simm.s32 $0x3C;
	s2 =	stileid.u32;
	[sflag:s30] =	ssyncpa.u1 $0x1  }
0xd3: {  	p0 =	sne.s32 s2, $0x0;
	[sflag:s31] =	ssyncpa.u1 $0x1  }
0xd4: {  	s0 =	simm.s32 @p0 $0x1;
	_ =	sfence @p0  }
0xd5: {  	[sflag:s0] =	ssyncpa.u1 @p0 $0x1;
	s0 =	simm.s32 @p0 $0x2  }
0xd6: {  	[sflag:s0] =	ssyncpa.u1 @p0 $0x1  }
0xd7: {  	_ =	strace @p0 $0x9000004A  }
0xd8: {  	[bflag:$0x2] =	sbarrier.arrive @p0 $0xFFFF  }
0xd9: {  	_ =	shalt @p0  }
.LBB2_11:
0xda: {  	_ =	sfence.stream.spmem;
	s0 =	simm.s32 $0x5  }
0xdb: {  	s2 =	simm.s32 $0x80;
	s3 =	simm.s32 $0xC0;
	[sflag:s0] =	ssyncpa.u1 $0x0  }
0xdc: {  	[tilespmem:s3], [sflag:$0x5] =	stream.linear.gather [spmem:s2], $0x20, $0x38;
	[tilespmem:$0x11A60] =	vst v63  }
0xdd: {  	s2 =	simm.s32 $0x0;
	s3 =	simm.s32 $0xE0  }
0xde: {  	[tilespmem:s3], [sflag:$0x5] =	stream.linear.gather [spmem:s2], $0x20, $0x38;
	[tilespmem:$0x11A60] =	vst v63  }
.Ltmp7:
0xdf: {  	_ = 	snop;
	(pc) =	sbr.rel .LBB2_12-.Ltmp7, $4  }
0xe0: {  	_ =	swait.ge [sflag:s0], $0x40  }
0xe1: {  	[sflag:s0] =	ssyncset.done $0x0  }
0xe2: {  	s31 =	simm.s32 $0x6;
	[sflag:s0] =	ssyncadd.s32 $0xFFFFFFC0  }
0xe3: {  	s4 =	simm.s32 $0x0;
	[sflag:s31] =	ssyncpa.u1 $0x0  }
.LBB2_17:
0xe4: {  	p0 =	sgt.u32 s5, $0x27FF  }
0xe5: {  	s0 =	sshrl.u32 @!p0 s5, $0x3  }
0xe6: {  	s5 =	sand.u32 @!p0 $0x7, s5;
	s6 =	simm.s32 @!p0 $0xB0;
	s0 =	sadd.s32 @!p0 s1, s0  }
0xe7: {  	[tilespmem:s6], [sflag:$0x6] =	stream.linear.gather @!p0 [hbm4b:s0+s5], $0x1, $0x38;
	[tilespmem:$0x11A60] =	vst v63  }
0xe8: {  	s0 =	simm.s32 @!p0 $0x6  }
0xe9: {  	_ =	swait.ge @!p0 [sflag:s0], $0x1  }
0xea: {  	[sflag:s0] =	ssyncset.done @!p0 $0x0  }
0xeb: {  	[sflag:s0] =	ssyncadd.s32 @!p0 $0xFFFFFFFF  }
0xec: {  	v2 =	vmov @!p0 s4;
	v1 =	vld.msk @!p0 [tilespmem:$0xB0], $0x1;
	_ =	sdelay $0x3  }
0xed: {  	s0 =	simm.s32 @!p0 $0xE0  }
0xee: {  	[tilespmem:v2+s0+$0x0], v1 =	vst.idx.ret.add.f32.msk @!p0 $0x1, v1  }
0xef: {  	[tilespmem:s2+$0xC0] =	vst.msk $0x1, v0  }
0xf0: {  	v0 =	vld.msk [tilespmem:s4+$0xE0], $0x1;
	_ =	sdelay $0x4  }
0xf1: {  	[tilespmem:s2+$0xE0] =	vst.msk $0x1, v0;
	s2 =	sadd.s32 $0x1, s2  }
.LBB2_19:
0xf2: {  	s4 =	sadd.s32 $0x1, s4  }
0xf3: {  	p0 =	sne.s32 s4, $0x20  }
.Ltmp8:
0xf4: {  	_ = 	snop;
	(pc) =	sbr.rel @!p0 .LBB2_20-.Ltmp8, $1  }
0xf5: {  	_ =	sdelay $0x3  }
.LBB2_12:
0xf6: {  	v0 =	vld.msk [tilespmem:s4+$0xC0], $0x1;
	_ =	sdelay $0x4  }
0xf7: {  	(v2sf) =	vpush v0, $0x0;
	_ =	sdelay $0xe  }
0xf8: {  	s5 =	spop (v2sf)  }
0xf9: {  	p0 =	seq.s32 s5, $0xFFFFFFFF  }
.Ltmp9:
0xfa: {  	_ = 	snop;
	(pc) =	sbr.rel @p0 .LBB2_19-.Ltmp9, $1  }
0xfb: {  	_ =	sdelay $0x3  }
0xfc: {  	p0 =	slt.s32 s2, $0x1  }
.Ltmp10:
0xfd: {  	_ = 	snop;
	(pc) =	sbr.rel @p0 .LBB2_17-.Ltmp10, $1  }
0xfe: {  	_ =	sdelay $0x3  }
0xff: {  	s0 =	simm.s32 $0xC0;
	p0 =	por $0x0, $0x0  }
0x100: {  	v1 =	vld.msk @!p0 [tilespmem:s0+$0x0], $0x1;
	_ =	sdelay $0x4  }
0x101: {  	(v2sf) =	vpush @!p0 v1, $0x0;
	_ =	sdelay $0xd  }
0x102: {  	p2 =	sne.s32 s2, $0x1  }
.Ltmp11:
0x103: {  	s6 =	spop @!p0 (v2sf);
	(pc) =	sbr.rel @!p2 .LBB2_16-.Ltmp11, $4  }
0x104: {  	p1 =	seq.s32 @!p0 s5, s6  }
0x105: {  	s6 =	simm.s32 $0x0;
	p1 =	por !p1, p0  }
0x106: {  	s8 =	simm.s32 $0xFFFFFFFF;
	s6 =	simm.s32 @p1 $0xFFFFFFFF  }
0x107: {  	s7 =	simm.s32 $0x1;
	s6 =	smov.u32 @p0 s8  }
.LBB2_15:
0x108: {  	s8 =	smov.u32 s6;
	p0 =	sne.s32 s6, $0xFFFFFFFF  }
0x109: {  	s0 =	sadd.s32 $0x1, s0;
	s6 =	smov.u32 s7;
	s7 =	sadd.s32 $0x1, s7  }
0x10a: {  	p1 =	sne.s32 s2, s7;
	v1 =	vld.msk @!p0 [tilespmem:s0+$0x0], $0x1;
	_ =	sdelay $0x4  }
0x10b: {  	(v2sf) =	vpush @!p0 v1, $0x0;
	_ =	sdelay $0xe  }
.Ltmp12:
0x10c: {  	s9 =	spop @!p0 (v2sf);
	(pc) =	sbr.rel @p1 .LBB2_15-.Ltmp12, $4  }
0x10d: {  	p2 =	seq.s32 @!p0 s5, s9  }
0x10e: {  	p2 =	por !p2, p0  }
0x10f: {  	s6 =	simm.s32 @p2 $0xFFFFFFFF  }
0x110: {  	s6 =	smov.u32 @p0 s8  }
.LBB2_16:
0x111: {  	p0 =	sne.s32 s6, $0xFFFFFFFF  }
.Ltmp13:
0x112: {  	_ = 	snop;
	(pc) =	sbr.rel @!p0 .LBB2_17-.Ltmp13, $1  }
0x113: {  	_ =	sdelay $0x3  }
0x114: {  	v0 =	vld.msk [tilespmem:s4+$0xE0], $0x1;
	v1 =	vmov s6  }
.Ltmp14:
0x115: {  	_ = 	snop;
	(pc) =	sbr.rel .LBB2_19-.Ltmp14, $2  }
0x116: {  	_ =	sdelay $0x2  }
0x117: {  	[tilespmem:v1+s3+$0x0], v0 =	vst.idx.ret.add.f32.msk $0x1, v0  }
.LBB2_20:
0x118: {  	p0 =	slt.s32 s2, $0x1  }
.Ltmp15:
0x119: {  	_ = 	snop;
	(pc) =	sbr.rel @p0 .LBB2_24-.Ltmp15, $3  }
0x11a: {  	_ =	sdelay $0x1  }
0x11b: {  	s0 =	simm.s32 $0x6  }
0x11c: {  	s3 =	simm.s32 $0x0;
	[sflag:s0] =	ssyncpa.u1 $0x1  }
0x11d: {  	s0 =	simm.s32 $0xC0  }
0x11e: {  	v0 =	vld.msk [tilespmem:s0+$0x0], $0x1;
	_ =	sdelay $0x4  }
0x11f: {  	(v2sf) =	vpush v0, $0x0;
	_ =	sdelay $0xe  }
0x120: {  	s2 =	sadd.s32 $0xFFFFFFFF, s2;
	s4 =	spop (v2sf)  }
0x121: {  	p1 =	sne.s32 s2, $0x0;
	p0 =	sgt.u32 s4, $0x27FF  }
.Ltmp16:
0x122: {  	s5 =	sshrl.u32 @!p0 s4, $0x3;
	(pc) =	sbr.rel @!p1 .LBB2_23-.Ltmp16, $4  }
0x123: {  	s0 =	simm.s32 $0xE0;
	s4 =	sand.u32 @!p0 $0x7, s4;
	s5 =	sadd.s32 @!p0 s1, s5  }
0x124: {  	[hbm4b:s5+s4] =	stream.linear.scatter @!p0 [tilespmem:s0], [sflag:$0x5], $0x1, $0x38;
	[tilespmem:$0x11A60] =	vst v63  }
0x125: {  	s5 =	simm.s32 $0x0  }
0x126: {  	s4 =	simm.s32 $0xC1;
	s5 =	simm.s32 @!p0 $0x4  }
.LBB2_22:
0x127: {  	v0 =	vld.msk [tilespmem:s4+$0x0], $0x1;
	s2 =	sadd.s32 $0xFFFFFFFF, s2;
	s3 =	sadd.s32 s3, s5  }
0x128: {  	p0 =	sne.s32 s2, $0x0;
	_ =	sdelay $0x3  }
0x129: {  	(v2sf) =	vpush v0, $0x0;
	_ =	sdelay $0xe  }
.Ltmp17:
0x12a: {  	s6 =	spop (v2sf);
	(pc) =	sbr.rel @p0 .LBB2_22-.Ltmp17, $4  }
0x12b: {  	s5 =	simm.s32 $0x0;
	p1 =	sgt.u32 s6, $0x27FF  }
0x12c: {  	s0 =	sadd.s32 $0x1, s0;
	s5 =	simm.s32 @!p1 $0x4;
	s7 =	sshrl.u32 @!p1 s6, $0x3  }
0x12d: {  	s4 =	sadd.s32 $0x1, s4;
	s6 =	sand.u32 @!p1 $0x7, s6;
	s7 =	sadd.s32 @!p1 s1, s7  }
0x12e: {  	[hbm4b:s7+s6] =	stream.linear.scatter @!p1 [tilespmem:s0], [sflag:$0x5], $0x1, $0x38;
	[tilespmem:$0x11A60] =	vst v63  }
.LBB2_23:
0x12f: {  	s0 =	sadd.s32 s3, s5  }
0x130: {  	s3 =	sshrl.u32 s0, $0x2  }
.LBB2_24:
0x131: {  	s0 =	simm.s32 $0x5  }
0x132: {  	_ =	swait.ge [sflag:s0], s3  }
0x133: {  	s1 =	ssub.s32 $0x0, s3;
	[sflag:s0] =	ssyncset.done $0x0  }
0x134: {  	[sflag:s0] =	ssyncadd.s32 s1  }
0x135: {  	[sflag:s0] =	ssyncpa.u1 $0x1  }
0x136: {  	s29 =	simm.s32 $0x1;
	_ =	sfence  }
0x137: {  	s30 =	simm.s32 $0x2;
	[sflag:s29] =	ssyncpa.u1 $0x1  }
0x138: {  	[sflag:s30] =	ssyncpa.u1 $0x1  }
0x139: {  	_ =	strace $0x9000004A  }
0x13a: {  	[bflag:$0x2] =	sbarrier.arrive $0xFFFF  }
0x13b: {  	s31 =	rddreg [dreg:$0x1]  }
0x13c: {  	s0 =	sadd.s32 $0x100000, s31  }
0x13d: {  	[sflag:s0] =	ssyncadd.tile.s32 $0x1;
	_ =	shalt  }
.Lfunc_end2:
_tile_overlayer_lowered:
.L_overlay_start_2:
0x13e: {  	(tag) =	ssettag $0x2  }
0x13f: {  	s0 =	rddreg [dreg:$0x0];
	s2 =	stileid.u32  }
0x140: {  	s1 =	rddreg [dreg:$0x1];
	p0 =	sne.s32 s2, $0x0  }
0x141: {  	s3 =	rddreg [dreg:$0x2];
	[bflag:$0x3] =	sbarrier.arrive $0xFFFF;
	s2 =	simm.s32 @!p0 $0x1C01  }
0x142: {  	[timem:s3], [sflag:s2] =	dma.local @!p0 [hbm:s0], s1  }
0x143: {  	s0 =	simm.s32 @!p0 $0x1  }
0x144: {  	_ =	swait.ge @!p0 [sflag:s0], s1  }
0x145: {  	s1 =	ssub.s32 @!p0 $0x0, s1;
	[sflag:s0] =	ssyncset.done @!p0 $0x0  }
0x146: {  	[sflag:s0] =	ssyncadd.s32 @!p0 s1  }
0x147: {  	[bflag:$0x3] =	sbarrier.arrive $0xFFFF  }
0x148: {  	_ =	shalt  }

</sc_bundles>
